<compile_context>
chip_gen: v7x
topology: tpu7x:2x2x1
jax: 0.10.2.dev20260603
libtpu: 0.0.44.dev20260713+nightly
codegen_flags: <defaults>
</compile_context>

<pallas_src>
import functools

import jax
import jax.numpy as jnp
from jax import lax
from jax.experimental import pallas as pl
from jax.experimental.pallas import tpu as pltpu
from jax.experimental.pallas import tpu_sc as plsc

N = 10000
P = 128
E = 320000
NC = 2
NS = 16
NW = NC * NS
EPT = E // NW
K = 80
CHUNKS = EPT // K
RPT = N // NS
CE = 2000
CB = 25
BP = 1000


def _prep_body(steps_ref, mu_ref, ps_ref, sel_ref, scaled_ref, f_ref, g_ref):
    st = steps_ref[0, 0]
    ps = ps_ref[...]
    sel = sel_ref[...]
    pst = ps * st
    f = pst * (1.0 - sel)
    f_ref[...] = f
    g_ref[...] = sel + (1.0 - sel) * pst
    scaled_ref[...] = f * mu_ref[...]


def _sc_body(mu_hbm, src_hbm, ew_hbm, f_hbm,
             srcc_hbm, ewc_hbm, g_hbm, dst2_hbm, dstc2_hbm,
             g2_out, bp_out, cp_out,
             G_sh, esrc, eew, tbl, acc, rows0, rows1, d2,
             sg0, sg1, ss0, ss1):
    c = lax.axis_index("c")
    s = lax.axis_index("s")
    wid = c * NS + s
    ebase = wid * EPT
    zv = jnp.zeros((16,), jnp.float32)

    def _zrow(i, carry):
        rows0[i // 8, pl.ds((i % 8) * 16, 16)] = zv
        return carry
    lax.fori_loop(0, K * 8, _zrow, 0)

    def _zg(k, carry):
        j = k * NS + s

        @pl.when(j < N // K)
        def _():
            pltpu.sync_copy(rows0, G_sh.at[pl.ds(j * K, K)])
        return carry
    def _zacc(i, carry):
        acc[pl.ds(i * 16, 16)] = zv
        return carry

    bufs = (rows0, rows1)
    gsems = (sg0, sg1)
    ssems = (ss0, ss1)

    pltpu.sync_copy(f_hbm, tbl)
    lax.fori_loop(0, N // 16, _zacc, 0)
    plsc.subcore_barrier()

    def _outer_rows(jo, carry):
        blk = wid * (EPT // CE) + jo
        off = ebase + jo * CE
        h1 = pltpu.async_copy(src_hbm.at[pl.ds(off, CE)], esrc, sg0)
        h2 = pltpu.async_copy(dst2_hbm.at[blk], d2, sg1)
        h3 = pltpu.async_copy(ew_hbm.at[pl.ds(off, CE)], eew, ss0)
        h1.wait()
        pend_g = [None, None]
        pend_s = [None, None]
        pend_g[0] = pltpu.async_copy(mu_hbm.at[esrc.at[pl.ds(0, K)]],
                                     bufs[0], gsems[0])
        h2.wait()
        h3.wait()
        for ji in range(CB):
            p = ji % 2
            q = 1 - p
            if ji + 1 < CB:
                if pend_s[q] is not None:
                    pend_s[q].wait()
                pend_g[q] = pltpu.async_copy(
                    mu_hbm.at[esrc.at[pl.ds((ji + 1) * K, K)]],
                    bufs[q], gsems[q])
            pend_g[p].wait()
            pend_s[p] = pltpu.async_copy(bufs[p], G_sh.at[d2.at[ji]],
                                         ssems[p], add=True)
            for l in range(K // 16):
                sl = pl.ds(ji * K + l * 16, 16)
                fv = plsc.load_gather(tbl, [esrc[sl]])
                plsc.addupdate_scatter(acc, [d2[ji, pl.ds(l * 16, 16)]],
                                       fv * eew[sl])
        for p in (0, 1):
            if pend_s[p] is not None:
                pend_s[p].wait()
        return carry
    lax.fori_loop(0, EPT // CE, _outer_rows, 0)
    pltpu.sync_copy(acc, bp_out.at[wid])

    plsc.subcore_barrier()

    NWG = (N // K + NS - 1) // NS
    for k in range(NWG):
        j = k * NS + s

        @pl.when(j < N // K)
        def _():
            pltpu.async_copy(G_sh.at[pl.ds(j * K, K)],
                             g2_out.at[c, pl.ds(j * K, K)], ss1)

    pltpu.sync_copy(g_hbm, tbl)
    lax.fori_loop(0, N // 16, _zacc, 0)

    def _outer_c(jo, carry):
        blk = wid * (EPT // CE) + jo
        off = ebase + jo * CE
        h1 = pltpu.async_copy(srcc_hbm.at[pl.ds(off, CE)], esrc, sg0)
        h2 = pltpu.async_copy(dstc2_hbm.at[blk], d2, sg1)
        h3 = pltpu.async_copy(ewc_hbm.at[pl.ds(off, CE)], eew, ss0)
        h1.wait()
        h2.wait()
        h3.wait()

        def _edge(ji, c2):
            for l in range(K // 16):
                sl = pl.ds(ji * K + l * 16, 16)
                gv = plsc.load_gather(tbl, [esrc[sl]])
                plsc.addupdate_scatter(acc, [d2[ji, pl.ds(l * 16, 16)]],
                                       gv * eew[sl])
            return c2
        lax.fori_loop(0, CB, _edge, 0)
        return carry
    lax.fori_loop(0, EPT // CE, _outer_c, 0)
    pltpu.sync_copy(acc, cp_out.at[wid])

    for k in range(NWG):
        j = k * NS + s

        @pl.when(j < N // K)
        def _():
            pltpu.make_async_copy(G_sh.at[pl.ds(j * K, K)],
                                  g2_out.at[c, pl.ds(j * K, K)], ss1).wait()


def _final_body(g0_ref, g1_ref, bp_ref, cp_ref, ic_ref, w1_ref, w1c_ref, w2_ref,
                out_ref, wf_s, r1_s, r1c_s):
    @pl.when(pl.program_id(0) == 0)
    def _():
        w1 = w1_ref[...]
        wf_s[...] = jnp.dot(w1, w2_ref[...], preferred_element_type=jnp.float32)
        r1_s[...] = jnp.sum(w1, axis=1)[None, :]
        r1c_s[...] = jnp.sum(w1c_ref[...], axis=1)[None, :]

    G = g0_ref[0] + g1_ref[0]
    b = jnp.sum(bp_ref[:, 0, 0, :], axis=0)[:, None]
    cc = jnp.sum(cp_ref[:, 0, 0, :], axis=0)[:, None]
    inner = lax.dot_general(G, wf_s[...], (((1,), (1,)), ((), ())),
                            preferred_element_type=jnp.float32)
    inner = inner + b * r1_s[...]
    out_ref[...] = (ic_ref[...] + jnp.maximum(inner, 0.0)
                    + jnp.maximum(cc * r1c_s[...], 0.0))


def kernel(old_mu, edge_index, edge_weight, edge_index_complex, edge_weight_complex,
           Ps, IncurredCosts, selected, StepsRemaining, W1, W1c, W2):
    src = edge_index[0]
    dst = edge_index[1]
    srcc = edge_index_complex[0]
    dstc = edge_index_complex[1]
    sel2d = selected.astype(jnp.float32).reshape(N, 1)
    steps2d = jnp.asarray(StepsRemaining, jnp.float32).reshape(1, 1)

    scaled, f_col, g_col = pl.pallas_call(
        _prep_body,
        grid=(N // BP,),
        in_specs=[
            pl.BlockSpec(memory_space=pltpu.SMEM),
            pl.BlockSpec((BP, P), lambda i: (i, 0)),
            pl.BlockSpec((BP, 1), lambda i: (i, 0)),
            pl.BlockSpec((BP, 1), lambda i: (i, 0)),
        ],
        out_specs=[
            pl.BlockSpec((BP, P), lambda i: (i, 0)),
            pl.BlockSpec((BP, 1), lambda i: (i, 0)),
            pl.BlockSpec((BP, 1), lambda i: (i, 0)),
        ],
        out_shape=[
            jax.ShapeDtypeStruct((N, P), jnp.float32),
            jax.ShapeDtypeStruct((N, 1), jnp.float32),
            jax.ShapeDtypeStruct((N, 1), jnp.float32),
        ],
    )(steps2d, old_mu, Ps, sel2d)

    f = f_col.reshape(N)
    g = g_col.reshape(N)

    sc_k = pl.kernel(
        _sc_body,
        mesh=plsc.VectorSubcoreMesh(core_axis_name="c", subcore_axis_name="s"),
        compiler_params=pltpu.CompilerParams(needs_layout_passes=False),
        out_type=[
            jax.ShapeDtypeStruct((NC, N, P), jnp.float32),
            jax.ShapeDtypeStruct((NW, N), jnp.float32),
            jax.ShapeDtypeStruct((NW, N), jnp.float32),
        ],
        scratch_types=[
            pltpu.VMEM_SHARED((N, P), jnp.float32),
            pltpu.VMEM((CE,), jnp.int32),
            pltpu.VMEM((CE,), jnp.float32),
            pltpu.VMEM((N,), jnp.float32),
            pltpu.VMEM((N,), jnp.float32),
            pltpu.VMEM((K, P), jnp.float32),
            pltpu.VMEM((K, P), jnp.float32),
            pltpu.VMEM((CB, K), jnp.int32),
            pltpu.SemaphoreType.DMA,
            pltpu.SemaphoreType.DMA,
            pltpu.SemaphoreType.DMA,
            pltpu.SemaphoreType.DMA,
        ],
    )
    G2, bpart, cpart = sc_k(scaled, src, edge_weight, f,
                            srcc, edge_weight_complex, g,
                            dst.reshape(E // CE, CB, K),
                            dstc.reshape(E // CE, CB, K))

    mu = pl.pallas_call(
        _final_body,
        grid=(N // BP,),
        in_specs=[
            pl.BlockSpec((1, BP, P), lambda i: (0, i, 0)),
            pl.BlockSpec((1, BP, P), lambda i: (1, i, 0)),
            pl.BlockSpec((NW, 1, 1, BP), lambda i: (0, i, 0, 0)),
            pl.BlockSpec((NW, 1, 1, BP), lambda i: (0, i, 0, 0)),
            pl.BlockSpec((BP, 1), lambda i: (i, 0)),
            pl.BlockSpec((P, P), lambda i: (0, 0)),
            pl.BlockSpec((P, P), lambda i: (0, 0)),
            pl.BlockSpec((P, P), lambda i: (0, 0)),
        ],
        out_specs=pl.BlockSpec((BP, P), lambda i: (i, 0)),
        out_shape=jax.ShapeDtypeStruct((N, P), jnp.float32),
        scratch_shapes=[
            pltpu.VMEM((P, P), jnp.float32),
            pltpu.VMEM((1, P), jnp.float32),
            pltpu.VMEM((1, P), jnp.float32),
        ],
    )(G2, G2,
      bpart.reshape(NW, N // BP, 1, BP),
      cpart.reshape(NW, N // BP, 1, BP),
      IncurredCosts, W1, W1c, W2)
    return mu

# --- scband reference (transcript-rebuilt; emitter-appended) ---
"""Pipeline reference for scband-model-33062658245224 (READ-ONLY COPY).

The authoritative reference and input builder live on the scoring server;
editing this copy changes nothing except your own understanding.
"""

import jax, jax.numpy as jnp
import numpy as np

N = 10000
E = 320000
P = 128


def setup_inputs(seed: int = 0) -> dict:
    key = jax.random.key(seed)
    ks = jax.random.split(key, 12)
    inp = {}
    inp["old_mu"] = jax.random.normal(ks[0], (N, P), dtype=jnp.float32)
    inp["edge_index"] = jax.random.randint(ks[1], (2, E), 0, N, dtype=jnp.int32)
    inp["edge_weight"] = jax.random.uniform(ks[2], (E,), dtype=jnp.float32)
    inp["edge_index_complex"] = jax.random.randint(ks[3], (2, E), 0, N, dtype=jnp.int32)
    inp["edge_weight_complex"] = jax.random.uniform(ks[4], (E,), dtype=jnp.float32)
    inp["Ps"] = jax.random.uniform(ks[5], (N, 1), dtype=jnp.float32) / N + (1.0 / N)
    inp["IncurredCosts"] = jax.random.normal(ks[6], (N, 1), dtype=jnp.float32)
    inp["selected"] = jnp.zeros((N,), dtype=bool)
    inp["StepsRemaining"] = 8
    scale = 1.0 / np.sqrt(P)
    inp["W1"] = jax.random.normal(ks[7], (P, P), dtype=jnp.float32) * scale   # theta1
    inp["W1c"] = jax.random.normal(ks[8], (P, P), dtype=jnp.float32) * scale  # theta1complex
    inp["W2"] = jax.random.normal(ks[9], (P, P), dtype=jnp.float32) * scale   # theta2
    return inp


def reference(old_mu, edge_index, edge_weight, edge_index_complex, edge_weight_complex,
              Ps, IncurredCosts, selected, StepsRemaining, W1, W1c, W2):
    # Vectorized structure2vec message-passing step (one application of Model.forward
    # for every node simultaneously).
    n = old_mu.shape[0]
    steps = jnp.asarray(StepsRemaining, dtype=old_mu.dtype)

    # ---- simple edges (edges_soft + edges_hard) ----
    src = edge_index[0]
    dst = edge_index[1]
    t2 = old_mu @ W2.T  # theta2(old_mu), linear no bias
    # Ps[...].item() in the torch code kills the gradient through Ps here
    ps_src = jax.lax.stop_gradient(Ps[:, 0])[src]
    active = jnp.logical_not(selected[src]).astype(old_mu.dtype)
    coef = ps_src * steps * active  # [E]
    msg = (t2[src] + edge_weight[:, None]) * coef[:, None]  # [E, P]
    innersum = jax.ops.segment_sum(msg, dst, num_segments=n)  # [N, P]

    # ---- complex edges (edges_soft_complex + edges_hard_complex) ----
    srcc = edge_index_complex[0]
    dstc = edge_index_complex[1]
    selc = selected[srcc]
    coefc = jnp.where(selc, jnp.ones_like(edge_weight_complex), Ps[srcc, 0] * steps)
    msgc = edge_weight_complex * coefc  # [E] scalar messages, broadcast to P dims
    complexsum_scalar = jax.ops.segment_sum(msgc, dstc, num_segments=n)  # [N]
    complexsum = jnp.broadcast_to(complexsum_scalar[:, None], (n, old_mu.shape[1]))

    mu = IncurredCosts + jax.nn.relu(innersum @ W1.T) + jax.nn.relu(complexsum @ W1c.T)
    return mu


if False:  # reference __main__ guard neutralized (emitter)
    out = reference(**setup_inputs())
    print(out.shape, out.dtype)

if __name__ == "__main__":
    import jax
    _d = setup_inputs()
    print(jax.jit(kernel)(*tuple(_d.values())))

</pallas_src>

<mosaic_0001>
#map = affine_map<(d0, d1) -> (0, 0)>
#map1 = affine_map<(d0, d1) -> (0)>
#map2 = affine_map<(d0, d1) -> (0, 0, 0)>
module attributes {stable_mosaic.version = 14 : i64} {
  func.func @_sc_body(%arg0: i32, %arg1: i32, %arg2: memref<10000x128xf32, #tpu.memory_space<hbm>>, %arg3: memref<320000xi32, #tpu.memory_space<hbm>>, %arg4: memref<320000xf32, #tpu.memory_space<hbm>>, %arg5: memref<10000xf32, #tpu.memory_space<hbm>>, %arg6: memref<320000xi32, #tpu.memory_space<hbm>>, %arg7: memref<320000xf32, #tpu.memory_space<hbm>>, %arg8: memref<10000xf32, #tpu.memory_space<hbm>>, %arg9: memref<160x25x80xi32, #tpu.memory_space<hbm>>, %arg10: memref<160x25x80xi32, #tpu.memory_space<hbm>>, %arg11: memref<2x10000x128xf32, #tpu.memory_space<hbm>>, %arg12: memref<32x10000xf32, #tpu.memory_space<hbm>>, %arg13: memref<32x10000xf32, #tpu.memory_space<hbm>>, %arg14: memref<10000x128xf32, #tpu.memory_space<vmem_shared>>, %arg15: memref<2000xi32, #tpu.memory_space<vmem>>, %arg16: memref<2000xf32, #tpu.memory_space<vmem>>, %arg17: memref<10000xf32, #tpu.memory_space<vmem>>, %arg18: memref<10000xf32, #tpu.memory_space<vmem>>, %arg19: memref<80x128xf32, #tpu.memory_space<vmem>>, %arg20: memref<80x128xf32, #tpu.memory_space<vmem>>, %arg21: memref<25x80xi32, #tpu.memory_space<vmem>>, %arg22: memref<!tpu.dma_semaphore, #tpu.memory_space<semaphore_mem>>, %arg23: memref<!tpu.dma_semaphore, #tpu.memory_space<semaphore_mem>>, %arg24: memref<!tpu.dma_semaphore, #tpu.memory_space<semaphore_mem>>, %arg25: memref<!tpu.dma_semaphore, #tpu.memory_space<semaphore_mem>>) attributes {dimension_semantics = [#tpu.dimension_semantics<core_parallel>, #tpu.dimension_semantics<subcore_parallel>], iteration_bounds = array<i64: 2, 16>, scalar_prefetch = 0 : i64, scratch_operands = 12 : i64, tpu.core_type = #tpu.core_type<sc_vector_subcore>, window_params = [{transform_indices = #map}, {transform_indices = #map1}, {transform_indices = #map1}, {transform_indices = #map1}, {transform_indices = #map1}, {transform_indices = #map1}, {transform_indices = #map1}, {transform_indices = #map2}, {transform_indices = #map2}, {transform_indices = #map2}, {transform_indices = #map}, {transform_indices = #map}]} {
    %mul3A = arith.constant 16 : i32
    %mul3A_0 = arith.muli %arg0, %mul3A : i32
    %add3A = arith.addi %mul3A_0, %arg1 : i32
    %mul3A_1 = arith.constant 10000 : i32
    %mul3A_2 = arith.muli %add3A, %mul3A_1 : i32
    %broadcast_in_dim3A = arith.constant 0.000000e+00 : f32
    %broadcast_in_dim3A_3 = vector.broadcast %broadcast_in_dim3A : f32 to vector<16xf32>
    %scan3A = arith.constant 0 : i32
    %scan3A_4 = arith.constant 0 : i32
    %scan3A_5 = arith.constant 640 : i32
    %scan3A_6 = arith.addi %scan3A_4, %scan3A_5 : i32
    %scan3A_7 = arith.constant 1 : i32
    scf.for %scan3A_143 = %scan3A_4 to %scan3A_6 step %scan3A_7  : i32 {
      %jit3A = arith.constant 8 : i32
      %div3A = arith.divsi %scan3A_143, %jit3A : i32
      %sign3A = arith.constant 0 : i32
      %sign3A_144 = arith.cmpi sgt, %scan3A_143, %sign3A : i32
      %sign3A_145 = arith.extui %sign3A_144 : i1 to i32
      %sign3A_146 = arith.constant 0 : i32
      %sign3A_147 = arith.cmpi slt, %scan3A_143, %sign3A_146 : i32
      %sign3A_148 = arith.extui %sign3A_147 : i1 to i32
      %sign3A_149 = arith.subi %sign3A_145, %sign3A_148 : i32
      %sign3A_150 = arith.constant 0 : i32
      %sign3A_151 = arith.cmpi sgt, %jit3A, %sign3A_150 : i32
      %sign3A_152 = arith.extui %sign3A_151 : i1 to i32
      %sign3A_153 = arith.constant 0 : i32
      %sign3A_154 = arith.cmpi slt, %jit3A, %sign3A_153 : i32
      %sign3A_155 = arith.extui %sign3A_154 : i1 to i32
      %sign3A_156 = arith.subi %sign3A_152, %sign3A_155 : i32
      %ne3A = arith.cmpi ne, %sign3A_149, %sign3A_156 : i32
      %rem3A = arith.remsi %scan3A_143, %jit3A : i32
      %ne3A_157 = arith.constant 0 : i32
      %ne3A_158 = arith.cmpi ne, %rem3A, %ne3A_157 : i32
      %and3A = arith.andi %ne3A, %ne3A_158 : i1
      %sub3A = arith.constant 1 : i32
      %sub3A_159 = arith.subi %div3A, %sub3A : i32
      %select_n3A = arith.select %and3A, %sub3A_159, %div3A : i32
      %jit3A_160 = arith.constant 8 : i32
      %eq3A = arith.constant 0 : i32
      %eq3A_161 = arith.cmpi eq, %jit3A_160, %eq3A : i32
      %jit3A_162 = arith.constant 1 : i32
      %select_n3A_163 = arith.select %eq3A_161, %jit3A_162, %jit3A_160 : i32
      %rem3A_164 = arith.remsi %scan3A_143, %select_n3A_163 : i32
      %ne3A_165 = arith.constant 0 : i32
      %ne3A_166 = arith.cmpi ne, %rem3A_164, %ne3A_165 : i32
      %lt3A_167 = arith.constant 0 : i32
      %lt3A_168 = arith.cmpi slt, %rem3A_164, %lt3A_167 : i32
      %lt3A_169 = arith.constant 0 : i32
      %lt3A_170 = arith.cmpi slt, %select_n3A_163, %lt3A_169 : i32
      %ne3A_171 = arith.xori %lt3A_168, %lt3A_170 : i1
      %and3A_172 = arith.andi %ne3A_171, %ne3A_166 : i1
      %add3A_173 = arith.addi %rem3A_164, %select_n3A_163 : i32
      %select_n3A_174 = arith.select %and3A_172, %add3A_173, %rem3A_164 : i32
      %mul3A_175 = arith.constant 16 : i32
      %mul3A_176 = arith.muli %select_n3A_174, %mul3A_175 : i32
      %swap3A = arith.index_cast %select_n3A : i32 to index
      %swap3A_177 = arith.index_cast %mul3A_176 : i32 to index
      %swap3A_178 = tpu.vector_load %arg19[%swap3A, %swap3A_177] {strides = array<i32>} : memref<80x128xf32, #tpu.memory_space<vmem>>, vector<16xf32>,
      tpu.vector_store %arg19[%swap3A, %swap3A_177], %broadcast_in_dim3A_3 {strides = array<i32>} : memref<80x128xf32, #tpu.memory_space<vmem>>, vector<16xf32>,
    }
    %scan3A_8 = arith.constant 640 : i32
    "tpu.region"() ({
      %run_scoped3A = tpu.sem_alloc : memref<!tpu.dma_semaphore, #tpu.memory_space<semaphore_mem>>
      tpu.enqueue_dma source(%arg5 : memref<10000xf32, #tpu.memory_space<hbm>>) target(%arg17 : memref<10000xf32, #tpu.memory_space<vmem>>) target_semaphore(%run_scoped3A : memref<!tpu.dma_semaphore, #tpu.memory_space<semaphore_mem>>)
      tpu.wait_dma2 semaphore(%run_scoped3A : memref<!tpu.dma_semaphore, #tpu.memory_space<semaphore_mem>>) src(%arg5 : memref<10000xf32, #tpu.memory_space<hbm>>) dst(%arg17 : memref<10000xf32, #tpu.memory_space<vmem>>)
      tpu.yield
    }) : () -> ()
    %scan3A_9 = arith.constant 0 : i32
    %scan3A_10 = arith.constant 0 : i32
    %scan3A_11 = arith.constant 625 : i32
    %scan3A_12 = arith.addi %scan3A_10, %scan3A_11 : i32
    %scan3A_13 = arith.constant 1 : i32
    scf.for %scan3A_143 = %scan3A_10 to %scan3A_12 step %scan3A_13  : i32 {
      %mul3A_144 = arith.constant 16 : i32
      %mul3A_145 = arith.muli %scan3A_143, %mul3A_144 : i32
      %swap3A = arith.index_cast %mul3A_145 : i32 to index
      %swap3A_146 = tpu.vector_load %arg18[%swap3A] {strides = array<i32>} : memref<10000xf32, #tpu.memory_space<vmem>>, vector<16xf32>,
      tpu.vector_store %arg18[%swap3A], %broadcast_in_dim3A_3 {strides = array<i32>} : memref<10000xf32, #tpu.memory_space<vmem>>, vector<16xf32>,
    }
    %scan3A_14 = arith.constant 625 : i32
    %barrier3A = arith.constant 0 : index
    tpu.barrier barrier_id(%barrier3A)
    %scan3A_15 = arith.constant 0 : i32
    %scan3A_16 = arith.constant 0 : i32
    %scan3A_17 = arith.constant 5 : i32
    %scan3A_18 = arith.addi %scan3A_16, %scan3A_17 : i32
    %scan3A_19 = arith.constant 1 : i32
    scf.for %scan3A_143 = %scan3A_16 to %scan3A_18 step %scan3A_19  : i32 {
      %mul3A_144 = arith.constant 5 : i32
      %mul3A_145 = arith.muli %add3A, %mul3A_144 : i32
      %add3A_146 = arith.addi %mul3A_145, %scan3A_143 : i32
      %mul3A_147 = arith.constant 2000 : i32
      %mul3A_148 = arith.muli %scan3A_143, %mul3A_147 : i32
      %add3A_149 = arith.addi %mul3A_2, %mul3A_148 : i32
      %dma_start3A = tpu.memref_slice %arg3[%add3A_149] : memref<320000xi32, #tpu.memory_space<hbm>> -> memref<2000xi32, #tpu.memory_space<hbm>>
      %dma_start3A_150 = tpu.memref_slice %arg3[%add3A_149] : memref<320000xi32, #tpu.memory_space<hbm>> -> memref<2000xi32, #tpu.memory_space<hbm>>
      tpu.enqueue_dma source(%dma_start3A_150 : memref<2000xi32, #tpu.memory_space<hbm>>) target(%arg15 : memref<2000xi32, #tpu.memory_space<vmem>>) target_semaphore(%arg22 : memref<!tpu.dma_semaphore, #tpu.memory_space<semaphore_mem>>)
      %dma_start3A_151 = arith.constant 0 : i32
      %dma_start3A_152 = arith.constant 0 : i32
      %dma_start3A_153 = tpu.memref_slice %arg9[%add3A_146, %dma_start3A_151, %dma_start3A_152] : memref<160x25x80xi32, #tpu.memory_space<hbm>> -> memref<1x25x80xi32, #tpu.memory_space<hbm>>
      %dma_start3A_154 = tpu.memref_squeeze %dma_start3A_153 : memref<1x25x80xi32, #tpu.memory_space<hbm>> -> memref<25x80xi32, #tpu.memory_space<hbm>>
      %dma_start3A_155 = arith.constant 0 : i32
      %dma_start3A_156 = arith.constant 0 : i32
      %dma_start3A_157 = tpu.memref_slice %arg9[%add3A_146, %dma_start3A_155, %dma_start3A_156] : memref<160x25x80xi32, #tpu.memory_space<hbm>> -> memref<1x25x80xi32, #tpu.memory_space<hbm>>
      %dma_start3A_158 = tpu.memref_squeeze %dma_start3A_157 : memref<1x25x80xi32, #tpu.memory_space<hbm>> -> memref<25x80xi32, #tpu.memory_space<hbm>>
      tpu.enqueue_dma source(%dma_start3A_158 : memref<25x80xi32, #tpu.memory_space<hbm>>) target(%arg21 : memref<25x80xi32, #tpu.memory_space<vmem>>) target_semaphore(%arg23 : memref<!tpu.dma_semaphore, #tpu.memory_space<semaphore_mem>>)
      %dma_start3A_159 = tpu.memref_slice %arg4[%add3A_149] : memref<320000xf32, #tpu.memory_space<hbm>> -> memref<2000xf32, #tpu.memory_space<hbm>>
      %dma_start3A_160 = tpu.memref_slice %arg4[%add3A_149] : memref<320000xf32, #tpu.memory_space<hbm>> -> memref<2000xf32, #tpu.memory_space<hbm>>
      tpu.enqueue_dma source(%dma_start3A_160 : memref<2000xf32, #tpu.memory_space<hbm>>) target(%arg16 : memref<2000xf32, #tpu.memory_space<vmem>>) target_semaphore(%arg24 : memref<!tpu.dma_semaphore, #tpu.memory_space<semaphore_mem>>)
      %dma_wait3A = tpu.memref_slice %arg3[%add3A_149] : memref<320000xi32, #tpu.memory_space<hbm>> -> memref<2000xi32, #tpu.memory_space<hbm>>
      %dma_wait3A_161 = tpu.memref_slice %arg3[%add3A_149] : memref<320000xi32, #tpu.memory_space<hbm>> -> memref<2000xi32, #tpu.memory_space<hbm>>
      tpu.wait_dma2 semaphore(%arg22 : memref<!tpu.dma_semaphore, #tpu.memory_space<semaphore_mem>>) src(%dma_wait3A_161 : memref<2000xi32, #tpu.memory_space<hbm>>) dst(%arg15 : memref<2000xi32, #tpu.memory_space<vmem>>)
      %dma_start3A_162 = arith.constant 0 : i32
      %dma_start3A_163 = tpu.memref_slice %arg15[%dma_start3A_162] : memref<2000xi32, #tpu.memory_space<vmem>> -> memref<80xi32, #tpu.memory_space<vmem>>
      %dma_start3A_164 = arith.constant 0 : i32
      %dma_start3A_165 = arith.constant 0 : i32
      %dma_start3A_166 = tpu.memref_slice %arg2[%dma_start3A_164, %dma_start3A_165] : memref<10000x128xf32, #tpu.memory_space<hbm>> -> memref<10000x128xf32, #tpu.memory_space<hbm>>
      tpu.enqueue_indirect_dma source(%dma_start3A_166 : memref<10000x128xf32, #tpu.memory_space<hbm>>) target(%arg19 : memref<80x128xf32, #tpu.memory_space<vmem>>) offsets(%dma_start3A_163 : memref<80xi32, #tpu.memory_space<vmem>>) semaphore(%arg22 : memref<!tpu.dma_semaphore, #tpu.memory_space<semaphore_mem>>)
      %dma_wait3A_167 = arith.constant 0 : i32
      %dma_wait3A_168 = arith.constant 0 : i32
      %dma_wait3A_169 = tpu.memref_slice %arg9[%add3A_146, %dma_wait3A_167, %dma_wait3A_168] : memref<160x25x80xi32, #tpu.memory_space<hbm>> -> memref<1x25x80xi32, #tpu.memory_space<hbm>>
      %dma_wait3A_170 = tpu.memref_squeeze %dma_wait3A_169 : memref<1x25x80xi32, #tpu.memory_space<hbm>> -> memref<25x80xi32, #tpu.memory_space<hbm>>
      %dma_wait3A_171 = arith.constant 0 : i32
      %dma_wait3A_172 = arith.constant 0 : i32
      %dma_wait3A_173 = tpu.memref_slice %arg9[%add3A_146, %dma_wait3A_171, %dma_wait3A_172] : memref<160x25x80xi32, #tpu.memory_space<hbm>> -> memref<1x25x80xi32, #tpu.memory_space<hbm>>
      %dma_wait3A_174 = tpu.memref_squeeze %dma_wait3A_173 : memref<1x25x80xi32, #tpu.memory_space<hbm>> -> memref<25x80xi32, #tpu.memory_space<hbm>>
      tpu.wait_dma2 semaphore(%arg23 : memref<!tpu.dma_semaphore, #tpu.memory_space<semaphore_mem>>) src(%dma_wait3A_174 : memref<25x80xi32, #tpu.memory_space<hbm>>) dst(%arg21 : memref<25x80xi32, #tpu.memory_space<vmem>>)
      %dma_wait3A_175 = tpu.memref_slice %arg4[%add3A_149] : memref<320000xf32, #tpu.memory_space<hbm>> -> memref<2000xf32, #tpu.memory_space<hbm>>
      %dma_wait3A_176 = tpu.memref_slice %arg4[%add3A_149] : memref<320000xf32, #tpu.memory_space<hbm>> -> memref<2000xf32, #tpu.memory_space<hbm>>
      tpu.wait_dma2 semaphore(%arg24 : memref<!tpu.dma_semaphore, #tpu.memory_space<semaphore_mem>>) src(%dma_wait3A_176 : memref<2000xf32, #tpu.memory_space<hbm>>) dst(%arg16 : memref<2000xf32, #tpu.memory_space<vmem>>)
      %dma_start3A_177 = arith.constant 80 : i32
      %dma_start3A_178 = tpu.memref_slice %arg15[%dma_start3A_177] : memref<2000xi32, #tpu.memory_space<vmem>> -> memref<80xi32, #tpu.memory_space<vmem>>
      %dma_start3A_179 = arith.constant 0 : i32
      %dma_start3A_180 = arith.constant 0 : i32
      %dma_start3A_181 = tpu.memref_slice %arg2[%dma_start3A_179, %dma_start3A_180] : memref<10000x128xf32, #tpu.memory_space<hbm>> -> memref<10000x128xf32, #tpu.memory_space<hbm>>
      tpu.enqueue_indirect_dma source(%dma_start3A_181 : memref<10000x128xf32, #tpu.memory_space<hbm>>) target(%arg20 : memref<80x128xf32, #tpu.memory_space<vmem>>) offsets(%dma_start3A_178 : memref<80xi32, #tpu.memory_space<vmem>>) semaphore(%arg23 : memref<!tpu.dma_semaphore, #tpu.memory_space<semaphore_mem>>)
      %dma_wait3A_182 = arith.constant 0 : i32
      %dma_wait3A_183 = tpu.memref_slice %arg15[%dma_wait3A_182] : memref<2000xi32, #tpu.memory_space<vmem>> -> memref<80xi32, #tpu.memory_space<vmem>>
      %dma_wait3A_184 = arith.constant 0 : i32
      %dma_wait3A_185 = arith.constant 0 : i32
      %dma_wait3A_186 = tpu.memref_slice %arg2[%dma_wait3A_184, %dma_wait3A_185] : memref<10000x128xf32, #tpu.memory_space<hbm>> -> memref<10000x128xf32, #tpu.memory_space<hbm>>
      tpu.wait_indirect_dma semaphore(%arg22 : memref<!tpu.dma_semaphore, #tpu.memory_space<semaphore_mem>>) src(%dma_wait3A_186 : memref<10000x128xf32, #tpu.memory_space<hbm>>) dst(%arg19 : memref<80x128xf32, #tpu.memory_space<vmem>>)
      %dma_start3A_187 = arith.constant 0 : i32
      %dma_start3A_188 = arith.constant 0 : i32
      %dma_start3A_189 = tpu.memref_slice %arg21[%dma_start3A_187, %dma_start3A_188] : memref<25x80xi32, #tpu.memory_space<vmem>> -> memref<1x80xi32, #tpu.memory_space<vmem>>
      %dma_start3A_190 = tpu.memref_squeeze %dma_start3A_189 : memref<1x80xi32, #tpu.memory_space<vmem>> -> memref<80xi32, #tpu.memory_space<vmem>>
      %dma_start3A_191 = arith.constant 0 : i32
      %dma_start3A_192 = arith.constant 0 : i32
      %dma_start3A_193 = tpu.memref_slice %arg14[%dma_start3A_191, %dma_start3A_192] : memref<10000x128xf32, #tpu.memory_space<vmem_shared>> -> memref<10000x128xf32, #tpu.memory_space<vmem_shared>>
      tpu.enqueue_indirect_dma source(%arg19 : memref<80x128xf32, #tpu.memory_space<vmem>>) target(%dma_start3A_193 : memref<10000x128xf32, #tpu.memory_space<vmem_shared>>) offsets(%dma_start3A_190 : memref<80xi32, #tpu.memory_space<vmem>>) semaphore(%arg24 : memref<!tpu.dma_semaphore, #tpu.memory_space<semaphore_mem>>) {add = true}
      %get3A = arith.constant 0 : index
      %get3A_194 = tpu.vector_load %arg15[%get3A] {strides = array<i32>} : memref<2000xi32, #tpu.memory_space<vmem>>, vector<16xi32>,
      %gather3A = tpu.vector_load_idx %arg17[%get3A_194] : memref<10000xf32, #tpu.memory_space<vmem>>[vector<16xi32>], vector<16xf32>,
      %get3A_195 = arith.constant 0 : i32
      %get3A_196 = arith.index_cast %get3A_195 : i32 to index
      %get3A_197 = arith.constant 0 : index
      %get3A_198 = tpu.vector_load %arg21[%get3A_196, %get3A_197] {strides = array<i32>} : memref<25x80xi32, #tpu.memory_space<vmem>>, vector<16xi32>,
      %get3A_199 = arith.constant 0 : index
      %get3A_200 = tpu.vector_load %arg16[%get3A_199] {strides = array<i32>} : memref<2000xf32, #tpu.memory_space<vmem>>, vector<16xf32>,
      %mul3A_201 = arith.mulf %gather3A, %get3A_200 : vector<16xf32>
      tpu.vector_store_idx %arg18[%get3A_198], %mul3A_201 {add = true} : memref<10000xf32, #tpu.memory_space<vmem>>[vector<16xi32>], vector<16xf32>,
      %get3A_202 = arith.constant 16 : index
      %get3A_203 = tpu.vector_load %arg15[%get3A_202] {strides = array<i32>} : memref<2000xi32, #tpu.memory_space<vmem>>, vector<16xi32>,
      %gather3A_204 = tpu.vector_load_idx %arg17[%get3A_203] : memref<10000xf32, #tpu.memory_space<vmem>>[vector<16xi32>], vector<16xf32>,
      %get3A_205 = arith.constant 0 : i32
      %get3A_206 = arith.index_cast %get3A_205 : i32 to index
      %get3A_207 = arith.constant 16 : index
      %get3A_208 = tpu.vector_load %arg21[%get3A_206, %get3A_207] {strides = array<i32>} : memref<25x80xi32, #tpu.memory_space<vmem>>, vector<16xi32>,
      %get3A_209 = arith.constant 16 : index
      %get3A_210 = tpu.vector_load %arg16[%get3A_209] {strides = array<i32>} : memref<2000xf32, #tpu.memory_space<vmem>>, vector<16xf32>,
      %mul3A_211 = arith.mulf %gather3A_204, %get3A_210 : vector<16xf32>
      tpu.vector_store_idx %arg18[%get3A_208], %mul3A_211 {add = true} : memref<10000xf32, #tpu.memory_space<vmem>>[vector<16xi32>], vector<16xf32>,
      %get3A_212 = arith.constant 32 : index
      %get3A_213 = tpu.vector_load %arg15[%get3A_212] {strides = array<i32>} : memref<2000xi32, #tpu.memory_space<vmem>>, vector<16xi32>,
      %gather3A_214 = tpu.vector_load_idx %arg17[%get3A_213] : memref<10000xf32, #tpu.memory_space<vmem>>[vector<16xi32>], vector<16xf32>,
      %get3A_215 = arith.constant 0 : i32
      %get3A_216 = arith.index_cast %get3A_215 : i32 to index
      %get3A_217 = arith.constant 32 : index
      %get3A_218 = tpu.vector_load %arg21[%get3A_216, %get3A_217] {strides = array<i32>} : memref<25x80xi32, #tpu.memory_space<vmem>>, vector<16xi32>,
      %get3A_219 = arith.constant 32 : index
      %get3A_220 = tpu.vector_load %arg16[%get3A_219] {strides = array<i32>} : memref<2000xf32, #tpu.memory_space<vmem>>, vector<16xf32>,
      %mul3A_221 = arith.mulf %gather3A_214, %get3A_220 : vector<16xf32>
      tpu.vector_store_idx %arg18[%get3A_218], %mul3A_221 {add = true} : memref<10000xf32, #tpu.memory_space<vmem>>[vector<16xi32>], vector<16xf32>,
      %get3A_222 = arith.constant 48 : index
      %get3A_223 = tpu.vector_load %arg15[%get3A_222] {strides = array<i32>} : memref<2000xi32, #tpu.memory_space<vmem>>, vector<16xi32>,
      %gather3A_224 = tpu.vector_load_idx %arg17[%get3A_223] : memref<10000xf32, #tpu.memory_space<vmem>>[vector<16xi32>], vector<16xf32>,
      %get3A_225 = arith.constant 0 : i32
      %get3A_226 = arith.index_cast %get3A_225 : i32 to index
      %get3A_227 = arith.constant 48 : index
      %get3A_228 = tpu.vector_load %arg21[%get3A_226, %get3A_227] {strides = array<i32>} : memref<25x80xi32, #tpu.memory_space<vmem>>, vector<16xi32>,
      %get3A_229 = arith.constant 48 : index
      %get3A_230 = tpu.vector_load %arg16[%get3A_229] {strides = array<i32>} : memref<2000xf32, #tpu.memory_space<vmem>>, vector<16xf32>,
      %mul3A_231 = arith.mulf %gather3A_224, %get3A_230 : vector<16xf32>
      tpu.vector_store_idx %arg18[%get3A_228], %mul3A_231 {add = true} : memref<10000xf32, #tpu.memory_space<vmem>>[vector<16xi32>], vector<16xf32>,
      %get3A_232 = arith.constant 64 : index
      %get3A_233 = tpu.vector_load %arg15[%get3A_232] {strides = array<i32>} : memref<2000xi32, #tpu.memory_space<vmem>>, vector<16xi32>,
      %gather3A_234 = tpu.vector_load_idx %arg17[%get3A_233] : memref<10000xf32, #tpu.memory_space<vmem>>[vector<16xi32>], vector<16xf32>,
      %get3A_235 = arith.constant 0 : i32
      %get3A_236 = arith.index_cast %get3A_235 : i32 to index
      %get3A_237 = arith.constant 64 : index
      %get3A_238 = tpu.vector_load %arg21[%get3A_236, %get3A_237] {strides = array<i32>} : memref<25x80xi32, #tpu.memory_space<vmem>>, vector<16xi32>,
      %get3A_239 = arith.constant 64 : index
      %get3A_240 = tpu.vector_load %arg16[%get3A_239] {strides = array<i32>} : memref<2000xf32, #tpu.memory_space<vmem>>, vector<16xf32>,
      %mul3A_241 = arith.mulf %gather3A_234, %get3A_240 : vector<16xf32>
      tpu.vector_store_idx %arg18[%get3A_238], %mul3A_241 {add = true} : memref<10000xf32, #tpu.memory_space<vmem>>[vector<16xi32>], vector<16xf32>,
      %dma_wait3A_242 = arith.constant 0 : i32
      %dma_wait3A_243 = arith.constant 0 : i32
      %dma_wait3A_244 = tpu.memref_slice %arg21[%dma_wait3A_242, %dma_wait3A_243] : memref<25x80xi32, #tpu.memory_space<vmem>> -> memref<1x80xi32, #tpu.memory_space<vmem>>
      %dma_wait3A_245 = tpu.memref_squeeze %dma_wait3A_244 : memref<1x80xi32, #tpu.memory_space<vmem>> -> memref<80xi32, #tpu.memory_space<vmem>>
      %dma_wait3A_246 = arith.constant 0 : i32
      %dma_wait3A_247 = arith.constant 0 : i32
      %dma_wait3A_248 = tpu.memref_slice %arg14[%dma_wait3A_246, %dma_wait3A_247] : memref<10000x128xf32, #tpu.memory_space<vmem_shared>> -> memref<10000x128xf32, #tpu.memory_space<vmem_shared>>
      tpu.wait_indirect_dma semaphore(%arg24 : memref<!tpu.dma_semaphore, #tpu.memory_space<semaphore_mem>>) src(%arg19 : memref<80x128xf32, #tpu.memory_space<vmem>>) dst(%dma_wait3A_248 : memref<10000x128xf32, #tpu.memory_space<vmem_shared>>)
      %dma_start3A_249 = arith.constant 160 : i32
      %dma_start3A_250 = tpu.memref_slice %arg15[%dma_start3A_249] : memref<2000xi32, #tpu.memory_space<vmem>> -> memref<80xi32, #tpu.memory_space<vmem>>
      %dma_start3A_251 = arith.constant 0 : i32
      %dma_start3A_252 = arith.constant 0 : i32
      %dma_start3A_253 = tpu.memref_slice %arg2[%dma_start3A_251, %dma_start3A_252] : memref<10000x128xf32, #tpu.memory_space<hbm>> -> memref<10000x128xf32, #tpu.memory_space<hbm>>
      tpu.enqueue_indirect_dma source(%dma_start3A_253 : memref<10000x128xf32, #tpu.memory_space<hbm>>) target(%arg19 : memref<80x128xf32, #tpu.memory_space<vmem>>) offsets(%dma_start3A_250 : memref<80xi32, #tpu.memory_space<vmem>>) semaphore(%arg22 : memref<!tpu.dma_semaphore, #tpu.memory_space<semaphore_mem>>)
      %dma_wait3A_254 = arith.constant 80 : i32
      %dma_wait3A_255 = tpu.memref_slice %arg15[%dma_wait3A_254] : memref<2000xi32, #tpu.memory_space<vmem>> -> memref<80xi32, #tpu.memory_space<vmem>>
      %dma_wait3A_256 = arith.constant 0 : i32
      %dma_wait3A_257 = arith.constant 0 : i32
      %dma_wait3A_258 = tpu.memref_slice %arg2[%dma_wait3A_256, %dma_wait3A_257] : memref<10000x128xf32, #tpu.memory_space<hbm>> -> memref<10000x128xf32, #tpu.memory_space<hbm>>
      tpu.wait_indirect_dma semaphore(%arg23 : memref<!tpu.dma_semaphore, #tpu.memory_space<semaphore_mem>>) src(%dma_wait3A_258 : memref<10000x128xf32, #tpu.memory_space<hbm>>) dst(%arg20 : memref<80x128xf32, #tpu.memory_space<vmem>>)
      %dma_start3A_259 = arith.constant 1 : i32
      %dma_start3A_260 = arith.constant 0 : i32
      %dma_start3A_261 = tpu.memref_slice %arg21[%dma_start3A_259, %dma_start3A_260] : memref<25x80xi32, #tpu.memory_space<vmem>> -> memref<1x80xi32, #tpu.memory_space<vmem>>
      %dma_start3A_262 = tpu.memref_squeeze %dma_start3A_261 : memref<1x80xi32, #tpu.memory_space<vmem>> -> memref<80xi32, #tpu.memory_space<vmem>>
      %dma_start3A_263 = arith.constant 0 : i32
      %dma_start3A_264 = arith.constant 0 : i32
      %dma_start3A_265 = tpu.memref_slice %arg14[%dma_start3A_263, %dma_start3A_264] : memref<10000x128xf32, #tpu.memory_space<vmem_shared>> -> memref<10000x128xf32, #tpu.memory_space<vmem_shared>>
      tpu.enqueue_indirect_dma source(%arg20 : memref<80x128xf32, #tpu.memory_space<vmem>>) target(%dma_start3A_265 : memref<10000x128xf32, #tpu.memory_space<vmem_shared>>) offsets(%dma_start3A_262 : memref<80xi32, #tpu.memory_space<vmem>>) semaphore(%arg25 : memref<!tpu.dma_semaphore, #tpu.memory_space<semaphore_mem>>) {add = true}
      %get3A_266 = arith.constant 80 : index
      %get3A_267 = tpu.vector_load %arg15[%get3A_266] {strides = array<i32>} : memref<2000xi32, #tpu.memory_space<vmem>>, vector<16xi32>,
      %gather3A_268 = tpu.vector_load_idx %arg17[%get3A_267] : memref<10000xf32, #tpu.memory_space<vmem>>[vector<16xi32>], vector<16xf32>,
      %get3A_269 = arith.constant 1 : i32
      %get3A_270 = arith.index_cast %get3A_269 : i32 to index
      %get3A_271 = arith.constant 0 : index
      %get3A_272 = tpu.vector_load %arg21[%get3A_270, %get3A_271] {strides = array<i32>} : memref<25x80xi32, #tpu.memory_space<vmem>>, vector<16xi32>,
      %get3A_273 = arith.constant 80 : index
      %get3A_274 = tpu.vector_load %arg16[%get3A_273] {strides = array<i32>} : memref<2000xf32, #tpu.memory_space<vmem>>, vector<16xf32>,
      %mul3A_275 = arith.mulf %gather3A_268, %get3A_274 : vector<16xf32>
      tpu.vector_store_idx %arg18[%get3A_272], %mul3A_275 {add = true} : memref<10000xf32, #tpu.memory_space<vmem>>[vector<16xi32>], vector<16xf32>,
      %get3A_276 = arith.constant 96 : index
      %get3A_277 = tpu.vector_load %arg15[%get3A_276] {strides = array<i32>} : memref<2000xi32, #tpu.memory_space<vmem>>, vector<16xi32>,
      %gather3A_278 = tpu.vector_load_idx %arg17[%get3A_277] : memref<10000xf32, #tpu.memory_space<vmem>>[vector<16xi32>], vector<16xf32>,
      %get3A_279 = arith.constant 1 : i32
      %get3A_280 = arith.index_cast %get3A_279 : i32 to index
      %get3A_281 = arith.constant 16 : index
      %get3A_282 = tpu.vector_load %arg21[%get3A_280, %get3A_281] {strides = array<i32>} : memref<25x80xi32, #tpu.memory_space<vmem>>, vector<16xi32>,
      %get3A_283 = arith.constant 96 : index
      %get3A_284 = tpu.vector_load %arg16[%get3A_283] {strides = array<i32>} : memref<2000xf32, #tpu.memory_space<vmem>>, vector<16xf32>,
      %mul3A_285 = arith.mulf %gather3A_278, %get3A_284 : vector<16xf32>
      tpu.vector_store_idx %arg18[%get3A_282], %mul3A_285 {add = true} : memref<10000xf32, #tpu.memory_space<vmem>>[vector<16xi32>], vector<16xf32>,
      %get3A_286 = arith.constant 112 : index
      %get3A_287 = tpu.vector_load %arg15[%get3A_286] {strides = array<i32>} : memref<2000xi32, #tpu.memory_space<vmem>>, vector<16xi32>,
      %gather3A_288 = tpu.vector_load_idx %arg17[%get3A_287] : memref<10000xf32, #tpu.memory_space<vmem>>[vector<16xi32>], vector<16xf32>,
      %get3A_289 = arith.constant 1 : i32
      %get3A_290 = arith.index_cast %get3A_289 : i32 to index
      %get3A_291 = arith.constant 32 : index
      %get3A_292 = tpu.vector_load %arg21[%get3A_290, %get3A_291] {strides = array<i32>} : memref<25x80xi32, #tpu.memory_space<vmem>>, vector<16xi32>,
      %get3A_293 = arith.constant 112 : index
      %get3A_294 = tpu.vector_load %arg16[%get3A_293] {strides = array<i32>} : memref<2000xf32, #tpu.memory_space<vmem>>, vector<16xf32>,
      %mul3A_295 = arith.mulf %gather3A_288, %get3A_294 : vector<16xf32>
      tpu.vector_store_idx %arg18[%get3A_292], %mul3A_295 {add = true} : memref<10000xf32, #tpu.memory_space<vmem>>[vector<16xi32>], vector<16xf32>,
      %get3A_296 = arith.constant 128 : index
      %get3A_297 = tpu.vector_load %arg15[%get3A_296] {strides = array<i32>} : memref<2000xi32, #tpu.memory_space<vmem>>, vector<16xi32>,
      %gather3A_298 = tpu.vector_load_idx %arg17[%get3A_297] : memref<10000xf32, #tpu.memory_space<vmem>>[vector<16xi32>], vector<16xf32>,
      %get3A_299 = arith.constant 1 : i32
      %get3A_300 = arith.index_cast %get3A_299 : i32 to index
      %get3A_301 = arith.constant 48 : index
      %get3A_302 = tpu.vector_load %arg21[%get3A_300, %get3A_301] {strides = array<i32>} : memref<25x80xi32, #tpu.memory_space<vmem>>, vector<16xi32>,
      %get3A_303 = arith.constant 128 : index
      %get3A_304 = tpu.vector_load %arg16[%get3A_303] {strides = array<i32>} : memref<2000xf32, #tpu.memory_space<vmem>>, vector<16xf32>,
      %mul3A_305 = arith.mulf %gather3A_298, %get3A_304 : vector<16xf32>
      tpu.vector_store_idx %arg18[%get3A_302], %mul3A_305 {add = true} : memref<10000xf32, #tpu.memory_space<vmem>>[vector<16xi32>], vector<16xf32>,
      %get3A_306 = arith.constant 144 : index
      %get3A_307 = tpu.vector_load %arg15[%get3A_306] {strides = array<i32>} : memref<2000xi32, #tpu.memory_space<vmem>>, vector<16xi32>,
      %gather3A_308 = tpu.vector_load_idx %arg17[%get3A_307] : memref<10000xf32, #tpu.memory_space<vmem>>[vector<16xi32>], vector<16xf32>,
      %get3A_309 = arith.constant 1 : i32
      %get3A_310 = arith.index_cast %get3A_309 : i32 to index
      %get3A_311 = arith.constant 64 : index
      %get3A_312 = tpu.vector_load %arg21[%get3A_310, %get3A_311] {strides = array<i32>} : memref<25x80xi32, #tpu.memory_space<vmem>>, vector<16xi32>,
      %get3A_313 = arith.constant 144 : index
      %get3A_314 = tpu.vector_load %arg16[%get3A_313] {strides = array<i32>} : memref<2000xf32, #tpu.memory_space<vmem>>, vector<16xf32>,
      %mul3A_315 = arith.mulf %gather3A_308, %get3A_314 : vector<16xf32>
      tpu.vector_store_idx %arg18[%get3A_312], %mul3A_315 {add = true} : memref<10000xf32, #tpu.memory_space<vmem>>[vector<16xi32>], vector<16xf32>,
      %dma_wait3A_316 = arith.constant 1 : i32
      %dma_wait3A_317 = arith.constant 0 : i32
      %dma_wait3A_318 = tpu.memref_slice %arg21[%dma_wait3A_316, %dma_wait3A_317] : memref<25x80xi32, #tpu.memory_space<vmem>> -> memref<1x80xi32, #tpu.memory_space<vmem>>
      %dma_wait3A_319 = tpu.memref_squeeze %dma_wait3A_318 : memref<1x80xi32, #tpu.memory_space<vmem>> -> memref<80xi32, #tpu.memory_space<vmem>>
      %dma_wait3A_320 = arith.constant 0 : i32
      %dma_wait3A_321 = arith.constant 0 : i32
      %dma_wait3A_322 = tpu.memref_slice %arg14[%dma_wait3A_320, %dma_wait3A_321] : memref<10000x128xf32, #tpu.memory_space<vmem_shared>> -> memref<10000x128xf32, #tpu.memory_space<vmem_shared>>
      tpu.wait_indirect_dma semaphore(%arg25 : memref<!tpu.dma_semaphore, #tpu.memory_space<semaphore_mem>>) src(%arg20 : memref<80x128xf32, #tpu.memory_space<vmem>>) dst(%dma_wait3A_322 : memref<10000x128xf32, #tpu.memory_space<vmem_shared>>)
      %dma_start3A_323 = arith.constant 240 : i32
      %dma_start3A_324 = tpu.memref_slice %arg15[%dma_start3A_323] : memref<2000xi32, #tpu.memory_space<vmem>> -> memref<80xi32, #tpu.memory_space<vmem>>
      %dma_start3A_325 = arith.constant 0 : i32
      %dma_start3A_326 = arith.constant 0 : i32
      %dma_start3A_327 = tpu.memref_slice %arg2[%dma_start3A_325, %dma_start3A_326] : memref<10000x128xf32, #tpu.memory_space<hbm>> -> memref<10000x128xf32, #tpu.memory_space<hbm>>
      tpu.enqueue_indirect_dma source(%dma_start3A_327 : memref<10000x128xf32, #tpu.memory_space<hbm>>) target(%arg20 : memref<80x128xf32, #tpu.memory_space<vmem>>) offsets(%dma_start3A_324 : memref<80xi32, #tpu.memory_space<vmem>>) semaphore(%arg23 : memref<!tpu.dma_semaphore, #tpu.memory_space<semaphore_mem>>)
      %dma_wait3A_328 = arith.constant 160 : i32
      %dma_wait3A_329 = tpu.memref_slice %arg15[%dma_wait3A_328] : memref<2000xi32, #tpu.memory_space<vmem>> -> memref<80xi32, #tpu.memory_space<vmem>>
      %dma_wait3A_330 = arith.constant 0 : i32
      %dma_wait3A_331 = arith.constant 0 : i32
      %dma_wait3A_332 = tpu.memref_slice %arg2[%dma_wait3A_330, %dma_wait3A_331] : memref<10000x128xf32, #tpu.memory_space<hbm>> -> memref<10000x128xf32, #tpu.memory_space<hbm>>
      tpu.wait_indirect_dma semaphore(%arg22 : memref<!tpu.dma_semaphore, #tpu.memory_space<semaphore_mem>>) src(%dma_wait3A_332 : memref<10000x128xf32, #tpu.memory_space<hbm>>) dst(%arg19 : memref<80x128xf32, #tpu.memory_space<vmem>>)
      %dma_start3A_333 = arith.constant 2 : i32
      %dma_start3A_334 = arith.constant 0 : i32
      %dma_start3A_335 = tpu.memref_slice %arg21[%dma_start3A_333, %dma_start3A_334] : memref<25x80xi32, #tpu.memory_space<vmem>> -> memref<1x80xi32, #tpu.memory_space<vmem>>
      %dma_start3A_336 = tpu.memref_squeeze %dma_start3A_335 : memref<1x80xi32, #tpu.memory_space<vmem>> -> memref<80xi32, #tpu.memory_space<vmem>>
      %dma_start3A_337 = arith.constant 0 : i32
      %dma_start3A_338 = arith.constant 0 : i32
      %dma_start3A_339 = tpu.memref_slice %arg14[%dma_start3A_337, %dma_start3A_338] : memref<10000x128xf32, #tpu.memory_space<vmem_shared>> -> memref<10000x128xf32, #tpu.memory_space<vmem_shared>>
      tpu.enqueue_indirect_dma source(%arg19 : memref<80x128xf32, #tpu.memory_space<vmem>>) target(%dma_start3A_339 : memref<10000x128xf32, #tpu.memory_space<vmem_shared>>) offsets(%dma_start3A_336 : memref<80xi32, #tpu.memory_space<vmem>>) semaphore(%arg24 : memref<!tpu.dma_semaphore, #tpu.memory_space<semaphore_mem>>) {add = true}
      %get3A_340 = arith.constant 160 : index
      %get3A_341 = tpu.vector_load %arg15[%get3A_340] {strides = array<i32>} : memref<2000xi32, #tpu.memory_space<vmem>>, vector<16xi32>,
      %gather3A_342 = tpu.vector_load_idx %arg17[%get3A_341] : memref<10000xf32, #tpu.memory_space<vmem>>[vector<16xi32>], vector<16xf32>,
      %get3A_343 = arith.constant 2 : i32
      %get3A_344 = arith.index_cast %get3A_343 : i32 to index
      %get3A_345 = arith.constant 0 : index
      %get3A_346 = tpu.vector_load %arg21[%get3A_344, %get3A_345] {strides = array<i32>} : memref<25x80xi32, #tpu.memory_space<vmem>>, vector<16xi32>,
      %get3A_347 = arith.constant 160 : index
      %get3A_348 = tpu.vector_load %arg16[%get3A_347] {strides = array<i32>} : memref<2000xf32, #tpu.memory_space<vmem>>, vector<16xf32>,
      %mul3A_349 = arith.mulf %gather3A_342, %get3A_348 : vector<16xf32>
      tpu.vector_store_idx %arg18[%get3A_346], %mul3A_349 {add = true} : memref<10000xf32, #tpu.memory_space<vmem>>[vector<16xi32>], vector<16xf32>,
      %get3A_350 = arith.constant 176 : index
      %get3A_351 = tpu.vector_load %arg15[%get3A_350] {strides = array<i32>} : memref<2000xi32, #tpu.memory_space<vmem>>, vector<16xi32>,
      %gather3A_352 = tpu.vector_load_idx %arg17[%get3A_351] : memref<10000xf32, #tpu.memory_space<vmem>>[vector<16xi32>], vector<16xf32>,
      %get3A_353 = arith.constant 2 : i32
      %get3A_354 = arith.index_cast %get3A_353 : i32 to index
      %get3A_355 = arith.constant 16 : index
      %get3A_356 = tpu.vector_load %arg21[%get3A_354, %get3A_355] {strides = array<i32>} : memref<25x80xi32, #tpu.memory_space<vmem>>, vector<16xi32>,
      %get3A_357 = arith.constant 176 : index
      %get3A_358 = tpu.vector_load %arg16[%get3A_357] {strides = array<i32>} : memref<2000xf32, #tpu.memory_space<vmem>>, vector<16xf32>,
      %mul3A_359 = arith.mulf %gather3A_352, %get3A_358 : vector<16xf32>
      tpu.vector_store_idx %arg18[%get3A_356], %mul3A_359 {add = true} : memref<10000xf32, #tpu.memory_space<vmem>>[vector<16xi32>], vector<16xf32>,
      %get3A_360 = arith.constant 192 : index
      %get3A_361 = tpu.vector_load %arg15[%get3A_360] {strides = array<i32>} : memref<2000xi32, #tpu.memory_space<vmem>>, vector<16xi32>,
      %gather3A_362 = tpu.vector_load_idx %arg17[%get3A_361] : memref<10000xf32, #tpu.memory_space<vmem>>[vector<16xi32>], vector<16xf32>,
      %get3A_363 = arith.constant 2 : i32
      %get3A_364 = arith.index_cast %get3A_363 : i32 to index
      %get3A_365 = arith.constant 32 : index
      %get3A_366 = tpu.vector_load %arg21[%get3A_364, %get3A_365] {strides = array<i32>} : memref<25x80xi32, #tpu.memory_space<vmem>>, vector<16xi32>,
      %get3A_367 = arith.constant 192 : index
      %get3A_368 = tpu.vector_load %arg16[%get3A_367] {strides = array<i32>} : memref<2000xf32, #tpu.memory_space<vmem>>, vector<16xf32>,
      %mul3A_369 = arith.mulf %gather3A_362, %get3A_368 : vector<16xf32>
      tpu.vector_store_idx %arg18[%get3A_366], %mul3A_369 {add = true} : memref<10000xf32, #tpu.memory_space<vmem>>[vector<16xi32>], vector<16xf32>,
      %get3A_370 = arith.constant 208 : index
      %get3A_371 = tpu.vector_load %arg15[%get3A_370] {strides = array<i32>} : memref<2000xi32, #tpu.memory_space<vmem>>, vector<16xi32>,
      %gather3A_372 = tpu.vector_load_idx %arg17[%get3A_371] : memref<10000xf32, #tpu.memory_space<vmem>>[vector<16xi32>], vector<16xf32>,
      %get3A_373 = arith.constant 2 : i32
      %get3A_374 = arith.index_cast %get3A_373 : i32 to index
      %get3A_375 = arith.constant 48 : index
      %get3A_376 = tpu.vector_load %arg21[%get3A_374, %get3A_375] {strides = array<i32>} : memref<25x80xi32, #tpu.memory_space<vmem>>, vector<16xi32>,
      %get3A_377 = arith.constant 208 : index
      %get3A_378 = tpu.vector_load %arg16[%get3A_377] {strides = array<i32>} : memref<2000xf32, #tpu.memory_space<vmem>>, vector<16xf32>,
      %mul3A_379 = arith.mulf %gather3A_372, %get3A_378 : vector<16xf32>
      tpu.vector_store_idx %arg18[%get3A_376], %mul3A_379 {add = true} : memref<10000xf32, #tpu.memory_space<vmem>>[vector<16xi32>], vector<16xf32>,
      %get3A_380 = arith.constant 224 : index
      %get3A_381 = tpu.vector_load %arg15[%get3A_380] {strides = array<i32>} : memref<2000xi32, #tpu.memory_space<vmem>>, vector<16xi32>,
      %gather3A_382 = tpu.vector_load_idx %arg17[%get3A_381] : memref<10000xf32, #tpu.memory_space<vmem>>[vector<16xi32>], vector<16xf32>,
      %get3A_383 = arith.constant 2 : i32
      %get3A_384 = arith.index_cast %get3A_383 : i32 to index
      %get3A_385 = arith.constant 64 : index
      %get3A_386 = tpu.vector_load %arg21[%get3A_384, %get3A_385] {strides = array<i32>} : memref<25x80xi32, #tpu.memory_space<vmem>>, vector<16xi32>,
      %get3A_387 = arith.constant 224 : index
      %get3A_388 = tpu.vector_load %arg16[%get3A_387] {strides = array<i32>} : memref<2000xf32, #tpu.memory_space<vmem>>, vector<16xf32>,
      %mul3A_389 = arith.mulf %gather3A_382, %get3A_388 : vector<16xf32>
      tpu.vector_store_idx %arg18[%get3A_386], %mul3A_389 {add = true} : memref<10000xf32, #tpu.memory_space<vmem>>[vector<16xi32>], vector<16xf32>,
      %dma_wait3A_390 = arith.constant 2 : i32
      %dma_wait3A_391 = arith.constant 0 : i32
      %dma_wait3A_392 = tpu.memref_slice %arg21[%dma_wait3A_390, %dma_wait3A_391] : memref<25x80xi32, #tpu.memory_space<vmem>> -> memref<1x80xi32, #tpu.memory_space<vmem>>
      %dma_wait3A_393 = tpu.memref_squeeze %dma_wait3A_392 : memref<1x80xi32, #tpu.memory_space<vmem>> -> memref<80xi32, #tpu.memory_space<vmem>>
      %dma_wait3A_394 = arith.constant 0 : i32
      %dma_wait3A_395 = arith.constant 0 : i32
      %dma_wait3A_396 = tpu.memref_slice %arg14[%dma_wait3A_394, %dma_wait3A_395] : memref<10000x128xf32, #tpu.memory_space<vmem_shared>> -> memref<10000x128xf32, #tpu.memory_space<vmem_shared>>
      tpu.wait_indirect_dma semaphore(%arg24 : memref<!tpu.dma_semaphore, #tpu.memory_space<semaphore_mem>>) src(%arg19 : memref<80x128xf32, #tpu.memory_space<vmem>>) dst(%dma_wait3A_396 : memref<10000x128xf32, #tpu.memory_space<vmem_shared>>)
      %dma_start3A_397 = arith.constant 320 : i32
      %dma_start3A_398 = tpu.memref_slice %arg15[%dma_start3A_397] : memref<2000xi32, #tpu.memory_space<vmem>> -> memref<80xi32, #tpu.memory_space<vmem>>
      %dma_start3A_399 = arith.constant 0 : i32
      %dma_start3A_400 = arith.constant 0 : i32
      %dma_start3A_401 = tpu.memref_slice %arg2[%dma_start3A_399, %dma_start3A_400] : memref<10000x128xf32, #tpu.memory_space<hbm>> -> memref<10000x128xf32, #tpu.memory_space<hbm>>
      tpu.enqueue_indirect_dma source(%dma_start3A_401 : memref<10000x128xf32, #tpu.memory_space<hbm>>) target(%arg19 : memref<80x128xf32, #tpu.memory_space<vmem>>) offsets(%dma_start3A_398 : memref<80xi32, #tpu.memory_space<vmem>>) semaphore(%arg22 : memref<!tpu.dma_semaphore, #tpu.memory_space<semaphore_mem>>)
      %dma_wait3A_402 = arith.constant 240 : i32
      %dma_wait3A_403 = tpu.memref_slice %arg15[%dma_wait3A_402] : memref<2000xi32, #tpu.memory_space<vmem>> -> memref<80xi32, #tpu.memory_space<vmem>>
      %dma_wait3A_404 = arith.constant 0 : i32
      %dma_wait3A_405 = arith.constant 0 : i32
      %dma_wait3A_406 = tpu.memref_slice %arg2[%dma_wait3A_404, %dma_wait3A_405] : memref<10000x128xf32, #tpu.memory_space<hbm>> -> memref<10000x128xf32, #tpu.memory_space<hbm>>
      tpu.wait_indirect_dma semaphore(%arg23 : memref<!tpu.dma_semaphore, #tpu.memory_space<semaphore_mem>>) src(%dma_wait3A_406 : memref<10000x128xf32, #tpu.memory_space<hbm>>) dst(%arg20 : memref<80x128xf32, #tpu.memory_space<vmem>>)
      %dma_start3A_407 = arith.constant 3 : i32
      %dma_start3A_408 = arith.constant 0 : i32
      %dma_start3A_409 = tpu.memref_slice %arg21[%dma_start3A_407, %dma_start3A_408] : memref<25x80xi32, #tpu.memory_space<vmem>> -> memref<1x80xi32, #tpu.memory_space<vmem>>
      %dma_start3A_410 = tpu.memref_squeeze %dma_start3A_409 : memref<1x80xi32, #tpu.memory_space<vmem>> -> memref<80xi32, #tpu.memory_space<vmem>>
      %dma_start3A_411 = arith.constant 0 : i32
      %dma_start3A_412 = arith.constant 0 : i32
      %dma_start3A_413 = tpu.memref_slice %arg14[%dma_start3A_411, %dma_start3A_412] : memref<10000x128xf32, #tpu.memory_space<vmem_shared>> -> memref<10000x128xf32, #tpu.memory_space<vmem_shared>>
      tpu.enqueue_indirect_dma source(%arg20 : memref<80x128xf32, #tpu.memory_space<vmem>>) target(%dma_start3A_413 : memref<10000x128xf32, #tpu.memory_space<vmem_shared>>) offsets(%dma_start3A_410 : memref<80xi32, #tpu.memory_space<vmem>>) semaphore(%arg25 : memref<!tpu.dma_semaphore, #tpu.memory_space<semaphore_mem>>) {add = true}
      %get3A_414 = arith.constant 240 : index
      %get3A_415 = tpu.vector_load %arg15[%get3A_414] {strides = array<i32>} : memref<2000xi32, #tpu.memory_space<vmem>>, vector<16xi32>,
      %gather3A_416 = tpu.vector_load_idx %arg17[%get3A_415] : memref<10000xf32, #tpu.memory_space<vmem>>[vector<16xi32>], vector<16xf32>,
      %get3A_417 = arith.constant 3 : i32
      %get3A_418 = arith.index_cast %get3A_417 : i32 to index
      %get3A_419 = arith.constant 0 : index
      %get3A_420 = tpu.vector_load %arg21[%get3A_418, %get3A_419] {strides = array<i32>} : memref<25x80xi32, #tpu.memory_space<vmem>>, vector<16xi32>,
      %get3A_421 = arith.constant 240 : index
      %get3A_422 = tpu.vector_load %arg16[%get3A_421] {strides = array<i32>} : memref<2000xf32, #tpu.memory_space<vmem>>, vector<16xf32>,
      %mul3A_423 = arith.mulf %gather3A_416, %get3A_422 : vector<16xf32>
      tpu.vector_store_idx %arg18[%get3A_420], %mul3A_423 {add = true} : memref<10000xf32, #tpu.memory_space<vmem>>[vector<16xi32>], vector<16xf32>,
      %get3A_424 = arith.constant 256 : index
      %get3A_425 = tpu.vector_load %arg15[%get3A_424] {strides = array<i32>} : memref<2000xi32, #tpu.memory_space<vmem>>, vector<16xi32>,
      %gather3A_426 = tpu.vector_load_idx %arg17[%get3A_425] : memref<10000xf32, #tpu.memory_space<vmem>>[vector<16xi32>], vector<16xf32>,
      %get3A_427 = arith.constant 3 : i32
      %get3A_428 = arith.index_cast %get3A_427 : i32 to index
      %get3A_429 = arith.constant 16 : index
      %get3A_430 = tpu.vector_load %arg21[%get3A_428, %get3A_429] {strides = array<i32>} : memref<25x80xi32, #tpu.memory_space<vmem>>, vector<16xi32>,
      %get3A_431 = arith.constant 256 : index
      %get3A_432 = tpu.vector_load %arg16[%get3A_431] {strides = array<i32>} : memref<2000xf32, #tpu.memory_space<vmem>>, vector<16xf32>,
      %mul3A_433 = arith.mulf %gather3A_426, %get3A_432 : vector<16xf32>
      tpu.vector_store_idx %arg18[%get3A_430], %mul3A_433 {add = true} : memref<10000xf32, #tpu.memory_space<vmem>>[vector<16xi32>], vector<16xf32>,
      %get3A_434 = arith.constant 272 : index
      %get3A_435 = tpu.vector_load %arg15[%get3A_434] {strides = array<i32>} : memref<2000xi32, #tpu.memory_space<vmem>>, vector<16xi32>,
      %gather3A_436 = tpu.vector_load_idx %arg17[%get3A_435] : memref<10000xf32, #tpu.memory_space<vmem>>[vector<16xi32>], vector<16xf32>,
      %get3A_437 = arith.constant 3 : i32
      %get3A_438 = arith.index_cast %get3A_437 : i32 to index
      %get3A_439 = arith.constant 32 : index
      %get3A_440 = tpu.vector_load %arg21[%get3A_438, %get3A_439] {strides = array<i32>} : memref<25x80xi32, #tpu.memory_space<vmem>>, vector<16xi32>,
      %get3A_441 = arith.constant 272 : index
      %get3A_442 = tpu.vector_load %arg16[%get3A_441] {strides = array<i32>} : memref<2000xf32, #tpu.memory_space<vmem>>, vector<16xf32>,
      %mul3A_443 = arith.mulf %gather3A_436, %get3A_442 : vector<16xf32>
      tpu.vector_store_idx %arg18[%get3A_440], %mul3A_443 {add = true} : memref<10000xf32, #tpu.memory_space<vmem>>[vector<16xi32>], vector<16xf32>,
      %get3A_444 = arith.constant 288 : index
      %get3A_445 = tpu.vector_load %arg15[%get3A_444] {strides = array<i32>} : memref<2000xi32, #tpu.memory_space<vmem>>, vector<16xi32>,
      %gather3A_446 = tpu.vector_load_idx %arg17[%get3A_445] : memref<10000xf32, #tpu.memory_space<vmem>>[vector<16xi32>], vector<16xf32>,
      %get3A_447 = arith.constant 3 : i32
      %get3A_448 = arith.index_cast %get3A_447 : i32 to index
      %get3A_449 = arith.constant 48 : index
      %get3A_450 = tpu.vector_load %arg21[%get3A_448, %get3A_449] {strides = array<i32>} : memref<25x80xi32, #tpu.memory_space<vmem>>, vector<16xi32>,
      %get3A_451 = arith.constant 288 : index
      %get3A_452 = tpu.vector_load %arg16[%get3A_451] {strides = array<i32>} : memref<2000xf32, #tpu.memory_space<vmem>>, vector<16xf32>,
      %mul3A_453 = arith.mulf %gather3A_446, %get3A_452 : vector<16xf32>
      tpu.vector_store_idx %arg18[%get3A_450], %mul3A_453 {add = true} : memref<10000xf32, #tpu.memory_space<vmem>>[vector<16xi32>], vector<16xf32>,
      %get3A_454 = arith.constant 304 : index
      %get3A_455 = tpu.vector_load %arg15[%get3A_454] {strides = array<i32>} : memref<2000xi32, #tpu.memory_space<vmem>>, vector<16xi32>,
      %gather3A_456 = tpu.vector_load_idx %arg17[%get3A_455] : memref<10000xf32, #tpu.memory_space<vmem>>[vector<16xi32>], vector<16xf32>,
      %get3A_457 = arith.constant 3 : i32
      %get3A_458 = arith.index_cast %get3A_457 : i32 to index
      %get3A_459 = arith.constant 64 : index
      %get3A_460 = tpu.vector_load %arg21[%get3A_458, %get3A_459] {strides = array<i32>} : memref<25x80xi32, #tpu.memory_space<vmem>>, vector<16xi32>,
      %get3A_461 = arith.constant 304 : index
      %get3A_462 = tpu.vector_load %arg16[%get3A_461] {strides = array<i32>} : memref<2000xf32, #tpu.memory_space<vmem>>, vector<16xf32>,
      %mul3A_463 = arith.mulf %gather3A_456, %get3A_462 : vector<16xf32>
      tpu.vector_store_idx %arg18[%get3A_460], %mul3A_463 {add = true} : memref<10000xf32, #tpu.memory_space<vmem>>[vector<16xi32>], vector<16xf32>,
      %dma_wait3A_464 = arith.constant 3 : i32
      %dma_wait3A_465 = arith.constant 0 : i32
      %dma_wait3A_466 = tpu.memref_slice %arg21[%dma_wait3A_464, %dma_wait3A_465] : memref<25x80xi32, #tpu.memory_space<vmem>> -> memref<1x80xi32, #tpu.memory_space<vmem>>
      %dma_wait3A_467 = tpu.memref_squeeze %dma_wait3A_466 : memref<1x80xi32, #tpu.memory_space<vmem>> -> memref<80xi32, #tpu.memory_space<vmem>>
      %dma_wait3A_468 = arith.constant 0 : i32
      %dma_wait3A_469 = arith.constant 0 : i32
      %dma_wait3A_470 = tpu.memref_slice %arg14[%dma_wait3A_468, %dma_wait3A_469] : memref<10000x128xf32, #tpu.memory_space<vmem_shared>> -> memref<10000x128xf32, #tpu.memory_space<vmem_shared>>
      tpu.wait_indirect_dma semaphore(%arg25 : memref<!tpu.dma_semaphore, #tpu.memory_space<semaphore_mem>>) src(%arg20 : memref<80x128xf32, #tpu.memory_space<vmem>>) dst(%dma_wait3A_470 : memref<10000x128xf32, #tpu.memory_space<vmem_shared>>)
      %dma_start3A_471 = arith.constant 400 : i32
      %dma_start3A_472 = tpu.memref_slice %arg15[%dma_start3A_471] : memref<2000xi32, #tpu.memory_space<vmem>> -> memref<80xi32, #tpu.memory_space<vmem>>
      %dma_start3A_473 = arith.constant 0 : i32
      %dma_start3A_474 = arith.constant 0 : i32
      %dma_start3A_475 = tpu.memref_slice %arg2[%dma_start3A_473, %dma_start3A_474] : memref<10000x128xf32, #tpu.memory_space<hbm>> -> memref<10000x128xf32, #tpu.memory_space<hbm>>
      tpu.enqueue_indirect_dma source(%dma_start3A_475 : memref<10000x128xf32, #tpu.memory_space<hbm>>) target(%arg20 : memref<80x128xf32, #tpu.memory_space<vmem>>) offsets(%dma_start3A_472 : memref<80xi32, #tpu.memory_space<vmem>>) semaphore(%arg23 : memref<!tpu.dma_semaphore, #tpu.memory_space<semaphore_mem>>)
      %dma_wait3A_476 = arith.constant 320 : i32
      %dma_wait3A_477 = tpu.memref_slice %arg15[%dma_wait3A_476] : memref<2000xi32, #tpu.memory_space<vmem>> -> memref<80xi32, #tpu.memory_space<vmem>>
      %dma_wait3A_478 = arith.constant 0 : i32
      %dma_wait3A_479 = arith.constant 0 : i32
      %dma_wait3A_480 = tpu.memref_slice %arg2[%dma_wait3A_478, %dma_wait3A_479] : memref<10000x128xf32, #tpu.memory_space<hbm>> -> memref<10000x128xf32, #tpu.memory_space<hbm>>
      tpu.wait_indirect_dma semaphore(%arg22 : memref<!tpu.dma_semaphore, #tpu.memory_space<semaphore_mem>>) src(%dma_wait3A_480 : memref<10000x128xf32, #tpu.memory_space<hbm>>) dst(%arg19 : memref<80x128xf32, #tpu.memory_space<vmem>>)
      %dma_start3A_481 = arith.constant 4 : i32
      %dma_start3A_482 = arith.constant 0 : i32
      %dma_start3A_483 = tpu.memref_slice %arg21[%dma_start3A_481, %dma_start3A_482] : memref<25x80xi32, #tpu.memory_space<vmem>> -> memref<1x80xi32, #tpu.memory_space<vmem>>
      %dma_start3A_484 = tpu.memref_squeeze %dma_start3A_483 : memref<1x80xi32, #tpu.memory_space<vmem>> -> memref<80xi32, #tpu.memory_space<vmem>>
      %dma_start3A_485 = arith.constant 0 : i32
      %dma_start3A_486 = arith.constant 0 : i32
      %dma_start3A_487 = tpu.memref_slice %arg14[%dma_start3A_485, %dma_start3A_486] : memref<10000x128xf32, #tpu.memory_space<vmem_shared>> -> memref<10000x128xf32, #tpu.memory_space<vmem_shared>>
      tpu.enqueue_indirect_dma source(%arg19 : memref<80x128xf32, #tpu.memory_space<vmem>>) target(%dma_start3A_487 : memref<10000x128xf32, #tpu.memory_space<vmem_shared>>) offsets(%dma_start3A_484 : memref<80xi32, #tpu.memory_space<vmem>>) semaphore(%arg24 : memref<!tpu.dma_semaphore, #tpu.memory_space<semaphore_mem>>) {add = true}
      %get3A_488 = arith.constant 320 : index
      %get3A_489 = tpu.vector_load %arg15[%get3A_488] {strides = array<i32>} : memref<2000xi32, #tpu.memory_space<vmem>>, vector<16xi32>,
      %gather3A_490 = tpu.vector_load_idx %arg17[%get3A_489] : memref<10000xf32, #tpu.memory_space<vmem>>[vector<16xi32>], vector<16xf32>,
      %get3A_491 = arith.constant 4 : i32
      %get3A_492 = arith.index_cast %get3A_491 : i32 to index
      %get3A_493 = arith.constant 0 : index
      %get3A_494 = tpu.vector_load %arg21[%get3A_492, %get3A_493] {strides = array<i32>} : memref<25x80xi32, #tpu.memory_space<vmem>>, vector<16xi32>,
      %get3A_495 = arith.constant 320 : index
      %get3A_496 = tpu.vector_load %arg16[%get3A_495] {strides = array<i32>} : memref<2000xf32, #tpu.memory_space<vmem>>, vector<16xf32>,
      %mul3A_497 = arith.mulf %gather3A_490, %get3A_496 : vector<16xf32>
      tpu.vector_store_idx %arg18[%get3A_494], %mul3A_497 {add = true} : memref<10000xf32, #tpu.memory_space<vmem>>[vector<16xi32>], vector<16xf32>,
      %get3A_498 = arith.constant 336 : index
      %get3A_499 = tpu.vector_load %arg15[%get3A_498] {strides = array<i32>} : memref<2000xi32, #tpu.memory_space<vmem>>, vector<16xi32>,
      %gather3A_500 = tpu.vector_load_idx %arg17[%get3A_499] : memref<10000xf32, #tpu.memory_space<vmem>>[vector<16xi32>], vector<16xf32>,
      %get3A_501 = arith.constant 4 : i32
      %get3A_502 = arith.index_cast %get3A_501 : i32 to index
      %get3A_503 = arith.constant 16 : index
      %get3A_504 = tpu.vector_load %arg21[%get3A_502, %get3A_503] {strides = array<i32>} : memref<25x80xi32, #tpu.memory_space<vmem>>, vector<16xi32>,
      %get3A_505 = arith.constant 336 : index
      %get3A_506 = tpu.vector_load %arg16[%get3A_505] {strides = array<i32>} : memref<2000xf32, #tpu.memory_space<vmem>>, vector<16xf32>,
      %mul3A_507 = arith.mulf %gather3A_500, %get3A_506 : vector<16xf32>
      tpu.vector_store_idx %arg18[%get3A_504], %mul3A_507 {add = true} : memref<10000xf32, #tpu.memory_space<vmem>>[vector<16xi32>], vector<16xf32>,
      %get3A_508 = arith.constant 352 : index
      %get3A_509 = tpu.vector_load %arg15[%get3A_508] {strides = array<i32>} : memref<2000xi32, #tpu.memory_space<vmem>>, vector<16xi32>,
      %gather3A_510 = tpu.vector_load_idx %arg17[%get3A_509] : memref<10000xf32, #tpu.memory_space<vmem>>[vector<16xi32>], vector<16xf32>,
      %get3A_511 = arith.constant 4 : i32
      %get3A_512 = arith.index_cast %get3A_511 : i32 to index
      %get3A_513 = arith.constant 32 : index
      %get3A_514 = tpu.vector_load %arg21[%get3A_512, %get3A_513] {strides = array<i32>} : memref<25x80xi32, #tpu.memory_space<vmem>>, vector<16xi32>,
      %get3A_515 = arith.constant 352 : index
      %get3A_516 = tpu.vector_load %arg16[%get3A_515] {strides = array<i32>} : memref<2000xf32, #tpu.memory_space<vmem>>, vector<16xf32>,
      %mul3A_517 = arith.mulf %gather3A_510, %get3A_516 : vector<16xf32>
      tpu.vector_store_idx %arg18[%get3A_514], %mul3A_517 {add = true} : memref<10000xf32, #tpu.memory_space<vmem>>[vector<16xi32>], vector<16xf32>,
      %get3A_518 = arith.constant 368 : index
      %get3A_519 = tpu.vector_load %arg15[%get3A_518] {strides = array<i32>} : memref<2000xi32, #tpu.memory_space<vmem>>, vector<16xi32>,
      %gather3A_520 = tpu.vector_load_idx %arg17[%get3A_519] : memref<10000xf32, #tpu.memory_space<vmem>>[vector<16xi32>], vector<16xf32>,
      %get3A_521 = arith.constant 4 : i32
      %get3A_522 = arith.index_cast %get3A_521 : i32 to index
      %get3A_523 = arith.constant 48 : index
      %get3A_524 = tpu.vector_load %arg21[%get3A_522, %get3A_523] {strides = array<i32>} : memref<25x80xi32, #tpu.memory_space<vmem>>, vector<16xi32>,
      %get3A_525 = arith.constant 368 : index
      %get3A_526 = tpu.vector_load %arg16[%get3A_525] {strides = array<i32>} : memref<2000xf32, #tpu.memory_space<vmem>>, vector<16xf32>,
      %mul3A_527 = arith.mulf %gather3A_520, %get3A_526 : vector<16xf32>
      tpu.vector_store_idx %arg18[%get3A_524], %mul3A_527 {add = true} : memref<10000xf32, #tpu.memory_space<vmem>>[vector<16xi32>], vector<16xf32>,
      %get3A_528 = arith.constant 384 : index
      %get3A_529 = tpu.vector_load %arg15[%get3A_528] {strides = array<i32>} : memref<2000xi32, #tpu.memory_space<vmem>>, vector<16xi32>,
      %gather3A_530 = tpu.vector_load_idx %arg17[%get3A_529] : memref<10000xf32, #tpu.memory_space<vmem>>[vector<16xi32>], vector<16xf32>,
      %get3A_531 = arith.constant 4 : i32
      %get3A_532 = arith.index_cast %get3A_531 : i32 to index
      %get3A_533 = arith.constant 64 : index
      %get3A_534 = tpu.vector_load %arg21[%get3A_532, %get3A_533] {strides = array<i32>} : memref<25x80xi32, #tpu.memory_space<vmem>>, vector<16xi32>,
      %get3A_535 = arith.constant 384 : index
      %get3A_536 = tpu.vector_load %arg16[%get3A_535] {strides = array<i32>} : memref<2000xf32, #tpu.memory_space<vmem>>, vector<16xf32>,
      %mul3A_537 = arith.mulf %gather3A_530, %get3A_536 : vector<16xf32>
      tpu.vector_store_idx %arg18[%get3A_534], %mul3A_537 {add = true} : memref<10000xf32, #tpu.memory_space<vmem>>[vector<16xi32>], vector<16xf32>,
      %dma_wait3A_538 = arith.constant 4 : i32
      %dma_wait3A_539 = arith.constant 0 : i32
      %dma_wait3A_540 = tpu.memref_slice %arg21[%dma_wait3A_538, %dma_wait3A_539] : memref<25x80xi32, #tpu.memory_space<vmem>> -> memref<1x80xi32, #tpu.memory_space<vmem>>
      %dma_wait3A_541 = tpu.memref_squeeze %dma_wait3A_540 : memref<1x80xi32, #tpu.memory_space<vmem>> -> memref<80xi32, #tpu.memory_space<vmem>>
      %dma_wait3A_542 = arith.constant 0 : i32
      %dma_wait3A_543 = arith.constant 0 : i32
      %dma_wait3A_544 = tpu.memref_slice %arg14[%dma_wait3A_542, %dma_wait3A_543] : memref<10000x128xf32, #tpu.memory_space<vmem_shared>> -> memref<10000x128xf32, #tpu.memory_space<vmem_shared>>
      tpu.wait_indirect_dma semaphore(%arg24 : memref<!tpu.dma_semaphore, #tpu.memory_space<semaphore_mem>>) src(%arg19 : memref<80x128xf32, #tpu.memory_space<vmem>>) dst(%dma_wait3A_544 : memref<10000x128xf32, #tpu.memory_space<vmem_shared>>)
      %dma_start3A_545 = arith.constant 480 : i32
      %dma_start3A_546 = tpu.memref_slice %arg15[%dma_start3A_545] : memref<2000xi32, #tpu.memory_space<vmem>> -> memref<80xi32, #tpu.memory_space<vmem>>
      %dma_start3A_547 = arith.constant 0 : i32
      %dma_start3A_548 = arith.constant 0 : i32
      %dma_start3A_549 = tpu.memref_slice %arg2[%dma_start3A_547, %dma_start3A_548] : memref<10000x128xf32, #tpu.memory_space<hbm>> -> memref<10000x128xf32, #tpu.memory_space<hbm>>
      tpu.enqueue_indirect_dma source(%dma_start3A_549 : memref<10000x128xf32, #tpu.memory_space<hbm>>) target(%arg19 : memref<80x128xf32, #tpu.memory_space<vmem>>) offsets(%dma_start3A_546 : memref<80xi32, #tpu.memory_space<vmem>>) semaphore(%arg22 : memref<!tpu.dma_semaphore, #tpu.memory_space<semaphore_mem>>)
      %dma_wait3A_550 = arith.constant 400 : i32
      %dma_wait3A_551 = tpu.memref_slice %arg15[%dma_wait3A_550] : memref<2000xi32, #tpu.memory_space<vmem>> -> memref<80xi32, #tpu.memory_space<vmem>>
      %dma_wait3A_552 = arith.constant 0 : i32
      %dma_wait3A_553 = arith.constant 0 : i32
      %dma_wait3A_554 = tpu.memref_slice %arg2[%dma_wait3A_552, %dma_wait3A_553] : memref<10000x128xf32, #tpu.memory_space<hbm>> -> memref<10000x128xf32, #tpu.memory_space<hbm>>
      tpu.wait_indirect_dma semaphore(%arg23 : memref<!tpu.dma_semaphore, #tpu.memory_space<semaphore_mem>>) src(%dma_wait3A_554 : memref<10000x128xf32, #tpu.memory_space<hbm>>) dst(%arg20 : memref<80x128xf32, #tpu.memory_space<vmem>>)
      %dma_start3A_555 = arith.constant 5 : i32
      %dma_start3A_556 = arith.constant 0 : i32
      %dma_start3A_557 = tpu.memref_slice %arg21[%dma_start3A_555, %dma_start3A_556] : memref<25x80xi32, #tpu.memory_space<vmem>> -> memref<1x80xi32, #tpu.memory_space<vmem>>
      %dma_start3A_558 = tpu.memref_squeeze %dma_start3A_557 : memref<1x80xi32, #tpu.memory_space<vmem>> -> memref<80xi32, #tpu.memory_space<vmem>>
      %dma_start3A_559 = arith.constant 0 : i32
      %dma_start3A_560 = arith.constant 0 : i32
      %dma_start3A_561 = tpu.memref_slice %arg14[%dma_start3A_559, %dma_start3A_560] : memref<10000x128xf32, #tpu.memory_space<vmem_shared>> -> memref<10000x128xf32, #tpu.memory_space<vmem_shared>>
      tpu.enqueue_indirect_dma source(%arg20 : memref<80x128xf32, #tpu.memory_space<vmem>>) target(%dma_start3A_561 : memref<10000x128xf32, #tpu.memory_space<vmem_shared>>) offsets(%dma_start3A_558 : memref<80xi32, #tpu.memory_space<vmem>>) semaphore(%arg25 : memref<!tpu.dma_semaphore, #tpu.memory_space<semaphore_mem>>) {add = true}
      %get3A_562 = arith.constant 400 : index
      %get3A_563 = tpu.vector_load %arg15[%get3A_562] {strides = array<i32>} : memref<2000xi32, #tpu.memory_space<vmem>>, vector<16xi32>,
      %gather3A_564 = tpu.vector_load_idx %arg17[%get3A_563] : memref<10000xf32, #tpu.memory_space<vmem>>[vector<16xi32>], vector<16xf32>,
      %get3A_565 = arith.constant 5 : i32
      %get3A_566 = arith.index_cast %get3A_565 : i32 to index
      %get3A_567 = arith.constant 0 : index
      %get3A_568 = tpu.vector_load %arg21[%get3A_566, %get3A_567] {strides = array<i32>} : memref<25x80xi32, #tpu.memory_space<vmem>>, vector<16xi32>,
      %get3A_569 = arith.constant 400 : index
      %get3A_570 = tpu.vector_load %arg16[%get3A_569] {strides = array<i32>} : memref<2000xf32, #tpu.memory_space<vmem>>, vector<16xf32>,
      %mul3A_571 = arith.mulf %gather3A_564, %get3A_570 : vector<16xf32>
      tpu.vector_store_idx %arg18[%get3A_568], %mul3A_571 {add = true} : memref<10000xf32, #tpu.memory_space<vmem>>[vector<16xi32>], vector<16xf32>,
      %get3A_572 = arith.constant 416 : index
      %get3A_573 = tpu.vector_load %arg15[%get3A_572] {strides = array<i32>} : memref<2000xi32, #tpu.memory_space<vmem>>, vector<16xi32>,
      %gather3A_574 = tpu.vector_load_idx %arg17[%get3A_573] : memref<10000xf32, #tpu.memory_space<vmem>>[vector<16xi32>], vector<16xf32>,
      %get3A_575 = arith.constant 5 : i32
      %get3A_576 = arith.index_cast %get3A_575 : i32 to index
      %get3A_577 = arith.constant 16 : index
      %get3A_578 = tpu.vector_load %arg21[%get3A_576, %get3A_577] {strides = array<i32>} : memref<25x80xi32, #tpu.memory_space<vmem>>, vector<16xi32>,
      %get3A_579 = arith.constant 416 : index
      %get3A_580 = tpu.vector_load %arg16[%get3A_579] {strides = array<i32>} : memref<2000xf32, #tpu.memory_space<vmem>>, vector<16xf32>,
      %mul3A_581 = arith.mulf %gather3A_574, %get3A_580 : vector<16xf32>
      tpu.vector_store_idx %arg18[%get3A_578], %mul3A_581 {add = true} : memref<10000xf32, #tpu.memory_space<vmem>>[vector<16xi32>], vector<16xf32>,
      %get3A_582 = arith.constant 432 : index
      %get3A_583 = tpu.vector_load %arg15[%get3A_582] {strides = array<i32>} : memref<2000xi32, #tpu.memory_space<vmem>>, vector<16xi32>,
      %gather3A_584 = tpu.vector_load_idx %arg17[%get3A_583] : memref<10000xf32, #tpu.memory_space<vmem>>[vector<16xi32>], vector<16xf32>,
      %get3A_585 = arith.constant 5 : i32
      %get3A_586 = arith.index_cast %get3A_585 : i32 to index
      %get3A_587 = arith.constant 32 : index
      %get3A_588 = tpu.vector_load %arg21[%get3A_586, %get3A_587] {strides = array<i32>} : memref<25x80xi32, #tpu.memory_space<vmem>>, vector<16xi32>,
      %get3A_589 = arith.constant 432 : index
      %get3A_590 = tpu.vector_load %arg16[%get3A_589] {strides = array<i32>} : memref<2000xf32, #tpu.memory_space<vmem>>, vector<16xf32>,
      %mul3A_591 = arith.mulf %gather3A_584, %get3A_590 : vector<16xf32>
      tpu.vector_store_idx %arg18[%get3A_588], %mul3A_591 {add = true} : memref<10000xf32, #tpu.memory_space<vmem>>[vector<16xi32>], vector<16xf32>,
      %get3A_592 = arith.constant 448 : index
      %get3A_593 = tpu.vector_load %arg15[%get3A_592] {strides = array<i32>} : memref<2000xi32, #tpu.memory_space<vmem>>, vector<16xi32>,
      %gather3A_594 = tpu.vector_load_idx %arg17[%get3A_593] : memref<10000xf32, #tpu.memory_space<vmem>>[vector<16xi32>], vector<16xf32>,
      %get3A_595 = arith.constant 5 : i32
      %get3A_596 = arith.index_cast %get3A_595 : i32 to index
      %get3A_597 = arith.constant 48 : index
      %get3A_598 = tpu.vector_load %arg21[%get3A_596, %get3A_597] {strides = array<i32>} : memref<25x80xi32, #tpu.memory_space<vmem>>, vector<16xi32>,
      %get3A_599 = arith.constant 448 : index
      %get3A_600 = tpu.vector_load %arg16[%get3A_599] {strides = array<i32>} : memref<2000xf32, #tpu.memory_space<vmem>>, vector<16xf32>,
      %mul3A_601 = arith.mulf %gather3A_594, %get3A_600 : vector<16xf32>
      tpu.vector_store_idx %arg18[%get3A_598], %mul3A_601 {add = true} : memref<10000xf32, #tpu.memory_space<vmem>>[vector<16xi32>], vector<16xf32>,
      %get3A_602 = arith.constant 464 : index
      %get3A_603 = tpu.vector_load %arg15[%get3A_602] {strides = array<i32>} : memref<2000xi32, #tpu.memory_space<vmem>>, vector<16xi32>,
      %gather3A_604 = tpu.vector_load_idx %arg17[%get3A_603] : memref<10000xf32, #tpu.memory_space<vmem>>[vector<16xi32>], vector<16xf32>,
      %get3A_605 = arith.constant 5 : i32
      %get3A_606 = arith.index_cast %get3A_605 : i32 to index
      %get3A_607 = arith.constant 64 : index
      %get3A_608 = tpu.vector_load %arg21[%get3A_606, %get3A_607] {strides = array<i32>} : memref<25x80xi32, #tpu.memory_space<vmem>>, vector<16xi32>,
      %get3A_609 = arith.constant 464 : index
      %get3A_610 = tpu.vector_load %arg16[%get3A_609] {strides = array<i32>} : memref<2000xf32, #tpu.memory_space<vmem>>, vector<16xf32>,
      %mul3A_611 = arith.mulf %gather3A_604, %get3A_610 : vector<16xf32>
      tpu.vector_store_idx %arg18[%get3A_608], %mul3A_611 {add = true} : memref<10000xf32, #tpu.memory_space<vmem>>[vector<16xi32>], vector<16xf32>,
      %dma_wait3A_612 = arith.constant 5 : i32
      %dma_wait3A_613 = arith.constant 0 : i32
      %dma_wait3A_614 = tpu.memref_slice %arg21[%dma_wait3A_612, %dma_wait3A_613] : memref<25x80xi32, #tpu.memory_space<vmem>> -> memref<1x80xi32, #tpu.memory_space<vmem>>
      %dma_wait3A_615 = tpu.memref_squeeze %dma_wait3A_614 : memref<1x80xi32, #tpu.memory_space<vmem>> -> memref<80xi32, #tpu.memory_space<vmem>>
      %dma_wait3A_616 = arith.constant 0 : i32
      %dma_wait3A_617 = arith.constant 0 : i32
      %dma_wait3A_618 = tpu.memref_slice %arg14[%dma_wait3A_616, %dma_wait3A_617] : memref<10000x128xf32, #tpu.memory_space<vmem_shared>> -> memref<10000x128xf32, #tpu.memory_space<vmem_shared>>
      tpu.wait_indirect_dma semaphore(%arg25 : memref<!tpu.dma_semaphore, #tpu.memory_space<semaphore_mem>>) src(%arg20 : memref<80x128xf32, #tpu.memory_space<vmem>>) dst(%dma_wait3A_618 : memref<10000x128xf32, #tpu.memory_space<vmem_shared>>)
      %dma_start3A_619 = arith.constant 560 : i32
      %dma_start3A_620 = tpu.memref_slice %arg15[%dma_start3A_619] : memref<2000xi32, #tpu.memory_space<vmem>> -> memref<80xi32, #tpu.memory_space<vmem>>
      %dma_start3A_621 = arith.constant 0 : i32
      %dma_start3A_622 = arith.constant 0 : i32
      %dma_start3A_623 = tpu.memref_slice %arg2[%dma_start3A_621, %dma_start3A_622] : memref<10000x128xf32, #tpu.memory_space<hbm>> -> memref<10000x128xf32, #tpu.memory_space<hbm>>
      tpu.enqueue_indirect_dma source(%dma_start3A_623 : memref<10000x128xf32, #tpu.memory_space<hbm>>) target(%arg20 : memref<80x128xf32, #tpu.memory_space<vmem>>) offsets(%dma_start3A_620 : memref<80xi32, #tpu.memory_space<vmem>>) semaphore(%arg23 : memref<!tpu.dma_semaphore, #tpu.memory_space<semaphore_mem>>)
      %dma_wait3A_624 = arith.constant 480 : i32
      %dma_wait3A_625 = tpu.memref_slice %arg15[%dma_wait3A_624] : memref<2000xi32, #tpu.memory_space<vmem>> -> memref<80xi32, #tpu.memory_space<vmem>>
      %dma_wait3A_626 = arith.constant 0 : i32
      %dma_wait3A_627 = arith.constant 0 : i32
      %dma_wait3A_628 = tpu.memref_slice %arg2[%dma_wait3A_626, %dma_wait3A_627] : memref<10000x128xf32, #tpu.memory_space<hbm>> -> memref<10000x128xf32, #tpu.memory_space<hbm>>
      tpu.wait_indirect_dma semaphore(%arg22 : memref<!tpu.dma_semaphore, #tpu.memory_space<semaphore_mem>>) src(%dma_wait3A_628 : memref<10000x128xf32, #tpu.memory_space<hbm>>) dst(%arg19 : memref<80x128xf32, #tpu.memory_space<vmem>>)
      %dma_start3A_629 = arith.constant 6 : i32
      %dma_start3A_630 = arith.constant 0 : i32
      %dma_start3A_631 = tpu.memref_slice %arg21[%dma_start3A_629, %dma_start3A_630] : memref<25x80xi32, #tpu.memory_space<vmem>> -> memref<1x80xi32, #tpu.memory_space<vmem>>
      %dma_start3A_632 = tpu.memref_squeeze %dma_start3A_631 : memref<1x80xi32, #tpu.memory_space<vmem>> -> memref<80xi32, #tpu.memory_space<vmem>>
      %dma_start3A_633 = arith.constant 0 : i32
      %dma_start3A_634 = arith.constant 0 : i32
      %dma_start3A_635 = tpu.memref_slice %arg14[%dma_start3A_633, %dma_start3A_634] : memref<10000x128xf32, #tpu.memory_space<vmem_shared>> -> memref<10000x128xf32, #tpu.memory_space<vmem_shared>>
      tpu.enqueue_indirect_dma source(%arg19 : memref<80x128xf32, #tpu.memory_space<vmem>>) target(%dma_start3A_635 : memref<10000x128xf32, #tpu.memory_space<vmem_shared>>) offsets(%dma_start3A_632 : memref<80xi32, #tpu.memory_space<vmem>>) semaphore(%arg24 : memref<!tpu.dma_semaphore, #tpu.memory_space<semaphore_mem>>) {add = true}
      %get3A_636 = arith.constant 480 : index
      %get3A_637 = tpu.vector_load %arg15[%get3A_636] {strides = array<i32>} : memref<2000xi32, #tpu.memory_space<vmem>>, vector<16xi32>,
      %gather3A_638 = tpu.vector_load_idx %arg17[%get3A_637] : memref<10000xf32, #tpu.memory_space<vmem>>[vector<16xi32>], vector<16xf32>,
      %get3A_639 = arith.constant 6 : i32
      %get3A_640 = arith.index_cast %get3A_639 : i32 to index
      %get3A_641 = arith.constant 0 : index
      %get3A_642 = tpu.vector_load %arg21[%get3A_640, %get3A_641] {strides = array<i32>} : memref<25x80xi32, #tpu.memory_space<vmem>>, vector<16xi32>,
      %get3A_643 = arith.constant 480 : index
      %get3A_644 = tpu.vector_load %arg16[%get3A_643] {strides = array<i32>} : memref<2000xf32, #tpu.memory_space<vmem>>, vector<16xf32>,
      %mul3A_645 = arith.mulf %gather3A_638, %get3A_644 : vector<16xf32>
      tpu.vector_store_idx %arg18[%get3A_642], %mul3A_645 {add = true} : memref<10000xf32, #tpu.memory_space<vmem>>[vector<16xi32>], vector<16xf32>,
      %get3A_646 = arith.constant 496 : index
      %get3A_647 = tpu.vector_load %arg15[%get3A_646] {strides = array<i32>} : memref<2000xi32, #tpu.memory_space<vmem>>, vector<16xi32>,
      %gather3A_648 = tpu.vector_load_idx %arg17[%get3A_647] : memref<10000xf32, #tpu.memory_space<vmem>>[vector<16xi32>], vector<16xf32>,
      %get3A_649 = arith.constant 6 : i32
      %get3A_650 = arith.index_cast %get3A_649 : i32 to index
      %get3A_651 = arith.constant 16 : index
      %get3A_652 = tpu.vector_load %arg21[%get3A_650, %get3A_651] {strides = array<i32>} : memref<25x80xi32, #tpu.memory_space<vmem>>, vector<16xi32>,
      %get3A_653 = arith.constant 496 : index
      %get3A_654 = tpu.vector_load %arg16[%get3A_653] {strides = array<i32>} : memref<2000xf32, #tpu.memory_space<vmem>>, vector<16xf32>,
      %mul3A_655 = arith.mulf %gather3A_648, %get3A_654 : vector<16xf32>
      tpu.vector_store_idx %arg18[%get3A_652], %mul3A_655 {add = true} : memref<10000xf32, #tpu.memory_space<vmem>>[vector<16xi32>], vector<16xf32>,
      %get3A_656 = arith.constant 512 : index
      %get3A_657 = tpu.vector_load %arg15[%get3A_656] {strides = array<i32>} : memref<2000xi32, #tpu.memory_space<vmem>>, vector<16xi32>,
      %gather3A_658 = tpu.vector_load_idx %arg17[%get3A_657] : memref<10000xf32, #tpu.memory_space<vmem>>[vector<16xi32>], vector<16xf32>,
      %get3A_659 = arith.constant 6 : i32
      %get3A_660 = arith.index_cast %get3A_659 : i32 to index
      %get3A_661 = arith.constant 32 : index
      %get3A_662 = tpu.vector_load %arg21[%get3A_660, %get3A_661] {strides = array<i32>} : memref<25x80xi32, #tpu.memory_space<vmem>>, vector<16xi32>,
      %get3A_663 = arith.constant 512 : index
      %get3A_664 = tpu.vector_load %arg16[%get3A_663] {strides = array<i32>} : memref<2000xf32, #tpu.memory_space<vmem>>, vector<16xf32>,
      %mul3A_665 = arith.mulf %gather3A_658, %get3A_664 : vector<16xf32>
      tpu.vector_store_idx %arg18[%get3A_662], %mul3A_665 {add = true} : memref<10000xf32, #tpu.memory_space<vmem>>[vector<16xi32>], vector<16xf32>,
      %get3A_666 = arith.constant 528 : index
      %get3A_667 = tpu.vector_load %arg15[%get3A_666] {strides = array<i32>} : memref<2000xi32, #tpu.memory_space<vmem>>, vector<16xi32>,
      %gather3A_668 = tpu.vector_load_idx %arg17[%get3A_667] : memref<10000xf32, #tpu.memory_space<vmem>>[vector<16xi32>], vector<16xf32>,
      %get3A_669 = arith.constant 6 : i32
      %get3A_670 = arith.index_cast %get3A_669 : i32 to index
      %get3A_671 = arith.constant 48 : index
      %get3A_672 = tpu.vector_load %arg21[%get3A_670, %get3A_671] {strides = array<i32>} : memref<25x80xi32, #tpu.memory_space<vmem>>, vector<16xi32>,
      %get3A_673 = arith.constant 528 : index
      %get3A_674 = tpu.vector_load %arg16[%get3A_673] {strides = array<i32>} : memref<2000xf32, #tpu.memory_space<vmem>>, vector<16xf32>,
      %mul3A_675 = arith.mulf %gather3A_668, %get3A_674 : vector<16xf32>
      tpu.vector_store_idx %arg18[%get3A_672], %mul3A_675 {add = true} : memref<10000xf32, #tpu.memory_space<vmem>>[vector<16xi32>], vector<16xf32>,
      %get3A_676 = arith.constant 544 : index
      %get3A_677 = tpu.vector_load %arg15[%get3A_676] {strides = array<i32>} : memref<2000xi32, #tpu.memory_space<vmem>>, vector<16xi32>,
      %gather3A_678 = tpu.vector_load_idx %arg17[%get3A_677] : memref<10000xf32, #tpu.memory_space<vmem>>[vector<16xi32>], vector<16xf32>,
      %get3A_679 = arith.constant 6 : i32
      %get3A_680 = arith.index_cast %get3A_679 : i32 to index
      %get3A_681 = arith.constant 64 : index
      %get3A_682 = tpu.vector_load %arg21[%get3A_680, %get3A_681] {strides = array<i32>} : memref<25x80xi32, #tpu.memory_space<vmem>>, vector<16xi32>,
      %get3A_683 = arith.constant 544 : index
      %get3A_684 = tpu.vector_load %arg16[%get3A_683] {strides = array<i32>} : memref<2000xf32, #tpu.memory_space<vmem>>, vector<16xf32>,
      %mul3A_685 = arith.mulf %gather3A_678, %get3A_684 : vector<16xf32>
      tpu.vector_store_idx %arg18[%get3A_682], %mul3A_685 {add = true} : memref<10000xf32, #tpu.memory_space<vmem>>[vector<16xi32>], vector<16xf32>,
      %dma_wait3A_686 = arith.constant 6 : i32
      %dma_wait3A_687 = arith.constant 0 : i32
      %dma_wait3A_688 = tpu.memref_slice %arg21[%dma_wait3A_686, %dma_wait3A_687] : memref<25x80xi32, #tpu.memory_space<vmem>> -> memref<1x80xi32, #tpu.memory_space<vmem>>
      %dma_wait3A_689 = tpu.memref_squeeze %dma_wait3A_688 : memref<1x80xi32, #tpu.memory_space<vmem>> -> memref<80xi32, #tpu.memory_space<vmem>>
      %dma_wait3A_690 = arith.constant 0 : i32
      %dma_wait3A_691 = arith.constant 0 : i32
      %dma_wait3A_692 = tpu.memref_slice %arg14[%dma_wait3A_690, %dma_wait3A_691] : memref<10000x128xf32, #tpu.memory_space<vmem_shared>> -> memref<10000x128xf32, #tpu.memory_space<vmem_shared>>
      tpu.wait_indirect_dma semaphore(%arg24 : memref<!tpu.dma_semaphore, #tpu.memory_space<semaphore_mem>>) src(%arg19 : memref<80x128xf32, #tpu.memory_space<vmem>>) dst(%dma_wait3A_692 : memref<10000x128xf32, #tpu.memory_space<vmem_shared>>)
      %dma_start3A_693 = arith.constant 640 : i32
      %dma_start3A_694 = tpu.memref_slice %arg15[%dma_start3A_693] : memref<2000xi32, #tpu.memory_space<vmem>> -> memref<80xi32, #tpu.memory_space<vmem>>
      %dma_start3A_695 = arith.constant 0 : i32
      %dma_start3A_696 = arith.constant 0 : i32
      %dma_start3A_697 = tpu.memref_slice %arg2[%dma_start3A_695, %dma_start3A_696] : memref<10000x128xf32, #tpu.memory_space<hbm>> -> memref<10000x128xf32, #tpu.memory_space<hbm>>
      tpu.enqueue_indirect_dma source(%dma_start3A_697 : memref<10000x128xf32, #tpu.memory_space<hbm>>) target(%arg19 : memref<80x128xf32, #tpu.memory_space<vmem>>) offsets(%dma_start3A_694 : memref<80xi32, #tpu.memory_space<vmem>>) semaphore(%arg22 : memref<!tpu.dma_semaphore, #tpu.memory_space<semaphore_mem>>)
      %dma_wait3A_698 = arith.constant 560 : i32
      %dma_wait3A_699 = tpu.memref_slice %arg15[%dma_wait3A_698] : memref<2000xi32, #tpu.memory_space<vmem>> -> memref<80xi32, #tpu.memory_space<vmem>>
      %dma_wait3A_700 = arith.constant 0 : i32
      %dma_wait3A_701 = arith.constant 0 : i32
      %dma_wait3A_702 = tpu.memref_slice %arg2[%dma_wait3A_700, %dma_wait3A_701] : memref<10000x128xf32, #tpu.memory_space<hbm>> -> memref<10000x128xf32, #tpu.memory_space<hbm>>
      tpu.wait_indirect_dma semaphore(%arg23 : memref<!tpu.dma_semaphore, #tpu.memory_space<semaphore_mem>>) src(%dma_wait3A_702 : memref<10000x128xf32, #tpu.memory_space<hbm>>) dst(%arg20 : memref<80x128xf32, #tpu.memory_space<vmem>>)
      %dma_start3A_703 = arith.constant 7 : i32
      %dma_start3A_704 = arith.constant 0 : i32
      %dma_start3A_705 = tpu.memref_slice %arg21[%dma_start3A_703, %dma_start3A_704] : memref<25x80xi32, #tpu.memory_space<vmem>> -> memref<1x80xi32, #tpu.memory_space<vmem>>
      %dma_start3A_706 = tpu.memref_squeeze %dma_start3A_705 : memref<1x80xi32, #tpu.memory_space<vmem>> -> memref<80xi32, #tpu.memory_space<vmem>>
      %dma_start3A_707 = arith.constant 0 : i32
      %dma_start3A_708 = arith.constant 0 : i32
      %dma_start3A_709 = tpu.memref_slice %arg14[%dma_start3A_707, %dma_start3A_708] : memref<10000x128xf32, #tpu.memory_space<vmem_shared>> -> memref<10000x128xf32, #tpu.memory_space<vmem_shared>>
      tpu.enqueue_indirect_dma source(%arg20 : memref<80x128xf32, #tpu.memory_space<vmem>>) target(%dma_start3A_709 : memref<10000x128xf32, #tpu.memory_space<vmem_shared>>) offsets(%dma_start3A_706 : memref<80xi32, #tpu.memory_space<vmem>>) semaphore(%arg25 : memref<!tpu.dma_semaphore, #tpu.memory_space<semaphore_mem>>) {add = true}
      %get3A_710 = arith.constant 560 : index
      %get3A_711 = tpu.vector_load %arg15[%get3A_710] {strides = array<i32>} : memref<2000xi32, #tpu.memory_space<vmem>>, vector<16xi32>,
      %gather3A_712 = tpu.vector_load_idx %arg17[%get3A_711] : memref<10000xf32, #tpu.memory_space<vmem>>[vector<16xi32>], vector<16xf32>,
      %get3A_713 = arith.constant 7 : i32
      %get3A_714 = arith.index_cast %get3A_713 : i32 to index
      %get3A_715 = arith.constant 0 : index
      %get3A_716 = tpu.vector_load %arg21[%get3A_714, %get3A_715] {strides = array<i32>} : memref<25x80xi32, #tpu.memory_space<vmem>>, vector<16xi32>,
      %get3A_717 = arith.constant 560 : index
      %get3A_718 = tpu.vector_load %arg16[%get3A_717] {strides = array<i32>} : memref<2000xf32, #tpu.memory_space<vmem>>, vector<16xf32>,
      %mul3A_719 = arith.mulf %gather3A_712, %get3A_718 : vector<16xf32>
      tpu.vector_store_idx %arg18[%get3A_716], %mul3A_719 {add = true} : memref<10000xf32, #tpu.memory_space<vmem>>[vector<16xi32>], vector<16xf32>,
      %get3A_720 = arith.constant 576 : index
      %get3A_721 = tpu.vector_load %arg15[%get3A_720] {strides = array<i32>} : memref<2000xi32, #tpu.memory_space<vmem>>, vector<16xi32>,
      %gather3A_722 = tpu.vector_load_idx %arg17[%get3A_721] : memref<10000xf32, #tpu.memory_space<vmem>>[vector<16xi32>], vector<16xf32>,
      %get3A_723 = arith.constant 7 : i32
      %get3A_724 = arith.index_cast %get3A_723 : i32 to index
      %get3A_725 = arith.constant 16 : index
      %get3A_726 = tpu.vector_load %arg21[%get3A_724, %get3A_725] {strides = array<i32>} : memref<25x80xi32, #tpu.memory_space<vmem>>, vector<16xi32>,
      %get3A_727 = arith.constant 576 : index
      %get3A_728 = tpu.vector_load %arg16[%get3A_727] {strides = array<i32>} : memref<2000xf32, #tpu.memory_space<vmem>>, vector<16xf32>,
      %mul3A_729 = arith.mulf %gather3A_722, %get3A_728 : vector<16xf32>
      tpu.vector_store_idx %arg18[%get3A_726], %mul3A_729 {add = true} : memref<10000xf32, #tpu.memory_space<vmem>>[vector<16xi32>], vector<16xf32>,
      %get3A_730 = arith.constant 592 : index
      %get3A_731 = tpu.vector_load %arg15[%get3A_730] {strides = array<i32>} : memref<2000xi32, #tpu.memory_space<vmem>>, vector<16xi32>,
      %gather3A_732 = tpu.vector_load_idx %arg17[%get3A_731] : memref<10000xf32, #tpu.memory_space<vmem>>[vector<16xi32>], vector<16xf32>,
      %get3A_733 = arith.constant 7 : i32
      %get3A_734 = arith.index_cast %get3A_733 : i32 to index
      %get3A_735 = arith.constant 32 : index
      %get3A_736 = tpu.vector_load %arg21[%get3A_734, %get3A_735] {strides = array<i32>} : memref<25x80xi32, #tpu.memory_space<vmem>>, vector<16xi32>,
      %get3A_737 = arith.constant 592 : index
      %get3A_738 = tpu.vector_load %arg16[%get3A_737] {strides = array<i32>} : memref<2000xf32, #tpu.memory_space<vmem>>, vector<16xf32>,
      %mul3A_739 = arith.mulf %gather3A_732, %get3A_738 : vector<16xf32>
      tpu.vector_store_idx %arg18[%get3A_736], %mul3A_739 {add = true} : memref<10000xf32, #tpu.memory_space<vmem>>[vector<16xi32>], vector<16xf32>,
      %get3A_740 = arith.constant 608 : index
      %get3A_741 = tpu.vector_load %arg15[%get3A_740] {strides = array<i32>} : memref<2000xi32, #tpu.memory_space<vmem>>, vector<16xi32>,
      %gather3A_742 = tpu.vector_load_idx %arg17[%get3A_741] : memref<10000xf32, #tpu.memory_space<vmem>>[vector<16xi32>], vector<16xf32>,
      %get3A_743 = arith.constant 7 : i32
      %get3A_744 = arith.index_cast %get3A_743 : i32 to index
      %get3A_745 = arith.constant 48 : index
      %get3A_746 = tpu.vector_load %arg21[%get3A_744, %get3A_745] {strides = array<i32>} : memref<25x80xi32, #tpu.memory_space<vmem>>, vector<16xi32>,
      %get3A_747 = arith.constant 608 : index
      %get3A_748 = tpu.vector_load %arg16[%get3A_747] {strides = array<i32>} : memref<2000xf32, #tpu.memory_space<vmem>>, vector<16xf32>,
      %mul3A_749 = arith.mulf %gather3A_742, %get3A_748 : vector<16xf32>
      tpu.vector_store_idx %arg18[%get3A_746], %mul3A_749 {add = true} : memref<10000xf32, #tpu.memory_space<vmem>>[vector<16xi32>], vector<16xf32>,
      %get3A_750 = arith.constant 624 : index
      %get3A_751 = tpu.vector_load %arg15[%get3A_750] {strides = array<i32>} : memref<2000xi32, #tpu.memory_space<vmem>>, vector<16xi32>,
      %gather3A_752 = tpu.vector_load_idx %arg17[%get3A_751] : memref<10000xf32, #tpu.memory_space<vmem>>[vector<16xi32>], vector<16xf32>,
      %get3A_753 = arith.constant 7 : i32
      %get3A_754 = arith.index_cast %get3A_753 : i32 to index
      %get3A_755 = arith.constant 64 : index
      %get3A_756 = tpu.vector_load %arg21[%get3A_754, %get3A_755] {strides = array<i32>} : memref<25x80xi32, #tpu.memory_space<vmem>>, vector<16xi32>,
      %get3A_757 = arith.constant 624 : index
      %get3A_758 = tpu.vector_load %arg16[%get3A_757] {strides = array<i32>} : memref<2000xf32, #tpu.memory_space<vmem>>, vector<16xf32>,
      %mul3A_759 = arith.mulf %gather3A_752, %get3A_758 : vector<16xf32>
      tpu.vector_store_idx %arg18[%get3A_756], %mul3A_759 {add = true} : memref<10000xf32, #tpu.memory_space<vmem>>[vector<16xi32>], vector<16xf32>,
      %dma_wait3A_760 = arith.constant 7 : i32
      %dma_wait3A_761 = arith.constant 0 : i32
      %dma_wait3A_762 = tpu.memref_slice %arg21[%dma_wait3A_760, %dma_wait3A_761] : memref<25x80xi32, #tpu.memory_space<vmem>> -> memref<1x80xi32, #tpu.memory_space<vmem>>
      %dma_wait3A_763 = tpu.memref_squeeze %dma_wait3A_762 : memref<1x80xi32, #tpu.memory_space<vmem>> -> memref<80xi32, #tpu.memory_space<vmem>>
      %dma_wait3A_764 = arith.constant 0 : i32
      %dma_wait3A_765 = arith.constant 0 : i32
      %dma_wait3A_766 = tpu.memref_slice %arg14[%dma_wait3A_764, %dma_wait3A_765] : memref<10000x128xf32, #tpu.memory_space<vmem_shared>> -> memref<10000x128xf32, #tpu.memory_space<vmem_shared>>
      tpu.wait_indirect_dma semaphore(%arg25 : memref<!tpu.dma_semaphore, #tpu.memory_space<semaphore_mem>>) src(%arg20 : memref<80x128xf32, #tpu.memory_space<vmem>>) dst(%dma_wait3A_766 : memref<10000x128xf32, #tpu.memory_space<vmem_shared>>)
      %dma_start3A_767 = arith.constant 720 : i32
      %dma_start3A_768 = tpu.memref_slice %arg15[%dma_start3A_767] : memref<2000xi32, #tpu.memory_space<vmem>> -> memref<80xi32, #tpu.memory_space<vmem>>
      %dma_start3A_769 = arith.constant 0 : i32
      %dma_start3A_770 = arith.constant 0 : i32
      %dma_start3A_771 = tpu.memref_slice %arg2[%dma_start3A_769, %dma_start3A_770] : memref<10000x128xf32, #tpu.memory_space<hbm>> -> memref<10000x128xf32, #tpu.memory_space<hbm>>
      tpu.enqueue_indirect_dma source(%dma_start3A_771 : memref<10000x128xf32, #tpu.memory_space<hbm>>) target(%arg20 : memref<80x128xf32, #tpu.memory_space<vmem>>) offsets(%dma_start3A_768 : memref<80xi32, #tpu.memory_space<vmem>>) semaphore(%arg23 : memref<!tpu.dma_semaphore, #tpu.memory_space<semaphore_mem>>)
      %dma_wait3A_772 = arith.constant 640 : i32
      %dma_wait3A_773 = tpu.memref_slice %arg15[%dma_wait3A_772] : memref<2000xi32, #tpu.memory_space<vmem>> -> memref<80xi32, #tpu.memory_space<vmem>>
      %dma_wait3A_774 = arith.constant 0 : i32
      %dma_wait3A_775 = arith.constant 0 : i32
      %dma_wait3A_776 = tpu.memref_slice %arg2[%dma_wait3A_774, %dma_wait3A_775] : memref<10000x128xf32, #tpu.memory_space<hbm>> -> memref<10000x128xf32, #tpu.memory_space<hbm>>
      tpu.wait_indirect_dma semaphore(%arg22 : memref<!tpu.dma_semaphore, #tpu.memory_space<semaphore_mem>>) src(%dma_wait3A_776 : memref<10000x128xf32, #tpu.memory_space<hbm>>) dst(%arg19 : memref<80x128xf32, #tpu.memory_space<vmem>>)
      %dma_start3A_777 = arith.constant 8 : i32
      %dma_start3A_778 = arith.constant 0 : i32
      %dma_start3A_779 = tpu.memref_slice %arg21[%dma_start3A_777, %dma_start3A_778] : memref<25x80xi32, #tpu.memory_space<vmem>> -> memref<1x80xi32, #tpu.memory_space<vmem>>
      %dma_start3A_780 = tpu.memref_squeeze %dma_start3A_779 : memref<1x80xi32, #tpu.memory_space<vmem>> -> memref<80xi32, #tpu.memory_space<vmem>>
      %dma_start3A_781 = arith.constant 0 : i32
      %dma_start3A_782 = arith.constant 0 : i32
      %dma_start3A_783 = tpu.memref_slice %arg14[%dma_start3A_781, %dma_start3A_782] : memref<10000x128xf32, #tpu.memory_space<vmem_shared>> -> memref<10000x128xf32, #tpu.memory_space<vmem_shared>>
      tpu.enqueue_indirect_dma source(%arg19 : memref<80x128xf32, #tpu.memory_space<vmem>>) target(%dma_start3A_783 : memref<10000x128xf32, #tpu.memory_space<vmem_shared>>) offsets(%dma_start3A_780 : memref<80xi32, #tpu.memory_space<vmem>>) semaphore(%arg24 : memref<!tpu.dma_semaphore, #tpu.memory_space<semaphore_mem>>) {add = true}
      %get3A_784 = arith.constant 640 : index
      %get3A_785 = tpu.vector_load %arg15[%get3A_784] {strides = array<i32>} : memref<2000xi32, #tpu.memory_space<vmem>>, vector<16xi32>,
      %gather3A_786 = tpu.vector_load_idx %arg17[%get3A_785] : memref<10000xf32, #tpu.memory_space<vmem>>[vector<16xi32>], vector<16xf32>,
      %get3A_787 = arith.constant 8 : i32
      %get3A_788 = arith.index_cast %get3A_787 : i32 to index
      %get3A_789 = arith.constant 0 : index
      %get3A_790 = tpu.vector_load %arg21[%get3A_788, %get3A_789] {strides = array<i32>} : memref<25x80xi32, #tpu.memory_space<vmem>>, vector<16xi32>,
      %get3A_791 = arith.constant 640 : index
      %get3A_792 = tpu.vector_load %arg16[%get3A_791] {strides = array<i32>} : memref<2000xf32, #tpu.memory_space<vmem>>, vector<16xf32>,
      %mul3A_793 = arith.mulf %gather3A_786, %get3A_792 : vector<16xf32>
      tpu.vector_store_idx %arg18[%get3A_790], %mul3A_793 {add = true} : memref<10000xf32, #tpu.memory_space<vmem>>[vector<16xi32>], vector<16xf32>,
      %get3A_794 = arith.constant 656 : index
      %get3A_795 = tpu.vector_load %arg15[%get3A_794] {strides = array<i32>} : memref<2000xi32, #tpu.memory_space<vmem>>, vector<16xi32>,
      %gather3A_796 = tpu.vector_load_idx %arg17[%get3A_795] : memref<10000xf32, #tpu.memory_space<vmem>>[vector<16xi32>], vector<16xf32>,
      %get3A_797 = arith.constant 8 : i32
      %get3A_798 = arith.index_cast %get3A_797 : i32 to index
      %get3A_799 = arith.constant 16 : index
      %get3A_800 = tpu.vector_load %arg21[%get3A_798, %get3A_799] {strides = array<i32>} : memref<25x80xi32, #tpu.memory_space<vmem>>, vector<16xi32>,
      %get3A_801 = arith.constant 656 : index
      %get3A_802 = tpu.vector_load %arg16[%get3A_801] {strides = array<i32>} : memref<2000xf32, #tpu.memory_space<vmem>>, vector<16xf32>,
      %mul3A_803 = arith.mulf %gather3A_796, %get3A_802 : vector<16xf32>
      tpu.vector_store_idx %arg18[%get3A_800], %mul3A_803 {add = true} : memref<10000xf32, #tpu.memory_space<vmem>>[vector<16xi32>], vector<16xf32>,
      %get3A_804 = arith.constant 672 : index
      %get3A_805 = tpu.vector_load %arg15[%get3A_804] {strides = array<i32>} : memref<2000xi32, #tpu.memory_space<vmem>>, vector<16xi32>,
      %gather3A_806 = tpu.vector_load_idx %arg17[%get3A_805] : memref<10000xf32, #tpu.memory_space<vmem>>[vector<16xi32>], vector<16xf32>,
      %get3A_807 = arith.constant 8 : i32
      %get3A_808 = arith.index_cast %get3A_807 : i32 to index
      %get3A_809 = arith.constant 32 : index
      %get3A_810 = tpu.vector_load %arg21[%get3A_808, %get3A_809] {strides = array<i32>} : memref<25x80xi32, #tpu.memory_space<vmem>>, vector<16xi32>,
      %get3A_811 = arith.constant 672 : index
      %get3A_812 = tpu.vector_load %arg16[%get3A_811] {strides = array<i32>} : memref<2000xf32, #tpu.memory_space<vmem>>, vector<16xf32>,
      %mul3A_813 = arith.mulf %gather3A_806, %get3A_812 : vector<16xf32>
      tpu.vector_store_idx %arg18[%get3A_810], %mul3A_813 {add = true} : memref<10000xf32, #tpu.memory_space<vmem>>[vector<16xi32>], vector<16xf32>,
      %get3A_814 = arith.constant 688 : index
      %get3A_815 = tpu.vector_load %arg15[%get3A_814] {strides = array<i32>} : memref<2000xi32, #tpu.memory_space<vmem>>, vector<16xi32>,
      %gather3A_816 = tpu.vector_load_idx %arg17[%get3A_815] : memref<10000xf32, #tpu.memory_space<vmem>>[vector<16xi32>], vector<16xf32>,
      %get3A_817 = arith.constant 8 : i32
      %get3A_818 = arith.index_cast %get3A_817 : i32 to index
      %get3A_819 = arith.constant 48 : index
      %get3A_820 = tpu.vector_load %arg21[%get3A_818, %get3A_819] {strides = array<i32>} : memref<25x80xi32, #tpu.memory_space<vmem>>, vector<16xi32>,
      %get3A_821 = arith.constant 688 : index
      %get3A_822 = tpu.vector_load %arg16[%get3A_821] {strides = array<i32>} : memref<2000xf32, #tpu.memory_space<vmem>>, vector<16xf32>,
      %mul3A_823 = arith.mulf %gather3A_816, %get3A_822 : vector<16xf32>
      tpu.vector_store_idx %arg18[%get3A_820], %mul3A_823 {add = true} : memref<10000xf32, #tpu.memory_space<vmem>>[vector<16xi32>], vector<16xf32>,
      %get3A_824 = arith.constant 704 : index
      %get3A_825 = tpu.vector_load %arg15[%get3A_824] {strides = array<i32>} : memref<2000xi32, #tpu.memory_space<vmem>>, vector<16xi32>,
      %gather3A_826 = tpu.vector_load_idx %arg17[%get3A_825] : memref<10000xf32, #tpu.memory_space<vmem>>[vector<16xi32>], vector<16xf32>,
      %get3A_827 = arith.constant 8 : i32
      %get3A_828 = arith.index_cast %get3A_827 : i32 to index
      %get3A_829 = arith.constant 64 : index
      %get3A_830 = tpu.vector_load %arg21[%get3A_828, %get3A_829] {strides = array<i32>} : memref<25x80xi32, #tpu.memory_space<vmem>>, vector<16xi32>,
      %get3A_831 = arith.constant 704 : index
      %get3A_832 = tpu.vector_load %arg16[%get3A_831] {strides = array<i32>} : memref<2000xf32, #tpu.memory_space<vmem>>, vector<16xf32>,
      %mul3A_833 = arith.mulf %gather3A_826, %get3A_832 : vector<16xf32>
      tpu.vector_store_idx %arg18[%get3A_830], %mul3A_833 {add = true} : memref<10000xf32, #tpu.memory_space<vmem>>[vector<16xi32>], vector<16xf32>,
      %dma_wait3A_834 = arith.constant 8 : i32
      %dma_wait3A_835 = arith.constant 0 : i32
      %dma_wait3A_836 = tpu.memref_slice %arg21[%dma_wait3A_834, %dma_wait3A_835] : memref<25x80xi32, #tpu.memory_space<vmem>> -> memref<1x80xi32, #tpu.memory_space<vmem>>
      %dma_wait3A_837 = tpu.memref_squeeze %dma_wait3A_836 : memref<1x80xi32, #tpu.memory_space<vmem>> -> memref<80xi32, #tpu.memory_space<vmem>>
      %dma_wait3A_838 = arith.constant 0 : i32
      %dma_wait3A_839 = arith.constant 0 : i32
      %dma_wait3A_840 = tpu.memref_slice %arg14[%dma_wait3A_838, %dma_wait3A_839] : memref<10000x128xf32, #tpu.memory_space<vmem_shared>> -> memref<10000x128xf32, #tpu.memory_space<vmem_shared>>
      tpu.wait_indirect_dma semaphore(%arg24 : memref<!tpu.dma_semaphore, #tpu.memory_space<semaphore_mem>>) src(%arg19 : memref<80x128xf32, #tpu.memory_space<vmem>>) dst(%dma_wait3A_840 : memref<10000x128xf32, #tpu.memory_space<vmem_shared>>)
      %dma_start3A_841 = arith.constant 800 : i32
      %dma_start3A_842 = tpu.memref_slice %arg15[%dma_start3A_841] : memref<2000xi32, #tpu.memory_space<vmem>> -> memref<80xi32, #tpu.memory_space<vmem>>
      %dma_start3A_843 = arith.constant 0 : i32
      %dma_start3A_844 = arith.constant 0 : i32
      %dma_start3A_845 = tpu.memref_slice %arg2[%dma_start3A_843, %dma_start3A_844] : memref<10000x128xf32, #tpu.memory_space<hbm>> -> memref<10000x128xf32, #tpu.memory_space<hbm>>
      tpu.enqueue_indirect_dma source(%dma_start3A_845 : memref<10000x128xf32, #tpu.memory_space<hbm>>) target(%arg19 : memref<80x128xf32, #tpu.memory_space<vmem>>) offsets(%dma_start3A_842 : memref<80xi32, #tpu.memory_space<vmem>>) semaphore(%arg22 : memref<!tpu.dma_semaphore, #tpu.memory_space<semaphore_mem>>)
      %dma_wait3A_846 = arith.constant 720 : i32
      %dma_wait3A_847 = tpu.memref_slice %arg15[%dma_wait3A_846] : memref<2000xi32, #tpu.memory_space<vmem>> -> memref<80xi32, #tpu.memory_space<vmem>>
      %dma_wait3A_848 = arith.constant 0 : i32
      %dma_wait3A_849 = arith.constant 0 : i32
      %dma_wait3A_850 = tpu.memref_slice %arg2[%dma_wait3A_848, %dma_wait3A_849] : memref<10000x128xf32, #tpu.memory_space<hbm>> -> memref<10000x128xf32, #tpu.memory_space<hbm>>
      tpu.wait_indirect_dma semaphore(%arg23 : memref<!tpu.dma_semaphore, #tpu.memory_space<semaphore_mem>>) src(%dma_wait3A_850 : memref<10000x128xf32, #tpu.memory_space<hbm>>) dst(%arg20 : memref<80x128xf32, #tpu.memory_space<vmem>>)
      %dma_start3A_851 = arith.constant 9 : i32
      %dma_start3A_852 = arith.constant 0 : i32
      %dma_start3A_853 = tpu.memref_slice %arg21[%dma_start3A_851, %dma_start3A_852] : memref<25x80xi32, #tpu.memory_space<vmem>> -> memref<1x80xi32, #tpu.memory_space<vmem>>
      %dma_start3A_854 = tpu.memref_squeeze %dma_start3A_853 : memref<1x80xi32, #tpu.memory_space<vmem>> -> memref<80xi32, #tpu.memory_space<vmem>>
      %dma_start3A_855 = arith.constant 0 : i32
      %dma_start3A_856 = arith.constant 0 : i32
      %dma_start3A_857 = tpu.memref_slice %arg14[%dma_start3A_855, %dma_start3A_856] : memref<10000x128xf32, #tpu.memory_space<vmem_shared>> -> memref<10000x128xf32, #tpu.memory_space<vmem_shared>>
      tpu.enqueue_indirect_dma source(%arg20 : memref<80x128xf32, #tpu.memory_space<vmem>>) target(%dma_start3A_857 : memref<10000x128xf32, #tpu.memory_space<vmem_shared>>) offsets(%dma_start3A_854 : memref<80xi32, #tpu.memory_space<vmem>>) semaphore(%arg25 : memref<!tpu.dma_semaphore, #tpu.memory_space<semaphore_mem>>) {add = true}
      %get3A_858 = arith.constant 720 : index
      %get3A_859 = tpu.vector_load %arg15[%get3A_858] {strides = array<i32>} : memref<2000xi32, #tpu.memory_space<vmem>>, vector<16xi32>,
      %gather3A_860 = tpu.vector_load_idx %arg17[%get3A_859] : memref<10000xf32, #tpu.memory_space<vmem>>[vector<16xi32>], vector<16xf32>,
      %get3A_861 = arith.constant 9 : i32
      %get3A_862 = arith.index_cast %get3A_861 : i32 to index
      %get3A_863 = arith.constant 0 : index
      %get3A_864 = tpu.vector_load %arg21[%get3A_862, %get3A_863] {strides = array<i32>} : memref<25x80xi32, #tpu.memory_space<vmem>>, vector<16xi32>,
      %get3A_865 = arith.constant 720 : index
      %get3A_866 = tpu.vector_load %arg16[%get3A_865] {strides = array<i32>} : memref<2000xf32, #tpu.memory_space<vmem>>, vector<16xf32>,
      %mul3A_867 = arith.mulf %gather3A_860, %get3A_866 : vector<16xf32>
      tpu.vector_store_idx %arg18[%get3A_864], %mul3A_867 {add = true} : memref<10000xf32, #tpu.memory_space<vmem>>[vector<16xi32>], vector<16xf32>,
      %get3A_868 = arith.constant 736 : index
      %get3A_869 = tpu.vector_load %arg15[%get3A_868] {strides = array<i32>} : memref<2000xi32, #tpu.memory_space<vmem>>, vector<16xi32>,
      %gather3A_870 = tpu.vector_load_idx %arg17[%get3A_869] : memref<10000xf32, #tpu.memory_space<vmem>>[vector<16xi32>], vector<16xf32>,
      %get3A_871 = arith.constant 9 : i32
      %get3A_872 = arith.index_cast %get3A_871 : i32 to index
      %get3A_873 = arith.constant 16 : index
      %get3A_874 = tpu.vector_load %arg21[%get3A_872, %get3A_873] {strides = array<i32>} : memref<25x80xi32, #tpu.memory_space<vmem>>, vector<16xi32>,
      %get3A_875 = arith.constant 736 : index
      %get3A_876 = tpu.vector_load %arg16[%get3A_875] {strides = array<i32>} : memref<2000xf32, #tpu.memory_space<vmem>>, vector<16xf32>,
      %mul3A_877 = arith.mulf %gather3A_870, %get3A_876 : vector<16xf32>
      tpu.vector_store_idx %arg18[%get3A_874], %mul3A_877 {add = true} : memref<10000xf32, #tpu.memory_space<vmem>>[vector<16xi32>], vector<16xf32>,
      %get3A_878 = arith.constant 752 : index
      %get3A_879 = tpu.vector_load %arg15[%get3A_878] {strides = array<i32>} : memref<2000xi32, #tpu.memory_space<vmem>>, vector<16xi32>,
      %gather3A_880 = tpu.vector_load_idx %arg17[%get3A_879] : memref<10000xf32, #tpu.memory_space<vmem>>[vector<16xi32>], vector<16xf32>,
      %get3A_881 = arith.constant 9 : i32
      %get3A_882 = arith.index_cast %get3A_881 : i32 to index
      %get3A_883 = arith.constant 32 : index
      %get3A_884 = tpu.vector_load %arg21[%get3A_882, %get3A_883] {strides = array<i32>} : memref<25x80xi32, #tpu.memory_space<vmem>>, vector<16xi32>,
      %get3A_885 = arith.constant 752 : index
      %get3A_886 = tpu.vector_load %arg16[%get3A_885] {strides = array<i32>} : memref<2000xf32, #tpu.memory_space<vmem>>, vector<16xf32>,
      %mul3A_887 = arith.mulf %gather3A_880, %get3A_886 : vector<16xf32>
      tpu.vector_store_idx %arg18[%get3A_884], %mul3A_887 {add = true} : memref<10000xf32, #tpu.memory_space<vmem>>[vector<16xi32>], vector<16xf32>,
      %get3A_888 = arith.constant 768 : index
      %get3A_889 = tpu.vector_load %arg15[%get3A_888] {strides = array<i32>} : memref<2000xi32, #tpu.memory_space<vmem>>, vector<16xi32>,
      %gather3A_890 = tpu.vector_load_idx %arg17[%get3A_889] : memref<10000xf32, #tpu.memory_space<vmem>>[vector<16xi32>], vector<16xf32>,
      %get3A_891 = arith.constant 9 : i32
      %get3A_892 = arith.index_cast %get3A_891 : i32 to index
      %get3A_893 = arith.constant 48 : index
      %get3A_894 = tpu.vector_load %arg21[%get3A_892, %get3A_893] {strides = array<i32>} : memref<25x80xi32, #tpu.memory_space<vmem>>, vector<16xi32>,
      %get3A_895 = arith.constant 768 : index
      %get3A_896 = tpu.vector_load %arg16[%get3A_895] {strides = array<i32>} : memref<2000xf32, #tpu.memory_space<vmem>>, vector<16xf32>,
      %mul3A_897 = arith.mulf %gather3A_890, %get3A_896 : vector<16xf32>
      tpu.vector_store_idx %arg18[%get3A_894], %mul3A_897 {add = true} : memref<10000xf32, #tpu.memory_space<vmem>>[vector<16xi32>], vector<16xf32>,
      %get3A_898 = arith.constant 784 : index
      %get3A_899 = tpu.vector_load %arg15[%get3A_898] {strides = array<i32>} : memref<2000xi32, #tpu.memory_space<vmem>>, vector<16xi32>,
      %gather3A_900 = tpu.vector_load_idx %arg17[%get3A_899] : memref<10000xf32, #tpu.memory_space<vmem>>[vector<16xi32>], vector<16xf32>,
      %get3A_901 = arith.constant 9 : i32
      %get3A_902 = arith.index_cast %get3A_901 : i32 to index
      %get3A_903 = arith.constant 64 : index
      %get3A_904 = tpu.vector_load %arg21[%get3A_902, %get3A_903] {strides = array<i32>} : memref<25x80xi32, #tpu.memory_space<vmem>>, vector<16xi32>,
      %get3A_905 = arith.constant 784 : index
      %get3A_906 = tpu.vector_load %arg16[%get3A_905] {strides = array<i32>} : memref<2000xf32, #tpu.memory_space<vmem>>, vector<16xf32>,
      %mul3A_907 = arith.mulf %gather3A_900, %get3A_906 : vector<16xf32>
      tpu.vector_store_idx %arg18[%get3A_904], %mul3A_907 {add = true} : memref<10000xf32, #tpu.memory_space<vmem>>[vector<16xi32>], vector<16xf32>,
      %dma_wait3A_908 = arith.constant 9 : i32
      %dma_wait3A_909 = arith.constant 0 : i32
      %dma_wait3A_910 = tpu.memref_slice %arg21[%dma_wait3A_908, %dma_wait3A_909] : memref<25x80xi32, #tpu.memory_space<vmem>> -> memref<1x80xi32, #tpu.memory_space<vmem>>
      %dma_wait3A_911 = tpu.memref_squeeze %dma_wait3A_910 : memref<1x80xi32, #tpu.memory_space<vmem>> -> memref<80xi32, #tpu.memory_space<vmem>>
      %dma_wait3A_912 = arith.constant 0 : i32
      %dma_wait3A_913 = arith.constant 0 : i32
      %dma_wait3A_914 = tpu.memref_slice %arg14[%dma_wait3A_912, %dma_wait3A_913] : memref<10000x128xf32, #tpu.memory_space<vmem_shared>> -> memref<10000x128xf32, #tpu.memory_space<vmem_shared>>
      tpu.wait_indirect_dma semaphore(%arg25 : memref<!tpu.dma_semaphore, #tpu.memory_space<semaphore_mem>>) src(%arg20 : memref<80x128xf32, #tpu.memory_space<vmem>>) dst(%dma_wait3A_914 : memref<10000x128xf32, #tpu.memory_space<vmem_shared>>)
      %dma_start3A_915 = arith.constant 880 : i32
      %dma_start3A_916 = tpu.memref_slice %arg15[%dma_start3A_915] : memref<2000xi32, #tpu.memory_space<vmem>> -> memref<80xi32, #tpu.memory_space<vmem>>
      %dma_start3A_917 = arith.constant 0 : i32
      %dma_start3A_918 = arith.constant 0 : i32
      %dma_start3A_919 = tpu.memref_slice %arg2[%dma_start3A_917, %dma_start3A_918] : memref<10000x128xf32, #tpu.memory_space<hbm>> -> memref<10000x128xf32, #tpu.memory_space<hbm>>
      tpu.enqueue_indirect_dma source(%dma_start3A_919 : memref<10000x128xf32, #tpu.memory_space<hbm>>) target(%arg20 : memref<80x128xf32, #tpu.memory_space<vmem>>) offsets(%dma_start3A_916 : memref<80xi32, #tpu.memory_space<vmem>>) semaphore(%arg23 : memref<!tpu.dma_semaphore, #tpu.memory_space<semaphore_mem>>)
      %dma_wait3A_920 = arith.constant 800 : i32
      %dma_wait3A_921 = tpu.memref_slice %arg15[%dma_wait3A_920] : memref<2000xi32, #tpu.memory_space<vmem>> -> memref<80xi32, #tpu.memory_space<vmem>>
      %dma_wait3A_922 = arith.constant 0 : i32
      %dma_wait3A_923 = arith.constant 0 : i32
      %dma_wait3A_924 = tpu.memref_slice %arg2[%dma_wait3A_922, %dma_wait3A_923] : memref<10000x128xf32, #tpu.memory_space<hbm>> -> memref<10000x128xf32, #tpu.memory_space<hbm>>
      tpu.wait_indirect_dma semaphore(%arg22 : memref<!tpu.dma_semaphore, #tpu.memory_space<semaphore_mem>>) src(%dma_wait3A_924 : memref<10000x128xf32, #tpu.memory_space<hbm>>) dst(%arg19 : memref<80x128xf32, #tpu.memory_space<vmem>>)
      %dma_start3A_925 = arith.constant 10 : i32
      %dma_start3A_926 = arith.constant 0 : i32
      %dma_start3A_927 = tpu.memref_slice %arg21[%dma_start3A_925, %dma_start3A_926] : memref<25x80xi32, #tpu.memory_space<vmem>> -> memref<1x80xi32, #tpu.memory_space<vmem>>
      %dma_start3A_928 = tpu.memref_squeeze %dma_start3A_927 : memref<1x80xi32, #tpu.memory_space<vmem>> -> memref<80xi32, #tpu.memory_space<vmem>>
      %dma_start3A_929 = arith.constant 0 : i32
      %dma_start3A_930 = arith.constant 0 : i32
      %dma_start3A_931 = tpu.memref_slice %arg14[%dma_start3A_929, %dma_start3A_930] : memref<10000x128xf32, #tpu.memory_space<vmem_shared>> -> memref<10000x128xf32, #tpu.memory_space<vmem_shared>>
      tpu.enqueue_indirect_dma source(%arg19 : memref<80x128xf32, #tpu.memory_space<vmem>>) target(%dma_start3A_931 : memref<10000x128xf32, #tpu.memory_space<vmem_shared>>) offsets(%dma_start3A_928 : memref<80xi32, #tpu.memory_space<vmem>>) semaphore(%arg24 : memref<!tpu.dma_semaphore, #tpu.memory_space<semaphore_mem>>) {add = true}
      %get3A_932 = arith.constant 800 : index
      %get3A_933 = tpu.vector_load %arg15[%get3A_932] {strides = array<i32>} : memref<2000xi32, #tpu.memory_space<vmem>>, vector<16xi32>,
      %gather3A_934 = tpu.vector_load_idx %arg17[%get3A_933] : memref<10000xf32, #tpu.memory_space<vmem>>[vector<16xi32>], vector<16xf32>,
      %get3A_935 = arith.constant 10 : i32
      %get3A_936 = arith.index_cast %get3A_935 : i32 to index
      %get3A_937 = arith.constant 0 : index
      %get3A_938 = tpu.vector_load %arg21[%get3A_936, %get3A_937] {strides = array<i32>} : memref<25x80xi32, #tpu.memory_space<vmem>>, vector<16xi32>,
      %get3A_939 = arith.constant 800 : index
      %get3A_940 = tpu.vector_load %arg16[%get3A_939] {strides = array<i32>} : memref<2000xf32, #tpu.memory_space<vmem>>, vector<16xf32>,
      %mul3A_941 = arith.mulf %gather3A_934, %get3A_940 : vector<16xf32>
      tpu.vector_store_idx %arg18[%get3A_938], %mul3A_941 {add = true} : memref<10000xf32, #tpu.memory_space<vmem>>[vector<16xi32>], vector<16xf32>,
      %get3A_942 = arith.constant 816 : index
      %get3A_943 = tpu.vector_load %arg15[%get3A_942] {strides = array<i32>} : memref<2000xi32, #tpu.memory_space<vmem>>, vector<16xi32>,
      %gather3A_944 = tpu.vector_load_idx %arg17[%get3A_943] : memref<10000xf32, #tpu.memory_space<vmem>>[vector<16xi32>], vector<16xf32>,
      %get3A_945 = arith.constant 10 : i32
      %get3A_946 = arith.index_cast %get3A_945 : i32 to index
      %get3A_947 = arith.constant 16 : index
      %get3A_948 = tpu.vector_load %arg21[%get3A_946, %get3A_947] {strides = array<i32>} : memref<25x80xi32, #tpu.memory_space<vmem>>, vector<16xi32>,
      %get3A_949 = arith.constant 816 : index
      %get3A_950 = tpu.vector_load %arg16[%get3A_949] {strides = array<i32>} : memref<2000xf32, #tpu.memory_space<vmem>>, vector<16xf32>,
      %mul3A_951 = arith.mulf %gather3A_944, %get3A_950 : vector<16xf32>
      tpu.vector_store_idx %arg18[%get3A_948], %mul3A_951 {add = true} : memref<10000xf32, #tpu.memory_space<vmem>>[vector<16xi32>], vector<16xf32>,
      %get3A_952 = arith.constant 832 : index
      %get3A_953 = tpu.vector_load %arg15[%get3A_952] {strides = array<i32>} : memref<2000xi32, #tpu.memory_space<vmem>>, vector<16xi32>,
      %gather3A_954 = tpu.vector_load_idx %arg17[%get3A_953] : memref<10000xf32, #tpu.memory_space<vmem>>[vector<16xi32>], vector<16xf32>,
      %get3A_955 = arith.constant 10 : i32
      %get3A_956 = arith.index_cast %get3A_955 : i32 to index
      %get3A_957 = arith.constant 32 : index
      %get3A_958 = tpu.vector_load %arg21[%get3A_956, %get3A_957] {strides = array<i32>} : memref<25x80xi32, #tpu.memory_space<vmem>>, vector<16xi32>,
      %get3A_959 = arith.constant 832 : index
      %get3A_960 = tpu.vector_load %arg16[%get3A_959] {strides = array<i32>} : memref<2000xf32, #tpu.memory_space<vmem>>, vector<16xf32>,
      %mul3A_961 = arith.mulf %gather3A_954, %get3A_960 : vector<16xf32>
      tpu.vector_store_idx %arg18[%get3A_958], %mul3A_961 {add = true} : memref<10000xf32, #tpu.memory_space<vmem>>[vector<16xi32>], vector<16xf32>,
      %get3A_962 = arith.constant 848 : index
      %get3A_963 = tpu.vector_load %arg15[%get3A_962] {strides = array<i32>} : memref<2000xi32, #tpu.memory_space<vmem>>, vector<16xi32>,
      %gather3A_964 = tpu.vector_load_idx %arg17[%get3A_963] : memref<10000xf32, #tpu.memory_space<vmem>>[vector<16xi32>], vector<16xf32>,
      %get3A_965 = arith.constant 10 : i32
      %get3A_966 = arith.index_cast %get3A_965 : i32 to index
      %get3A_967 = arith.constant 48 : index
      %get3A_968 = tpu.vector_load %arg21[%get3A_966, %get3A_967] {strides = array<i32>} : memref<25x80xi32, #tpu.memory_space<vmem>>, vector<16xi32>,
      %get3A_969 = arith.constant 848 : index
      %get3A_970 = tpu.vector_load %arg16[%get3A_969] {strides = array<i32>} : memref<2000xf32, #tpu.memory_space<vmem>>, vector<16xf32>,
      %mul3A_971 = arith.mulf %gather3A_964, %get3A_970 : vector<16xf32>
      tpu.vector_store_idx %arg18[%get3A_968], %mul3A_971 {add = true} : memref<10000xf32, #tpu.memory_space<vmem>>[vector<16xi32>], vector<16xf32>,
      %get3A_972 = arith.constant 864 : index
      %get3A_973 = tpu.vector_load %arg15[%get3A_972] {strides = array<i32>} : memref<2000xi32, #tpu.memory_space<vmem>>, vector<16xi32>,
      %gather3A_974 = tpu.vector_load_idx %arg17[%get3A_973] : memref<10000xf32, #tpu.memory_space<vmem>>[vector<16xi32>], vector<16xf32>,
      %get3A_975 = arith.constant 10 : i32
      %get3A_976 = arith.index_cast %get3A_975 : i32 to index
      %get3A_977 = arith.constant 64 : index
      %get3A_978 = tpu.vector_load %arg21[%get3A_976, %get3A_977] {strides = array<i32>} : memref<25x80xi32, #tpu.memory_space<vmem>>, vector<16xi32>,
      %get3A_979 = arith.constant 864 : index
      %get3A_980 = tpu.vector_load %arg16[%get3A_979] {strides = array<i32>} : memref<2000xf32, #tpu.memory_space<vmem>>, vector<16xf32>,
      %mul3A_981 = arith.mulf %gather3A_974, %get3A_980 : vector<16xf32>
      tpu.vector_store_idx %arg18[%get3A_978], %mul3A_981 {add = true} : memref<10000xf32, #tpu.memory_space<vmem>>[vector<16xi32>], vector<16xf32>,
      %dma_wait3A_982 = arith.constant 10 : i32
      %dma_wait3A_983 = arith.constant 0 : i32
      %dma_wait3A_984 = tpu.memref_slice %arg21[%dma_wait3A_982, %dma_wait3A_983] : memref<25x80xi32, #tpu.memory_space<vmem>> -> memref<1x80xi32, #tpu.memory_space<vmem>>
      %dma_wait3A_985 = tpu.memref_squeeze %dma_wait3A_984 : memref<1x80xi32, #tpu.memory_space<vmem>> -> memref<80xi32, #tpu.memory_space<vmem>>
      %dma_wait3A_986 = arith.constant 0 : i32
      %dma_wait3A_987 = arith.constant 0 : i32
      %dma_wait3A_988 = tpu.memref_slice %arg14[%dma_wait3A_986, %dma_wait3A_987] : memref<10000x128xf32, #tpu.memory_space<vmem_shared>> -> memref<10000x128xf32, #tpu.memory_space<vmem_shared>>
      tpu.wait_indirect_dma semaphore(%arg24 : memref<!tpu.dma_semaphore, #tpu.memory_space<semaphore_mem>>) src(%arg19 : memref<80x128xf32, #tpu.memory_space<vmem>>) dst(%dma_wait3A_988 : memref<10000x128xf32, #tpu.memory_space<vmem_shared>>)
      %dma_start3A_989 = arith.constant 960 : i32
      %dma_start3A_990 = tpu.memref_slice %arg15[%dma_start3A_989] : memref<2000xi32, #tpu.memory_space<vmem>> -> memref<80xi32, #tpu.memory_space<vmem>>
      %dma_start3A_991 = arith.constant 0 : i32
      %dma_start3A_992 = arith.constant 0 : i32
      %dma_start3A_993 = tpu.memref_slice %arg2[%dma_start3A_991, %dma_start3A_992] : memref<10000x128xf32, #tpu.memory_space<hbm>> -> memref<10000x128xf32, #tpu.memory_space<hbm>>
      tpu.enqueue_indirect_dma source(%dma_start3A_993 : memref<10000x128xf32, #tpu.memory_space<hbm>>) target(%arg19 : memref<80x128xf32, #tpu.memory_space<vmem>>) offsets(%dma_start3A_990 : memref<80xi32, #tpu.memory_space<vmem>>) semaphore(%arg22 : memref<!tpu.dma_semaphore, #tpu.memory_space<semaphore_mem>>)
      %dma_wait3A_994 = arith.constant 880 : i32
      %dma_wait3A_995 = tpu.memref_slice %arg15[%dma_wait3A_994] : memref<2000xi32, #tpu.memory_space<vmem>> -> memref<80xi32, #tpu.memory_space<vmem>>
      %dma_wait3A_996 = arith.constant 0 : i32
      %dma_wait3A_997 = arith.constant 0 : i32
      %dma_wait3A_998 = tpu.memref_slice %arg2[%dma_wait3A_996, %dma_wait3A_997] : memref<10000x128xf32, #tpu.memory_space<hbm>> -> memref<10000x128xf32, #tpu.memory_space<hbm>>
      tpu.wait_indirect_dma semaphore(%arg23 : memref<!tpu.dma_semaphore, #tpu.memory_space<semaphore_mem>>) src(%dma_wait3A_998 : memref<10000x128xf32, #tpu.memory_space<hbm>>) dst(%arg20 : memref<80x128xf32, #tpu.memory_space<vmem>>)
      %dma_start3A_999 = arith.constant 11 : i32
      %dma_start3A_1000 = arith.constant 0 : i32
      %dma_start3A_1001 = tpu.memref_slice %arg21[%dma_start3A_999, %dma_start3A_1000] : memref<25x80xi32, #tpu.memory_space<vmem>> -> memref<1x80xi32, #tpu.memory_space<vmem>>
      %dma_start3A_1002 = tpu.memref_squeeze %dma_start3A_1001 : memref<1x80xi32, #tpu.memory_space<vmem>> -> memref<80xi32, #tpu.memory_space<vmem>>
      %dma_start3A_1003 = arith.constant 0 : i32
      %dma_start3A_1004 = arith.constant 0 : i32
      %dma_start3A_1005 = tpu.memref_slice %arg14[%dma_start3A_1003, %dma_start3A_1004] : memref<10000x128xf32, #tpu.memory_space<vmem_shared>> -> memref<10000x128xf32, #tpu.memory_space<vmem_shared>>
      tpu.enqueue_indirect_dma source(%arg20 : memref<80x128xf32, #tpu.memory_space<vmem>>) target(%dma_start3A_1005 : memref<10000x128xf32, #tpu.memory_space<vmem_shared>>) offsets(%dma_start3A_1002 : memref<80xi32, #tpu.memory_space<vmem>>) semaphore(%arg25 : memref<!tpu.dma_semaphore, #tpu.memory_space<semaphore_mem>>) {add = true}
      %get3A_1006 = arith.constant 880 : index
      %get3A_1007 = tpu.vector_load %arg15[%get3A_1006] {strides = array<i32>} : memref<2000xi32, #tpu.memory_space<vmem>>, vector<16xi32>,
      %gather3A_1008 = tpu.vector_load_idx %arg17[%get3A_1007] : memref<10000xf32, #tpu.memory_space<vmem>>[vector<16xi32>], vector<16xf32>,
      %get3A_1009 = arith.constant 11 : i32
      %get3A_1010 = arith.index_cast %get3A_1009 : i32 to index
      %get3A_1011 = arith.constant 0 : index
      %get3A_1012 = tpu.vector_load %arg21[%get3A_1010, %get3A_1011] {strides = array<i32>} : memref<25x80xi32, #tpu.memory_space<vmem>>, vector<16xi32>,
      %get3A_1013 = arith.constant 880 : index
      %get3A_1014 = tpu.vector_load %arg16[%get3A_1013] {strides = array<i32>} : memref<2000xf32, #tpu.memory_space<vmem>>, vector<16xf32>,
      %mul3A_1015 = arith.mulf %gather3A_1008, %get3A_1014 : vector<16xf32>
      tpu.vector_store_idx %arg18[%get3A_1012], %mul3A_1015 {add = true} : memref<10000xf32, #tpu.memory_space<vmem>>[vector<16xi32>], vector<16xf32>,
      %get3A_1016 = arith.constant 896 : index
      %get3A_1017 = tpu.vector_load %arg15[%get3A_1016] {strides = array<i32>} : memref<2000xi32, #tpu.memory_space<vmem>>, vector<16xi32>,
      %gather3A_1018 = tpu.vector_load_idx %arg17[%get3A_1017] : memref<10000xf32, #tpu.memory_space<vmem>>[vector<16xi32>], vector<16xf32>,
      %get3A_1019 = arith.constant 11 : i32
      %get3A_1020 = arith.index_cast %get3A_1019 : i32 to index
      %get3A_1021 = arith.constant 16 : index
      %get3A_1022 = tpu.vector_load %arg21[%get3A_1020, %get3A_1021] {strides = array<i32>} : memref<25x80xi32, #tpu.memory_space<vmem>>, vector<16xi32>,
      %get3A_1023 = arith.constant 896 : index
      %get3A_1024 = tpu.vector_load %arg16[%get3A_1023] {strides = array<i32>} : memref<2000xf32, #tpu.memory_space<vmem>>, vector<16xf32>,
      %mul3A_1025 = arith.mulf %gather3A_1018, %get3A_1024 : vector<16xf32>
      tpu.vector_store_idx %arg18[%get3A_1022], %mul3A_1025 {add = true} : memref<10000xf32, #tpu.memory_space<vmem>>[vector<16xi32>], vector<16xf32>,
      %get3A_1026 = arith.constant 912 : index
      %get3A_1027 = tpu.vector_load %arg15[%get3A_1026] {strides = array<i32>} : memref<2000xi32, #tpu.memory_space<vmem>>, vector<16xi32>,
      %gather3A_1028 = tpu.vector_load_idx %arg17[%get3A_1027] : memref<10000xf32, #tpu.memory_space<vmem>>[vector<16xi32>], vector<16xf32>,
      %get3A_1029 = arith.constant 11 : i32
      %get3A_1030 = arith.index_cast %get3A_1029 : i32 to index
      %get3A_1031 = arith.constant 32 : index
      %get3A_1032 = tpu.vector_load %arg21[%get3A_1030, %get3A_1031] {strides = array<i32>} : memref<25x80xi32, #tpu.memory_space<vmem>>, vector<16xi32>,
      %get3A_1033 = arith.constant 912 : index
      %get3A_1034 = tpu.vector_load %arg16[%get3A_1033] {strides = array<i32>} : memref<2000xf32, #tpu.memory_space<vmem>>, vector<16xf32>,
      %mul3A_1035 = arith.mulf %gather3A_1028, %get3A_1034 : vector<16xf32>
      tpu.vector_store_idx %arg18[%get3A_1032], %mul3A_1035 {add = true} : memref<10000xf32, #tpu.memory_space<vmem>>[vector<16xi32>], vector<16xf32>,
      %get3A_1036 = arith.constant 928 : index
      %get3A_1037 = tpu.vector_load %arg15[%get3A_1036] {strides = array<i32>} : memref<2000xi32, #tpu.memory_space<vmem>>, vector<16xi32>,
      %gather3A_1038 = tpu.vector_load_idx %arg17[%get3A_1037] : memref<10000xf32, #tpu.memory_space<vmem>>[vector<16xi32>], vector<16xf32>,
      %get3A_1039 = arith.constant 11 : i32
      %get3A_1040 = arith.index_cast %get3A_1039 : i32 to index
      %get3A_1041 = arith.constant 48 : index
      %get3A_1042 = tpu.vector_load %arg21[%get3A_1040, %get3A_1041] {strides = array<i32>} : memref<25x80xi32, #tpu.memory_space<vmem>>, vector<16xi32>,
      %get3A_1043 = arith.constant 928 : index
      %get3A_1044 = tpu.vector_load %arg16[%get3A_1043] {strides = array<i32>} : memref<2000xf32, #tpu.memory_space<vmem>>, vector<16xf32>,
      %mul3A_1045 = arith.mulf %gather3A_1038, %get3A_1044 : vector<16xf32>
      tpu.vector_store_idx %arg18[%get3A_1042], %mul3A_1045 {add = true} : memref<10000xf32, #tpu.memory_space<vmem>>[vector<16xi32>], vector<16xf32>,
      %get3A_1046 = arith.constant 944 : index
      %get3A_1047 = tpu.vector_load %arg15[%get3A_1046] {strides = array<i32>} : memref<2000xi32, #tpu.memory_space<vmem>>, vector<16xi32>,
      %gather3A_1048 = tpu.vector_load_idx %arg17[%get3A_1047] : memref<10000xf32, #tpu.memory_space<vmem>>[vector<16xi32>], vector<16xf32>,
      %get3A_1049 = arith.constant 11 : i32
      %get3A_1050 = arith.index_cast %get3A_1049 : i32 to index
      %get3A_1051 = arith.constant 64 : index
      %get3A_1052 = tpu.vector_load %arg21[%get3A_1050, %get3A_1051] {strides = array<i32>} : memref<25x80xi32, #tpu.memory_space<vmem>>, vector<16xi32>,
      %get3A_1053 = arith.constant 944 : index
      %get3A_1054 = tpu.vector_load %arg16[%get3A_1053] {strides = array<i32>} : memref<2000xf32, #tpu.memory_space<vmem>>, vector<16xf32>,
      %mul3A_1055 = arith.mulf %gather3A_1048, %get3A_1054 : vector<16xf32>
      tpu.vector_store_idx %arg18[%get3A_1052], %mul3A_1055 {add = true} : memref<10000xf32, #tpu.memory_space<vmem>>[vector<16xi32>], vector<16xf32>,
      %dma_wait3A_1056 = arith.constant 11 : i32
      %dma_wait3A_1057 = arith.constant 0 : i32
      %dma_wait3A_1058 = tpu.memref_slice %arg21[%dma_wait3A_1056, %dma_wait3A_1057] : memref<25x80xi32, #tpu.memory_space<vmem>> -> memref<1x80xi32, #tpu.memory_space<vmem>>
      %dma_wait3A_1059 = tpu.memref_squeeze %dma_wait3A_1058 : memref<1x80xi32, #tpu.memory_space<vmem>> -> memref<80xi32, #tpu.memory_space<vmem>>
      %dma_wait3A_1060 = arith.constant 0 : i32
      %dma_wait3A_1061 = arith.constant 0 : i32
      %dma_wait3A_1062 = tpu.memref_slice %arg14[%dma_wait3A_1060, %dma_wait3A_1061] : memref<10000x128xf32, #tpu.memory_space<vmem_shared>> -> memref<10000x128xf32, #tpu.memory_space<vmem_shared>>
      tpu.wait_indirect_dma semaphore(%arg25 : memref<!tpu.dma_semaphore, #tpu.memory_space<semaphore_mem>>) src(%arg20 : memref<80x128xf32, #tpu.memory_space<vmem>>) dst(%dma_wait3A_1062 : memref<10000x128xf32, #tpu.memory_space<vmem_shared>>)
      %dma_start3A_1063 = arith.constant 1040 : i32
      %dma_start3A_1064 = tpu.memref_slice %arg15[%dma_start3A_1063] : memref<2000xi32, #tpu.memory_space<vmem>> -> memref<80xi32, #tpu.memory_space<vmem>>
      %dma_start3A_1065 = arith.constant 0 : i32
      %dma_start3A_1066 = arith.constant 0 : i32
      %dma_start3A_1067 = tpu.memref_slice %arg2[%dma_start3A_1065, %dma_start3A_1066] : memref<10000x128xf32, #tpu.memory_space<hbm>> -> memref<10000x128xf32, #tpu.memory_space<hbm>>
      tpu.enqueue_indirect_dma source(%dma_start3A_1067 : memref<10000x128xf32, #tpu.memory_space<hbm>>) target(%arg20 : memref<80x128xf32, #tpu.memory_space<vmem>>) offsets(%dma_start3A_1064 : memref<80xi32, #tpu.memory_space<vmem>>) semaphore(%arg23 : memref<!tpu.dma_semaphore, #tpu.memory_space<semaphore_mem>>)
      %dma_wait3A_1068 = arith.constant 960 : i32
      %dma_wait3A_1069 = tpu.memref_slice %arg15[%dma_wait3A_1068] : memref<2000xi32, #tpu.memory_space<vmem>> -> memref<80xi32, #tpu.memory_space<vmem>>
      %dma_wait3A_1070 = arith.constant 0 : i32
      %dma_wait3A_1071 = arith.constant 0 : i32
      %dma_wait3A_1072 = tpu.memref_slice %arg2[%dma_wait3A_1070, %dma_wait3A_1071] : memref<10000x128xf32, #tpu.memory_space<hbm>> -> memref<10000x128xf32, #tpu.memory_space<hbm>>
      tpu.wait_indirect_dma semaphore(%arg22 : memref<!tpu.dma_semaphore, #tpu.memory_space<semaphore_mem>>) src(%dma_wait3A_1072 : memref<10000x128xf32, #tpu.memory_space<hbm>>) dst(%arg19 : memref<80x128xf32, #tpu.memory_space<vmem>>)
      %dma_start3A_1073 = arith.constant 12 : i32
      %dma_start3A_1074 = arith.constant 0 : i32
      %dma_start3A_1075 = tpu.memref_slice %arg21[%dma_start3A_1073, %dma_start3A_1074] : memref<25x80xi32, #tpu.memory_space<vmem>> -> memref<1x80xi32, #tpu.memory_space<vmem>>
      %dma_start3A_1076 = tpu.memref_squeeze %dma_start3A_1075 : memref<1x80xi32, #tpu.memory_space<vmem>> -> memref<80xi32, #tpu.memory_space<vmem>>
      %dma_start3A_1077 = arith.constant 0 : i32
      %dma_start3A_1078 = arith.constant 0 : i32
      %dma_start3A_1079 = tpu.memref_slice %arg14[%dma_start3A_1077, %dma_start3A_1078] : memref<10000x128xf32, #tpu.memory_space<vmem_shared>> -> memref<10000x128xf32, #tpu.memory_space<vmem_shared>>
      tpu.enqueue_indirect_dma source(%arg19 : memref<80x128xf32, #tpu.memory_space<vmem>>) target(%dma_start3A_1079 : memref<10000x128xf32, #tpu.memory_space<vmem_shared>>) offsets(%dma_start3A_1076 : memref<80xi32, #tpu.memory_space<vmem>>) semaphore(%arg24 : memref<!tpu.dma_semaphore, #tpu.memory_space<semaphore_mem>>) {add = true}
      %get3A_1080 = arith.constant 960 : index
      %get3A_1081 = tpu.vector_load %arg15[%get3A_1080] {strides = array<i32>} : memref<2000xi32, #tpu.memory_space<vmem>>, vector<16xi32>,
      %gather3A_1082 = tpu.vector_load_idx %arg17[%get3A_1081] : memref<10000xf32, #tpu.memory_space<vmem>>[vector<16xi32>], vector<16xf32>,
      %get3A_1083 = arith.constant 12 : i32
      %get3A_1084 = arith.index_cast %get3A_1083 : i32 to index
      %get3A_1085 = arith.constant 0 : index
      %get3A_1086 = tpu.vector_load %arg21[%get3A_1084, %get3A_1085] {strides = array<i32>} : memref<25x80xi32, #tpu.memory_space<vmem>>, vector<16xi32>,
      %get3A_1087 = arith.constant 960 : index
      %get3A_1088 = tpu.vector_load %arg16[%get3A_1087] {strides = array<i32>} : memref<2000xf32, #tpu.memory_space<vmem>>, vector<16xf32>,
      %mul3A_1089 = arith.mulf %gather3A_1082, %get3A_1088 : vector<16xf32>
      tpu.vector_store_idx %arg18[%get3A_1086], %mul3A_1089 {add = true} : memref<10000xf32, #tpu.memory_space<vmem>>[vector<16xi32>], vector<16xf32>,
      %get3A_1090 = arith.constant 976 : index
      %get3A_1091 = tpu.vector_load %arg15[%get3A_1090] {strides = array<i32>} : memref<2000xi32, #tpu.memory_space<vmem>>, vector<16xi32>,
      %gather3A_1092 = tpu.vector_load_idx %arg17[%get3A_1091] : memref<10000xf32, #tpu.memory_space<vmem>>[vector<16xi32>], vector<16xf32>,
      %get3A_1093 = arith.constant 12 : i32
      %get3A_1094 = arith.index_cast %get3A_1093 : i32 to index
      %get3A_1095 = arith.constant 16 : index
      %get3A_1096 = tpu.vector_load %arg21[%get3A_1094, %get3A_1095] {strides = array<i32>} : memref<25x80xi32, #tpu.memory_space<vmem>>, vector<16xi32>,
      %get3A_1097 = arith.constant 976 : index
      %get3A_1098 = tpu.vector_load %arg16[%get3A_1097] {strides = array<i32>} : memref<2000xf32, #tpu.memory_space<vmem>>, vector<16xf32>,
      %mul3A_1099 = arith.mulf %gather3A_1092, %get3A_1098 : vector<16xf32>
      tpu.vector_store_idx %arg18[%get3A_1096], %mul3A_1099 {add = true} : memref<10000xf32, #tpu.memory_space<vmem>>[vector<16xi32>], vector<16xf32>,
      %get3A_1100 = arith.constant 992 : index
      %get3A_1101 = tpu.vector_load %arg15[%get3A_1100] {strides = array<i32>} : memref<2000xi32, #tpu.memory_space<vmem>>, vector<16xi32>,
      %gather3A_1102 = tpu.vector_load_idx %arg17[%get3A_1101] : memref<10000xf32, #tpu.memory_space<vmem>>[vector<16xi32>], vector<16xf32>,
      %get3A_1103 = arith.constant 12 : i32
      %get3A_1104 = arith.index_cast %get3A_1103 : i32 to index
      %get3A_1105 = arith.constant 32 : index
      %get3A_1106 = tpu.vector_load %arg21[%get3A_1104, %get3A_1105] {strides = array<i32>} : memref<25x80xi32, #tpu.memory_space<vmem>>, vector<16xi32>,
      %get3A_1107 = arith.constant 992 : index
      %get3A_1108 = tpu.vector_load %arg16[%get3A_1107] {strides = array<i32>} : memref<2000xf32, #tpu.memory_space<vmem>>, vector<16xf32>,
      %mul3A_1109 = arith.mulf %gather3A_1102, %get3A_1108 : vector<16xf32>
      tpu.vector_store_idx %arg18[%get3A_1106], %mul3A_1109 {add = true} : memref<10000xf32, #tpu.memory_space<vmem>>[vector<16xi32>], vector<16xf32>,
      %get3A_1110 = arith.constant 1008 : index
      %get3A_1111 = tpu.vector_load %arg15[%get3A_1110] {strides = array<i32>} : memref<2000xi32, #tpu.memory_space<vmem>>, vector<16xi32>,
      %gather3A_1112 = tpu.vector_load_idx %arg17[%get3A_1111] : memref<10000xf32, #tpu.memory_space<vmem>>[vector<16xi32>], vector<16xf32>,
      %get3A_1113 = arith.constant 12 : i32
      %get3A_1114 = arith.index_cast %get3A_1113 : i32 to index
      %get3A_1115 = arith.constant 48 : index
      %get3A_1116 = tpu.vector_load %arg21[%get3A_1114, %get3A_1115] {strides = array<i32>} : memref<25x80xi32, #tpu.memory_space<vmem>>, vector<16xi32>,
      %get3A_1117 = arith.constant 1008 : index
      %get3A_1118 = tpu.vector_load %arg16[%get3A_1117] {strides = array<i32>} : memref<2000xf32, #tpu.memory_space<vmem>>, vector<16xf32>,
      %mul3A_1119 = arith.mulf %gather3A_1112, %get3A_1118 : vector<16xf32>
      tpu.vector_store_idx %arg18[%get3A_1116], %mul3A_1119 {add = true} : memref<10000xf32, #tpu.memory_space<vmem>>[vector<16xi32>], vector<16xf32>,
      %get3A_1120 = arith.constant 1024 : index
      %get3A_1121 = tpu.vector_load %arg15[%get3A_1120] {strides = array<i32>} : memref<2000xi32, #tpu.memory_space<vmem>>, vector<16xi32>,
      %gather3A_1122 = tpu.vector_load_idx %arg17[%get3A_1121] : memref<10000xf32, #tpu.memory_space<vmem>>[vector<16xi32>], vector<16xf32>,
      %get3A_1123 = arith.constant 12 : i32
      %get3A_1124 = arith.index_cast %get3A_1123 : i32 to index
      %get3A_1125 = arith.constant 64 : index
      %get3A_1126 = tpu.vector_load %arg21[%get3A_1124, %get3A_1125] {strides = array<i32>} : memref<25x80xi32, #tpu.memory_space<vmem>>, vector<16xi32>,
      %get3A_1127 = arith.constant 1024 : index
      %get3A_1128 = tpu.vector_load %arg16[%get3A_1127] {strides = array<i32>} : memref<2000xf32, #tpu.memory_space<vmem>>, vector<16xf32>,
      %mul3A_1129 = arith.mulf %gather3A_1122, %get3A_1128 : vector<16xf32>
      tpu.vector_store_idx %arg18[%get3A_1126], %mul3A_1129 {add = true} : memref<10000xf32, #tpu.memory_space<vmem>>[vector<16xi32>], vector<16xf32>,
      %dma_wait3A_1130 = arith.constant 12 : i32
      %dma_wait3A_1131 = arith.constant 0 : i32
      %dma_wait3A_1132 = tpu.memref_slice %arg21[%dma_wait3A_1130, %dma_wait3A_1131] : memref<25x80xi32, #tpu.memory_space<vmem>> -> memref<1x80xi32, #tpu.memory_space<vmem>>
      %dma_wait3A_1133 = tpu.memref_squeeze %dma_wait3A_1132 : memref<1x80xi32, #tpu.memory_space<vmem>> -> memref<80xi32, #tpu.memory_space<vmem>>
      %dma_wait3A_1134 = arith.constant 0 : i32
      %dma_wait3A_1135 = arith.constant 0 : i32
      %dma_wait3A_1136 = tpu.memref_slice %arg14[%dma_wait3A_1134, %dma_wait3A_1135] : memref<10000x128xf32, #tpu.memory_space<vmem_shared>> -> memref<10000x128xf32, #tpu.memory_space<vmem_shared>>
      tpu.wait_indirect_dma semaphore(%arg24 : memref<!tpu.dma_semaphore, #tpu.memory_space<semaphore_mem>>) src(%arg19 : memref<80x128xf32, #tpu.memory_space<vmem>>) dst(%dma_wait3A_1136 : memref<10000x128xf32, #tpu.memory_space<vmem_shared>>)
      %dma_start3A_1137 = arith.constant 1120 : i32
      %dma_start3A_1138 = tpu.memref_slice %arg15[%dma_start3A_1137] : memref<2000xi32, #tpu.memory_space<vmem>> -> memref<80xi32, #tpu.memory_space<vmem>>
      %dma_start3A_1139 = arith.constant 0 : i32
      %dma_start3A_1140 = arith.constant 0 : i32
      %dma_start3A_1141 = tpu.memref_slice %arg2[%dma_start3A_1139, %dma_start3A_1140] : memref<10000x128xf32, #tpu.memory_space<hbm>> -> memref<10000x128xf32, #tpu.memory_space<hbm>>
      tpu.enqueue_indirect_dma source(%dma_start3A_1141 : memref<10000x128xf32, #tpu.memory_space<hbm>>) target(%arg19 : memref<80x128xf32, #tpu.memory_space<vmem>>) offsets(%dma_start3A_1138 : memref<80xi32, #tpu.memory_space<vmem>>) semaphore(%arg22 : memref<!tpu.dma_semaphore, #tpu.memory_space<semaphore_mem>>)
      %dma_wait3A_1142 = arith.constant 1040 : i32
      %dma_wait3A_1143 = tpu.memref_slice %arg15[%dma_wait3A_1142] : memref<2000xi32, #tpu.memory_space<vmem>> -> memref<80xi32, #tpu.memory_space<vmem>>
      %dma_wait3A_1144 = arith.constant 0 : i32
      %dma_wait3A_1145 = arith.constant 0 : i32
      %dma_wait3A_1146 = tpu.memref_slice %arg2[%dma_wait3A_1144, %dma_wait3A_1145] : memref<10000x128xf32, #tpu.memory_space<hbm>> -> memref<10000x128xf32, #tpu.memory_space<hbm>>
      tpu.wait_indirect_dma semaphore(%arg23 : memref<!tpu.dma_semaphore, #tpu.memory_space<semaphore_mem>>) src(%dma_wait3A_1146 : memref<10000x128xf32, #tpu.memory_space<hbm>>) dst(%arg20 : memref<80x128xf32, #tpu.memory_space<vmem>>)
      %dma_start3A_1147 = arith.constant 13 : i32
      %dma_start3A_1148 = arith.constant 0 : i32
      %dma_start3A_1149 = tpu.memref_slice %arg21[%dma_start3A_1147, %dma_start3A_1148] : memref<25x80xi32, #tpu.memory_space<vmem>> -> memref<1x80xi32, #tpu.memory_space<vmem>>
      %dma_start3A_1150 = tpu.memref_squeeze %dma_start3A_1149 : memref<1x80xi32, #tpu.memory_space<vmem>> -> memref<80xi32, #tpu.memory_space<vmem>>
      %dma_start3A_1151 = arith.constant 0 : i32
      %dma_start3A_1152 = arith.constant 0 : i32
      %dma_start3A_1153 = tpu.memref_slice %arg14[%dma_start3A_1151, %dma_start3A_1152] : memref<10000x128xf32, #tpu.memory_space<vmem_shared>> -> memref<10000x128xf32, #tpu.memory_space<vmem_shared>>
      tpu.enqueue_indirect_dma source(%arg20 : memref<80x128xf32, #tpu.memory_space<vmem>>) target(%dma_start3A_1153 : memref<10000x128xf32, #tpu.memory_space<vmem_shared>>) offsets(%dma_start3A_1150 : memref<80xi32, #tpu.memory_space<vmem>>) semaphore(%arg25 : memref<!tpu.dma_semaphore, #tpu.memory_space<semaphore_mem>>) {add = true}
      %get3A_1154 = arith.constant 1040 : index
      %get3A_1155 = tpu.vector_load %arg15[%get3A_1154] {strides = array<i32>} : memref<2000xi32, #tpu.memory_space<vmem>>, vector<16xi32>,
      %gather3A_1156 = tpu.vector_load_idx %arg17[%get3A_1155] : memref<10000xf32, #tpu.memory_space<vmem>>[vector<16xi32>], vector<16xf32>,
      %get3A_1157 = arith.constant 13 : i32
      %get3A_1158 = arith.index_cast %get3A_1157 : i32 to index
      %get3A_1159 = arith.constant 0 : index
      %get3A_1160 = tpu.vector_load %arg21[%get3A_1158, %get3A_1159] {strides = array<i32>} : memref<25x80xi32, #tpu.memory_space<vmem>>, vector<16xi32>,
      %get3A_1161 = arith.constant 1040 : index
      %get3A_1162 = tpu.vector_load %arg16[%get3A_1161] {strides = array<i32>} : memref<2000xf32, #tpu.memory_space<vmem>>, vector<16xf32>,
      %mul3A_1163 = arith.mulf %gather3A_1156, %get3A_1162 : vector<16xf32>
      tpu.vector_store_idx %arg18[%get3A_1160], %mul3A_1163 {add = true} : memref<10000xf32, #tpu.memory_space<vmem>>[vector<16xi32>], vector<16xf32>,
      %get3A_1164 = arith.constant 1056 : index
      %get3A_1165 = tpu.vector_load %arg15[%get3A_1164] {strides = array<i32>} : memref<2000xi32, #tpu.memory_space<vmem>>, vector<16xi32>,
      %gather3A_1166 = tpu.vector_load_idx %arg17[%get3A_1165] : memref<10000xf32, #tpu.memory_space<vmem>>[vector<16xi32>], vector<16xf32>,
      %get3A_1167 = arith.constant 13 : i32
      %get3A_1168 = arith.index_cast %get3A_1167 : i32 to index
      %get3A_1169 = arith.constant 16 : index
      %get3A_1170 = tpu.vector_load %arg21[%get3A_1168, %get3A_1169] {strides = array<i32>} : memref<25x80xi32, #tpu.memory_space<vmem>>, vector<16xi32>,
      %get3A_1171 = arith.constant 1056 : index
      %get3A_1172 = tpu.vector_load %arg16[%get3A_1171] {strides = array<i32>} : memref<2000xf32, #tpu.memory_space<vmem>>, vector<16xf32>,
      %mul3A_1173 = arith.mulf %gather3A_1166, %get3A_1172 : vector<16xf32>
      tpu.vector_store_idx %arg18[%get3A_1170], %mul3A_1173 {add = true} : memref<10000xf32, #tpu.memory_space<vmem>>[vector<16xi32>], vector<16xf32>,
      %get3A_1174 = arith.constant 1072 : index
      %get3A_1175 = tpu.vector_load %arg15[%get3A_1174] {strides = array<i32>} : memref<2000xi32, #tpu.memory_space<vmem>>, vector<16xi32>,
      %gather3A_1176 = tpu.vector_load_idx %arg17[%get3A_1175] : memref<10000xf32, #tpu.memory_space<vmem>>[vector<16xi32>], vector<16xf32>,
      %get3A_1177 = arith.constant 13 : i32
      %get3A_1178 = arith.index_cast %get3A_1177 : i32 to index
      %get3A_1179 = arith.constant 32 : index
      %get3A_1180 = tpu.vector_load %arg21[%get3A_1178, %get3A_1179] {strides = array<i32>} : memref<25x80xi32, #tpu.memory_space<vmem>>, vector<16xi32>,
      %get3A_1181 = arith.constant 1072 : index
      %get3A_1182 = tpu.vector_load %arg16[%get3A_1181] {strides = array<i32>} : memref<2000xf32, #tpu.memory_space<vmem>>, vector<16xf32>,
      %mul3A_1183 = arith.mulf %gather3A_1176, %get3A_1182 : vector<16xf32>
      tpu.vector_store_idx %arg18[%get3A_1180], %mul3A_1183 {add = true} : memref<10000xf32, #tpu.memory_space<vmem>>[vector<16xi32>], vector<16xf32>,
      %get3A_1184 = arith.constant 1088 : index
      %get3A_1185 = tpu.vector_load %arg15[%get3A_1184] {strides = array<i32>} : memref<2000xi32, #tpu.memory_space<vmem>>, vector<16xi32>,
      %gather3A_1186 = tpu.vector_load_idx %arg17[%get3A_1185] : memref<10000xf32, #tpu.memory_space<vmem>>[vector<16xi32>], vector<16xf32>,
      %get3A_1187 = arith.constant 13 : i32
      %get3A_1188 = arith.index_cast %get3A_1187 : i32 to index
      %get3A_1189 = arith.constant 48 : index
      %get3A_1190 = tpu.vector_load %arg21[%get3A_1188, %get3A_1189] {strides = array<i32>} : memref<25x80xi32, #tpu.memory_space<vmem>>, vector<16xi32>,
      %get3A_1191 = arith.constant 1088 : index
      %get3A_1192 = tpu.vector_load %arg16[%get3A_1191] {strides = array<i32>} : memref<2000xf32, #tpu.memory_space<vmem>>, vector<16xf32>,
      %mul3A_1193 = arith.mulf %gather3A_1186, %get3A_1192 : vector<16xf32>
      tpu.vector_store_idx %arg18[%get3A_1190], %mul3A_1193 {add = true} : memref<10000xf32, #tpu.memory_space<vmem>>[vector<16xi32>], vector<16xf32>,
      %get3A_1194 = arith.constant 1104 : index
      %get3A_1195 = tpu.vector_load %arg15[%get3A_1194] {strides = array<i32>} : memref<2000xi32, #tpu.memory_space<vmem>>, vector<16xi32>,
      %gather3A_1196 = tpu.vector_load_idx %arg17[%get3A_1195] : memref<10000xf32, #tpu.memory_space<vmem>>[vector<16xi32>], vector<16xf32>,
      %get3A_1197 = arith.constant 13 : i32
      %get3A_1198 = arith.index_cast %get3A_1197 : i32 to index
      %get3A_1199 = arith.constant 64 : index
      %get3A_1200 = tpu.vector_load %arg21[%get3A_1198, %get3A_1199] {strides = array<i32>} : memref<25x80xi32, #tpu.memory_space<vmem>>, vector<16xi32>,
      %get3A_1201 = arith.constant 1104 : index
      %get3A_1202 = tpu.vector_load %arg16[%get3A_1201] {strides = array<i32>} : memref<2000xf32, #tpu.memory_space<vmem>>, vector<16xf32>,
      %mul3A_1203 = arith.mulf %gather3A_1196, %get3A_1202 : vector<16xf32>
      tpu.vector_store_idx %arg18[%get3A_1200], %mul3A_1203 {add = true} : memref<10000xf32, #tpu.memory_space<vmem>>[vector<16xi32>], vector<16xf32>,
      %dma_wait3A_1204 = arith.constant 13 : i32
      %dma_wait3A_1205 = arith.constant 0 : i32
      %dma_wait3A_1206 = tpu.memref_slice %arg21[%dma_wait3A_1204, %dma_wait3A_1205] : memref<25x80xi32, #tpu.memory_space<vmem>> -> memref<1x80xi32, #tpu.memory_space<vmem>>
      %dma_wait3A_1207 = tpu.memref_squeeze %dma_wait3A_1206 : memref<1x80xi32, #tpu.memory_space<vmem>> -> memref<80xi32, #tpu.memory_space<vmem>>
      %dma_wait3A_1208 = arith.constant 0 : i32
      %dma_wait3A_1209 = arith.constant 0 : i32
      %dma_wait3A_1210 = tpu.memref_slice %arg14[%dma_wait3A_1208, %dma_wait3A_1209] : memref<10000x128xf32, #tpu.memory_space<vmem_shared>> -> memref<10000x128xf32, #tpu.memory_space<vmem_shared>>
      tpu.wait_indirect_dma semaphore(%arg25 : memref<!tpu.dma_semaphore, #tpu.memory_space<semaphore_mem>>) src(%arg20 : memref<80x128xf32, #tpu.memory_space<vmem>>) dst(%dma_wait3A_1210 : memref<10000x128xf32, #tpu.memory_space<vmem_shared>>)
      %dma_start3A_1211 = arith.constant 1200 : i32
      %dma_start3A_1212 = tpu.memref_slice %arg15[%dma_start3A_1211] : memref<2000xi32, #tpu.memory_space<vmem>> -> memref<80xi32, #tpu.memory_space<vmem>>
      %dma_start3A_1213 = arith.constant 0 : i32
      %dma_start3A_1214 = arith.constant 0 : i32
      %dma_start3A_1215 = tpu.memref_slice %arg2[%dma_start3A_1213, %dma_start3A_1214] : memref<10000x128xf32, #tpu.memory_space<hbm>> -> memref<10000x128xf32, #tpu.memory_space<hbm>>
      tpu.enqueue_indirect_dma source(%dma_start3A_1215 : memref<10000x128xf32, #tpu.memory_space<hbm>>) target(%arg20 : memref<80x128xf32, #tpu.memory_space<vmem>>) offsets(%dma_start3A_1212 : memref<80xi32, #tpu.memory_space<vmem>>) semaphore(%arg23 : memref<!tpu.dma_semaphore, #tpu.memory_space<semaphore_mem>>)
      %dma_wait3A_1216 = arith.constant 1120 : i32
      %dma_wait3A_1217 = tpu.memref_slice %arg15[%dma_wait3A_1216] : memref<2000xi32, #tpu.memory_space<vmem>> -> memref<80xi32, #tpu.memory_space<vmem>>
      %dma_wait3A_1218 = arith.constant 0 : i32
      %dma_wait3A_1219 = arith.constant 0 : i32
      %dma_wait3A_1220 = tpu.memref_slice %arg2[%dma_wait3A_1218, %dma_wait3A_1219] : memref<10000x128xf32, #tpu.memory_space<hbm>> -> memref<10000x128xf32, #tpu.memory_space<hbm>>
      tpu.wait_indirect_dma semaphore(%arg22 : memref<!tpu.dma_semaphore, #tpu.memory_space<semaphore_mem>>) src(%dma_wait3A_1220 : memref<10000x128xf32, #tpu.memory_space<hbm>>) dst(%arg19 : memref<80x128xf32, #tpu.memory_space<vmem>>)
      %dma_start3A_1221 = arith.constant 14 : i32
      %dma_start3A_1222 = arith.constant 0 : i32
      %dma_start3A_1223 = tpu.memref_slice %arg21[%dma_start3A_1221, %dma_start3A_1222] : memref<25x80xi32, #tpu.memory_space<vmem>> -> memref<1x80xi32, #tpu.memory_space<vmem>>
      %dma_start3A_1224 = tpu.memref_squeeze %dma_start3A_1223 : memref<1x80xi32, #tpu.memory_space<vmem>> -> memref<80xi32, #tpu.memory_space<vmem>>
      %dma_start3A_1225 = arith.constant 0 : i32
      %dma_start3A_1226 = arith.constant 0 : i32
      %dma_start3A_1227 = tpu.memref_slice %arg14[%dma_start3A_1225, %dma_start3A_1226] : memref<10000x128xf32, #tpu.memory_space<vmem_shared>> -> memref<10000x128xf32, #tpu.memory_space<vmem_shared>>
      tpu.enqueue_indirect_dma source(%arg19 : memref<80x128xf32, #tpu.memory_space<vmem>>) target(%dma_start3A_1227 : memref<10000x128xf32, #tpu.memory_space<vmem_shared>>) offsets(%dma_start3A_1224 : memref<80xi32, #tpu.memory_space<vmem>>) semaphore(%arg24 : memref<!tpu.dma_semaphore, #tpu.memory_space<semaphore_mem>>) {add = true}
      %get3A_1228 = arith.constant 1120 : index
      %get3A_1229 = tpu.vector_load %arg15[%get3A_1228] {strides = array<i32>} : memref<2000xi32, #tpu.memory_space<vmem>>, vector<16xi32>,
      %gather3A_1230 = tpu.vector_load_idx %arg17[%get3A_1229] : memref<10000xf32, #tpu.memory_space<vmem>>[vector<16xi32>], vector<16xf32>,
      %get3A_1231 = arith.constant 14 : i32
      %get3A_1232 = arith.index_cast %get3A_1231 : i32 to index
      %get3A_1233 = arith.constant 0 : index
      %get3A_1234 = tpu.vector_load %arg21[%get3A_1232, %get3A_1233] {strides = array<i32>} : memref<25x80xi32, #tpu.memory_space<vmem>>, vector<16xi32>,
      %get3A_1235 = arith.constant 1120 : index
      %get3A_1236 = tpu.vector_load %arg16[%get3A_1235] {strides = array<i32>} : memref<2000xf32, #tpu.memory_space<vmem>>, vector<16xf32>,
      %mul3A_1237 = arith.mulf %gather3A_1230, %get3A_1236 : vector<16xf32>
      tpu.vector_store_idx %arg18[%get3A_1234], %mul3A_1237 {add = true} : memref<10000xf32, #tpu.memory_space<vmem>>[vector<16xi32>], vector<16xf32>,
      %get3A_1238 = arith.constant 1136 : index
      %get3A_1239 = tpu.vector_load %arg15[%get3A_1238] {strides = array<i32>} : memref<2000xi32, #tpu.memory_space<vmem>>, vector<16xi32>,
      %gather3A_1240 = tpu.vector_load_idx %arg17[%get3A_1239] : memref<10000xf32, #tpu.memory_space<vmem>>[vector<16xi32>], vector<16xf32>,
      %get3A_1241 = arith.constant 14 : i32
      %get3A_1242 = arith.index_cast %get3A_1241 : i32 to index
      %get3A_1243 = arith.constant 16 : index
      %get3A_1244 = tpu.vector_load %arg21[%get3A_1242, %get3A_1243] {strides = array<i32>} : memref<25x80xi32, #tpu.memory_space<vmem>>, vector<16xi32>,
      %get3A_1245 = arith.constant 1136 : index
      %get3A_1246 = tpu.vector_load %arg16[%get3A_1245] {strides = array<i32>} : memref<2000xf32, #tpu.memory_space<vmem>>, vector<16xf32>,
      %mul3A_1247 = arith.mulf %gather3A_1240, %get3A_1246 : vector<16xf32>
      tpu.vector_store_idx %arg18[%get3A_1244], %mul3A_1247 {add = true} : memref<10000xf32, #tpu.memory_space<vmem>>[vector<16xi32>], vector<16xf32>,
      %get3A_1248 = arith.constant 1152 : index
      %get3A_1249 = tpu.vector_load %arg15[%get3A_1248] {strides = array<i32>} : memref<2000xi32, #tpu.memory_space<vmem>>, vector<16xi32>,
      %gather3A_1250 = tpu.vector_load_idx %arg17[%get3A_1249] : memref<10000xf32, #tpu.memory_space<vmem>>[vector<16xi32>], vector<16xf32>,
      %get3A_1251 = arith.constant 14 : i32
      %get3A_1252 = arith.index_cast %get3A_1251 : i32 to index
      %get3A_1253 = arith.constant 32 : index
      %get3A_1254 = tpu.vector_load %arg21[%get3A_1252, %get3A_1253] {strides = array<i32>} : memref<25x80xi32, #tpu.memory_space<vmem>>, vector<16xi32>,
      %get3A_1255 = arith.constant 1152 : index
      %get3A_1256 = tpu.vector_load %arg16[%get3A_1255] {strides = array<i32>} : memref<2000xf32, #tpu.memory_space<vmem>>, vector<16xf32>,
      %mul3A_1257 = arith.mulf %gather3A_1250, %get3A_1256 : vector<16xf32>
      tpu.vector_store_idx %arg18[%get3A_1254], %mul3A_1257 {add = true} : memref<10000xf32, #tpu.memory_space<vmem>>[vector<16xi32>], vector<16xf32>,
      %get3A_1258 = arith.constant 1168 : index
      %get3A_1259 = tpu.vector_load %arg15[%get3A_1258] {strides = array<i32>} : memref<2000xi32, #tpu.memory_space<vmem>>, vector<16xi32>,
      %gather3A_1260 = tpu.vector_load_idx %arg17[%get3A_1259] : memref<10000xf32, #tpu.memory_space<vmem>>[vector<16xi32>], vector<16xf32>,
      %get3A_1261 = arith.constant 14 : i32
      %get3A_1262 = arith.index_cast %get3A_1261 : i32 to index
      %get3A_1263 = arith.constant 48 : index
      %get3A_1264 = tpu.vector_load %arg21[%get3A_1262, %get3A_1263] {strides = array<i32>} : memref<25x80xi32, #tpu.memory_space<vmem>>, vector<16xi32>,
      %get3A_1265 = arith.constant 1168 : index
      %get3A_1266 = tpu.vector_load %arg16[%get3A_1265] {strides = array<i32>} : memref<2000xf32, #tpu.memory_space<vmem>>, vector<16xf32>,
      %mul3A_1267 = arith.mulf %gather3A_1260, %get3A_1266 : vector<16xf32>
      tpu.vector_store_idx %arg18[%get3A_1264], %mul3A_1267 {add = true} : memref<10000xf32, #tpu.memory_space<vmem>>[vector<16xi32>], vector<16xf32>,
      %get3A_1268 = arith.constant 1184 : index
      %get3A_1269 = tpu.vector_load %arg15[%get3A_1268] {strides = array<i32>} : memref<2000xi32, #tpu.memory_space<vmem>>, vector<16xi32>,
      %gather3A_1270 = tpu.vector_load_idx %arg17[%get3A_1269] : memref<10000xf32, #tpu.memory_space<vmem>>[vector<16xi32>], vector<16xf32>,
      %get3A_1271 = arith.constant 14 : i32
      %get3A_1272 = arith.index_cast %get3A_1271 : i32 to index
      %get3A_1273 = arith.constant 64 : index
      %get3A_1274 = tpu.vector_load %arg21[%get3A_1272, %get3A_1273] {strides = array<i32>} : memref<25x80xi32, #tpu.memory_space<vmem>>, vector<16xi32>,
      %get3A_1275 = arith.constant 1184 : index
      %get3A_1276 = tpu.vector_load %arg16[%get3A_1275] {strides = array<i32>} : memref<2000xf32, #tpu.memory_space<vmem>>, vector<16xf32>,
      %mul3A_1277 = arith.mulf %gather3A_1270, %get3A_1276 : vector<16xf32>
      tpu.vector_store_idx %arg18[%get3A_1274], %mul3A_1277 {add = true} : memref<10000xf32, #tpu.memory_space<vmem>>[vector<16xi32>], vector<16xf32>,
      %dma_wait3A_1278 = arith.constant 14 : i32
      %dma_wait3A_1279 = arith.constant 0 : i32
      %dma_wait3A_1280 = tpu.memref_slice %arg21[%dma_wait3A_1278, %dma_wait3A_1279] : memref<25x80xi32, #tpu.memory_space<vmem>> -> memref<1x80xi32, #tpu.memory_space<vmem>>
      %dma_wait3A_1281 = tpu.memref_squeeze %dma_wait3A_1280 : memref<1x80xi32, #tpu.memory_space<vmem>> -> memref<80xi32, #tpu.memory_space<vmem>>
      %dma_wait3A_1282 = arith.constant 0 : i32
      %dma_wait3A_1283 = arith.constant 0 : i32
      %dma_wait3A_1284 = tpu.memref_slice %arg14[%dma_wait3A_1282, %dma_wait3A_1283] : memref<10000x128xf32, #tpu.memory_space<vmem_shared>> -> memref<10000x128xf32, #tpu.memory_space<vmem_shared>>
      tpu.wait_indirect_dma semaphore(%arg24 : memref<!tpu.dma_semaphore, #tpu.memory_space<semaphore_mem>>) src(%arg19 : memref<80x128xf32, #tpu.memory_space<vmem>>) dst(%dma_wait3A_1284 : memref<10000x128xf32, #tpu.memory_space<vmem_shared>>)
      %dma_start3A_1285 = arith.constant 1280 : i32
      %dma_start3A_1286 = tpu.memref_slice %arg15[%dma_start3A_1285] : memref<2000xi32, #tpu.memory_space<vmem>> -> memref<80xi32, #tpu.memory_space<vmem>>
      %dma_start3A_1287 = arith.constant 0 : i32
      %dma_start3A_1288 = arith.constant 0 : i32
      %dma_start3A_1289 = tpu.memref_slice %arg2[%dma_start3A_1287, %dma_start3A_1288] : memref<10000x128xf32, #tpu.memory_space<hbm>> -> memref<10000x128xf32, #tpu.memory_space<hbm>>
      tpu.enqueue_indirect_dma source(%dma_start3A_1289 : memref<10000x128xf32, #tpu.memory_space<hbm>>) target(%arg19 : memref<80x128xf32, #tpu.memory_space<vmem>>) offsets(%dma_start3A_1286 : memref<80xi32, #tpu.memory_space<vmem>>) semaphore(%arg22 : memref<!tpu.dma_semaphore, #tpu.memory_space<semaphore_mem>>)
      %dma_wait3A_1290 = arith.constant 1200 : i32
      %dma_wait3A_1291 = tpu.memref_slice %arg15[%dma_wait3A_1290] : memref<2000xi32, #tpu.memory_space<vmem>> -> memref<80xi32, #tpu.memory_space<vmem>>
      %dma_wait3A_1292 = arith.constant 0 : i32
      %dma_wait3A_1293 = arith.constant 0 : i32
      %dma_wait3A_1294 = tpu.memref_slice %arg2[%dma_wait3A_1292, %dma_wait3A_1293] : memref<10000x128xf32, #tpu.memory_space<hbm>> -> memref<10000x128xf32, #tpu.memory_space<hbm>>
      tpu.wait_indirect_dma semaphore(%arg23 : memref<!tpu.dma_semaphore, #tpu.memory_space<semaphore_mem>>) src(%dma_wait3A_1294 : memref<10000x128xf32, #tpu.memory_space<hbm>>) dst(%arg20 : memref<80x128xf32, #tpu.memory_space<vmem>>)
      %dma_start3A_1295 = arith.constant 15 : i32
      %dma_start3A_1296 = arith.constant 0 : i32
      %dma_start3A_1297 = tpu.memref_slice %arg21[%dma_start3A_1295, %dma_start3A_1296] : memref<25x80xi32, #tpu.memory_space<vmem>> -> memref<1x80xi32, #tpu.memory_space<vmem>>
      %dma_start3A_1298 = tpu.memref_squeeze %dma_start3A_1297 : memref<1x80xi32, #tpu.memory_space<vmem>> -> memref<80xi32, #tpu.memory_space<vmem>>
      %dma_start3A_1299 = arith.constant 0 : i32
      %dma_start3A_1300 = arith.constant 0 : i32
      %dma_start3A_1301 = tpu.memref_slice %arg14[%dma_start3A_1299, %dma_start3A_1300] : memref<10000x128xf32, #tpu.memory_space<vmem_shared>> -> memref<10000x128xf32, #tpu.memory_space<vmem_shared>>
      tpu.enqueue_indirect_dma source(%arg20 : memref<80x128xf32, #tpu.memory_space<vmem>>) target(%dma_start3A_1301 : memref<10000x128xf32, #tpu.memory_space<vmem_shared>>) offsets(%dma_start3A_1298 : memref<80xi32, #tpu.memory_space<vmem>>) semaphore(%arg25 : memref<!tpu.dma_semaphore, #tpu.memory_space<semaphore_mem>>) {add = true}
      %get3A_1302 = arith.constant 1200 : index
      %get3A_1303 = tpu.vector_load %arg15[%get3A_1302] {strides = array<i32>} : memref<2000xi32, #tpu.memory_space<vmem>>, vector<16xi32>,
      %gather3A_1304 = tpu.vector_load_idx %arg17[%get3A_1303] : memref<10000xf32, #tpu.memory_space<vmem>>[vector<16xi32>], vector<16xf32>,
      %get3A_1305 = arith.constant 15 : i32
      %get3A_1306 = arith.index_cast %get3A_1305 : i32 to index
      %get3A_1307 = arith.constant 0 : index
      %get3A_1308 = tpu.vector_load %arg21[%get3A_1306, %get3A_1307] {strides = array<i32>} : memref<25x80xi32, #tpu.memory_space<vmem>>, vector<16xi32>,
      %get3A_1309 = arith.constant 1200 : index
      %get3A_1310 = tpu.vector_load %arg16[%get3A_1309] {strides = array<i32>} : memref<2000xf32, #tpu.memory_space<vmem>>, vector<16xf32>,
      %mul3A_1311 = arith.mulf %gather3A_1304, %get3A_1310 : vector<16xf32>
      tpu.vector_store_idx %arg18[%get3A_1308], %mul3A_1311 {add = true} : memref<10000xf32, #tpu.memory_space<vmem>>[vector<16xi32>], vector<16xf32>,
      %get3A_1312 = arith.constant 1216 : index
      %get3A_1313 = tpu.vector_load %arg15[%get3A_1312] {strides = array<i32>} : memref<2000xi32, #tpu.memory_space<vmem>>, vector<16xi32>,
      %gather3A_1314 = tpu.vector_load_idx %arg17[%get3A_1313] : memref<10000xf32, #tpu.memory_space<vmem>>[vector<16xi32>], vector<16xf32>,
      %get3A_1315 = arith.constant 15 : i32
      %get3A_1316 = arith.index_cast %get3A_1315 : i32 to index
      %get3A_1317 = arith.constant 16 : index
      %get3A_1318 = tpu.vector_load %arg21[%get3A_1316, %get3A_1317] {strides = array<i32>} : memref<25x80xi32, #tpu.memory_space<vmem>>, vector<16xi32>,
      %get3A_1319 = arith.constant 1216 : index
      %get3A_1320 = tpu.vector_load %arg16[%get3A_1319] {strides = array<i32>} : memref<2000xf32, #tpu.memory_space<vmem>>, vector<16xf32>,
      %mul3A_1321 = arith.mulf %gather3A_1314, %get3A_1320 : vector<16xf32>
      tpu.vector_store_idx %arg18[%get3A_1318], %mul3A_1321 {add = true} : memref<10000xf32, #tpu.memory_space<vmem>>[vector<16xi32>], vector<16xf32>,
      %get3A_1322 = arith.constant 1232 : index
      %get3A_1323 = tpu.vector_load %arg15[%get3A_1322] {strides = array<i32>} : memref<2000xi32, #tpu.memory_space<vmem>>, vector<16xi32>,
      %gather3A_1324 = tpu.vector_load_idx %arg17[%get3A_1323] : memref<10000xf32, #tpu.memory_space<vmem>>[vector<16xi32>], vector<16xf32>,
      %get3A_1325 = arith.constant 15 : i32
      %get3A_1326 = arith.index_cast %get3A_1325 : i32 to index
      %get3A_1327 = arith.constant 32 : index
      %get3A_1328 = tpu.vector_load %arg21[%get3A_1326, %get3A_1327] {strides = array<i32>} : memref<25x80xi32, #tpu.memory_space<vmem>>, vector<16xi32>,
      %get3A_1329 = arith.constant 1232 : index
      %get3A_1330 = tpu.vector_load %arg16[%get3A_1329] {strides = array<i32>} : memref<2000xf32, #tpu.memory_space<vmem>>, vector<16xf32>,
      %mul3A_1331 = arith.mulf %gather3A_1324, %get3A_1330 : vector<16xf32>
      tpu.vector_store_idx %arg18[%get3A_1328], %mul3A_1331 {add = true} : memref<10000xf32, #tpu.memory_space<vmem>>[vector<16xi32>], vector<16xf32>,
      %get3A_1332 = arith.constant 1248 : index
      %get3A_1333 = tpu.vector_load %arg15[%get3A_1332] {strides = array<i32>} : memref<2000xi32, #tpu.memory_space<vmem>>, vector<16xi32>,
      %gather3A_1334 = tpu.vector_load_idx %arg17[%get3A_1333] : memref<10000xf32, #tpu.memory_space<vmem>>[vector<16xi32>], vector<16xf32>,
      %get3A_1335 = arith.constant 15 : i32
      %get3A_1336 = arith.index_cast %get3A_1335 : i32 to index
      %get3A_1337 = arith.constant 48 : index
      %get3A_1338 = tpu.vector_load %arg21[%get3A_1336, %get3A_1337] {strides = array<i32>} : memref<25x80xi32, #tpu.memory_space<vmem>>, vector<16xi32>,
      %get3A_1339 = arith.constant 1248 : index
      %get3A_1340 = tpu.vector_load %arg16[%get3A_1339] {strides = array<i32>} : memref<2000xf32, #tpu.memory_space<vmem>>, vector<16xf32>,
      %mul3A_1341 = arith.mulf %gather3A_1334, %get3A_1340 : vector<16xf32>
      tpu.vector_store_idx %arg18[%get3A_1338], %mul3A_1341 {add = true} : memref<10000xf32, #tpu.memory_space<vmem>>[vector<16xi32>], vector<16xf32>,
      %get3A_1342 = arith.constant 1264 : index
      %get3A_1343 = tpu.vector_load %arg15[%get3A_1342] {strides = array<i32>} : memref<2000xi32, #tpu.memory_space<vmem>>, vector<16xi32>,
      %gather3A_1344 = tpu.vector_load_idx %arg17[%get3A_1343] : memref<10000xf32, #tpu.memory_space<vmem>>[vector<16xi32>], vector<16xf32>,
      %get3A_1345 = arith.constant 15 : i32
      %get3A_1346 = arith.index_cast %get3A_1345 : i32 to index
      %get3A_1347 = arith.constant 64 : index
      %get3A_1348 = tpu.vector_load %arg21[%get3A_1346, %get3A_1347] {strides = array<i32>} : memref<25x80xi32, #tpu.memory_space<vmem>>, vector<16xi32>,
      %get3A_1349 = arith.constant 1264 : index
      %get3A_1350 = tpu.vector_load %arg16[%get3A_1349] {strides = array<i32>} : memref<2000xf32, #tpu.memory_space<vmem>>, vector<16xf32>,
      %mul3A_1351 = arith.mulf %gather3A_1344, %get3A_1350 : vector<16xf32>
      tpu.vector_store_idx %arg18[%get3A_1348], %mul3A_1351 {add = true} : memref<10000xf32, #tpu.memory_space<vmem>>[vector<16xi32>], vector<16xf32>,
      %dma_wait3A_1352 = arith.constant 15 : i32
      %dma_wait3A_1353 = arith.constant 0 : i32
      %dma_wait3A_1354 = tpu.memref_slice %arg21[%dma_wait3A_1352, %dma_wait3A_1353] : memref<25x80xi32, #tpu.memory_space<vmem>> -> memref<1x80xi32, #tpu.memory_space<vmem>>
      %dma_wait3A_1355 = tpu.memref_squeeze %dma_wait3A_1354 : memref<1x80xi32, #tpu.memory_space<vmem>> -> memref<80xi32, #tpu.memory_space<vmem>>
      %dma_wait3A_1356 = arith.constant 0 : i32
      %dma_wait3A_1357 = arith.constant 0 : i32
      %dma_wait3A_1358 = tpu.memref_slice %arg14[%dma_wait3A_1356, %dma_wait3A_1357] : memref<10000x128xf32, #tpu.memory_space<vmem_shared>> -> memref<10000x128xf32, #tpu.memory_space<vmem_shared>>
      tpu.wait_indirect_dma semaphore(%arg25 : memref<!tpu.dma_semaphore, #tpu.memory_space<semaphore_mem>>) src(%arg20 : memref<80x128xf32, #tpu.memory_space<vmem>>) dst(%dma_wait3A_1358 : memref<10000x128xf32, #tpu.memory_space<vmem_shared>>)
      %dma_start3A_1359 = arith.constant 1360 : i32
      %dma_start3A_1360 = tpu.memref_slice %arg15[%dma_start3A_1359] : memref<2000xi32, #tpu.memory_space<vmem>> -> memref<80xi32, #tpu.memory_space<vmem>>
      %dma_start3A_1361 = arith.constant 0 : i32
      %dma_start3A_1362 = arith.constant 0 : i32
      %dma_start3A_1363 = tpu.memref_slice %arg2[%dma_start3A_1361, %dma_start3A_1362] : memref<10000x128xf32, #tpu.memory_space<hbm>> -> memref<10000x128xf32, #tpu.memory_space<hbm>>
      tpu.enqueue_indirect_dma source(%dma_start3A_1363 : memref<10000x128xf32, #tpu.memory_space<hbm>>) target(%arg20 : memref<80x128xf32, #tpu.memory_space<vmem>>) offsets(%dma_start3A_1360 : memref<80xi32, #tpu.memory_space<vmem>>) semaphore(%arg23 : memref<!tpu.dma_semaphore, #tpu.memory_space<semaphore_mem>>)
      %dma_wait3A_1364 = arith.constant 1280 : i32
      %dma_wait3A_1365 = tpu.memref_slice %arg15[%dma_wait3A_1364] : memref<2000xi32, #tpu.memory_space<vmem>> -> memref<80xi32, #tpu.memory_space<vmem>>
      %dma_wait3A_1366 = arith.constant 0 : i32
      %dma_wait3A_1367 = arith.constant 0 : i32
      %dma_wait3A_1368 = tpu.memref_slice %arg2[%dma_wait3A_1366, %dma_wait3A_1367] : memref<10000x128xf32, #tpu.memory_space<hbm>> -> memref<10000x128xf32, #tpu.memory_space<hbm>>
      tpu.wait_indirect_dma semaphore(%arg22 : memref<!tpu.dma_semaphore, #tpu.memory_space<semaphore_mem>>) src(%dma_wait3A_1368 : memref<10000x128xf32, #tpu.memory_space<hbm>>) dst(%arg19 : memref<80x128xf32, #tpu.memory_space<vmem>>)
      %dma_start3A_1369 = arith.constant 16 : i32
      %dma_start3A_1370 = arith.constant 0 : i32
      %dma_start3A_1371 = tpu.memref_slice %arg21[%dma_start3A_1369, %dma_start3A_1370] : memref<25x80xi32, #tpu.memory_space<vmem>> -> memref<1x80xi32, #tpu.memory_space<vmem>>
      %dma_start3A_1372 = tpu.memref_squeeze %dma_start3A_1371 : memref<1x80xi32, #tpu.memory_space<vmem>> -> memref<80xi32, #tpu.memory_space<vmem>>
      %dma_start3A_1373 = arith.constant 0 : i32
      %dma_start3A_1374 = arith.constant 0 : i32
      %dma_start3A_1375 = tpu.memref_slice %arg14[%dma_start3A_1373, %dma_start3A_1374] : memref<10000x128xf32, #tpu.memory_space<vmem_shared>> -> memref<10000x128xf32, #tpu.memory_space<vmem_shared>>
      tpu.enqueue_indirect_dma source(%arg19 : memref<80x128xf32, #tpu.memory_space<vmem>>) target(%dma_start3A_1375 : memref<10000x128xf32, #tpu.memory_space<vmem_shared>>) offsets(%dma_start3A_1372 : memref<80xi32, #tpu.memory_space<vmem>>) semaphore(%arg24 : memref<!tpu.dma_semaphore, #tpu.memory_space<semaphore_mem>>) {add = true}
      %get3A_1376 = arith.constant 1280 : index
      %get3A_1377 = tpu.vector_load %arg15[%get3A_1376] {strides = array<i32>} : memref<2000xi32, #tpu.memory_space<vmem>>, vector<16xi32>,
      %gather3A_1378 = tpu.vector_load_idx %arg17[%get3A_1377] : memref<10000xf32, #tpu.memory_space<vmem>>[vector<16xi32>], vector<16xf32>,
      %get3A_1379 = arith.constant 16 : i32
      %get3A_1380 = arith.index_cast %get3A_1379 : i32 to index
      %get3A_1381 = arith.constant 0 : index
      %get3A_1382 = tpu.vector_load %arg21[%get3A_1380, %get3A_1381] {strides = array<i32>} : memref<25x80xi32, #tpu.memory_space<vmem>>, vector<16xi32>,
      %get3A_1383 = arith.constant 1280 : index
      %get3A_1384 = tpu.vector_load %arg16[%get3A_1383] {strides = array<i32>} : memref<2000xf32, #tpu.memory_space<vmem>>, vector<16xf32>,
      %mul3A_1385 = arith.mulf %gather3A_1378, %get3A_1384 : vector<16xf32>
      tpu.vector_store_idx %arg18[%get3A_1382], %mul3A_1385 {add = true} : memref<10000xf32, #tpu.memory_space<vmem>>[vector<16xi32>], vector<16xf32>,
      %get3A_1386 = arith.constant 1296 : index
      %get3A_1387 = tpu.vector_load %arg15[%get3A_1386] {strides = array<i32>} : memref<2000xi32, #tpu.memory_space<vmem>>, vector<16xi32>,
      %gather3A_1388 = tpu.vector_load_idx %arg17[%get3A_1387] : memref<10000xf32, #tpu.memory_space<vmem>>[vector<16xi32>], vector<16xf32>,
      %get3A_1389 = arith.constant 16 : i32
      %get3A_1390 = arith.index_cast %get3A_1389 : i32 to index
      %get3A_1391 = arith.constant 16 : index
      %get3A_1392 = tpu.vector_load %arg21[%get3A_1390, %get3A_1391] {strides = array<i32>} : memref<25x80xi32, #tpu.memory_space<vmem>>, vector<16xi32>,
      %get3A_1393 = arith.constant 1296 : index
      %get3A_1394 = tpu.vector_load %arg16[%get3A_1393] {strides = array<i32>} : memref<2000xf32, #tpu.memory_space<vmem>>, vector<16xf32>,
      %mul3A_1395 = arith.mulf %gather3A_1388, %get3A_1394 : vector<16xf32>
      tpu.vector_store_idx %arg18[%get3A_1392], %mul3A_1395 {add = true} : memref<10000xf32, #tpu.memory_space<vmem>>[vector<16xi32>], vector<16xf32>,
      %get3A_1396 = arith.constant 1312 : index
      %get3A_1397 = tpu.vector_load %arg15[%get3A_1396] {strides = array<i32>} : memref<2000xi32, #tpu.memory_space<vmem>>, vector<16xi32>,
      %gather3A_1398 = tpu.vector_load_idx %arg17[%get3A_1397] : memref<10000xf32, #tpu.memory_space<vmem>>[vector<16xi32>], vector<16xf32>,
      %get3A_1399 = arith.constant 16 : i32
      %get3A_1400 = arith.index_cast %get3A_1399 : i32 to index
      %get3A_1401 = arith.constant 32 : index
      %get3A_1402 = tpu.vector_load %arg21[%get3A_1400, %get3A_1401] {strides = array<i32>} : memref<25x80xi32, #tpu.memory_space<vmem>>, vector<16xi32>,
      %get3A_1403 = arith.constant 1312 : index
      %get3A_1404 = tpu.vector_load %arg16[%get3A_1403] {strides = array<i32>} : memref<2000xf32, #tpu.memory_space<vmem>>, vector<16xf32>,
      %mul3A_1405 = arith.mulf %gather3A_1398, %get3A_1404 : vector<16xf32>
      tpu.vector_store_idx %arg18[%get3A_1402], %mul3A_1405 {add = true} : memref<10000xf32, #tpu.memory_space<vmem>>[vector<16xi32>], vector<16xf32>,
      %get3A_1406 = arith.constant 1328 : index
      %get3A_1407 = tpu.vector_load %arg15[%get3A_1406] {strides = array<i32>} : memref<2000xi32, #tpu.memory_space<vmem>>, vector<16xi32>,
      %gather3A_1408 = tpu.vector_load_idx %arg17[%get3A_1407] : memref<10000xf32, #tpu.memory_space<vmem>>[vector<16xi32>], vector<16xf32>,
      %get3A_1409 = arith.constant 16 : i32
      %get3A_1410 = arith.index_cast %get3A_1409 : i32 to index
      %get3A_1411 = arith.constant 48 : index
      %get3A_1412 = tpu.vector_load %arg21[%get3A_1410, %get3A_1411] {strides = array<i32>} : memref<25x80xi32, #tpu.memory_space<vmem>>, vector<16xi32>,
      %get3A_1413 = arith.constant 1328 : index
      %get3A_1414 = tpu.vector_load %arg16[%get3A_1413] {strides = array<i32>} : memref<2000xf32, #tpu.memory_space<vmem>>, vector<16xf32>,
      %mul3A_1415 = arith.mulf %gather3A_1408, %get3A_1414 : vector<16xf32>
      tpu.vector_store_idx %arg18[%get3A_1412], %mul3A_1415 {add = true} : memref<10000xf32, #tpu.memory_space<vmem>>[vector<16xi32>], vector<16xf32>,
      %get3A_1416 = arith.constant 1344 : index
      %get3A_1417 = tpu.vector_load %arg15[%get3A_1416] {strides = array<i32>} : memref<2000xi32, #tpu.memory_space<vmem>>, vector<16xi32>,
      %gather3A_1418 = tpu.vector_load_idx %arg17[%get3A_1417] : memref<10000xf32, #tpu.memory_space<vmem>>[vector<16xi32>], vector<16xf32>,
      %get3A_1419 = arith.constant 16 : i32
      %get3A_1420 = arith.index_cast %get3A_1419 : i32 to index
      %get3A_1421 = arith.constant 64 : index
      %get3A_1422 = tpu.vector_load %arg21[%get3A_1420, %get3A_1421] {strides = array<i32>} : memref<25x80xi32, #tpu.memory_space<vmem>>, vector<16xi32>,
      %get3A_1423 = arith.constant 1344 : index
      %get3A_1424 = tpu.vector_load %arg16[%get3A_1423] {strides = array<i32>} : memref<2000xf32, #tpu.memory_space<vmem>>, vector<16xf32>,
      %mul3A_1425 = arith.mulf %gather3A_1418, %get3A_1424 : vector<16xf32>
      tpu.vector_store_idx %arg18[%get3A_1422], %mul3A_1425 {add = true} : memref<10000xf32, #tpu.memory_space<vmem>>[vector<16xi32>], vector<16xf32>,
      %dma_wait3A_1426 = arith.constant 16 : i32
      %dma_wait3A_1427 = arith.constant 0 : i32
      %dma_wait3A_1428 = tpu.memref_slice %arg21[%dma_wait3A_1426, %dma_wait3A_1427] : memref<25x80xi32, #tpu.memory_space<vmem>> -> memref<1x80xi32, #tpu.memory_space<vmem>>
      %dma_wait3A_1429 = tpu.memref_squeeze %dma_wait3A_1428 : memref<1x80xi32, #tpu.memory_space<vmem>> -> memref<80xi32, #tpu.memory_space<vmem>>
      %dma_wait3A_1430 = arith.constant 0 : i32
      %dma_wait3A_1431 = arith.constant 0 : i32
      %dma_wait3A_1432 = tpu.memref_slice %arg14[%dma_wait3A_1430, %dma_wait3A_1431] : memref<10000x128xf32, #tpu.memory_space<vmem_shared>> -> memref<10000x128xf32, #tpu.memory_space<vmem_shared>>
      tpu.wait_indirect_dma semaphore(%arg24 : memref<!tpu.dma_semaphore, #tpu.memory_space<semaphore_mem>>) src(%arg19 : memref<80x128xf32, #tpu.memory_space<vmem>>) dst(%dma_wait3A_1432 : memref<10000x128xf32, #tpu.memory_space<vmem_shared>>)
      %dma_start3A_1433 = arith.constant 1440 : i32
      %dma_start3A_1434 = tpu.memref_slice %arg15[%dma_start3A_1433] : memref<2000xi32, #tpu.memory_space<vmem>> -> memref<80xi32, #tpu.memory_space<vmem>>
      %dma_start3A_1435 = arith.constant 0 : i32
      %dma_start3A_1436 = arith.constant 0 : i32
      %dma_start3A_1437 = tpu.memref_slice %arg2[%dma_start3A_1435, %dma_start3A_1436] : memref<10000x128xf32, #tpu.memory_space<hbm>> -> memref<10000x128xf32, #tpu.memory_space<hbm>>
      tpu.enqueue_indirect_dma source(%dma_start3A_1437 : memref<10000x128xf32, #tpu.memory_space<hbm>>) target(%arg19 : memref<80x128xf32, #tpu.memory_space<vmem>>) offsets(%dma_start3A_1434 : memref<80xi32, #tpu.memory_space<vmem>>) semaphore(%arg22 : memref<!tpu.dma_semaphore, #tpu.memory_space<semaphore_mem>>)
      %dma_wait3A_1438 = arith.constant 1360 : i32
      %dma_wait3A_1439 = tpu.memref_slice %arg15[%dma_wait3A_1438] : memref<2000xi32, #tpu.memory_space<vmem>> -> memref<80xi32, #tpu.memory_space<vmem>>
      %dma_wait3A_1440 = arith.constant 0 : i32
      %dma_wait3A_1441 = arith.constant 0 : i32
      %dma_wait3A_1442 = tpu.memref_slice %arg2[%dma_wait3A_1440, %dma_wait3A_1441] : memref<10000x128xf32, #tpu.memory_space<hbm>> -> memref<10000x128xf32, #tpu.memory_space<hbm>>
      tpu.wait_indirect_dma semaphore(%arg23 : memref<!tpu.dma_semaphore, #tpu.memory_space<semaphore_mem>>) src(%dma_wait3A_1442 : memref<10000x128xf32, #tpu.memory_space<hbm>>) dst(%arg20 : memref<80x128xf32, #tpu.memory_space<vmem>>)
      %dma_start3A_1443 = arith.constant 17 : i32
      %dma_start3A_1444 = arith.constant 0 : i32
      %dma_start3A_1445 = tpu.memref_slice %arg21[%dma_start3A_1443, %dma_start3A_1444] : memref<25x80xi32, #tpu.memory_space<vmem>> -> memref<1x80xi32, #tpu.memory_space<vmem>>
      %dma_start3A_1446 = tpu.memref_squeeze %dma_start3A_1445 : memref<1x80xi32, #tpu.memory_space<vmem>> -> memref<80xi32, #tpu.memory_space<vmem>>
      %dma_start3A_1447 = arith.constant 0 : i32
      %dma_start3A_1448 = arith.constant 0 : i32
      %dma_start3A_1449 = tpu.memref_slice %arg14[%dma_start3A_1447, %dma_start3A_1448] : memref<10000x128xf32, #tpu.memory_space<vmem_shared>> -> memref<10000x128xf32, #tpu.memory_space<vmem_shared>>
      tpu.enqueue_indirect_dma source(%arg20 : memref<80x128xf32, #tpu.memory_space<vmem>>) target(%dma_start3A_1449 : memref<10000x128xf32, #tpu.memory_space<vmem_shared>>) offsets(%dma_start3A_1446 : memref<80xi32, #tpu.memory_space<vmem>>) semaphore(%arg25 : memref<!tpu.dma_semaphore, #tpu.memory_space<semaphore_mem>>) {add = true}
      %get3A_1450 = arith.constant 1360 : index
      %get3A_1451 = tpu.vector_load %arg15[%get3A_1450] {strides = array<i32>} : memref<2000xi32, #tpu.memory_space<vmem>>, vector<16xi32>,
      %gather3A_1452 = tpu.vector_load_idx %arg17[%get3A_1451] : memref<10000xf32, #tpu.memory_space<vmem>>[vector<16xi32>], vector<16xf32>,
      %get3A_1453 = arith.constant 17 : i32
      %get3A_1454 = arith.index_cast %get3A_1453 : i32 to index
      %get3A_1455 = arith.constant 0 : index
      %get3A_1456 = tpu.vector_load %arg21[%get3A_1454, %get3A_1455] {strides = array<i32>} : memref<25x80xi32, #tpu.memory_space<vmem>>, vector<16xi32>,
      %get3A_1457 = arith.constant 1360 : index
      %get3A_1458 = tpu.vector_load %arg16[%get3A_1457] {strides = array<i32>} : memref<2000xf32, #tpu.memory_space<vmem>>, vector<16xf32>,
      %mul3A_1459 = arith.mulf %gather3A_1452, %get3A_1458 : vector<16xf32>
      tpu.vector_store_idx %arg18[%get3A_1456], %mul3A_1459 {add = true} : memref<10000xf32, #tpu.memory_space<vmem>>[vector<16xi32>], vector<16xf32>,
      %get3A_1460 = arith.constant 1376 : index
      %get3A_1461 = tpu.vector_load %arg15[%get3A_1460] {strides = array<i32>} : memref<2000xi32, #tpu.memory_space<vmem>>, vector<16xi32>,
      %gather3A_1462 = tpu.vector_load_idx %arg17[%get3A_1461] : memref<10000xf32, #tpu.memory_space<vmem>>[vector<16xi32>], vector<16xf32>,
      %get3A_1463 = arith.constant 17 : i32
      %get3A_1464 = arith.index_cast %get3A_1463 : i32 to index
      %get3A_1465 = arith.constant 16 : index
      %get3A_1466 = tpu.vector_load %arg21[%get3A_1464, %get3A_1465] {strides = array<i32>} : memref<25x80xi32, #tpu.memory_space<vmem>>, vector<16xi32>,
      %get3A_1467 = arith.constant 1376 : index
      %get3A_1468 = tpu.vector_load %arg16[%get3A_1467] {strides = array<i32>} : memref<2000xf32, #tpu.memory_space<vmem>>, vector<16xf32>,
      %mul3A_1469 = arith.mulf %gather3A_1462, %get3A_1468 : vector<16xf32>
      tpu.vector_store_idx %arg18[%get3A_1466], %mul3A_1469 {add = true} : memref<10000xf32, #tpu.memory_space<vmem>>[vector<16xi32>], vector<16xf32>,
      %get3A_1470 = arith.constant 1392 : index
      %get3A_1471 = tpu.vector_load %arg15[%get3A_1470] {strides = array<i32>} : memref<2000xi32, #tpu.memory_space<vmem>>, vector<16xi32>,
      %gather3A_1472 = tpu.vector_load_idx %arg17[%get3A_1471] : memref<10000xf32, #tpu.memory_space<vmem>>[vector<16xi32>], vector<16xf32>,
      %get3A_1473 = arith.constant 17 : i32
      %get3A_1474 = arith.index_cast %get3A_1473 : i32 to index
      %get3A_1475 = arith.constant 32 : index
      %get3A_1476 = tpu.vector_load %arg21[%get3A_1474, %get3A_1475] {strides = array<i32>} : memref<25x80xi32, #tpu.memory_space<vmem>>, vector<16xi32>,
      %get3A_1477 = arith.constant 1392 : index
      %get3A_1478 = tpu.vector_load %arg16[%get3A_1477] {strides = array<i32>} : memref<2000xf32, #tpu.memory_space<vmem>>, vector<16xf32>,
      %mul3A_1479 = arith.mulf %gather3A_1472, %get3A_1478 : vector<16xf32>
      tpu.vector_store_idx %arg18[%get3A_1476], %mul3A_1479 {add = true} : memref<10000xf32, #tpu.memory_space<vmem>>[vector<16xi32>], vector<16xf32>,
      %get3A_1480 = arith.constant 1408 : index
      %get3A_1481 = tpu.vector_load %arg15[%get3A_1480] {strides = array<i32>} : memref<2000xi32, #tpu.memory_space<vmem>>, vector<16xi32>,
      %gather3A_1482 = tpu.vector_load_idx %arg17[%get3A_1481] : memref<10000xf32, #tpu.memory_space<vmem>>[vector<16xi32>], vector<16xf32>,
      %get3A_1483 = arith.constant 17 : i32
      %get3A_1484 = arith.index_cast %get3A_1483 : i32 to index
      %get3A_1485 = arith.constant 48 : index
      %get3A_1486 = tpu.vector_load %arg21[%get3A_1484, %get3A_1485] {strides = array<i32>} : memref<25x80xi32, #tpu.memory_space<vmem>>, vector<16xi32>,
      %get3A_1487 = arith.constant 1408 : index
      %get3A_1488 = tpu.vector_load %arg16[%get3A_1487] {strides = array<i32>} : memref<2000xf32, #tpu.memory_space<vmem>>, vector<16xf32>,
      %mul3A_1489 = arith.mulf %gather3A_1482, %get3A_1488 : vector<16xf32>
      tpu.vector_store_idx %arg18[%get3A_1486], %mul3A_1489 {add = true} : memref<10000xf32, #tpu.memory_space<vmem>>[vector<16xi32>], vector<16xf32>,
      %get3A_1490 = arith.constant 1424 : index
      %get3A_1491 = tpu.vector_load %arg15[%get3A_1490] {strides = array<i32>} : memref<2000xi32, #tpu.memory_space<vmem>>, vector<16xi32>,
      %gather3A_1492 = tpu.vector_load_idx %arg17[%get3A_1491] : memref<10000xf32, #tpu.memory_space<vmem>>[vector<16xi32>], vector<16xf32>,
      %get3A_1493 = arith.constant 17 : i32
      %get3A_1494 = arith.index_cast %get3A_1493 : i32 to index
      %get3A_1495 = arith.constant 64 : index
      %get3A_1496 = tpu.vector_load %arg21[%get3A_1494, %get3A_1495] {strides = array<i32>} : memref<25x80xi32, #tpu.memory_space<vmem>>, vector<16xi32>,
      %get3A_1497 = arith.constant 1424 : index
      %get3A_1498 = tpu.vector_load %arg16[%get3A_1497] {strides = array<i32>} : memref<2000xf32, #tpu.memory_space<vmem>>, vector<16xf32>,
      %mul3A_1499 = arith.mulf %gather3A_1492, %get3A_1498 : vector<16xf32>
      tpu.vector_store_idx %arg18[%get3A_1496], %mul3A_1499 {add = true} : memref<10000xf32, #tpu.memory_space<vmem>>[vector<16xi32>], vector<16xf32>,
      %dma_wait3A_1500 = arith.constant 17 : i32
      %dma_wait3A_1501 = arith.constant 0 : i32
      %dma_wait3A_1502 = tpu.memref_slice %arg21[%dma_wait3A_1500, %dma_wait3A_1501] : memref<25x80xi32, #tpu.memory_space<vmem>> -> memref<1x80xi32, #tpu.memory_space<vmem>>
      %dma_wait3A_1503 = tpu.memref_squeeze %dma_wait3A_1502 : memref<1x80xi32, #tpu.memory_space<vmem>> -> memref<80xi32, #tpu.memory_space<vmem>>
      %dma_wait3A_1504 = arith.constant 0 : i32
      %dma_wait3A_1505 = arith.constant 0 : i32
      %dma_wait3A_1506 = tpu.memref_slice %arg14[%dma_wait3A_1504, %dma_wait3A_1505] : memref<10000x128xf32, #tpu.memory_space<vmem_shared>> -> memref<10000x128xf32, #tpu.memory_space<vmem_shared>>
      tpu.wait_indirect_dma semaphore(%arg25 : memref<!tpu.dma_semaphore, #tpu.memory_space<semaphore_mem>>) src(%arg20 : memref<80x128xf32, #tpu.memory_space<vmem>>) dst(%dma_wait3A_1506 : memref<10000x128xf32, #tpu.memory_space<vmem_shared>>)
      %dma_start3A_1507 = arith.constant 1520 : i32
      %dma_start3A_1508 = tpu.memref_slice %arg15[%dma_start3A_1507] : memref<2000xi32, #tpu.memory_space<vmem>> -> memref<80xi32, #tpu.memory_space<vmem>>
      %dma_start3A_1509 = arith.constant 0 : i32
      %dma_start3A_1510 = arith.constant 0 : i32
      %dma_start3A_1511 = tpu.memref_slice %arg2[%dma_start3A_1509, %dma_start3A_1510] : memref<10000x128xf32, #tpu.memory_space<hbm>> -> memref<10000x128xf32, #tpu.memory_space<hbm>>
      tpu.enqueue_indirect_dma source(%dma_start3A_1511 : memref<10000x128xf32, #tpu.memory_space<hbm>>) target(%arg20 : memref<80x128xf32, #tpu.memory_space<vmem>>) offsets(%dma_start3A_1508 : memref<80xi32, #tpu.memory_space<vmem>>) semaphore(%arg23 : memref<!tpu.dma_semaphore, #tpu.memory_space<semaphore_mem>>)
      %dma_wait3A_1512 = arith.constant 1440 : i32
      %dma_wait3A_1513 = tpu.memref_slice %arg15[%dma_wait3A_1512] : memref<2000xi32, #tpu.memory_space<vmem>> -> memref<80xi32, #tpu.memory_space<vmem>>
      %dma_wait3A_1514 = arith.constant 0 : i32
      %dma_wait3A_1515 = arith.constant 0 : i32
      %dma_wait3A_1516 = tpu.memref_slice %arg2[%dma_wait3A_1514, %dma_wait3A_1515] : memref<10000x128xf32, #tpu.memory_space<hbm>> -> memref<10000x128xf32, #tpu.memory_space<hbm>>
      tpu.wait_indirect_dma semaphore(%arg22 : memref<!tpu.dma_semaphore, #tpu.memory_space<semaphore_mem>>) src(%dma_wait3A_1516 : memref<10000x128xf32, #tpu.memory_space<hbm>>) dst(%arg19 : memref<80x128xf32, #tpu.memory_space<vmem>>)
      %dma_start3A_1517 = arith.constant 18 : i32
      %dma_start3A_1518 = arith.constant 0 : i32
      %dma_start3A_1519 = tpu.memref_slice %arg21[%dma_start3A_1517, %dma_start3A_1518] : memref<25x80xi32, #tpu.memory_space<vmem>> -> memref<1x80xi32, #tpu.memory_space<vmem>>
      %dma_start3A_1520 = tpu.memref_squeeze %dma_start3A_1519 : memref<1x80xi32, #tpu.memory_space<vmem>> -> memref<80xi32, #tpu.memory_space<vmem>>
      %dma_start3A_1521 = arith.constant 0 : i32
      %dma_start3A_1522 = arith.constant 0 : i32
      %dma_start3A_1523 = tpu.memref_slice %arg14[%dma_start3A_1521, %dma_start3A_1522] : memref<10000x128xf32, #tpu.memory_space<vmem_shared>> -> memref<10000x128xf32, #tpu.memory_space<vmem_shared>>
      tpu.enqueue_indirect_dma source(%arg19 : memref<80x128xf32, #tpu.memory_space<vmem>>) target(%dma_start3A_1523 : memref<10000x128xf32, #tpu.memory_space<vmem_shared>>) offsets(%dma_start3A_1520 : memref<80xi32, #tpu.memory_space<vmem>>) semaphore(%arg24 : memref<!tpu.dma_semaphore, #tpu.memory_space<semaphore_mem>>) {add = true}
      %get3A_1524 = arith.constant 1440 : index
      %get3A_1525 = tpu.vector_load %arg15[%get3A_1524] {strides = array<i32>} : memref<2000xi32, #tpu.memory_space<vmem>>, vector<16xi32>,
      %gather3A_1526 = tpu.vector_load_idx %arg17[%get3A_1525] : memref<10000xf32, #tpu.memory_space<vmem>>[vector<16xi32>], vector<16xf32>,
      %get3A_1527 = arith.constant 18 : i32
      %get3A_1528 = arith.index_cast %get3A_1527 : i32 to index
      %get3A_1529 = arith.constant 0 : index
      %get3A_1530 = tpu.vector_load %arg21[%get3A_1528, %get3A_1529] {strides = array<i32>} : memref<25x80xi32, #tpu.memory_space<vmem>>, vector<16xi32>,
      %get3A_1531 = arith.constant 1440 : index
      %get3A_1532 = tpu.vector_load %arg16[%get3A_1531] {strides = array<i32>} : memref<2000xf32, #tpu.memory_space<vmem>>, vector<16xf32>,
      %mul3A_1533 = arith.mulf %gather3A_1526, %get3A_1532 : vector<16xf32>
      tpu.vector_store_idx %arg18[%get3A_1530], %mul3A_1533 {add = true} : memref<10000xf32, #tpu.memory_space<vmem>>[vector<16xi32>], vector<16xf32>,
      %get3A_1534 = arith.constant 1456 : index
      %get3A_1535 = tpu.vector_load %arg15[%get3A_1534] {strides = array<i32>} : memref<2000xi32, #tpu.memory_space<vmem>>, vector<16xi32>,
      %gather3A_1536 = tpu.vector_load_idx %arg17[%get3A_1535] : memref<10000xf32, #tpu.memory_space<vmem>>[vector<16xi32>], vector<16xf32>,
      %get3A_1537 = arith.constant 18 : i32
      %get3A_1538 = arith.index_cast %get3A_1537 : i32 to index
      %get3A_1539 = arith.constant 16 : index
      %get3A_1540 = tpu.vector_load %arg21[%get3A_1538, %get3A_1539] {strides = array<i32>} : memref<25x80xi32, #tpu.memory_space<vmem>>, vector<16xi32>,
      %get3A_1541 = arith.constant 1456 : index
      %get3A_1542 = tpu.vector_load %arg16[%get3A_1541] {strides = array<i32>} : memref<2000xf32, #tpu.memory_space<vmem>>, vector<16xf32>,
      %mul3A_1543 = arith.mulf %gather3A_1536, %get3A_1542 : vector<16xf32>
      tpu.vector_store_idx %arg18[%get3A_1540], %mul3A_1543 {add = true} : memref<10000xf32, #tpu.memory_space<vmem>>[vector<16xi32>], vector<16xf32>,
      %get3A_1544 = arith.constant 1472 : index
      %get3A_1545 = tpu.vector_load %arg15[%get3A_1544] {strides = array<i32>} : memref<2000xi32, #tpu.memory_space<vmem>>, vector<16xi32>,
      %gather3A_1546 = tpu.vector_load_idx %arg17[%get3A_1545] : memref<10000xf32, #tpu.memory_space<vmem>>[vector<16xi32>], vector<16xf32>,
      %get3A_1547 = arith.constant 18 : i32
      %get3A_1548 = arith.index_cast %get3A_1547 : i32 to index
      %get3A_1549 = arith.constant 32 : index
      %get3A_1550 = tpu.vector_load %arg21[%get3A_1548, %get3A_1549] {strides = array<i32>} : memref<25x80xi32, #tpu.memory_space<vmem>>, vector<16xi32>,
      %get3A_1551 = arith.constant 1472 : index
      %get3A_1552 = tpu.vector_load %arg16[%get3A_1551] {strides = array<i32>} : memref<2000xf32, #tpu.memory_space<vmem>>, vector<16xf32>,
      %mul3A_1553 = arith.mulf %gather3A_1546, %get3A_1552 : vector<16xf32>
      tpu.vector_store_idx %arg18[%get3A_1550], %mul3A_1553 {add = true} : memref<10000xf32, #tpu.memory_space<vmem>>[vector<16xi32>], vector<16xf32>,
      %get3A_1554 = arith.constant 1488 : index
      %get3A_1555 = tpu.vector_load %arg15[%get3A_1554] {strides = array<i32>} : memref<2000xi32, #tpu.memory_space<vmem>>, vector<16xi32>,
      %gather3A_1556 = tpu.vector_load_idx %arg17[%get3A_1555] : memref<10000xf32, #tpu.memory_space<vmem>>[vector<16xi32>], vector<16xf32>,
      %get3A_1557 = arith.constant 18 : i32
      %get3A_1558 = arith.index_cast %get3A_1557 : i32 to index
      %get3A_1559 = arith.constant 48 : index
      %get3A_1560 = tpu.vector_load %arg21[%get3A_1558, %get3A_1559] {strides = array<i32>} : memref<25x80xi32, #tpu.memory_space<vmem>>, vector<16xi32>,
      %get3A_1561 = arith.constant 1488 : index
      %get3A_1562 = tpu.vector_load %arg16[%get3A_1561] {strides = array<i32>} : memref<2000xf32, #tpu.memory_space<vmem>>, vector<16xf32>,
      %mul3A_1563 = arith.mulf %gather3A_1556, %get3A_1562 : vector<16xf32>
      tpu.vector_store_idx %arg18[%get3A_1560], %mul3A_1563 {add = true} : memref<10000xf32, #tpu.memory_space<vmem>>[vector<16xi32>], vector<16xf32>,
      %get3A_1564 = arith.constant 1504 : index
      %get3A_1565 = tpu.vector_load %arg15[%get3A_1564] {strides = array<i32>} : memref<2000xi32, #tpu.memory_space<vmem>>, vector<16xi32>,
      %gather3A_1566 = tpu.vector_load_idx %arg17[%get3A_1565] : memref<10000xf32, #tpu.memory_space<vmem>>[vector<16xi32>], vector<16xf32>,
      %get3A_1567 = arith.constant 18 : i32
      %get3A_1568 = arith.index_cast %get3A_1567 : i32 to index
      %get3A_1569 = arith.constant 64 : index
      %get3A_1570 = tpu.vector_load %arg21[%get3A_1568, %get3A_1569] {strides = array<i32>} : memref<25x80xi32, #tpu.memory_space<vmem>>, vector<16xi32>,
      %get3A_1571 = arith.constant 1504 : index
      %get3A_1572 = tpu.vector_load %arg16[%get3A_1571] {strides = array<i32>} : memref<2000xf32, #tpu.memory_space<vmem>>, vector<16xf32>,
      %mul3A_1573 = arith.mulf %gather3A_1566, %get3A_1572 : vector<16xf32>
      tpu.vector_store_idx %arg18[%get3A_1570], %mul3A_1573 {add = true} : memref<10000xf32, #tpu.memory_space<vmem>>[vector<16xi32>], vector<16xf32>,
      %dma_wait3A_1574 = arith.constant 18 : i32
      %dma_wait3A_1575 = arith.constant 0 : i32
      %dma_wait3A_1576 = tpu.memref_slice %arg21[%dma_wait3A_1574, %dma_wait3A_1575] : memref<25x80xi32, #tpu.memory_space<vmem>> -> memref<1x80xi32, #tpu.memory_space<vmem>>
      %dma_wait3A_1577 = tpu.memref_squeeze %dma_wait3A_1576 : memref<1x80xi32, #tpu.memory_space<vmem>> -> memref<80xi32, #tpu.memory_space<vmem>>
      %dma_wait3A_1578 = arith.constant 0 : i32
      %dma_wait3A_1579 = arith.constant 0 : i32
      %dma_wait3A_1580 = tpu.memref_slice %arg14[%dma_wait3A_1578, %dma_wait3A_1579] : memref<10000x128xf32, #tpu.memory_space<vmem_shared>> -> memref<10000x128xf32, #tpu.memory_space<vmem_shared>>
      tpu.wait_indirect_dma semaphore(%arg24 : memref<!tpu.dma_semaphore, #tpu.memory_space<semaphore_mem>>) src(%arg19 : memref<80x128xf32, #tpu.memory_space<vmem>>) dst(%dma_wait3A_1580 : memref<10000x128xf32, #tpu.memory_space<vmem_shared>>)
      %dma_start3A_1581 = arith.constant 1600 : i32
      %dma_start3A_1582 = tpu.memref_slice %arg15[%dma_start3A_1581] : memref<2000xi32, #tpu.memory_space<vmem>> -> memref<80xi32, #tpu.memory_space<vmem>>
      %dma_start3A_1583 = arith.constant 0 : i32
      %dma_start3A_1584 = arith.constant 0 : i32
      %dma_start3A_1585 = tpu.memref_slice %arg2[%dma_start3A_1583, %dma_start3A_1584] : memref<10000x128xf32, #tpu.memory_space<hbm>> -> memref<10000x128xf32, #tpu.memory_space<hbm>>
      tpu.enqueue_indirect_dma source(%dma_start3A_1585 : memref<10000x128xf32, #tpu.memory_space<hbm>>) target(%arg19 : memref<80x128xf32, #tpu.memory_space<vmem>>) offsets(%dma_start3A_1582 : memref<80xi32, #tpu.memory_space<vmem>>) semaphore(%arg22 : memref<!tpu.dma_semaphore, #tpu.memory_space<semaphore_mem>>)
      %dma_wait3A_1586 = arith.constant 1520 : i32
      %dma_wait3A_1587 = tpu.memref_slice %arg15[%dma_wait3A_1586] : memref<2000xi32, #tpu.memory_space<vmem>> -> memref<80xi32, #tpu.memory_space<vmem>>
      %dma_wait3A_1588 = arith.constant 0 : i32
      %dma_wait3A_1589 = arith.constant 0 : i32
      %dma_wait3A_1590 = tpu.memref_slice %arg2[%dma_wait3A_1588, %dma_wait3A_1589] : memref<10000x128xf32, #tpu.memory_space<hbm>> -> memref<10000x128xf32, #tpu.memory_space<hbm>>
      tpu.wait_indirect_dma semaphore(%arg23 : memref<!tpu.dma_semaphore, #tpu.memory_space<semaphore_mem>>) src(%dma_wait3A_1590 : memref<10000x128xf32, #tpu.memory_space<hbm>>) dst(%arg20 : memref<80x128xf32, #tpu.memory_space<vmem>>)
      %dma_start3A_1591 = arith.constant 19 : i32
      %dma_start3A_1592 = arith.constant 0 : i32
      %dma_start3A_1593 = tpu.memref_slice %arg21[%dma_start3A_1591, %dma_start3A_1592] : memref<25x80xi32, #tpu.memory_space<vmem>> -> memref<1x80xi32, #tpu.memory_space<vmem>>
      %dma_start3A_1594 = tpu.memref_squeeze %dma_start3A_1593 : memref<1x80xi32, #tpu.memory_space<vmem>> -> memref<80xi32, #tpu.memory_space<vmem>>
      %dma_start3A_1595 = arith.constant 0 : i32
      %dma_start3A_1596 = arith.constant 0 : i32
      %dma_start3A_1597 = tpu.memref_slice %arg14[%dma_start3A_1595, %dma_start3A_1596] : memref<10000x128xf32, #tpu.memory_space<vmem_shared>> -> memref<10000x128xf32, #tpu.memory_space<vmem_shared>>
      tpu.enqueue_indirect_dma source(%arg20 : memref<80x128xf32, #tpu.memory_space<vmem>>) target(%dma_start3A_1597 : memref<10000x128xf32, #tpu.memory_space<vmem_shared>>) offsets(%dma_start3A_1594 : memref<80xi32, #tpu.memory_space<vmem>>) semaphore(%arg25 : memref<!tpu.dma_semaphore, #tpu.memory_space<semaphore_mem>>) {add = true}
      %get3A_1598 = arith.constant 1520 : index
      %get3A_1599 = tpu.vector_load %arg15[%get3A_1598] {strides = array<i32>} : memref<2000xi32, #tpu.memory_space<vmem>>, vector<16xi32>,
      %gather3A_1600 = tpu.vector_load_idx %arg17[%get3A_1599] : memref<10000xf32, #tpu.memory_space<vmem>>[vector<16xi32>], vector<16xf32>,
      %get3A_1601 = arith.constant 19 : i32
      %get3A_1602 = arith.index_cast %get3A_1601 : i32 to index
      %get3A_1603 = arith.constant 0 : index
      %get3A_1604 = tpu.vector_load %arg21[%get3A_1602, %get3A_1603] {strides = array<i32>} : memref<25x80xi32, #tpu.memory_space<vmem>>, vector<16xi32>,
      %get3A_1605 = arith.constant 1520 : index
      %get3A_1606 = tpu.vector_load %arg16[%get3A_1605] {strides = array<i32>} : memref<2000xf32, #tpu.memory_space<vmem>>, vector<16xf32>,
      %mul3A_1607 = arith.mulf %gather3A_1600, %get3A_1606 : vector<16xf32>
      tpu.vector_store_idx %arg18[%get3A_1604], %mul3A_1607 {add = true} : memref<10000xf32, #tpu.memory_space<vmem>>[vector<16xi32>], vector<16xf32>,
      %get3A_1608 = arith.constant 1536 : index
      %get3A_1609 = tpu.vector_load %arg15[%get3A_1608] {strides = array<i32>} : memref<2000xi32, #tpu.memory_space<vmem>>, vector<16xi32>,
      %gather3A_1610 = tpu.vector_load_idx %arg17[%get3A_1609] : memref<10000xf32, #tpu.memory_space<vmem>>[vector<16xi32>], vector<16xf32>,
      %get3A_1611 = arith.constant 19 : i32
      %get3A_1612 = arith.index_cast %get3A_1611 : i32 to index
      %get3A_1613 = arith.constant 16 : index
      %get3A_1614 = tpu.vector_load %arg21[%get3A_1612, %get3A_1613] {strides = array<i32>} : memref<25x80xi32, #tpu.memory_space<vmem>>, vector<16xi32>,
      %get3A_1615 = arith.constant 1536 : index
      %get3A_1616 = tpu.vector_load %arg16[%get3A_1615] {strides = array<i32>} : memref<2000xf32, #tpu.memory_space<vmem>>, vector<16xf32>,
      %mul3A_1617 = arith.mulf %gather3A_1610, %get3A_1616 : vector<16xf32>
      tpu.vector_store_idx %arg18[%get3A_1614], %mul3A_1617 {add = true} : memref<10000xf32, #tpu.memory_space<vmem>>[vector<16xi32>], vector<16xf32>,
      %get3A_1618 = arith.constant 1552 : index
      %get3A_1619 = tpu.vector_load %arg15[%get3A_1618] {strides = array<i32>} : memref<2000xi32, #tpu.memory_space<vmem>>, vector<16xi32>,
      %gather3A_1620 = tpu.vector_load_idx %arg17[%get3A_1619] : memref<10000xf32, #tpu.memory_space<vmem>>[vector<16xi32>], vector<16xf32>,
      %get3A_1621 = arith.constant 19 : i32
      %get3A_1622 = arith.index_cast %get3A_1621 : i32 to index
      %get3A_1623 = arith.constant 32 : index
      %get3A_1624 = tpu.vector_load %arg21[%get3A_1622, %get3A_1623] {strides = array<i32>} : memref<25x80xi32, #tpu.memory_space<vmem>>, vector<16xi32>,
      %get3A_1625 = arith.constant 1552 : index
      %get3A_1626 = tpu.vector_load %arg16[%get3A_1625] {strides = array<i32>} : memref<2000xf32, #tpu.memory_space<vmem>>, vector<16xf32>,
      %mul3A_1627 = arith.mulf %gather3A_1620, %get3A_1626 : vector<16xf32>
      tpu.vector_store_idx %arg18[%get3A_1624], %mul3A_1627 {add = true} : memref<10000xf32, #tpu.memory_space<vmem>>[vector<16xi32>], vector<16xf32>,
      %get3A_1628 = arith.constant 1568 : index
      %get3A_1629 = tpu.vector_load %arg15[%get3A_1628] {strides = array<i32>} : memref<2000xi32, #tpu.memory_space<vmem>>, vector<16xi32>,
      %gather3A_1630 = tpu.vector_load_idx %arg17[%get3A_1629] : memref<10000xf32, #tpu.memory_space<vmem>>[vector<16xi32>], vector<16xf32>,
      %get3A_1631 = arith.constant 19 : i32
      %get3A_1632 = arith.index_cast %get3A_1631 : i32 to index
      %get3A_1633 = arith.constant 48 : index
      %get3A_1634 = tpu.vector_load %arg21[%get3A_1632, %get3A_1633] {strides = array<i32>} : memref<25x80xi32, #tpu.memory_space<vmem>>, vector<16xi32>,
      %get3A_1635 = arith.constant 1568 : index
      %get3A_1636 = tpu.vector_load %arg16[%get3A_1635] {strides = array<i32>} : memref<2000xf32, #tpu.memory_space<vmem>>, vector<16xf32>,
      %mul3A_1637 = arith.mulf %gather3A_1630, %get3A_1636 : vector<16xf32>
      tpu.vector_store_idx %arg18[%get3A_1634], %mul3A_1637 {add = true} : memref<10000xf32, #tpu.memory_space<vmem>>[vector<16xi32>], vector<16xf32>,
      %get3A_1638 = arith.constant 1584 : index
      %get3A_1639 = tpu.vector_load %arg15[%get3A_1638] {strides = array<i32>} : memref<2000xi32, #tpu.memory_space<vmem>>, vector<16xi32>,
      %gather3A_1640 = tpu.vector_load_idx %arg17[%get3A_1639] : memref<10000xf32, #tpu.memory_space<vmem>>[vector<16xi32>], vector<16xf32>,
      %get3A_1641 = arith.constant 19 : i32
      %get3A_1642 = arith.index_cast %get3A_1641 : i32 to index
      %get3A_1643 = arith.constant 64 : index
      %get3A_1644 = tpu.vector_load %arg21[%get3A_1642, %get3A_1643] {strides = array<i32>} : memref<25x80xi32, #tpu.memory_space<vmem>>, vector<16xi32>,
      %get3A_1645 = arith.constant 1584 : index
      %get3A_1646 = tpu.vector_load %arg16[%get3A_1645] {strides = array<i32>} : memref<2000xf32, #tpu.memory_space<vmem>>, vector<16xf32>,
      %mul3A_1647 = arith.mulf %gather3A_1640, %get3A_1646 : vector<16xf32>
      tpu.vector_store_idx %arg18[%get3A_1644], %mul3A_1647 {add = true} : memref<10000xf32, #tpu.memory_space<vmem>>[vector<16xi32>], vector<16xf32>,
      %dma_wait3A_1648 = arith.constant 19 : i32
      %dma_wait3A_1649 = arith.constant 0 : i32
      %dma_wait3A_1650 = tpu.memref_slice %arg21[%dma_wait3A_1648, %dma_wait3A_1649] : memref<25x80xi32, #tpu.memory_space<vmem>> -> memref<1x80xi32, #tpu.memory_space<vmem>>
      %dma_wait3A_1651 = tpu.memref_squeeze %dma_wait3A_1650 : memref<1x80xi32, #tpu.memory_space<vmem>> -> memref<80xi32, #tpu.memory_space<vmem>>
      %dma_wait3A_1652 = arith.constant 0 : i32
      %dma_wait3A_1653 = arith.constant 0 : i32
      %dma_wait3A_1654 = tpu.memref_slice %arg14[%dma_wait3A_1652, %dma_wait3A_1653] : memref<10000x128xf32, #tpu.memory_space<vmem_shared>> -> memref<10000x128xf32, #tpu.memory_space<vmem_shared>>
      tpu.wait_indirect_dma semaphore(%arg25 : memref<!tpu.dma_semaphore, #tpu.memory_space<semaphore_mem>>) src(%arg20 : memref<80x128xf32, #tpu.memory_space<vmem>>) dst(%dma_wait3A_1654 : memref<10000x128xf32, #tpu.memory_space<vmem_shared>>)
      %dma_start3A_1655 = arith.constant 1680 : i32
      %dma_start3A_1656 = tpu.memref_slice %arg15[%dma_start3A_1655] : memref<2000xi32, #tpu.memory_space<vmem>> -> memref<80xi32, #tpu.memory_space<vmem>>
      %dma_start3A_1657 = arith.constant 0 : i32
      %dma_start3A_1658 = arith.constant 0 : i32
      %dma_start3A_1659 = tpu.memref_slice %arg2[%dma_start3A_1657, %dma_start3A_1658] : memref<10000x128xf32, #tpu.memory_space<hbm>> -> memref<10000x128xf32, #tpu.memory_space<hbm>>
      tpu.enqueue_indirect_dma source(%dma_start3A_1659 : memref<10000x128xf32, #tpu.memory_space<hbm>>) target(%arg20 : memref<80x128xf32, #tpu.memory_space<vmem>>) offsets(%dma_start3A_1656 : memref<80xi32, #tpu.memory_space<vmem>>) semaphore(%arg23 : memref<!tpu.dma_semaphore, #tpu.memory_space<semaphore_mem>>)
      %dma_wait3A_1660 = arith.constant 1600 : i32
      %dma_wait3A_1661 = tpu.memref_slice %arg15[%dma_wait3A_1660] : memref<2000xi32, #tpu.memory_space<vmem>> -> memref<80xi32, #tpu.memory_space<vmem>>
      %dma_wait3A_1662 = arith.constant 0 : i32
      %dma_wait3A_1663 = arith.constant 0 : i32
      %dma_wait3A_1664 = tpu.memref_slice %arg2[%dma_wait3A_1662, %dma_wait3A_1663] : memref<10000x128xf32, #tpu.memory_space<hbm>> -> memref<10000x128xf32, #tpu.memory_space<hbm>>
      tpu.wait_indirect_dma semaphore(%arg22 : memref<!tpu.dma_semaphore, #tpu.memory_space<semaphore_mem>>) src(%dma_wait3A_1664 : memref<10000x128xf32, #tpu.memory_space<hbm>>) dst(%arg19 : memref<80x128xf32, #tpu.memory_space<vmem>>)
      %dma_start3A_1665 = arith.constant 20 : i32
      %dma_start3A_1666 = arith.constant 0 : i32
      %dma_start3A_1667 = tpu.memref_slice %arg21[%dma_start3A_1665, %dma_start3A_1666] : memref<25x80xi32, #tpu.memory_space<vmem>> -> memref<1x80xi32, #tpu.memory_space<vmem>>
      %dma_start3A_1668 = tpu.memref_squeeze %dma_start3A_1667 : memref<1x80xi32, #tpu.memory_space<vmem>> -> memref<80xi32, #tpu.memory_space<vmem>>
      %dma_start3A_1669 = arith.constant 0 : i32
      %dma_start3A_1670 = arith.constant 0 : i32
      %dma_start3A_1671 = tpu.memref_slice %arg14[%dma_start3A_1669, %dma_start3A_1670] : memref<10000x128xf32, #tpu.memory_space<vmem_shared>> -> memref<10000x128xf32, #tpu.memory_space<vmem_shared>>
      tpu.enqueue_indirect_dma source(%arg19 : memref<80x128xf32, #tpu.memory_space<vmem>>) target(%dma_start3A_1671 : memref<10000x128xf32, #tpu.memory_space<vmem_shared>>) offsets(%dma_start3A_1668 : memref<80xi32, #tpu.memory_space<vmem>>) semaphore(%arg24 : memref<!tpu.dma_semaphore, #tpu.memory_space<semaphore_mem>>) {add = true}
      %get3A_1672 = arith.constant 1600 : index
      %get3A_1673 = tpu.vector_load %arg15[%get3A_1672] {strides = array<i32>} : memref<2000xi32, #tpu.memory_space<vmem>>, vector<16xi32>,
      %gather3A_1674 = tpu.vector_load_idx %arg17[%get3A_1673] : memref<10000xf32, #tpu.memory_space<vmem>>[vector<16xi32>], vector<16xf32>,
      %get3A_1675 = arith.constant 20 : i32
      %get3A_1676 = arith.index_cast %get3A_1675 : i32 to index
      %get3A_1677 = arith.constant 0 : index
      %get3A_1678 = tpu.vector_load %arg21[%get3A_1676, %get3A_1677] {strides = array<i32>} : memref<25x80xi32, #tpu.memory_space<vmem>>, vector<16xi32>,
      %get3A_1679 = arith.constant 1600 : index
      %get3A_1680 = tpu.vector_load %arg16[%get3A_1679] {strides = array<i32>} : memref<2000xf32, #tpu.memory_space<vmem>>, vector<16xf32>,
      %mul3A_1681 = arith.mulf %gather3A_1674, %get3A_1680 : vector<16xf32>
      tpu.vector_store_idx %arg18[%get3A_1678], %mul3A_1681 {add = true} : memref<10000xf32, #tpu.memory_space<vmem>>[vector<16xi32>], vector<16xf32>,
      %get3A_1682 = arith.constant 1616 : index
      %get3A_1683 = tpu.vector_load %arg15[%get3A_1682] {strides = array<i32>} : memref<2000xi32, #tpu.memory_space<vmem>>, vector<16xi32>,
      %gather3A_1684 = tpu.vector_load_idx %arg17[%get3A_1683] : memref<10000xf32, #tpu.memory_space<vmem>>[vector<16xi32>], vector<16xf32>,
      %get3A_1685 = arith.constant 20 : i32
      %get3A_1686 = arith.index_cast %get3A_1685 : i32 to index
      %get3A_1687 = arith.constant 16 : index
      %get3A_1688 = tpu.vector_load %arg21[%get3A_1686, %get3A_1687] {strides = array<i32>} : memref<25x80xi32, #tpu.memory_space<vmem>>, vector<16xi32>,
      %get3A_1689 = arith.constant 1616 : index
      %get3A_1690 = tpu.vector_load %arg16[%get3A_1689] {strides = array<i32>} : memref<2000xf32, #tpu.memory_space<vmem>>, vector<16xf32>,
      %mul3A_1691 = arith.mulf %gather3A_1684, %get3A_1690 : vector<16xf32>
      tpu.vector_store_idx %arg18[%get3A_1688], %mul3A_1691 {add = true} : memref<10000xf32, #tpu.memory_space<vmem>>[vector<16xi32>], vector<16xf32>,
      %get3A_1692 = arith.constant 1632 : index
      %get3A_1693 = tpu.vector_load %arg15[%get3A_1692] {strides = array<i32>} : memref<2000xi32, #tpu.memory_space<vmem>>, vector<16xi32>,
      %gather3A_1694 = tpu.vector_load_idx %arg17[%get3A_1693] : memref<10000xf32, #tpu.memory_space<vmem>>[vector<16xi32>], vector<16xf32>,
      %get3A_1695 = arith.constant 20 : i32
      %get3A_1696 = arith.index_cast %get3A_1695 : i32 to index
      %get3A_1697 = arith.constant 32 : index
      %get3A_1698 = tpu.vector_load %arg21[%get3A_1696, %get3A_1697] {strides = array<i32>} : memref<25x80xi32, #tpu.memory_space<vmem>>, vector<16xi32>,
      %get3A_1699 = arith.constant 1632 : index
      %get3A_1700 = tpu.vector_load %arg16[%get3A_1699] {strides = array<i32>} : memref<2000xf32, #tpu.memory_space<vmem>>, vector<16xf32>,
      %mul3A_1701 = arith.mulf %gather3A_1694, %get3A_1700 : vector<16xf32>
      tpu.vector_store_idx %arg18[%get3A_1698], %mul3A_1701 {add = true} : memref<10000xf32, #tpu.memory_space<vmem>>[vector<16xi32>], vector<16xf32>,
      %get3A_1702 = arith.constant 1648 : index
      %get3A_1703 = tpu.vector_load %arg15[%get3A_1702] {strides = array<i32>} : memref<2000xi32, #tpu.memory_space<vmem>>, vector<16xi32>,
      %gather3A_1704 = tpu.vector_load_idx %arg17[%get3A_1703] : memref<10000xf32, #tpu.memory_space<vmem>>[vector<16xi32>], vector<16xf32>,
      %get3A_1705 = arith.constant 20 : i32
      %get3A_1706 = arith.index_cast %get3A_1705 : i32 to index
      %get3A_1707 = arith.constant 48 : index
      %get3A_1708 = tpu.vector_load %arg21[%get3A_1706, %get3A_1707] {strides = array<i32>} : memref<25x80xi32, #tpu.memory_space<vmem>>, vector<16xi32>,
      %get3A_1709 = arith.constant 1648 : index
      %get3A_1710 = tpu.vector_load %arg16[%get3A_1709] {strides = array<i32>} : memref<2000xf32, #tpu.memory_space<vmem>>, vector<16xf32>,
      %mul3A_1711 = arith.mulf %gather3A_1704, %get3A_1710 : vector<16xf32>
      tpu.vector_store_idx %arg18[%get3A_1708], %mul3A_1711 {add = true} : memref<10000xf32, #tpu.memory_space<vmem>>[vector<16xi32>], vector<16xf32>,
      %get3A_1712 = arith.constant 1664 : index
      %get3A_1713 = tpu.vector_load %arg15[%get3A_1712] {strides = array<i32>} : memref<2000xi32, #tpu.memory_space<vmem>>, vector<16xi32>,
      %gather3A_1714 = tpu.vector_load_idx %arg17[%get3A_1713] : memref<10000xf32, #tpu.memory_space<vmem>>[vector<16xi32>], vector<16xf32>,
      %get3A_1715 = arith.constant 20 : i32
      %get3A_1716 = arith.index_cast %get3A_1715 : i32 to index
      %get3A_1717 = arith.constant 64 : index
      %get3A_1718 = tpu.vector_load %arg21[%get3A_1716, %get3A_1717] {strides = array<i32>} : memref<25x80xi32, #tpu.memory_space<vmem>>, vector<16xi32>,
      %get3A_1719 = arith.constant 1664 : index
      %get3A_1720 = tpu.vector_load %arg16[%get3A_1719] {strides = array<i32>} : memref<2000xf32, #tpu.memory_space<vmem>>, vector<16xf32>,
      %mul3A_1721 = arith.mulf %gather3A_1714, %get3A_1720 : vector<16xf32>
      tpu.vector_store_idx %arg18[%get3A_1718], %mul3A_1721 {add = true} : memref<10000xf32, #tpu.memory_space<vmem>>[vector<16xi32>], vector<16xf32>,
      %dma_wait3A_1722 = arith.constant 20 : i32
      %dma_wait3A_1723 = arith.constant 0 : i32
      %dma_wait3A_1724 = tpu.memref_slice %arg21[%dma_wait3A_1722, %dma_wait3A_1723] : memref<25x80xi32, #tpu.memory_space<vmem>> -> memref<1x80xi32, #tpu.memory_space<vmem>>
      %dma_wait3A_1725 = tpu.memref_squeeze %dma_wait3A_1724 : memref<1x80xi32, #tpu.memory_space<vmem>> -> memref<80xi32, #tpu.memory_space<vmem>>
      %dma_wait3A_1726 = arith.constant 0 : i32
      %dma_wait3A_1727 = arith.constant 0 : i32
      %dma_wait3A_1728 = tpu.memref_slice %arg14[%dma_wait3A_1726, %dma_wait3A_1727] : memref<10000x128xf32, #tpu.memory_space<vmem_shared>> -> memref<10000x128xf32, #tpu.memory_space<vmem_shared>>
      tpu.wait_indirect_dma semaphore(%arg24 : memref<!tpu.dma_semaphore, #tpu.memory_space<semaphore_mem>>) src(%arg19 : memref<80x128xf32, #tpu.memory_space<vmem>>) dst(%dma_wait3A_1728 : memref<10000x128xf32, #tpu.memory_space<vmem_shared>>)
      %dma_start3A_1729 = arith.constant 1760 : i32
      %dma_start3A_1730 = tpu.memref_slice %arg15[%dma_start3A_1729] : memref<2000xi32, #tpu.memory_space<vmem>> -> memref<80xi32, #tpu.memory_space<vmem>>
      %dma_start3A_1731 = arith.constant 0 : i32
      %dma_start3A_1732 = arith.constant 0 : i32
      %dma_start3A_1733 = tpu.memref_slice %arg2[%dma_start3A_1731, %dma_start3A_1732] : memref<10000x128xf32, #tpu.memory_space<hbm>> -> memref<10000x128xf32, #tpu.memory_space<hbm>>
      tpu.enqueue_indirect_dma source(%dma_start3A_1733 : memref<10000x128xf32, #tpu.memory_space<hbm>>) target(%arg19 : memref<80x128xf32, #tpu.memory_space<vmem>>) offsets(%dma_start3A_1730 : memref<80xi32, #tpu.memory_space<vmem>>) semaphore(%arg22 : memref<!tpu.dma_semaphore, #tpu.memory_space<semaphore_mem>>)
      %dma_wait3A_1734 = arith.constant 1680 : i32
      %dma_wait3A_1735 = tpu.memref_slice %arg15[%dma_wait3A_1734] : memref<2000xi32, #tpu.memory_space<vmem>> -> memref<80xi32, #tpu.memory_space<vmem>>
      %dma_wait3A_1736 = arith.constant 0 : i32
      %dma_wait3A_1737 = arith.constant 0 : i32
      %dma_wait3A_1738 = tpu.memref_slice %arg2[%dma_wait3A_1736, %dma_wait3A_1737] : memref<10000x128xf32, #tpu.memory_space<hbm>> -> memref<10000x128xf32, #tpu.memory_space<hbm>>
      tpu.wait_indirect_dma semaphore(%arg23 : memref<!tpu.dma_semaphore, #tpu.memory_space<semaphore_mem>>) src(%dma_wait3A_1738 : memref<10000x128xf32, #tpu.memory_space<hbm>>) dst(%arg20 : memref<80x128xf32, #tpu.memory_space<vmem>>)
      %dma_start3A_1739 = arith.constant 21 : i32
      %dma_start3A_1740 = arith.constant 0 : i32
      %dma_start3A_1741 = tpu.memref_slice %arg21[%dma_start3A_1739, %dma_start3A_1740] : memref<25x80xi32, #tpu.memory_space<vmem>> -> memref<1x80xi32, #tpu.memory_space<vmem>>
      %dma_start3A_1742 = tpu.memref_squeeze %dma_start3A_1741 : memref<1x80xi32, #tpu.memory_space<vmem>> -> memref<80xi32, #tpu.memory_space<vmem>>
      %dma_start3A_1743 = arith.constant 0 : i32
      %dma_start3A_1744 = arith.constant 0 : i32
      %dma_start3A_1745 = tpu.memref_slice %arg14[%dma_start3A_1743, %dma_start3A_1744] : memref<10000x128xf32, #tpu.memory_space<vmem_shared>> -> memref<10000x128xf32, #tpu.memory_space<vmem_shared>>
      tpu.enqueue_indirect_dma source(%arg20 : memref<80x128xf32, #tpu.memory_space<vmem>>) target(%dma_start3A_1745 : memref<10000x128xf32, #tpu.memory_space<vmem_shared>>) offsets(%dma_start3A_1742 : memref<80xi32, #tpu.memory_space<vmem>>) semaphore(%arg25 : memref<!tpu.dma_semaphore, #tpu.memory_space<semaphore_mem>>) {add = true}
      %get3A_1746 = arith.constant 1680 : index
      %get3A_1747 = tpu.vector_load %arg15[%get3A_1746] {strides = array<i32>} : memref<2000xi32, #tpu.memory_space<vmem>>, vector<16xi32>,
      %gather3A_1748 = tpu.vector_load_idx %arg17[%get3A_1747] : memref<10000xf32, #tpu.memory_space<vmem>>[vector<16xi32>], vector<16xf32>,
      %get3A_1749 = arith.constant 21 : i32
      %get3A_1750 = arith.index_cast %get3A_1749 : i32 to index
      %get3A_1751 = arith.constant 0 : index
      %get3A_1752 = tpu.vector_load %arg21[%get3A_1750, %get3A_1751] {strides = array<i32>} : memref<25x80xi32, #tpu.memory_space<vmem>>, vector<16xi32>,
      %get3A_1753 = arith.constant 1680 : index
      %get3A_1754 = tpu.vector_load %arg16[%get3A_1753] {strides = array<i32>} : memref<2000xf32, #tpu.memory_space<vmem>>, vector<16xf32>,
      %mul3A_1755 = arith.mulf %gather3A_1748, %get3A_1754 : vector<16xf32>
      tpu.vector_store_idx %arg18[%get3A_1752], %mul3A_1755 {add = true} : memref<10000xf32, #tpu.memory_space<vmem>>[vector<16xi32>], vector<16xf32>,
      %get3A_1756 = arith.constant 1696 : index
      %get3A_1757 = tpu.vector_load %arg15[%get3A_1756] {strides = array<i32>} : memref<2000xi32, #tpu.memory_space<vmem>>, vector<16xi32>,
      %gather3A_1758 = tpu.vector_load_idx %arg17[%get3A_1757] : memref<10000xf32, #tpu.memory_space<vmem>>[vector<16xi32>], vector<16xf32>,
      %get3A_1759 = arith.constant 21 : i32
      %get3A_1760 = arith.index_cast %get3A_1759 : i32 to index
      %get3A_1761 = arith.constant 16 : index
      %get3A_1762 = tpu.vector_load %arg21[%get3A_1760, %get3A_1761] {strides = array<i32>} : memref<25x80xi32, #tpu.memory_space<vmem>>, vector<16xi32>,
      %get3A_1763 = arith.constant 1696 : index
      %get3A_1764 = tpu.vector_load %arg16[%get3A_1763] {strides = array<i32>} : memref<2000xf32, #tpu.memory_space<vmem>>, vector<16xf32>,
      %mul3A_1765 = arith.mulf %gather3A_1758, %get3A_1764 : vector<16xf32>
      tpu.vector_store_idx %arg18[%get3A_1762], %mul3A_1765 {add = true} : memref<10000xf32, #tpu.memory_space<vmem>>[vector<16xi32>], vector<16xf32>,
      %get3A_1766 = arith.constant 1712 : index
      %get3A_1767 = tpu.vector_load %arg15[%get3A_1766] {strides = array<i32>} : memref<2000xi32, #tpu.memory_space<vmem>>, vector<16xi32>,
      %gather3A_1768 = tpu.vector_load_idx %arg17[%get3A_1767] : memref<10000xf32, #tpu.memory_space<vmem>>[vector<16xi32>], vector<16xf32>,
      %get3A_1769 = arith.constant 21 : i32
      %get3A_1770 = arith.index_cast %get3A_1769 : i32 to index
      %get3A_1771 = arith.constant 32 : index
      %get3A_1772 = tpu.vector_load %arg21[%get3A_1770, %get3A_1771] {strides = array<i32>} : memref<25x80xi32, #tpu.memory_space<vmem>>, vector<16xi32>,
      %get3A_1773 = arith.constant 1712 : index
      %get3A_1774 = tpu.vector_load %arg16[%get3A_1773] {strides = array<i32>} : memref<2000xf32, #tpu.memory_space<vmem>>, vector<16xf32>,
      %mul3A_1775 = arith.mulf %gather3A_1768, %get3A_1774 : vector<16xf32>
      tpu.vector_store_idx %arg18[%get3A_1772], %mul3A_1775 {add = true} : memref<10000xf32, #tpu.memory_space<vmem>>[vector<16xi32>], vector<16xf32>,
      %get3A_1776 = arith.constant 1728 : index
      %get3A_1777 = tpu.vector_load %arg15[%get3A_1776] {strides = array<i32>} : memref<2000xi32, #tpu.memory_space<vmem>>, vector<16xi32>,
      %gather3A_1778 = tpu.vector_load_idx %arg17[%get3A_1777] : memref<10000xf32, #tpu.memory_space<vmem>>[vector<16xi32>], vector<16xf32>,
      %get3A_1779 = arith.constant 21 : i32
      %get3A_1780 = arith.index_cast %get3A_1779 : i32 to index
      %get3A_1781 = arith.constant 48 : index
      %get3A_1782 = tpu.vector_load %arg21[%get3A_1780, %get3A_1781] {strides = array<i32>} : memref<25x80xi32, #tpu.memory_space<vmem>>, vector<16xi32>,
      %get3A_1783 = arith.constant 1728 : index
      %get3A_1784 = tpu.vector_load %arg16[%get3A_1783] {strides = array<i32>} : memref<2000xf32, #tpu.memory_space<vmem>>, vector<16xf32>,
      %mul3A_1785 = arith.mulf %gather3A_1778, %get3A_1784 : vector<16xf32>
      tpu.vector_store_idx %arg18[%get3A_1782], %mul3A_1785 {add = true} : memref<10000xf32, #tpu.memory_space<vmem>>[vector<16xi32>], vector<16xf32>,
      %get3A_1786 = arith.constant 1744 : index
      %get3A_1787 = tpu.vector_load %arg15[%get3A_1786] {strides = array<i32>} : memref<2000xi32, #tpu.memory_space<vmem>>, vector<16xi32>,
      %gather3A_1788 = tpu.vector_load_idx %arg17[%get3A_1787] : memref<10000xf32, #tpu.memory_space<vmem>>[vector<16xi32>], vector<16xf32>,
      %get3A_1789 = arith.constant 21 : i32
      %get3A_1790 = arith.index_cast %get3A_1789 : i32 to index
      %get3A_1791 = arith.constant 64 : index
      %get3A_1792 = tpu.vector_load %arg21[%get3A_1790, %get3A_1791] {strides = array<i32>} : memref<25x80xi32, #tpu.memory_space<vmem>>, vector<16xi32>,
      %get3A_1793 = arith.constant 1744 : index
      %get3A_1794 = tpu.vector_load %arg16[%get3A_1793] {strides = array<i32>} : memref<2000xf32, #tpu.memory_space<vmem>>, vector<16xf32>,
      %mul3A_1795 = arith.mulf %gather3A_1788, %get3A_1794 : vector<16xf32>
      tpu.vector_store_idx %arg18[%get3A_1792], %mul3A_1795 {add = true} : memref<10000xf32, #tpu.memory_space<vmem>>[vector<16xi32>], vector<16xf32>,
      %dma_wait3A_1796 = arith.constant 21 : i32
      %dma_wait3A_1797 = arith.constant 0 : i32
      %dma_wait3A_1798 = tpu.memref_slice %arg21[%dma_wait3A_1796, %dma_wait3A_1797] : memref<25x80xi32, #tpu.memory_space<vmem>> -> memref<1x80xi32, #tpu.memory_space<vmem>>
      %dma_wait3A_1799 = tpu.memref_squeeze %dma_wait3A_1798 : memref<1x80xi32, #tpu.memory_space<vmem>> -> memref<80xi32, #tpu.memory_space<vmem>>
      %dma_wait3A_1800 = arith.constant 0 : i32
      %dma_wait3A_1801 = arith.constant 0 : i32
      %dma_wait3A_1802 = tpu.memref_slice %arg14[%dma_wait3A_1800, %dma_wait3A_1801] : memref<10000x128xf32, #tpu.memory_space<vmem_shared>> -> memref<10000x128xf32, #tpu.memory_space<vmem_shared>>
      tpu.wait_indirect_dma semaphore(%arg25 : memref<!tpu.dma_semaphore, #tpu.memory_space<semaphore_mem>>) src(%arg20 : memref<80x128xf32, #tpu.memory_space<vmem>>) dst(%dma_wait3A_1802 : memref<10000x128xf32, #tpu.memory_space<vmem_shared>>)
      %dma_start3A_1803 = arith.constant 1840 : i32
      %dma_start3A_1804 = tpu.memref_slice %arg15[%dma_start3A_1803] : memref<2000xi32, #tpu.memory_space<vmem>> -> memref<80xi32, #tpu.memory_space<vmem>>
      %dma_start3A_1805 = arith.constant 0 : i32
      %dma_start3A_1806 = arith.constant 0 : i32
      %dma_start3A_1807 = tpu.memref_slice %arg2[%dma_start3A_1805, %dma_start3A_1806] : memref<10000x128xf32, #tpu.memory_space<hbm>> -> memref<10000x128xf32, #tpu.memory_space<hbm>>
      tpu.enqueue_indirect_dma source(%dma_start3A_1807 : memref<10000x128xf32, #tpu.memory_space<hbm>>) target(%arg20 : memref<80x128xf32, #tpu.memory_space<vmem>>) offsets(%dma_start3A_1804 : memref<80xi32, #tpu.memory_space<vmem>>) semaphore(%arg23 : memref<!tpu.dma_semaphore, #tpu.memory_space<semaphore_mem>>)
      %dma_wait3A_1808 = arith.constant 1760 : i32
      %dma_wait3A_1809 = tpu.memref_slice %arg15[%dma_wait3A_1808] : memref<2000xi32, #tpu.memory_space<vmem>> -> memref<80xi32, #tpu.memory_space<vmem>>
      %dma_wait3A_1810 = arith.constant 0 : i32
      %dma_wait3A_1811 = arith.constant 0 : i32
      %dma_wait3A_1812 = tpu.memref_slice %arg2[%dma_wait3A_1810, %dma_wait3A_1811] : memref<10000x128xf32, #tpu.memory_space<hbm>> -> memref<10000x128xf32, #tpu.memory_space<hbm>>
      tpu.wait_indirect_dma semaphore(%arg22 : memref<!tpu.dma_semaphore, #tpu.memory_space<semaphore_mem>>) src(%dma_wait3A_1812 : memref<10000x128xf32, #tpu.memory_space<hbm>>) dst(%arg19 : memref<80x128xf32, #tpu.memory_space<vmem>>)
      %dma_start3A_1813 = arith.constant 22 : i32
      %dma_start3A_1814 = arith.constant 0 : i32
      %dma_start3A_1815 = tpu.memref_slice %arg21[%dma_start3A_1813, %dma_start3A_1814] : memref<25x80xi32, #tpu.memory_space<vmem>> -> memref<1x80xi32, #tpu.memory_space<vmem>>
      %dma_start3A_1816 = tpu.memref_squeeze %dma_start3A_1815 : memref<1x80xi32, #tpu.memory_space<vmem>> -> memref<80xi32, #tpu.memory_space<vmem>>
      %dma_start3A_1817 = arith.constant 0 : i32
      %dma_start3A_1818 = arith.constant 0 : i32
      %dma_start3A_1819 = tpu.memref_slice %arg14[%dma_start3A_1817, %dma_start3A_1818] : memref<10000x128xf32, #tpu.memory_space<vmem_shared>> -> memref<10000x128xf32, #tpu.memory_space<vmem_shared>>
      tpu.enqueue_indirect_dma source(%arg19 : memref<80x128xf32, #tpu.memory_space<vmem>>) target(%dma_start3A_1819 : memref<10000x128xf32, #tpu.memory_space<vmem_shared>>) offsets(%dma_start3A_1816 : memref<80xi32, #tpu.memory_space<vmem>>) semaphore(%arg24 : memref<!tpu.dma_semaphore, #tpu.memory_space<semaphore_mem>>) {add = true}
      %get3A_1820 = arith.constant 1760 : index
      %get3A_1821 = tpu.vector_load %arg15[%get3A_1820] {strides = array<i32>} : memref<2000xi32, #tpu.memory_space<vmem>>, vector<16xi32>,
      %gather3A_1822 = tpu.vector_load_idx %arg17[%get3A_1821] : memref<10000xf32, #tpu.memory_space<vmem>>[vector<16xi32>], vector<16xf32>,
      %get3A_1823 = arith.constant 22 : i32
      %get3A_1824 = arith.index_cast %get3A_1823 : i32 to index
      %get3A_1825 = arith.constant 0 : index
      %get3A_1826 = tpu.vector_load %arg21[%get3A_1824, %get3A_1825] {strides = array<i32>} : memref<25x80xi32, #tpu.memory_space<vmem>>, vector<16xi32>,
      %get3A_1827 = arith.constant 1760 : index
      %get3A_1828 = tpu.vector_load %arg16[%get3A_1827] {strides = array<i32>} : memref<2000xf32, #tpu.memory_space<vmem>>, vector<16xf32>,
      %mul3A_1829 = arith.mulf %gather3A_1822, %get3A_1828 : vector<16xf32>
      tpu.vector_store_idx %arg18[%get3A_1826], %mul3A_1829 {add = true} : memref<10000xf32, #tpu.memory_space<vmem>>[vector<16xi32>], vector<16xf32>,
      %get3A_1830 = arith.constant 1776 : index
      %get3A_1831 = tpu.vector_load %arg15[%get3A_1830] {strides = array<i32>} : memref<2000xi32, #tpu.memory_space<vmem>>, vector<16xi32>,
      %gather3A_1832 = tpu.vector_load_idx %arg17[%get3A_1831] : memref<10000xf32, #tpu.memory_space<vmem>>[vector<16xi32>], vector<16xf32>,
      %get3A_1833 = arith.constant 22 : i32
      %get3A_1834 = arith.index_cast %get3A_1833 : i32 to index
      %get3A_1835 = arith.constant 16 : index
      %get3A_1836 = tpu.vector_load %arg21[%get3A_1834, %get3A_1835] {strides = array<i32>} : memref<25x80xi32, #tpu.memory_space<vmem>>, vector<16xi32>,
      %get3A_1837 = arith.constant 1776 : index
      %get3A_1838 = tpu.vector_load %arg16[%get3A_1837] {strides = array<i32>} : memref<2000xf32, #tpu.memory_space<vmem>>, vector<16xf32>,
      %mul3A_1839 = arith.mulf %gather3A_1832, %get3A_1838 : vector<16xf32>
      tpu.vector_store_idx %arg18[%get3A_1836], %mul3A_1839 {add = true} : memref<10000xf32, #tpu.memory_space<vmem>>[vector<16xi32>], vector<16xf32>,
      %get3A_1840 = arith.constant 1792 : index
      %get3A_1841 = tpu.vector_load %arg15[%get3A_1840] {strides = array<i32>} : memref<2000xi32, #tpu.memory_space<vmem>>, vector<16xi32>,
      %gather3A_1842 = tpu.vector_load_idx %arg17[%get3A_1841] : memref<10000xf32, #tpu.memory_space<vmem>>[vector<16xi32>], vector<16xf32>,
      %get3A_1843 = arith.constant 22 : i32
      %get3A_1844 = arith.index_cast %get3A_1843 : i32 to index
      %get3A_1845 = arith.constant 32 : index
      %get3A_1846 = tpu.vector_load %arg21[%get3A_1844, %get3A_1845] {strides = array<i32>} : memref<25x80xi32, #tpu.memory_space<vmem>>, vector<16xi32>,
      %get3A_1847 = arith.constant 1792 : index
      %get3A_1848 = tpu.vector_load %arg16[%get3A_1847] {strides = array<i32>} : memref<2000xf32, #tpu.memory_space<vmem>>, vector<16xf32>,
      %mul3A_1849 = arith.mulf %gather3A_1842, %get3A_1848 : vector<16xf32>
      tpu.vector_store_idx %arg18[%get3A_1846], %mul3A_1849 {add = true} : memref<10000xf32, #tpu.memory_space<vmem>>[vector<16xi32>], vector<16xf32>,
      %get3A_1850 = arith.constant 1808 : index
      %get3A_1851 = tpu.vector_load %arg15[%get3A_1850] {strides = array<i32>} : memref<2000xi32, #tpu.memory_space<vmem>>, vector<16xi32>,
      %gather3A_1852 = tpu.vector_load_idx %arg17[%get3A_1851] : memref<10000xf32, #tpu.memory_space<vmem>>[vector<16xi32>], vector<16xf32>,
      %get3A_1853 = arith.constant 22 : i32
      %get3A_1854 = arith.index_cast %get3A_1853 : i32 to index
      %get3A_1855 = arith.constant 48 : index
      %get3A_1856 = tpu.vector_load %arg21[%get3A_1854, %get3A_1855] {strides = array<i32>} : memref<25x80xi32, #tpu.memory_space<vmem>>, vector<16xi32>,
      %get3A_1857 = arith.constant 1808 : index
      %get3A_1858 = tpu.vector_load %arg16[%get3A_1857] {strides = array<i32>} : memref<2000xf32, #tpu.memory_space<vmem>>, vector<16xf32>,
      %mul3A_1859 = arith.mulf %gather3A_1852, %get3A_1858 : vector<16xf32>
      tpu.vector_store_idx %arg18[%get3A_1856], %mul3A_1859 {add = true} : memref<10000xf32, #tpu.memory_space<vmem>>[vector<16xi32>], vector<16xf32>,
      %get3A_1860 = arith.constant 1824 : index
      %get3A_1861 = tpu.vector_load %arg15[%get3A_1860] {strides = array<i32>} : memref<2000xi32, #tpu.memory_space<vmem>>, vector<16xi32>,
      %gather3A_1862 = tpu.vector_load_idx %arg17[%get3A_1861] : memref<10000xf32, #tpu.memory_space<vmem>>[vector<16xi32>], vector<16xf32>,
      %get3A_1863 = arith.constant 22 : i32
      %get3A_1864 = arith.index_cast %get3A_1863 : i32 to index
      %get3A_1865 = arith.constant 64 : index
      %get3A_1866 = tpu.vector_load %arg21[%get3A_1864, %get3A_1865] {strides = array<i32>} : memref<25x80xi32, #tpu.memory_space<vmem>>, vector<16xi32>,
      %get3A_1867 = arith.constant 1824 : index
      %get3A_1868 = tpu.vector_load %arg16[%get3A_1867] {strides = array<i32>} : memref<2000xf32, #tpu.memory_space<vmem>>, vector<16xf32>,
      %mul3A_1869 = arith.mulf %gather3A_1862, %get3A_1868 : vector<16xf32>
      tpu.vector_store_idx %arg18[%get3A_1866], %mul3A_1869 {add = true} : memref<10000xf32, #tpu.memory_space<vmem>>[vector<16xi32>], vector<16xf32>,
      %dma_wait3A_1870 = arith.constant 22 : i32
      %dma_wait3A_1871 = arith.constant 0 : i32
      %dma_wait3A_1872 = tpu.memref_slice %arg21[%dma_wait3A_1870, %dma_wait3A_1871] : memref<25x80xi32, #tpu.memory_space<vmem>> -> memref<1x80xi32, #tpu.memory_space<vmem>>
      %dma_wait3A_1873 = tpu.memref_squeeze %dma_wait3A_1872 : memref<1x80xi32, #tpu.memory_space<vmem>> -> memref<80xi32, #tpu.memory_space<vmem>>
      %dma_wait3A_1874 = arith.constant 0 : i32
      %dma_wait3A_1875 = arith.constant 0 : i32
      %dma_wait3A_1876 = tpu.memref_slice %arg14[%dma_wait3A_1874, %dma_wait3A_1875] : memref<10000x128xf32, #tpu.memory_space<vmem_shared>> -> memref<10000x128xf32, #tpu.memory_space<vmem_shared>>
      tpu.wait_indirect_dma semaphore(%arg24 : memref<!tpu.dma_semaphore, #tpu.memory_space<semaphore_mem>>) src(%arg19 : memref<80x128xf32, #tpu.memory_space<vmem>>) dst(%dma_wait3A_1876 : memref<10000x128xf32, #tpu.memory_space<vmem_shared>>)
      %dma_start3A_1877 = arith.constant 1920 : i32
      %dma_start3A_1878 = tpu.memref_slice %arg15[%dma_start3A_1877] : memref<2000xi32, #tpu.memory_space<vmem>> -> memref<80xi32, #tpu.memory_space<vmem>>
      %dma_start3A_1879 = arith.constant 0 : i32
      %dma_start3A_1880 = arith.constant 0 : i32
      %dma_start3A_1881 = tpu.memref_slice %arg2[%dma_start3A_1879, %dma_start3A_1880] : memref<10000x128xf32, #tpu.memory_space<hbm>> -> memref<10000x128xf32, #tpu.memory_space<hbm>>
      tpu.enqueue_indirect_dma source(%dma_start3A_1881 : memref<10000x128xf32, #tpu.memory_space<hbm>>) target(%arg19 : memref<80x128xf32, #tpu.memory_space<vmem>>) offsets(%dma_start3A_1878 : memref<80xi32, #tpu.memory_space<vmem>>) semaphore(%arg22 : memref<!tpu.dma_semaphore, #tpu.memory_space<semaphore_mem>>)
      %dma_wait3A_1882 = arith.constant 1840 : i32
      %dma_wait3A_1883 = tpu.memref_slice %arg15[%dma_wait3A_1882] : memref<2000xi32, #tpu.memory_space<vmem>> -> memref<80xi32, #tpu.memory_space<vmem>>
      %dma_wait3A_1884 = arith.constant 0 : i32
      %dma_wait3A_1885 = arith.constant 0 : i32
      %dma_wait3A_1886 = tpu.memref_slice %arg2[%dma_wait3A_1884, %dma_wait3A_1885] : memref<10000x128xf32, #tpu.memory_space<hbm>> -> memref<10000x128xf32, #tpu.memory_space<hbm>>
      tpu.wait_indirect_dma semaphore(%arg23 : memref<!tpu.dma_semaphore, #tpu.memory_space<semaphore_mem>>) src(%dma_wait3A_1886 : memref<10000x128xf32, #tpu.memory_space<hbm>>) dst(%arg20 : memref<80x128xf32, #tpu.memory_space<vmem>>)
      %dma_start3A_1887 = arith.constant 23 : i32
      %dma_start3A_1888 = arith.constant 0 : i32
      %dma_start3A_1889 = tpu.memref_slice %arg21[%dma_start3A_1887, %dma_start3A_1888] : memref<25x80xi32, #tpu.memory_space<vmem>> -> memref<1x80xi32, #tpu.memory_space<vmem>>
      %dma_start3A_1890 = tpu.memref_squeeze %dma_start3A_1889 : memref<1x80xi32, #tpu.memory_space<vmem>> -> memref<80xi32, #tpu.memory_space<vmem>>
      %dma_start3A_1891 = arith.constant 0 : i32
      %dma_start3A_1892 = arith.constant 0 : i32
      %dma_start3A_1893 = tpu.memref_slice %arg14[%dma_start3A_1891, %dma_start3A_1892] : memref<10000x128xf32, #tpu.memory_space<vmem_shared>> -> memref<10000x128xf32, #tpu.memory_space<vmem_shared>>
      tpu.enqueue_indirect_dma source(%arg20 : memref<80x128xf32, #tpu.memory_space<vmem>>) target(%dma_start3A_1893 : memref<10000x128xf32, #tpu.memory_space<vmem_shared>>) offsets(%dma_start3A_1890 : memref<80xi32, #tpu.memory_space<vmem>>) semaphore(%arg25 : memref<!tpu.dma_semaphore, #tpu.memory_space<semaphore_mem>>) {add = true}
      %get3A_1894 = arith.constant 1840 : index
      %get3A_1895 = tpu.vector_load %arg15[%get3A_1894] {strides = array<i32>} : memref<2000xi32, #tpu.memory_space<vmem>>, vector<16xi32>,
      %gather3A_1896 = tpu.vector_load_idx %arg17[%get3A_1895] : memref<10000xf32, #tpu.memory_space<vmem>>[vector<16xi32>], vector<16xf32>,
      %get3A_1897 = arith.constant 23 : i32
      %get3A_1898 = arith.index_cast %get3A_1897 : i32 to index
      %get3A_1899 = arith.constant 0 : index
      %get3A_1900 = tpu.vector_load %arg21[%get3A_1898, %get3A_1899] {strides = array<i32>} : memref<25x80xi32, #tpu.memory_space<vmem>>, vector<16xi32>,
      %get3A_1901 = arith.constant 1840 : index
      %get3A_1902 = tpu.vector_load %arg16[%get3A_1901] {strides = array<i32>} : memref<2000xf32, #tpu.memory_space<vmem>>, vector<16xf32>,
      %mul3A_1903 = arith.mulf %gather3A_1896, %get3A_1902 : vector<16xf32>
      tpu.vector_store_idx %arg18[%get3A_1900], %mul3A_1903 {add = true} : memref<10000xf32, #tpu.memory_space<vmem>>[vector<16xi32>], vector<16xf32>,
      %get3A_1904 = arith.constant 1856 : index
      %get3A_1905 = tpu.vector_load %arg15[%get3A_1904] {strides = array<i32>} : memref<2000xi32, #tpu.memory_space<vmem>>, vector<16xi32>,
      %gather3A_1906 = tpu.vector_load_idx %arg17[%get3A_1905] : memref<10000xf32, #tpu.memory_space<vmem>>[vector<16xi32>], vector<16xf32>,
      %get3A_1907 = arith.constant 23 : i32
      %get3A_1908 = arith.index_cast %get3A_1907 : i32 to index
      %get3A_1909 = arith.constant 16 : index
      %get3A_1910 = tpu.vector_load %arg21[%get3A_1908, %get3A_1909] {strides = array<i32>} : memref<25x80xi32, #tpu.memory_space<vmem>>, vector<16xi32>,
      %get3A_1911 = arith.constant 1856 : index
      %get3A_1912 = tpu.vector_load %arg16[%get3A_1911] {strides = array<i32>} : memref<2000xf32, #tpu.memory_space<vmem>>, vector<16xf32>,
      %mul3A_1913 = arith.mulf %gather3A_1906, %get3A_1912 : vector<16xf32>
      tpu.vector_store_idx %arg18[%get3A_1910], %mul3A_1913 {add = true} : memref<10000xf32, #tpu.memory_space<vmem>>[vector<16xi32>], vector<16xf32>,
      %get3A_1914 = arith.constant 1872 : index
      %get3A_1915 = tpu.vector_load %arg15[%get3A_1914] {strides = array<i32>} : memref<2000xi32, #tpu.memory_space<vmem>>, vector<16xi32>,
      %gather3A_1916 = tpu.vector_load_idx %arg17[%get3A_1915] : memref<10000xf32, #tpu.memory_space<vmem>>[vector<16xi32>], vector<16xf32>,
      %get3A_1917 = arith.constant 23 : i32
      %get3A_1918 = arith.index_cast %get3A_1917 : i32 to index
      %get3A_1919 = arith.constant 32 : index
      %get3A_1920 = tpu.vector_load %arg21[%get3A_1918, %get3A_1919] {strides = array<i32>} : memref<25x80xi32, #tpu.memory_space<vmem>>, vector<16xi32>,
      %get3A_1921 = arith.constant 1872 : index
      %get3A_1922 = tpu.vector_load %arg16[%get3A_1921] {strides = array<i32>} : memref<2000xf32, #tpu.memory_space<vmem>>, vector<16xf32>,
      %mul3A_1923 = arith.mulf %gather3A_1916, %get3A_1922 : vector<16xf32>
      tpu.vector_store_idx %arg18[%get3A_1920], %mul3A_1923 {add = true} : memref<10000xf32, #tpu.memory_space<vmem>>[vector<16xi32>], vector<16xf32>,
      %get3A_1924 = arith.constant 1888 : index
      %get3A_1925 = tpu.vector_load %arg15[%get3A_1924] {strides = array<i32>} : memref<2000xi32, #tpu.memory_space<vmem>>, vector<16xi32>,
      %gather3A_1926 = tpu.vector_load_idx %arg17[%get3A_1925] : memref<10000xf32, #tpu.memory_space<vmem>>[vector<16xi32>], vector<16xf32>,
      %get3A_1927 = arith.constant 23 : i32
      %get3A_1928 = arith.index_cast %get3A_1927 : i32 to index
      %get3A_1929 = arith.constant 48 : index
      %get3A_1930 = tpu.vector_load %arg21[%get3A_1928, %get3A_1929] {strides = array<i32>} : memref<25x80xi32, #tpu.memory_space<vmem>>, vector<16xi32>,
      %get3A_1931 = arith.constant 1888 : index
      %get3A_1932 = tpu.vector_load %arg16[%get3A_1931] {strides = array<i32>} : memref<2000xf32, #tpu.memory_space<vmem>>, vector<16xf32>,
      %mul3A_1933 = arith.mulf %gather3A_1926, %get3A_1932 : vector<16xf32>
      tpu.vector_store_idx %arg18[%get3A_1930], %mul3A_1933 {add = true} : memref<10000xf32, #tpu.memory_space<vmem>>[vector<16xi32>], vector<16xf32>,
      %get3A_1934 = arith.constant 1904 : index
      %get3A_1935 = tpu.vector_load %arg15[%get3A_1934] {strides = array<i32>} : memref<2000xi32, #tpu.memory_space<vmem>>, vector<16xi32>,
      %gather3A_1936 = tpu.vector_load_idx %arg17[%get3A_1935] : memref<10000xf32, #tpu.memory_space<vmem>>[vector<16xi32>], vector<16xf32>,
      %get3A_1937 = arith.constant 23 : i32
      %get3A_1938 = arith.index_cast %get3A_1937 : i32 to index
      %get3A_1939 = arith.constant 64 : index
      %get3A_1940 = tpu.vector_load %arg21[%get3A_1938, %get3A_1939] {strides = array<i32>} : memref<25x80xi32, #tpu.memory_space<vmem>>, vector<16xi32>,
      %get3A_1941 = arith.constant 1904 : index
      %get3A_1942 = tpu.vector_load %arg16[%get3A_1941] {strides = array<i32>} : memref<2000xf32, #tpu.memory_space<vmem>>, vector<16xf32>,
      %mul3A_1943 = arith.mulf %gather3A_1936, %get3A_1942 : vector<16xf32>
      tpu.vector_store_idx %arg18[%get3A_1940], %mul3A_1943 {add = true} : memref<10000xf32, #tpu.memory_space<vmem>>[vector<16xi32>], vector<16xf32>,
      %dma_wait3A_1944 = arith.constant 1920 : i32
      %dma_wait3A_1945 = tpu.memref_slice %arg15[%dma_wait3A_1944] : memref<2000xi32, #tpu.memory_space<vmem>> -> memref<80xi32, #tpu.memory_space<vmem>>
      %dma_wait3A_1946 = arith.constant 0 : i32
      %dma_wait3A_1947 = arith.constant 0 : i32
      %dma_wait3A_1948 = tpu.memref_slice %arg2[%dma_wait3A_1946, %dma_wait3A_1947] : memref<10000x128xf32, #tpu.memory_space<hbm>> -> memref<10000x128xf32, #tpu.memory_space<hbm>>
      tpu.wait_indirect_dma semaphore(%arg22 : memref<!tpu.dma_semaphore, #tpu.memory_space<semaphore_mem>>) src(%dma_wait3A_1948 : memref<10000x128xf32, #tpu.memory_space<hbm>>) dst(%arg19 : memref<80x128xf32, #tpu.memory_space<vmem>>)
      %dma_start3A_1949 = arith.constant 24 : i32
      %dma_start3A_1950 = arith.constant 0 : i32
      %dma_start3A_1951 = tpu.memref_slice %arg21[%dma_start3A_1949, %dma_start3A_1950] : memref<25x80xi32, #tpu.memory_space<vmem>> -> memref<1x80xi32, #tpu.memory_space<vmem>>
      %dma_start3A_1952 = tpu.memref_squeeze %dma_start3A_1951 : memref<1x80xi32, #tpu.memory_space<vmem>> -> memref<80xi32, #tpu.memory_space<vmem>>
      %dma_start3A_1953 = arith.constant 0 : i32
      %dma_start3A_1954 = arith.constant 0 : i32
      %dma_start3A_1955 = tpu.memref_slice %arg14[%dma_start3A_1953, %dma_start3A_1954] : memref<10000x128xf32, #tpu.memory_space<vmem_shared>> -> memref<10000x128xf32, #tpu.memory_space<vmem_shared>>
      tpu.enqueue_indirect_dma source(%arg19 : memref<80x128xf32, #tpu.memory_space<vmem>>) target(%dma_start3A_1955 : memref<10000x128xf32, #tpu.memory_space<vmem_shared>>) offsets(%dma_start3A_1952 : memref<80xi32, #tpu.memory_space<vmem>>) semaphore(%arg24 : memref<!tpu.dma_semaphore, #tpu.memory_space<semaphore_mem>>) {add = true}
      %get3A_1956 = arith.constant 1920 : index
      %get3A_1957 = tpu.vector_load %arg15[%get3A_1956] {strides = array<i32>} : memref<2000xi32, #tpu.memory_space<vmem>>, vector<16xi32>,
      %gather3A_1958 = tpu.vector_load_idx %arg17[%get3A_1957] : memref<10000xf32, #tpu.memory_space<vmem>>[vector<16xi32>], vector<16xf32>,
      %get3A_1959 = arith.constant 24 : i32
      %get3A_1960 = arith.index_cast %get3A_1959 : i32 to index
      %get3A_1961 = arith.constant 0 : index
      %get3A_1962 = tpu.vector_load %arg21[%get3A_1960, %get3A_1961] {strides = array<i32>} : memref<25x80xi32, #tpu.memory_space<vmem>>, vector<16xi32>,
      %get3A_1963 = arith.constant 1920 : index
      %get3A_1964 = tpu.vector_load %arg16[%get3A_1963] {strides = array<i32>} : memref<2000xf32, #tpu.memory_space<vmem>>, vector<16xf32>,
      %mul3A_1965 = arith.mulf %gather3A_1958, %get3A_1964 : vector<16xf32>
      tpu.vector_store_idx %arg18[%get3A_1962], %mul3A_1965 {add = true} : memref<10000xf32, #tpu.memory_space<vmem>>[vector<16xi32>], vector<16xf32>,
      %get3A_1966 = arith.constant 1936 : index
      %get3A_1967 = tpu.vector_load %arg15[%get3A_1966] {strides = array<i32>} : memref<2000xi32, #tpu.memory_space<vmem>>, vector<16xi32>,
      %gather3A_1968 = tpu.vector_load_idx %arg17[%get3A_1967] : memref<10000xf32, #tpu.memory_space<vmem>>[vector<16xi32>], vector<16xf32>,
      %get3A_1969 = arith.constant 24 : i32
      %get3A_1970 = arith.index_cast %get3A_1969 : i32 to index
      %get3A_1971 = arith.constant 16 : index
      %get3A_1972 = tpu.vector_load %arg21[%get3A_1970, %get3A_1971] {strides = array<i32>} : memref<25x80xi32, #tpu.memory_space<vmem>>, vector<16xi32>,
      %get3A_1973 = arith.constant 1936 : index
      %get3A_1974 = tpu.vector_load %arg16[%get3A_1973] {strides = array<i32>} : memref<2000xf32, #tpu.memory_space<vmem>>, vector<16xf32>,
      %mul3A_1975 = arith.mulf %gather3A_1968, %get3A_1974 : vector<16xf32>
      tpu.vector_store_idx %arg18[%get3A_1972], %mul3A_1975 {add = true} : memref<10000xf32, #tpu.memory_space<vmem>>[vector<16xi32>], vector<16xf32>,
      %get3A_1976 = arith.constant 1952 : index
      %get3A_1977 = tpu.vector_load %arg15[%get3A_1976] {strides = array<i32>} : memref<2000xi32, #tpu.memory_space<vmem>>, vector<16xi32>,
      %gather3A_1978 = tpu.vector_load_idx %arg17[%get3A_1977] : memref<10000xf32, #tpu.memory_space<vmem>>[vector<16xi32>], vector<16xf32>,
      %get3A_1979 = arith.constant 24 : i32
      %get3A_1980 = arith.index_cast %get3A_1979 : i32 to index
      %get3A_1981 = arith.constant 32 : index
      %get3A_1982 = tpu.vector_load %arg21[%get3A_1980, %get3A_1981] {strides = array<i32>} : memref<25x80xi32, #tpu.memory_space<vmem>>, vector<16xi32>,
      %get3A_1983 = arith.constant 1952 : index
      %get3A_1984 = tpu.vector_load %arg16[%get3A_1983] {strides = array<i32>} : memref<2000xf32, #tpu.memory_space<vmem>>, vector<16xf32>,
      %mul3A_1985 = arith.mulf %gather3A_1978, %get3A_1984 : vector<16xf32>
      tpu.vector_store_idx %arg18[%get3A_1982], %mul3A_1985 {add = true} : memref<10000xf32, #tpu.memory_space<vmem>>[vector<16xi32>], vector<16xf32>,
      %get3A_1986 = arith.constant 1968 : index
      %get3A_1987 = tpu.vector_load %arg15[%get3A_1986] {strides = array<i32>} : memref<2000xi32, #tpu.memory_space<vmem>>, vector<16xi32>,
      %gather3A_1988 = tpu.vector_load_idx %arg17[%get3A_1987] : memref<10000xf32, #tpu.memory_space<vmem>>[vector<16xi32>], vector<16xf32>,
      %get3A_1989 = arith.constant 24 : i32
      %get3A_1990 = arith.index_cast %get3A_1989 : i32 to index
      %get3A_1991 = arith.constant 48 : index
      %get3A_1992 = tpu.vector_load %arg21[%get3A_1990, %get3A_1991] {strides = array<i32>} : memref<25x80xi32, #tpu.memory_space<vmem>>, vector<16xi32>,
      %get3A_1993 = arith.constant 1968 : index
      %get3A_1994 = tpu.vector_load %arg16[%get3A_1993] {strides = array<i32>} : memref<2000xf32, #tpu.memory_space<vmem>>, vector<16xf32>,
      %mul3A_1995 = arith.mulf %gather3A_1988, %get3A_1994 : vector<16xf32>
      tpu.vector_store_idx %arg18[%get3A_1992], %mul3A_1995 {add = true} : memref<10000xf32, #tpu.memory_space<vmem>>[vector<16xi32>], vector<16xf32>,
      %get3A_1996 = arith.constant 1984 : index
      %get3A_1997 = tpu.vector_load %arg15[%get3A_1996] {strides = array<i32>} : memref<2000xi32, #tpu.memory_space<vmem>>, vector<16xi32>,
      %gather3A_1998 = tpu.vector_load_idx %arg17[%get3A_1997] : memref<10000xf32, #tpu.memory_space<vmem>>[vector<16xi32>], vector<16xf32>,
      %get3A_1999 = arith.constant 24 : i32
      %get3A_2000 = arith.index_cast %get3A_1999 : i32 to index
      %get3A_2001 = arith.constant 64 : index
      %get3A_2002 = tpu.vector_load %arg21[%get3A_2000, %get3A_2001] {strides = array<i32>} : memref<25x80xi32, #tpu.memory_space<vmem>>, vector<16xi32>,
      %get3A_2003 = arith.constant 1984 : index
      %get3A_2004 = tpu.vector_load %arg16[%get3A_2003] {strides = array<i32>} : memref<2000xf32, #tpu.memory_space<vmem>>, vector<16xf32>,
      %mul3A_2005 = arith.mulf %gather3A_1998, %get3A_2004 : vector<16xf32>
      tpu.vector_store_idx %arg18[%get3A_2002], %mul3A_2005 {add = true} : memref<10000xf32, #tpu.memory_space<vmem>>[vector<16xi32>], vector<16xf32>,
      %dma_wait3A_2006 = arith.constant 24 : i32
      %dma_wait3A_2007 = arith.constant 0 : i32
      %dma_wait3A_2008 = tpu.memref_slice %arg21[%dma_wait3A_2006, %dma_wait3A_2007] : memref<25x80xi32, #tpu.memory_space<vmem>> -> memref<1x80xi32, #tpu.memory_space<vmem>>
      %dma_wait3A_2009 = tpu.memref_squeeze %dma_wait3A_2008 : memref<1x80xi32, #tpu.memory_space<vmem>> -> memref<80xi32, #tpu.memory_space<vmem>>
      %dma_wait3A_2010 = arith.constant 0 : i32
      %dma_wait3A_2011 = arith.constant 0 : i32
      %dma_wait3A_2012 = tpu.memref_slice %arg14[%dma_wait3A_2010, %dma_wait3A_2011] : memref<10000x128xf32, #tpu.memory_space<vmem_shared>> -> memref<10000x128xf32, #tpu.memory_space<vmem_shared>>
      tpu.wait_indirect_dma semaphore(%arg24 : memref<!tpu.dma_semaphore, #tpu.memory_space<semaphore_mem>>) src(%arg19 : memref<80x128xf32, #tpu.memory_space<vmem>>) dst(%dma_wait3A_2012 : memref<10000x128xf32, #tpu.memory_space<vmem_shared>>)
      %dma_wait3A_2013 = arith.constant 23 : i32
      %dma_wait3A_2014 = arith.constant 0 : i32
      %dma_wait3A_2015 = tpu.memref_slice %arg21[%dma_wait3A_2013, %dma_wait3A_2014] : memref<25x80xi32, #tpu.memory_space<vmem>> -> memref<1x80xi32, #tpu.memory_space<vmem>>
      %dma_wait3A_2016 = tpu.memref_squeeze %dma_wait3A_2015 : memref<1x80xi32, #tpu.memory_space<vmem>> -> memref<80xi32, #tpu.memory_space<vmem>>
      %dma_wait3A_2017 = arith.constant 0 : i32
      %dma_wait3A_2018 = arith.constant 0 : i32
      %dma_wait3A_2019 = tpu.memref_slice %arg14[%dma_wait3A_2017, %dma_wait3A_2018] : memref<10000x128xf32, #tpu.memory_space<vmem_shared>> -> memref<10000x128xf32, #tpu.memory_space<vmem_shared>>
      tpu.wait_indirect_dma semaphore(%arg25 : memref<!tpu.dma_semaphore, #tpu.memory_space<semaphore_mem>>) src(%arg20 : memref<80x128xf32, #tpu.memory_space<vmem>>) dst(%dma_wait3A_2019 : memref<10000x128xf32, #tpu.memory_space<vmem_shared>>)
    }
    %scan3A_20 = arith.constant 5 : i32
    "tpu.region"() ({
      %run_scoped3A = tpu.sem_alloc : memref<!tpu.dma_semaphore, #tpu.memory_space<semaphore_mem>>
      %dma_start3A = arith.constant 0 : i32
      %dma_start3A_143 = tpu.memref_slice %arg12[%add3A, %dma_start3A] : memref<32x10000xf32, #tpu.memory_space<hbm>> -> memref<1x10000xf32, #tpu.memory_space<hbm>>
      %dma_start3A_144 = tpu.memref_squeeze %dma_start3A_143 : memref<1x10000xf32, #tpu.memory_space<hbm>> -> memref<10000xf32, #tpu.memory_space<hbm>>
      %dma_start3A_145 = arith.constant 0 : i32
      %dma_start3A_146 = tpu.memref_slice %arg12[%add3A, %dma_start3A_145] : memref<32x10000xf32, #tpu.memory_space<hbm>> -> memref<1x10000xf32, #tpu.memory_space<hbm>>
      %dma_start3A_147 = tpu.memref_squeeze %dma_start3A_146 : memref<1x10000xf32, #tpu.memory_space<hbm>> -> memref<10000xf32, #tpu.memory_space<hbm>>
      tpu.enqueue_dma source(%arg18 : memref<10000xf32, #tpu.memory_space<vmem>>) target(%dma_start3A_147 : memref<10000xf32, #tpu.memory_space<hbm>>) target_semaphore(%run_scoped3A : memref<!tpu.dma_semaphore, #tpu.memory_space<semaphore_mem>>)
      %dma_wait3A = arith.constant 0 : i32
      %dma_wait3A_148 = tpu.memref_slice %arg12[%add3A, %dma_wait3A] : memref<32x10000xf32, #tpu.memory_space<hbm>> -> memref<1x10000xf32, #tpu.memory_space<hbm>>
      %dma_wait3A_149 = tpu.memref_squeeze %dma_wait3A_148 : memref<1x10000xf32, #tpu.memory_space<hbm>> -> memref<10000xf32, #tpu.memory_space<hbm>>
      %dma_wait3A_150 = arith.constant 0 : i32
      %dma_wait3A_151 = tpu.memref_slice %arg12[%add3A, %dma_wait3A_150] : memref<32x10000xf32, #tpu.memory_space<hbm>> -> memref<1x10000xf32, #tpu.memory_space<hbm>>
      %dma_wait3A_152 = tpu.memref_squeeze %dma_wait3A_151 : memref<1x10000xf32, #tpu.memory_space<hbm>> -> memref<10000xf32, #tpu.memory_space<hbm>>
      tpu.wait_dma2 semaphore(%run_scoped3A : memref<!tpu.dma_semaphore, #tpu.memory_space<semaphore_mem>>) src(%arg18 : memref<10000xf32, #tpu.memory_space<vmem>>) dst(%dma_wait3A_152 : memref<10000xf32, #tpu.memory_space<hbm>>)
      tpu.yield
    }) : () -> ()
    %barrier3A_21 = arith.constant 0 : index
    tpu.barrier barrier_id(%barrier3A_21)
    %add3A_22 = arith.constant 0 : i32
    %add3A_23 = arith.addi %add3A_22, %arg1 : i32
    %lt3A = arith.constant 125 : i32
    %lt3A_24 = arith.cmpi slt, %add3A_23, %lt3A : i32
    %convert_element_type3A = arith.extui %lt3A_24 : i1 to i32
    %cond3A = arith.constant 0 : i32
    %cond3A_25 = arith.cmpi ne, %convert_element_type3A, %cond3A : i32
    scf.if %cond3A_25 {
      %mul3A_143 = arith.constant 80 : i32
      %mul3A_144 = arith.muli %add3A_23, %mul3A_143 : i32
      %mul3A_145 = arith.constant 80 : i32
      %mul3A_146 = arith.muli %add3A_23, %mul3A_145 : i32
      %dma_start3A = arith.constant 0 : i32
      %dma_start3A_147 = tpu.memref_slice %arg11[%arg0, %mul3A_146, %dma_start3A] : memref<2x10000x128xf32, #tpu.memory_space<hbm>> -> memref<1x80x128xf32, #tpu.memory_space<hbm>>
      %dma_start3A_148 = tpu.memref_squeeze %dma_start3A_147 : memref<1x80x128xf32, #tpu.memory_space<hbm>> -> memref<80x128xf32, #tpu.memory_space<hbm>>
      %dma_start3A_149 = arith.constant 0 : i32
      %dma_start3A_150 = tpu.memref_slice %arg14[%mul3A_144, %dma_start3A_149] : memref<10000x128xf32, #tpu.memory_space<vmem_shared>> -> memref<80x128xf32, #tpu.memory_space<vmem_shared>>
      tpu.enqueue_dma source(%dma_start3A_150 : memref<80x128xf32, #tpu.memory_space<vmem_shared>>) target(%dma_start3A_148 : memref<80x128xf32, #tpu.memory_space<hbm>>) target_semaphore(%arg25 : memref<!tpu.dma_semaphore, #tpu.memory_space<semaphore_mem>>)
    } else {
    }
    %add3A_26 = arith.constant 16 : i32
    %add3A_27 = arith.addi %add3A_26, %arg1 : i32
    %lt3A_28 = arith.constant 125 : i32
    %lt3A_29 = arith.cmpi slt, %add3A_27, %lt3A_28 : i32
    %convert_element_type3A_30 = arith.extui %lt3A_29 : i1 to i32
    %cond3A_31 = arith.constant 0 : i32
    %cond3A_32 = arith.cmpi ne, %convert_element_type3A_30, %cond3A_31 : i32
    scf.if %cond3A_32 {
      %mul3A_143 = arith.constant 80 : i32
      %mul3A_144 = arith.muli %add3A_27, %mul3A_143 : i32
      %mul3A_145 = arith.constant 80 : i32
      %mul3A_146 = arith.muli %add3A_27, %mul3A_145 : i32
      %dma_start3A = arith.constant 0 : i32
      %dma_start3A_147 = tpu.memref_slice %arg11[%arg0, %mul3A_146, %dma_start3A] : memref<2x10000x128xf32, #tpu.memory_space<hbm>> -> memref<1x80x128xf32, #tpu.memory_space<hbm>>
      %dma_start3A_148 = tpu.memref_squeeze %dma_start3A_147 : memref<1x80x128xf32, #tpu.memory_space<hbm>> -> memref<80x128xf32, #tpu.memory_space<hbm>>
      %dma_start3A_149 = arith.constant 0 : i32
      %dma_start3A_150 = tpu.memref_slice %arg14[%mul3A_144, %dma_start3A_149] : memref<10000x128xf32, #tpu.memory_space<vmem_shared>> -> memref<80x128xf32, #tpu.memory_space<vmem_shared>>
      tpu.enqueue_dma source(%dma_start3A_150 : memref<80x128xf32, #tpu.memory_space<vmem_shared>>) target(%dma_start3A_148 : memref<80x128xf32, #tpu.memory_space<hbm>>) target_semaphore(%arg25 : memref<!tpu.dma_semaphore, #tpu.memory_space<semaphore_mem>>)
    } else {
    }
    %add3A_33 = arith.constant 32 : i32
    %add3A_34 = arith.addi %add3A_33, %arg1 : i32
    %lt3A_35 = arith.constant 125 : i32
    %lt3A_36 = arith.cmpi slt, %add3A_34, %lt3A_35 : i32
    %convert_element_type3A_37 = arith.extui %lt3A_36 : i1 to i32
    %cond3A_38 = arith.constant 0 : i32
    %cond3A_39 = arith.cmpi ne, %convert_element_type3A_37, %cond3A_38 : i32
    scf.if %cond3A_39 {
      %mul3A_143 = arith.constant 80 : i32
      %mul3A_144 = arith.muli %add3A_34, %mul3A_143 : i32
      %mul3A_145 = arith.constant 80 : i32
      %mul3A_146 = arith.muli %add3A_34, %mul3A_145 : i32
      %dma_start3A = arith.constant 0 : i32
      %dma_start3A_147 = tpu.memref_slice %arg11[%arg0, %mul3A_146, %dma_start3A] : memref<2x10000x128xf32, #tpu.memory_space<hbm>> -> memref<1x80x128xf32, #tpu.memory_space<hbm>>
      %dma_start3A_148 = tpu.memref_squeeze %dma_start3A_147 : memref<1x80x128xf32, #tpu.memory_space<hbm>> -> memref<80x128xf32, #tpu.memory_space<hbm>>
      %dma_start3A_149 = arith.constant 0 : i32
      %dma_start3A_150 = tpu.memref_slice %arg14[%mul3A_144, %dma_start3A_149] : memref<10000x128xf32, #tpu.memory_space<vmem_shared>> -> memref<80x128xf32, #tpu.memory_space<vmem_shared>>
      tpu.enqueue_dma source(%dma_start3A_150 : memref<80x128xf32, #tpu.memory_space<vmem_shared>>) target(%dma_start3A_148 : memref<80x128xf32, #tpu.memory_space<hbm>>) target_semaphore(%arg25 : memref<!tpu.dma_semaphore, #tpu.memory_space<semaphore_mem>>)
    } else {
    }
    %add3A_40 = arith.constant 48 : i32
    %add3A_41 = arith.addi %add3A_40, %arg1 : i32
    %lt3A_42 = arith.constant 125 : i32
    %lt3A_43 = arith.cmpi slt, %add3A_41, %lt3A_42 : i32
    %convert_element_type3A_44 = arith.extui %lt3A_43 : i1 to i32
    %cond3A_45 = arith.constant 0 : i32
    %cond3A_46 = arith.cmpi ne, %convert_element_type3A_44, %cond3A_45 : i32
    scf.if %cond3A_46 {
      %mul3A_143 = arith.constant 80 : i32
      %mul3A_144 = arith.muli %add3A_41, %mul3A_143 : i32
      %mul3A_145 = arith.constant 80 : i32
      %mul3A_146 = arith.muli %add3A_41, %mul3A_145 : i32
      %dma_start3A = arith.constant 0 : i32
      %dma_start3A_147 = tpu.memref_slice %arg11[%arg0, %mul3A_146, %dma_start3A] : memref<2x10000x128xf32, #tpu.memory_space<hbm>> -> memref<1x80x128xf32, #tpu.memory_space<hbm>>
      %dma_start3A_148 = tpu.memref_squeeze %dma_start3A_147 : memref<1x80x128xf32, #tpu.memory_space<hbm>> -> memref<80x128xf32, #tpu.memory_space<hbm>>
      %dma_start3A_149 = arith.constant 0 : i32
      %dma_start3A_150 = tpu.memref_slice %arg14[%mul3A_144, %dma_start3A_149] : memref<10000x128xf32, #tpu.memory_space<vmem_shared>> -> memref<80x128xf32, #tpu.memory_space<vmem_shared>>
      tpu.enqueue_dma source(%dma_start3A_150 : memref<80x128xf32, #tpu.memory_space<vmem_shared>>) target(%dma_start3A_148 : memref<80x128xf32, #tpu.memory_space<hbm>>) target_semaphore(%arg25 : memref<!tpu.dma_semaphore, #tpu.memory_space<semaphore_mem>>)
    } else {
    }
    %add3A_47 = arith.constant 64 : i32
    %add3A_48 = arith.addi %add3A_47, %arg1 : i32
    %lt3A_49 = arith.constant 125 : i32
    %lt3A_50 = arith.cmpi slt, %add3A_48, %lt3A_49 : i32
    %convert_element_type3A_51 = arith.extui %lt3A_50 : i1 to i32
    %cond3A_52 = arith.constant 0 : i32
    %cond3A_53 = arith.cmpi ne, %convert_element_type3A_51, %cond3A_52 : i32
    scf.if %cond3A_53 {
      %mul3A_143 = arith.constant 80 : i32
      %mul3A_144 = arith.muli %add3A_48, %mul3A_143 : i32
      %mul3A_145 = arith.constant 80 : i32
      %mul3A_146 = arith.muli %add3A_48, %mul3A_145 : i32
      %dma_start3A = arith.constant 0 : i32
      %dma_start3A_147 = tpu.memref_slice %arg11[%arg0, %mul3A_146, %dma_start3A] : memref<2x10000x128xf32, #tpu.memory_space<hbm>> -> memref<1x80x128xf32, #tpu.memory_space<hbm>>
      %dma_start3A_148 = tpu.memref_squeeze %dma_start3A_147 : memref<1x80x128xf32, #tpu.memory_space<hbm>> -> memref<80x128xf32, #tpu.memory_space<hbm>>
      %dma_start3A_149 = arith.constant 0 : i32
      %dma_start3A_150 = tpu.memref_slice %arg14[%mul3A_144, %dma_start3A_149] : memref<10000x128xf32, #tpu.memory_space<vmem_shared>> -> memref<80x128xf32, #tpu.memory_space<vmem_shared>>
      tpu.enqueue_dma source(%dma_start3A_150 : memref<80x128xf32, #tpu.memory_space<vmem_shared>>) target(%dma_start3A_148 : memref<80x128xf32, #tpu.memory_space<hbm>>) target_semaphore(%arg25 : memref<!tpu.dma_semaphore, #tpu.memory_space<semaphore_mem>>)
    } else {
    }
    %add3A_54 = arith.constant 80 : i32
    %add3A_55 = arith.addi %add3A_54, %arg1 : i32
    %lt3A_56 = arith.constant 125 : i32
    %lt3A_57 = arith.cmpi slt, %add3A_55, %lt3A_56 : i32
    %convert_element_type3A_58 = arith.extui %lt3A_57 : i1 to i32
    %cond3A_59 = arith.constant 0 : i32
    %cond3A_60 = arith.cmpi ne, %convert_element_type3A_58, %cond3A_59 : i32
    scf.if %cond3A_60 {
      %mul3A_143 = arith.constant 80 : i32
      %mul3A_144 = arith.muli %add3A_55, %mul3A_143 : i32
      %mul3A_145 = arith.constant 80 : i32
      %mul3A_146 = arith.muli %add3A_55, %mul3A_145 : i32
      %dma_start3A = arith.constant 0 : i32
      %dma_start3A_147 = tpu.memref_slice %arg11[%arg0, %mul3A_146, %dma_start3A] : memref<2x10000x128xf32, #tpu.memory_space<hbm>> -> memref<1x80x128xf32, #tpu.memory_space<hbm>>
      %dma_start3A_148 = tpu.memref_squeeze %dma_start3A_147 : memref<1x80x128xf32, #tpu.memory_space<hbm>> -> memref<80x128xf32, #tpu.memory_space<hbm>>
      %dma_start3A_149 = arith.constant 0 : i32
      %dma_start3A_150 = tpu.memref_slice %arg14[%mul3A_144, %dma_start3A_149] : memref<10000x128xf32, #tpu.memory_space<vmem_shared>> -> memref<80x128xf32, #tpu.memory_space<vmem_shared>>
      tpu.enqueue_dma source(%dma_start3A_150 : memref<80x128xf32, #tpu.memory_space<vmem_shared>>) target(%dma_start3A_148 : memref<80x128xf32, #tpu.memory_space<hbm>>) target_semaphore(%arg25 : memref<!tpu.dma_semaphore, #tpu.memory_space<semaphore_mem>>)
    } else {
    }
    %add3A_61 = arith.constant 96 : i32
    %add3A_62 = arith.addi %add3A_61, %arg1 : i32
    %lt3A_63 = arith.constant 125 : i32
    %lt3A_64 = arith.cmpi slt, %add3A_62, %lt3A_63 : i32
    %convert_element_type3A_65 = arith.extui %lt3A_64 : i1 to i32
    %cond3A_66 = arith.constant 0 : i32
    %cond3A_67 = arith.cmpi ne, %convert_element_type3A_65, %cond3A_66 : i32
    scf.if %cond3A_67 {
      %mul3A_143 = arith.constant 80 : i32
      %mul3A_144 = arith.muli %add3A_62, %mul3A_143 : i32
      %mul3A_145 = arith.constant 80 : i32
      %mul3A_146 = arith.muli %add3A_62, %mul3A_145 : i32
      %dma_start3A = arith.constant 0 : i32
      %dma_start3A_147 = tpu.memref_slice %arg11[%arg0, %mul3A_146, %dma_start3A] : memref<2x10000x128xf32, #tpu.memory_space<hbm>> -> memref<1x80x128xf32, #tpu.memory_space<hbm>>
      %dma_start3A_148 = tpu.memref_squeeze %dma_start3A_147 : memref<1x80x128xf32, #tpu.memory_space<hbm>> -> memref<80x128xf32, #tpu.memory_space<hbm>>
      %dma_start3A_149 = arith.constant 0 : i32
      %dma_start3A_150 = tpu.memref_slice %arg14[%mul3A_144, %dma_start3A_149] : memref<10000x128xf32, #tpu.memory_space<vmem_shared>> -> memref<80x128xf32, #tpu.memory_space<vmem_shared>>
      tpu.enqueue_dma source(%dma_start3A_150 : memref<80x128xf32, #tpu.memory_space<vmem_shared>>) target(%dma_start3A_148 : memref<80x128xf32, #tpu.memory_space<hbm>>) target_semaphore(%arg25 : memref<!tpu.dma_semaphore, #tpu.memory_space<semaphore_mem>>)
    } else {
    }
    %add3A_68 = arith.constant 112 : i32
    %add3A_69 = arith.addi %add3A_68, %arg1 : i32
    %lt3A_70 = arith.constant 125 : i32
    %lt3A_71 = arith.cmpi slt, %add3A_69, %lt3A_70 : i32
    %convert_element_type3A_72 = arith.extui %lt3A_71 : i1 to i32
    %cond3A_73 = arith.constant 0 : i32
    %cond3A_74 = arith.cmpi ne, %convert_element_type3A_72, %cond3A_73 : i32
    scf.if %cond3A_74 {
      %mul3A_143 = arith.constant 80 : i32
      %mul3A_144 = arith.muli %add3A_69, %mul3A_143 : i32
      %mul3A_145 = arith.constant 80 : i32
      %mul3A_146 = arith.muli %add3A_69, %mul3A_145 : i32
      %dma_start3A = arith.constant 0 : i32
      %dma_start3A_147 = tpu.memref_slice %arg11[%arg0, %mul3A_146, %dma_start3A] : memref<2x10000x128xf32, #tpu.memory_space<hbm>> -> memref<1x80x128xf32, #tpu.memory_space<hbm>>
      %dma_start3A_148 = tpu.memref_squeeze %dma_start3A_147 : memref<1x80x128xf32, #tpu.memory_space<hbm>> -> memref<80x128xf32, #tpu.memory_space<hbm>>
      %dma_start3A_149 = arith.constant 0 : i32
      %dma_start3A_150 = tpu.memref_slice %arg14[%mul3A_144, %dma_start3A_149] : memref<10000x128xf32, #tpu.memory_space<vmem_shared>> -> memref<80x128xf32, #tpu.memory_space<vmem_shared>>
      tpu.enqueue_dma source(%dma_start3A_150 : memref<80x128xf32, #tpu.memory_space<vmem_shared>>) target(%dma_start3A_148 : memref<80x128xf32, #tpu.memory_space<hbm>>) target_semaphore(%arg25 : memref<!tpu.dma_semaphore, #tpu.memory_space<semaphore_mem>>)
    } else {
    }
    "tpu.region"() ({
      %run_scoped3A = tpu.sem_alloc : memref<!tpu.dma_semaphore, #tpu.memory_space<semaphore_mem>>
      tpu.enqueue_dma source(%arg8 : memref<10000xf32, #tpu.memory_space<hbm>>) target(%arg17 : memref<10000xf32, #tpu.memory_space<vmem>>) target_semaphore(%run_scoped3A : memref<!tpu.dma_semaphore, #tpu.memory_space<semaphore_mem>>)
      tpu.wait_dma2 semaphore(%run_scoped3A : memref<!tpu.dma_semaphore, #tpu.memory_space<semaphore_mem>>) src(%arg8 : memref<10000xf32, #tpu.memory_space<hbm>>) dst(%arg17 : memref<10000xf32, #tpu.memory_space<vmem>>)
      tpu.yield
    }) : () -> ()
    %scan3A_75 = arith.constant 0 : i32
    %scan3A_76 = arith.constant 0 : i32
    %scan3A_77 = arith.constant 625 : i32
    %scan3A_78 = arith.addi %scan3A_76, %scan3A_77 : i32
    %scan3A_79 = arith.constant 1 : i32
    scf.for %scan3A_143 = %scan3A_76 to %scan3A_78 step %scan3A_79  : i32 {
      %mul3A_144 = arith.constant 16 : i32
      %mul3A_145 = arith.muli %scan3A_143, %mul3A_144 : i32
      %swap3A = arith.index_cast %mul3A_145 : i32 to index
      %swap3A_146 = tpu.vector_load %arg18[%swap3A] {strides = array<i32>} : memref<10000xf32, #tpu.memory_space<vmem>>, vector<16xf32>,
      tpu.vector_store %arg18[%swap3A], %broadcast_in_dim3A_3 {strides = array<i32>} : memref<10000xf32, #tpu.memory_space<vmem>>, vector<16xf32>,
    }
    %scan3A_80 = arith.constant 625 : i32
    %scan3A_81 = arith.constant 0 : i32
    %scan3A_82 = arith.constant 0 : i32
    %scan3A_83 = arith.constant 5 : i32
    %scan3A_84 = arith.addi %scan3A_82, %scan3A_83 : i32
    %scan3A_85 = arith.constant 1 : i32
    scf.for %scan3A_143 = %scan3A_82 to %scan3A_84 step %scan3A_85  : i32 {
      %mul3A_144 = arith.constant 5 : i32
      %mul3A_145 = arith.muli %add3A, %mul3A_144 : i32
      %add3A_146 = arith.addi %mul3A_145, %scan3A_143 : i32
      %mul3A_147 = arith.constant 2000 : i32
      %mul3A_148 = arith.muli %scan3A_143, %mul3A_147 : i32
      %add3A_149 = arith.addi %mul3A_2, %mul3A_148 : i32
      %dma_start3A = tpu.memref_slice %arg6[%add3A_149] : memref<320000xi32, #tpu.memory_space<hbm>> -> memref<2000xi32, #tpu.memory_space<hbm>>
      %dma_start3A_150 = tpu.memref_slice %arg6[%add3A_149] : memref<320000xi32, #tpu.memory_space<hbm>> -> memref<2000xi32, #tpu.memory_space<hbm>>
      tpu.enqueue_dma source(%dma_start3A_150 : memref<2000xi32, #tpu.memory_space<hbm>>) target(%arg15 : memref<2000xi32, #tpu.memory_space<vmem>>) target_semaphore(%arg22 : memref<!tpu.dma_semaphore, #tpu.memory_space<semaphore_mem>>)
      %dma_start3A_151 = arith.constant 0 : i32
      %dma_start3A_152 = arith.constant 0 : i32
      %dma_start3A_153 = tpu.memref_slice %arg10[%add3A_146, %dma_start3A_151, %dma_start3A_152] : memref<160x25x80xi32, #tpu.memory_space<hbm>> -> memref<1x25x80xi32, #tpu.memory_space<hbm>>
      %dma_start3A_154 = tpu.memref_squeeze %dma_start3A_153 : memref<1x25x80xi32, #tpu.memory_space<hbm>> -> memref<25x80xi32, #tpu.memory_space<hbm>>
      %dma_start3A_155 = arith.constant 0 : i32
      %dma_start3A_156 = arith.constant 0 : i32
      %dma_start3A_157 = tpu.memref_slice %arg10[%add3A_146, %dma_start3A_155, %dma_start3A_156] : memref<160x25x80xi32, #tpu.memory_space<hbm>> -> memref<1x25x80xi32, #tpu.memory_space<hbm>>
      %dma_start3A_158 = tpu.memref_squeeze %dma_start3A_157 : memref<1x25x80xi32, #tpu.memory_space<hbm>> -> memref<25x80xi32, #tpu.memory_space<hbm>>
      tpu.enqueue_dma source(%dma_start3A_158 : memref<25x80xi32, #tpu.memory_space<hbm>>) target(%arg21 : memref<25x80xi32, #tpu.memory_space<vmem>>) target_semaphore(%arg23 : memref<!tpu.dma_semaphore, #tpu.memory_space<semaphore_mem>>)
      %dma_start3A_159 = tpu.memref_slice %arg7[%add3A_149] : memref<320000xf32, #tpu.memory_space<hbm>> -> memref<2000xf32, #tpu.memory_space<hbm>>
      %dma_start3A_160 = tpu.memref_slice %arg7[%add3A_149] : memref<320000xf32, #tpu.memory_space<hbm>> -> memref<2000xf32, #tpu.memory_space<hbm>>
      tpu.enqueue_dma source(%dma_start3A_160 : memref<2000xf32, #tpu.memory_space<hbm>>) target(%arg16 : memref<2000xf32, #tpu.memory_space<vmem>>) target_semaphore(%arg24 : memref<!tpu.dma_semaphore, #tpu.memory_space<semaphore_mem>>)
      %dma_wait3A = tpu.memref_slice %arg6[%add3A_149] : memref<320000xi32, #tpu.memory_space<hbm>> -> memref<2000xi32, #tpu.memory_space<hbm>>
      %dma_wait3A_161 = tpu.memref_slice %arg6[%add3A_149] : memref<320000xi32, #tpu.memory_space<hbm>> -> memref<2000xi32, #tpu.memory_space<hbm>>
      tpu.wait_dma2 semaphore(%arg22 : memref<!tpu.dma_semaphore, #tpu.memory_space<semaphore_mem>>) src(%dma_wait3A_161 : memref<2000xi32, #tpu.memory_space<hbm>>) dst(%arg15 : memref<2000xi32, #tpu.memory_space<vmem>>)
      %dma_wait3A_162 = arith.constant 0 : i32
      %dma_wait3A_163 = arith.constant 0 : i32
      %dma_wait3A_164 = tpu.memref_slice %arg10[%add3A_146, %dma_wait3A_162, %dma_wait3A_163] : memref<160x25x80xi32, #tpu.memory_space<hbm>> -> memref<1x25x80xi32, #tpu.memory_space<hbm>>
      %dma_wait3A_165 = tpu.memref_squeeze %dma_wait3A_164 : memref<1x25x80xi32, #tpu.memory_space<hbm>> -> memref<25x80xi32, #tpu.memory_space<hbm>>
      %dma_wait3A_166 = arith.constant 0 : i32
      %dma_wait3A_167 = arith.constant 0 : i32
      %dma_wait3A_168 = tpu.memref_slice %arg10[%add3A_146, %dma_wait3A_166, %dma_wait3A_167] : memref<160x25x80xi32, #tpu.memory_space<hbm>> -> memref<1x25x80xi32, #tpu.memory_space<hbm>>
      %dma_wait3A_169 = tpu.memref_squeeze %dma_wait3A_168 : memref<1x25x80xi32, #tpu.memory_space<hbm>> -> memref<25x80xi32, #tpu.memory_space<hbm>>
      tpu.wait_dma2 semaphore(%arg23 : memref<!tpu.dma_semaphore, #tpu.memory_space<semaphore_mem>>) src(%dma_wait3A_169 : memref<25x80xi32, #tpu.memory_space<hbm>>) dst(%arg21 : memref<25x80xi32, #tpu.memory_space<vmem>>)
      %dma_wait3A_170 = tpu.memref_slice %arg7[%add3A_149] : memref<320000xf32, #tpu.memory_space<hbm>> -> memref<2000xf32, #tpu.memory_space<hbm>>
      %dma_wait3A_171 = tpu.memref_slice %arg7[%add3A_149] : memref<320000xf32, #tpu.memory_space<hbm>> -> memref<2000xf32, #tpu.memory_space<hbm>>
      tpu.wait_dma2 semaphore(%arg24 : memref<!tpu.dma_semaphore, #tpu.memory_space<semaphore_mem>>) src(%dma_wait3A_171 : memref<2000xf32, #tpu.memory_space<hbm>>) dst(%arg16 : memref<2000xf32, #tpu.memory_space<vmem>>)
      %scan3A_172 = arith.constant 0 : i32
      %scan3A_173 = arith.constant 0 : i32
      %scan3A_174 = arith.constant 25 : i32
      %scan3A_175 = arith.addi %scan3A_173, %scan3A_174 : i32
      %scan3A_176 = arith.constant 1 : i32
      scf.for %scan3A_178 = %scan3A_173 to %scan3A_175 step %scan3A_176  : i32 {
        %mul3A_179 = arith.constant 80 : i32
        %mul3A_180 = arith.muli %scan3A_178, %mul3A_179 : i32
        %add3A_181 = arith.constant 0 : i32
        %add3A_182 = arith.addi %mul3A_180, %add3A_181 : i32
        %get3A = arith.index_cast %add3A_182 : i32 to index
        %get3A_183 = tpu.vector_load %arg15[%get3A] {strides = array<i32>} : memref<2000xi32, #tpu.memory_space<vmem>>, vector<16xi32>,
        %gather3A = tpu.vector_load_idx %arg17[%get3A_183] : memref<10000xf32, #tpu.memory_space<vmem>>[vector<16xi32>], vector<16xf32>,
        %get3A_184 = arith.index_cast %scan3A_178 : i32 to index
        %get3A_185 = arith.constant 0 : index
        %get3A_186 = tpu.vector_load %arg21[%get3A_184, %get3A_185] {strides = array<i32>} : memref<25x80xi32, #tpu.memory_space<vmem>>, vector<16xi32>,
        %get3A_187 = arith.index_cast %add3A_182 : i32 to index
        %get3A_188 = tpu.vector_load %arg16[%get3A_187] {strides = array<i32>} : memref<2000xf32, #tpu.memory_space<vmem>>, vector<16xf32>,
        %mul3A_189 = arith.mulf %gather3A, %get3A_188 : vector<16xf32>
        tpu.vector_store_idx %arg18[%get3A_186], %mul3A_189 {add = true} : memref<10000xf32, #tpu.memory_space<vmem>>[vector<16xi32>], vector<16xf32>,
        %mul3A_190 = arith.constant 80 : i32
        %mul3A_191 = arith.muli %scan3A_178, %mul3A_190 : i32
        %add3A_192 = arith.constant 16 : i32
        %add3A_193 = arith.addi %mul3A_191, %add3A_192 : i32
        %get3A_194 = arith.index_cast %add3A_193 : i32 to index
        %get3A_195 = tpu.vector_load %arg15[%get3A_194] {strides = array<i32>} : memref<2000xi32, #tpu.memory_space<vmem>>, vector<16xi32>,
        %gather3A_196 = tpu.vector_load_idx %arg17[%get3A_195] : memref<10000xf32, #tpu.memory_space<vmem>>[vector<16xi32>], vector<16xf32>,
        %get3A_197 = arith.index_cast %scan3A_178 : i32 to index
        %get3A_198 = arith.constant 16 : index
        %get3A_199 = tpu.vector_load %arg21[%get3A_197, %get3A_198] {strides = array<i32>} : memref<25x80xi32, #tpu.memory_space<vmem>>, vector<16xi32>,
        %get3A_200 = arith.index_cast %add3A_193 : i32 to index
        %get3A_201 = tpu.vector_load %arg16[%get3A_200] {strides = array<i32>} : memref<2000xf32, #tpu.memory_space<vmem>>, vector<16xf32>,
        %mul3A_202 = arith.mulf %gather3A_196, %get3A_201 : vector<16xf32>
        tpu.vector_store_idx %arg18[%get3A_199], %mul3A_202 {add = true} : memref<10000xf32, #tpu.memory_space<vmem>>[vector<16xi32>], vector<16xf32>,
        %mul3A_203 = arith.constant 80 : i32
        %mul3A_204 = arith.muli %scan3A_178, %mul3A_203 : i32
        %add3A_205 = arith.constant 32 : i32
        %add3A_206 = arith.addi %mul3A_204, %add3A_205 : i32
        %get3A_207 = arith.index_cast %add3A_206 : i32 to index
        %get3A_208 = tpu.vector_load %arg15[%get3A_207] {strides = array<i32>} : memref<2000xi32, #tpu.memory_space<vmem>>, vector<16xi32>,
        %gather3A_209 = tpu.vector_load_idx %arg17[%get3A_208] : memref<10000xf32, #tpu.memory_space<vmem>>[vector<16xi32>], vector<16xf32>,
        %get3A_210 = arith.index_cast %scan3A_178 : i32 to index
        %get3A_211 = arith.constant 32 : index
        %get3A_212 = tpu.vector_load %arg21[%get3A_210, %get3A_211] {strides = array<i32>} : memref<25x80xi32, #tpu.memory_space<vmem>>, vector<16xi32>,
        %get3A_213 = arith.index_cast %add3A_206 : i32 to index
        %get3A_214 = tpu.vector_load %arg16[%get3A_213] {strides = array<i32>} : memref<2000xf32, #tpu.memory_space<vmem>>, vector<16xf32>,
        %mul3A_215 = arith.mulf %gather3A_209, %get3A_214 : vector<16xf32>
        tpu.vector_store_idx %arg18[%get3A_212], %mul3A_215 {add = true} : memref<10000xf32, #tpu.memory_space<vmem>>[vector<16xi32>], vector<16xf32>,
        %mul3A_216 = arith.constant 80 : i32
        %mul3A_217 = arith.muli %scan3A_178, %mul3A_216 : i32
        %add3A_218 = arith.constant 48 : i32
        %add3A_219 = arith.addi %mul3A_217, %add3A_218 : i32
        %get3A_220 = arith.index_cast %add3A_219 : i32 to index
        %get3A_221 = tpu.vector_load %arg15[%get3A_220] {strides = array<i32>} : memref<2000xi32, #tpu.memory_space<vmem>>, vector<16xi32>,
        %gather3A_222 = tpu.vector_load_idx %arg17[%get3A_221] : memref<10000xf32, #tpu.memory_space<vmem>>[vector<16xi32>], vector<16xf32>,
        %get3A_223 = arith.index_cast %scan3A_178 : i32 to index
        %get3A_224 = arith.constant 48 : index
        %get3A_225 = tpu.vector_load %arg21[%get3A_223, %get3A_224] {strides = array<i32>} : memref<25x80xi32, #tpu.memory_space<vmem>>, vector<16xi32>,
        %get3A_226 = arith.index_cast %add3A_219 : i32 to index
        %get3A_227 = tpu.vector_load %arg16[%get3A_226] {strides = array<i32>} : memref<2000xf32, #tpu.memory_space<vmem>>, vector<16xf32>,
        %mul3A_228 = arith.mulf %gather3A_222, %get3A_227 : vector<16xf32>
        tpu.vector_store_idx %arg18[%get3A_225], %mul3A_228 {add = true} : memref<10000xf32, #tpu.memory_space<vmem>>[vector<16xi32>], vector<16xf32>,
        %mul3A_229 = arith.constant 80 : i32
        %mul3A_230 = arith.muli %scan3A_178, %mul3A_229 : i32
        %add3A_231 = arith.constant 64 : i32
        %add3A_232 = arith.addi %mul3A_230, %add3A_231 : i32
        %get3A_233 = arith.index_cast %add3A_232 : i32 to index
        %get3A_234 = tpu.vector_load %arg15[%get3A_233] {strides = array<i32>} : memref<2000xi32, #tpu.memory_space<vmem>>, vector<16xi32>,
        %gather3A_235 = tpu.vector_load_idx %arg17[%get3A_234] : memref<10000xf32, #tpu.memory_space<vmem>>[vector<16xi32>], vector<16xf32>,
        %get3A_236 = arith.index_cast %scan3A_178 : i32 to index
        %get3A_237 = arith.constant 64 : index
        %get3A_238 = tpu.vector_load %arg21[%get3A_236, %get3A_237] {strides = array<i32>} : memref<25x80xi32, #tpu.memory_space<vmem>>, vector<16xi32>,
        %get3A_239 = arith.index_cast %add3A_232 : i32 to index
        %get3A_240 = tpu.vector_load %arg16[%get3A_239] {strides = array<i32>} : memref<2000xf32, #tpu.memory_space<vmem>>, vector<16xf32>,
        %mul3A_241 = arith.mulf %gather3A_235, %get3A_240 : vector<16xf32>
        tpu.vector_store_idx %arg18[%get3A_238], %mul3A_241 {add = true} : memref<10000xf32, #tpu.memory_space<vmem>>[vector<16xi32>], vector<16xf32>,
      }
      %scan3A_177 = arith.constant 25 : i32
    }
    %scan3A_86 = arith.constant 5 : i32
    "tpu.region"() ({
      %run_scoped3A = tpu.sem_alloc : memref<!tpu.dma_semaphore, #tpu.memory_space<semaphore_mem>>
      %dma_start3A = arith.constant 0 : i32
      %dma_start3A_143 = tpu.memref_slice %arg13[%add3A, %dma_start3A] : memref<32x10000xf32, #tpu.memory_space<hbm>> -> memref<1x10000xf32, #tpu.memory_space<hbm>>
      %dma_start3A_144 = tpu.memref_squeeze %dma_start3A_143 : memref<1x10000xf32, #tpu.memory_space<hbm>> -> memref<10000xf32, #tpu.memory_space<hbm>>
      %dma_start3A_145 = arith.constant 0 : i32
      %dma_start3A_146 = tpu.memref_slice %arg13[%add3A, %dma_start3A_145] : memref<32x10000xf32, #tpu.memory_space<hbm>> -> memref<1x10000xf32, #tpu.memory_space<hbm>>
      %dma_start3A_147 = tpu.memref_squeeze %dma_start3A_146 : memref<1x10000xf32, #tpu.memory_space<hbm>> -> memref<10000xf32, #tpu.memory_space<hbm>>
      tpu.enqueue_dma source(%arg18 : memref<10000xf32, #tpu.memory_space<vmem>>) target(%dma_start3A_147 : memref<10000xf32, #tpu.memory_space<hbm>>) target_semaphore(%run_scoped3A : memref<!tpu.dma_semaphore, #tpu.memory_space<semaphore_mem>>)
      %dma_wait3A = arith.constant 0 : i32
      %dma_wait3A_148 = tpu.memref_slice %arg13[%add3A, %dma_wait3A] : memref<32x10000xf32, #tpu.memory_space<hbm>> -> memref<1x10000xf32, #tpu.memory_space<hbm>>
      %dma_wait3A_149 = tpu.memref_squeeze %dma_wait3A_148 : memref<1x10000xf32, #tpu.memory_space<hbm>> -> memref<10000xf32, #tpu.memory_space<hbm>>
      %dma_wait3A_150 = arith.constant 0 : i32
      %dma_wait3A_151 = tpu.memref_slice %arg13[%add3A, %dma_wait3A_150] : memref<32x10000xf32, #tpu.memory_space<hbm>> -> memref<1x10000xf32, #tpu.memory_space<hbm>>
      %dma_wait3A_152 = tpu.memref_squeeze %dma_wait3A_151 : memref<1x10000xf32, #tpu.memory_space<hbm>> -> memref<10000xf32, #tpu.memory_space<hbm>>
      tpu.wait_dma2 semaphore(%run_scoped3A : memref<!tpu.dma_semaphore, #tpu.memory_space<semaphore_mem>>) src(%arg18 : memref<10000xf32, #tpu.memory_space<vmem>>) dst(%dma_wait3A_152 : memref<10000xf32, #tpu.memory_space<hbm>>)
      tpu.yield
    }) : () -> ()
    %add3A_87 = arith.constant 0 : i32
    %add3A_88 = arith.addi %add3A_87, %arg1 : i32
    %lt3A_89 = arith.constant 125 : i32
    %lt3A_90 = arith.cmpi slt, %add3A_88, %lt3A_89 : i32
    %convert_element_type3A_91 = arith.extui %lt3A_90 : i1 to i32
    %cond3A_92 = arith.constant 0 : i32
    %cond3A_93 = arith.cmpi ne, %convert_element_type3A_91, %cond3A_92 : i32
    scf.if %cond3A_93 {
      %mul3A_143 = arith.constant 80 : i32
      %mul3A_144 = arith.muli %add3A_88, %mul3A_143 : i32
      %mul3A_145 = arith.constant 80 : i32
      %mul3A_146 = arith.muli %add3A_88, %mul3A_145 : i32
      %dma_wait3A = arith.constant 0 : i32
      %dma_wait3A_147 = tpu.memref_slice %arg11[%arg0, %mul3A_146, %dma_wait3A] : memref<2x10000x128xf32, #tpu.memory_space<hbm>> -> memref<1x80x128xf32, #tpu.memory_space<hbm>>
      %dma_wait3A_148 = tpu.memref_squeeze %dma_wait3A_147 : memref<1x80x128xf32, #tpu.memory_space<hbm>> -> memref<80x128xf32, #tpu.memory_space<hbm>>
      %dma_wait3A_149 = arith.constant 0 : i32
      %dma_wait3A_150 = tpu.memref_slice %arg14[%mul3A_144, %dma_wait3A_149] : memref<10000x128xf32, #tpu.memory_space<vmem_shared>> -> memref<80x128xf32, #tpu.memory_space<vmem_shared>>
      tpu.wait_dma2 semaphore(%arg25 : memref<!tpu.dma_semaphore, #tpu.memory_space<semaphore_mem>>) src(%dma_wait3A_150 : memref<80x128xf32, #tpu.memory_space<vmem_shared>>) dst(%dma_wait3A_148 : memref<80x128xf32, #tpu.memory_space<hbm>>)
    } else {
    }
    %add3A_94 = arith.constant 16 : i32
    %add3A_95 = arith.addi %add3A_94, %arg1 : i32
    %lt3A_96 = arith.constant 125 : i32
    %lt3A_97 = arith.cmpi slt, %add3A_95, %lt3A_96 : i32
    %convert_element_type3A_98 = arith.extui %lt3A_97 : i1 to i32
    %cond3A_99 = arith.constant 0 : i32
    %cond3A_100 = arith.cmpi ne, %convert_element_type3A_98, %cond3A_99 : i32
    scf.if %cond3A_100 {
      %mul3A_143 = arith.constant 80 : i32
      %mul3A_144 = arith.muli %add3A_95, %mul3A_143 : i32
      %mul3A_145 = arith.constant 80 : i32
      %mul3A_146 = arith.muli %add3A_95, %mul3A_145 : i32
      %dma_wait3A = arith.constant 0 : i32
      %dma_wait3A_147 = tpu.memref_slice %arg11[%arg0, %mul3A_146, %dma_wait3A] : memref<2x10000x128xf32, #tpu.memory_space<hbm>> -> memref<1x80x128xf32, #tpu.memory_space<hbm>>
      %dma_wait3A_148 = tpu.memref_squeeze %dma_wait3A_147 : memref<1x80x128xf32, #tpu.memory_space<hbm>> -> memref<80x128xf32, #tpu.memory_space<hbm>>
      %dma_wait3A_149 = arith.constant 0 : i32
      %dma_wait3A_150 = tpu.memref_slice %arg14[%mul3A_144, %dma_wait3A_149] : memref<10000x128xf32, #tpu.memory_space<vmem_shared>> -> memref<80x128xf32, #tpu.memory_space<vmem_shared>>
      tpu.wait_dma2 semaphore(%arg25 : memref<!tpu.dma_semaphore, #tpu.memory_space<semaphore_mem>>) src(%dma_wait3A_150 : memref<80x128xf32, #tpu.memory_space<vmem_shared>>) dst(%dma_wait3A_148 : memref<80x128xf32, #tpu.memory_space<hbm>>)
    } else {
    }
    %add3A_101 = arith.constant 32 : i32
    %add3A_102 = arith.addi %add3A_101, %arg1 : i32
    %lt3A_103 = arith.constant 125 : i32
    %lt3A_104 = arith.cmpi slt, %add3A_102, %lt3A_103 : i32
    %convert_element_type3A_105 = arith.extui %lt3A_104 : i1 to i32
    %cond3A_106 = arith.constant 0 : i32
    %cond3A_107 = arith.cmpi ne, %convert_element_type3A_105, %cond3A_106 : i32
    scf.if %cond3A_107 {
      %mul3A_143 = arith.constant 80 : i32
      %mul3A_144 = arith.muli %add3A_102, %mul3A_143 : i32
      %mul3A_145 = arith.constant 80 : i32
      %mul3A_146 = arith.muli %add3A_102, %mul3A_145 : i32
      %dma_wait3A = arith.constant 0 : i32
      %dma_wait3A_147 = tpu.memref_slice %arg11[%arg0, %mul3A_146, %dma_wait3A] : memref<2x10000x128xf32, #tpu.memory_space<hbm>> -> memref<1x80x128xf32, #tpu.memory_space<hbm>>
      %dma_wait3A_148 = tpu.memref_squeeze %dma_wait3A_147 : memref<1x80x128xf32, #tpu.memory_space<hbm>> -> memref<80x128xf32, #tpu.memory_space<hbm>>
      %dma_wait3A_149 = arith.constant 0 : i32
      %dma_wait3A_150 = tpu.memref_slice %arg14[%mul3A_144, %dma_wait3A_149] : memref<10000x128xf32, #tpu.memory_space<vmem_shared>> -> memref<80x128xf32, #tpu.memory_space<vmem_shared>>
      tpu.wait_dma2 semaphore(%arg25 : memref<!tpu.dma_semaphore, #tpu.memory_space<semaphore_mem>>) src(%dma_wait3A_150 : memref<80x128xf32, #tpu.memory_space<vmem_shared>>) dst(%dma_wait3A_148 : memref<80x128xf32, #tpu.memory_space<hbm>>)
    } else {
    }
    %add3A_108 = arith.constant 48 : i32
    %add3A_109 = arith.addi %add3A_108, %arg1 : i32
    %lt3A_110 = arith.constant 125 : i32
    %lt3A_111 = arith.cmpi slt, %add3A_109, %lt3A_110 : i32
    %convert_element_type3A_112 = arith.extui %lt3A_111 : i1 to i32
    %cond3A_113 = arith.constant 0 : i32
    %cond3A_114 = arith.cmpi ne, %convert_element_type3A_112, %cond3A_113 : i32
    scf.if %cond3A_114 {
      %mul3A_143 = arith.constant 80 : i32
      %mul3A_144 = arith.muli %add3A_109, %mul3A_143 : i32
      %mul3A_145 = arith.constant 80 : i32
      %mul3A_146 = arith.muli %add3A_109, %mul3A_145 : i32
      %dma_wait3A = arith.constant 0 : i32
      %dma_wait3A_147 = tpu.memref_slice %arg11[%arg0, %mul3A_146, %dma_wait3A] : memref<2x10000x128xf32, #tpu.memory_space<hbm>> -> memref<1x80x128xf32, #tpu.memory_space<hbm>>
      %dma_wait3A_148 = tpu.memref_squeeze %dma_wait3A_147 : memref<1x80x128xf32, #tpu.memory_space<hbm>> -> memref<80x128xf32, #tpu.memory_space<hbm>>
      %dma_wait3A_149 = arith.constant 0 : i32
      %dma_wait3A_150 = tpu.memref_slice %arg14[%mul3A_144, %dma_wait3A_149] : memref<10000x128xf32, #tpu.memory_space<vmem_shared>> -> memref<80x128xf32, #tpu.memory_space<vmem_shared>>
      tpu.wait_dma2 semaphore(%arg25 : memref<!tpu.dma_semaphore, #tpu.memory_space<semaphore_mem>>) src(%dma_wait3A_150 : memref<80x128xf32, #tpu.memory_space<vmem_shared>>) dst(%dma_wait3A_148 : memref<80x128xf32, #tpu.memory_space<hbm>>)
    } else {
    }
    %add3A_115 = arith.constant 64 : i32
    %add3A_116 = arith.addi %add3A_115, %arg1 : i32
    %lt3A_117 = arith.constant 125 : i32
    %lt3A_118 = arith.cmpi slt, %add3A_116, %lt3A_117 : i32
    %convert_element_type3A_119 = arith.extui %lt3A_118 : i1 to i32
    %cond3A_120 = arith.constant 0 : i32
    %cond3A_121 = arith.cmpi ne, %convert_element_type3A_119, %cond3A_120 : i32
    scf.if %cond3A_121 {
      %mul3A_143 = arith.constant 80 : i32
      %mul3A_144 = arith.muli %add3A_116, %mul3A_143 : i32
      %mul3A_145 = arith.constant 80 : i32
      %mul3A_146 = arith.muli %add3A_116, %mul3A_145 : i32
      %dma_wait3A = arith.constant 0 : i32
      %dma_wait3A_147 = tpu.memref_slice %arg11[%arg0, %mul3A_146, %dma_wait3A] : memref<2x10000x128xf32, #tpu.memory_space<hbm>> -> memref<1x80x128xf32, #tpu.memory_space<hbm>>
      %dma_wait3A_148 = tpu.memref_squeeze %dma_wait3A_147 : memref<1x80x128xf32, #tpu.memory_space<hbm>> -> memref<80x128xf32, #tpu.memory_space<hbm>>
      %dma_wait3A_149 = arith.constant 0 : i32
      %dma_wait3A_150 = tpu.memref_slice %arg14[%mul3A_144, %dma_wait3A_149] : memref<10000x128xf32, #tpu.memory_space<vmem_shared>> -> memref<80x128xf32, #tpu.memory_space<vmem_shared>>
      tpu.wait_dma2 semaphore(%arg25 : memref<!tpu.dma_semaphore, #tpu.memory_space<semaphore_mem>>) src(%dma_wait3A_150 : memref<80x128xf32, #tpu.memory_space<vmem_shared>>) dst(%dma_wait3A_148 : memref<80x128xf32, #tpu.memory_space<hbm>>)
    } else {
    }
    %add3A_122 = arith.constant 80 : i32
    %add3A_123 = arith.addi %add3A_122, %arg1 : i32
    %lt3A_124 = arith.constant 125 : i32
    %lt3A_125 = arith.cmpi slt, %add3A_123, %lt3A_124 : i32
    %convert_element_type3A_126 = arith.extui %lt3A_125 : i1 to i32
    %cond3A_127 = arith.constant 0 : i32
    %cond3A_128 = arith.cmpi ne, %convert_element_type3A_126, %cond3A_127 : i32
    scf.if %cond3A_128 {
      %mul3A_143 = arith.constant 80 : i32
      %mul3A_144 = arith.muli %add3A_123, %mul3A_143 : i32
      %mul3A_145 = arith.constant 80 : i32
      %mul3A_146 = arith.muli %add3A_123, %mul3A_145 : i32
      %dma_wait3A = arith.constant 0 : i32
      %dma_wait3A_147 = tpu.memref_slice %arg11[%arg0, %mul3A_146, %dma_wait3A] : memref<2x10000x128xf32, #tpu.memory_space<hbm>> -> memref<1x80x128xf32, #tpu.memory_space<hbm>>
      %dma_wait3A_148 = tpu.memref_squeeze %dma_wait3A_147 : memref<1x80x128xf32, #tpu.memory_space<hbm>> -> memref<80x128xf32, #tpu.memory_space<hbm>>
      %dma_wait3A_149 = arith.constant 0 : i32
      %dma_wait3A_150 = tpu.memref_slice %arg14[%mul3A_144, %dma_wait3A_149] : memref<10000x128xf32, #tpu.memory_space<vmem_shared>> -> memref<80x128xf32, #tpu.memory_space<vmem_shared>>
      tpu.wait_dma2 semaphore(%arg25 : memref<!tpu.dma_semaphore, #tpu.memory_space<semaphore_mem>>) src(%dma_wait3A_150 : memref<80x128xf32, #tpu.memory_space<vmem_shared>>) dst(%dma_wait3A_148 : memref<80x128xf32, #tpu.memory_space<hbm>>)
    } else {
    }
    %add3A_129 = arith.constant 96 : i32
    %add3A_130 = arith.addi %add3A_129, %arg1 : i32
    %lt3A_131 = arith.constant 125 : i32
    %lt3A_132 = arith.cmpi slt, %add3A_130, %lt3A_131 : i32
    %convert_element_type3A_133 = arith.extui %lt3A_132 : i1 to i32
    %cond3A_134 = arith.constant 0 : i32
    %cond3A_135 = arith.cmpi ne, %convert_element_type3A_133, %cond3A_134 : i32
    scf.if %cond3A_135 {
      %mul3A_143 = arith.constant 80 : i32
      %mul3A_144 = arith.muli %add3A_130, %mul3A_143 : i32
      %mul3A_145 = arith.constant 80 : i32
      %mul3A_146 = arith.muli %add3A_130, %mul3A_145 : i32
      %dma_wait3A = arith.constant 0 : i32
      %dma_wait3A_147 = tpu.memref_slice %arg11[%arg0, %mul3A_146, %dma_wait3A] : memref<2x10000x128xf32, #tpu.memory_space<hbm>> -> memref<1x80x128xf32, #tpu.memory_space<hbm>>
      %dma_wait3A_148 = tpu.memref_squeeze %dma_wait3A_147 : memref<1x80x128xf32, #tpu.memory_space<hbm>> -> memref<80x128xf32, #tpu.memory_space<hbm>>
      %dma_wait3A_149 = arith.constant 0 : i32
      %dma_wait3A_150 = tpu.memref_slice %arg14[%mul3A_144, %dma_wait3A_149] : memref<10000x128xf32, #tpu.memory_space<vmem_shared>> -> memref<80x128xf32, #tpu.memory_space<vmem_shared>>
      tpu.wait_dma2 semaphore(%arg25 : memref<!tpu.dma_semaphore, #tpu.memory_space<semaphore_mem>>) src(%dma_wait3A_150 : memref<80x128xf32, #tpu.memory_space<vmem_shared>>) dst(%dma_wait3A_148 : memref<80x128xf32, #tpu.memory_space<hbm>>)
    } else {
    }
    %add3A_136 = arith.constant 112 : i32
    %add3A_137 = arith.addi %add3A_136, %arg1 : i32
    %lt3A_138 = arith.constant 125 : i32
    %lt3A_139 = arith.cmpi slt, %add3A_137, %lt3A_138 : i32
    %convert_element_type3A_140 = arith.extui %lt3A_139 : i1 to i32
    %cond3A_141 = arith.constant 0 : i32
    %cond3A_142 = arith.cmpi ne, %convert_element_type3A_140, %cond3A_141 : i32
    scf.if %cond3A_142 {
      %mul3A_143 = arith.constant 80 : i32
      %mul3A_144 = arith.muli %add3A_137, %mul3A_143 : i32
      %mul3A_145 = arith.constant 80 : i32
      %mul3A_146 = arith.muli %add3A_137, %mul3A_145 : i32
      %dma_wait3A = arith.constant 0 : i32
      %dma_wait3A_147 = tpu.memref_slice %arg11[%arg0, %mul3A_146, %dma_wait3A] : memref<2x10000x128xf32, #tpu.memory_space<hbm>> -> memref<1x80x128xf32, #tpu.memory_space<hbm>>
      %dma_wait3A_148 = tpu.memref_squeeze %dma_wait3A_147 : memref<1x80x128xf32, #tpu.memory_space<hbm>> -> memref<80x128xf32, #tpu.memory_space<hbm>>
      %dma_wait3A_149 = arith.constant 0 : i32
      %dma_wait3A_150 = tpu.memref_slice %arg14[%mul3A_144, %dma_wait3A_149] : memref<10000x128xf32, #tpu.memory_space<vmem_shared>> -> memref<80x128xf32, #tpu.memory_space<vmem_shared>>
      tpu.wait_dma2 semaphore(%arg25 : memref<!tpu.dma_semaphore, #tpu.memory_space<semaphore_mem>>) src(%dma_wait3A_150 : memref<80x128xf32, #tpu.memory_space<vmem_shared>>) dst(%dma_wait3A_148 : memref<80x128xf32, #tpu.memory_space<hbm>>)
    } else {
    }
    return
  }
}

module attributes {stable_mosaic.version = 14 : i64} {
  func.func @_prep_body(%arg0: i32, %arg1: memref<1x1xf32, #tpu.memory_space<smem>>, %arg2: memref<1000x128xf32, #tpu.memory_space<vmem>>, %arg3: memref<1000x1xf32, #tpu.memory_space<vmem>>, %arg4: memref<1000x1xf32, #tpu.memory_space<vmem>>, %arg5: memref<1000x128xf32, #tpu.memory_space<vmem>>, %arg6: memref<1000x1xf32, #tpu.memory_space<vmem>>, %arg7: memref<1000x1xf32, #tpu.memory_space<vmem>>) attributes {dimension_semantics = [#tpu.dimension_semantics<arbitrary>], iteration_bounds = array<i64: 10>, scalar_prefetch = 0 : i64, scratch_operands = 0 : i64, tpu.core_type = #tpu.core_type<tc>, window_params = [{transform_indices = @transform_0, window_bounds = array<i64: 1, 1>}, {transform_indices = @transform_1, window_bounds = array<i64: 1000, 128>}, {transform_indices = @transform_2, window_bounds = array<i64: 1000, 1>}, {transform_indices = @transform_3, window_bounds = array<i64: 1000, 1>}, {transform_indices = @transform_4, window_bounds = array<i64: 1000, 128>}, {transform_indices = @transform_5, window_bounds = array<i64: 1000, 1>}, {transform_indices = @transform_6, window_bounds = array<i64: 1000, 1>}]} {
    %get3A = arith.constant 0 : index
    %get3A_0 = arith.constant 0 : index
    %get3A_1 = memref.load %arg1[%get3A, %get3A_0] : memref<1x1xf32, #tpu.memory_space<smem>>
    %get3A_2 = arith.constant 0 : index
    %get3A_3 = arith.constant 0 : index
    %get3A_4 = vector.load %arg3[%get3A_2, %get3A_3] : memref<1000x1xf32, #tpu.memory_space<vmem>>, vector<1000x1xf32>
    %get3A_5 = arith.constant 0 : index
    %get3A_6 = arith.constant 0 : index
    %get3A_7 = vector.load %arg4[%get3A_5, %get3A_6] : memref<1000x1xf32, #tpu.memory_space<vmem>>, vector<1000x1xf32>
    %mul3A = vector.broadcast %get3A_1 : f32 to vector<1000x1xf32>
    %mul3A_8 = arith.mulf %get3A_4, %mul3A : vector<1000x1xf32>
    %sub3A = arith.constant 1.000000e+00 : f32
    %sub3A_9 = vector.broadcast %sub3A : f32 to vector<1000x1xf32>
    %sub3A_10 = arith.subf %sub3A_9, %get3A_7 : vector<1000x1xf32>
    %mul3A_11 = arith.mulf %mul3A_8, %sub3A_10 : vector<1000x1xf32>
    %swap3A = arith.constant 0 : index
    %swap3A_12 = arith.constant 0 : index
    %swap3A_13 = vector.load %arg6[%swap3A, %swap3A_12] : memref<1000x1xf32, #tpu.memory_space<vmem>>, vector<1000x1xf32>
    tpu.vector_store %arg6[%swap3A, %swap3A_12], %mul3A_11 {strides = array<i32>} : memref<1000x1xf32, #tpu.memory_space<vmem>>, vector<1000x1xf32>,
    %sub3A_14 = arith.constant 1.000000e+00 : f32
    %sub3A_15 = vector.broadcast %sub3A_14 : f32 to vector<1000x1xf32>
    %sub3A_16 = arith.subf %sub3A_15, %get3A_7 : vector<1000x1xf32>
    %mul3A_17 = arith.mulf %sub3A_16, %mul3A_8 : vector<1000x1xf32>
    %add3A = arith.addf %get3A_7, %mul3A_17 : vector<1000x1xf32>
    %swap3A_18 = arith.constant 0 : index
    %swap3A_19 = arith.constant 0 : index
    %swap3A_20 = vector.load %arg7[%swap3A_18, %swap3A_19] : memref<1000x1xf32, #tpu.memory_space<vmem>>, vector<1000x1xf32>
    tpu.vector_store %arg7[%swap3A_18, %swap3A_19], %add3A {strides = array<i32>} : memref<1000x1xf32, #tpu.memory_space<vmem>>, vector<1000x1xf32>,
    %get3A_21 = arith.constant 0 : index
    %get3A_22 = arith.constant 0 : index
    %get3A_23 = vector.load %arg2[%get3A_21, %get3A_22] : memref<1000x128xf32, #tpu.memory_space<vmem>>, vector<1000x128xf32>
    %mul3A_24 = vector.broadcast %mul3A_11 : vector<1000x1xf32> to vector<1000x128xf32>
    %mul3A_25 = arith.mulf %mul3A_24, %get3A_23 : vector<1000x128xf32>
    %swap3A_26 = arith.constant 0 : index
    %swap3A_27 = arith.constant 0 : index
    %swap3A_28 = vector.load %arg5[%swap3A_26, %swap3A_27] : memref<1000x128xf32, #tpu.memory_space<vmem>>, vector<1000x128xf32>
    tpu.vector_store %arg5[%swap3A_26, %swap3A_27], %mul3A_25 {strides = array<i32>} : memref<1000x128xf32, #tpu.memory_space<vmem>>, vector<1000x128xf32>,
    return
  }
  func.func @transform_0(%arg0: i32) -> (i32, i32) {
    %c0_i32 = arith.constant 0 : i32
    %c0_i32_0 = arith.constant 0 : i32
    %c0_i32_1 = arith.constant 0 : i32
    return %c0_i32, %c0_i32_0 : i32, i32
  }
  func.func @transform_1(%arg0: i32) -> (i32, i32) {
    %c0_i32 = arith.constant 0 : i32
    %c0_i32_0 = arith.constant 0 : i32
    return %arg0, %c0_i32 : i32, i32
  }
  func.func @transform_2(%arg0: i32) -> (i32, i32) {
    %c0_i32 = arith.constant 0 : i32
    %c0_i32_0 = arith.constant 0 : i32
    return %arg0, %c0_i32 : i32, i32
  }
  func.func @transform_3(%arg0: i32) -> (i32, i32) {
    %c0_i32 = arith.constant 0 : i32
    %c0_i32_0 = arith.constant 0 : i32
    return %arg0, %c0_i32 : i32, i32
  }
  func.func @transform_4(%arg0: i32) -> (i32, i32) {
    %c0_i32 = arith.constant 0 : i32
    %c0_i32_0 = arith.constant 0 : i32
    return %arg0, %c0_i32 : i32, i32
  }
  func.func @transform_5(%arg0: i32) -> (i32, i32) {
    %c0_i32 = arith.constant 0 : i32
    %c0_i32_0 = arith.constant 0 : i32
    return %arg0, %c0_i32 : i32, i32
  }
  func.func @transform_6(%arg0: i32) -> (i32, i32) {
    %c0_i32 = arith.constant 0 : i32
    %c0_i32_0 = arith.constant 0 : i32
    return %arg0, %c0_i32 : i32, i32
  }
}

module attributes {stable_mosaic.version = 14 : i64} {
  func.func @_final_body(%arg0: i32, %arg1: memref<1x1000x128xf32, #tpu.memory_space<vmem>>, %arg2: memref<1x1000x128xf32, #tpu.memory_space<vmem>>, %arg3: memref<32x1x1x1000xf32, #tpu.memory_space<vmem>>, %arg4: memref<32x1x1x1000xf32, #tpu.memory_space<vmem>>, %arg5: memref<1000x1xf32, #tpu.memory_space<vmem>>, %arg6: memref<128x128xf32, #tpu.memory_space<vmem>>, %arg7: memref<128x128xf32, #tpu.memory_space<vmem>>, %arg8: memref<128x128xf32, #tpu.memory_space<vmem>>, %arg9: memref<1000x128xf32, #tpu.memory_space<vmem>>, %arg10: memref<128x128xf32, #tpu.memory_space<vmem>>, %arg11: memref<1x128xf32, #tpu.memory_space<vmem>>, %arg12: memref<1x128xf32, #tpu.memory_space<vmem>>) attributes {dimension_semantics = [#tpu.dimension_semantics<arbitrary>], iteration_bounds = array<i64: 10>, scalar_prefetch = 0 : i64, scratch_operands = 3 : i64, tpu.core_type = #tpu.core_type<tc>, window_params = [{transform_indices = @transform_0, window_bounds = array<i64: 1, 1000, 128>}, {transform_indices = @transform_1, window_bounds = array<i64: 1, 1000, 128>}, {transform_indices = @transform_2, window_bounds = array<i64: 32, 1, 1, 1000>}, {transform_indices = @transform_3, window_bounds = array<i64: 32, 1, 1, 1000>}, {transform_indices = @transform_4, window_bounds = array<i64: 1000, 1>}, {pipeline_mode = #tpu.pipeline_mode<synchronous>, transform_indices = @transform_5, window_bounds = array<i64: 128, 128>}, {pipeline_mode = #tpu.pipeline_mode<synchronous>, transform_indices = @transform_6, window_bounds = array<i64: 128, 128>}, {pipeline_mode = #tpu.pipeline_mode<synchronous>, transform_indices = @transform_7, window_bounds = array<i64: 128, 128>}, {transform_indices = @transform_8, window_bounds = array<i64: 1000, 128>}]} {
    %eq3A = arith.constant 0 : i32
    %eq3A_0 = arith.cmpi eq, %arg0, %eq3A : i32
    %convert_element_type3A = arith.extui %eq3A_0 : i1 to i32
    %cond3A = arith.constant 0 : i32
    %cond3A_1 = arith.cmpi ne, %convert_element_type3A, %cond3A : i32
    scf.if %cond3A_1 {
      %get3A_56 = arith.constant 0 : index
      %get3A_57 = arith.constant 0 : index
      %get3A_58 = vector.load %arg6[%get3A_56, %get3A_57] : memref<128x128xf32, #tpu.memory_space<vmem>>, vector<128x128xf32>
      %get3A_59 = arith.constant 0 : index
      %get3A_60 = arith.constant 0 : index
      %get3A_61 = vector.load %arg8[%get3A_59, %get3A_60] : memref<128x128xf32, #tpu.memory_space<vmem>>, vector<128x128xf32>
      %dot_general3A_62 = arith.constant dense<0.000000e+00> : vector<128x128xf32>
      %dot_general3A_63 = tpu.matmul %get3A_58, %get3A_61, %dot_general3A_62 {dimension_numbers = #tpu.dot_dimension_numbers<[1], [0], [0], [1], [0, 0, 1, 1], [], []>, transpose_lhs_hint = false} : vector<128x128xf32>, vector<128x128xf32>, vector<128x128xf32> -> vector<128x128xf32>
      %swap3A_64 = arith.constant 0 : index
      %swap3A_65 = arith.constant 0 : index
      %swap3A_66 = vector.load %arg10[%swap3A_64, %swap3A_65] : memref<128x128xf32, #tpu.memory_space<vmem>>, vector<128x128xf32>
      tpu.vector_store %arg10[%swap3A_64, %swap3A_65], %dot_general3A_63 {strides = array<i32>} : memref<128x128xf32, #tpu.memory_space<vmem>>, vector<128x128xf32>,
      %reduce_sum3A_67 = arith.constant dense<0.000000e+00> : vector<128xf32>
      %reduce_sum3A_68 = vector.multi_reduction <add>, %get3A_58, %reduce_sum3A_67 [1] : vector<128x128xf32> to vector<128xf32>
      %broadcast_in_dim3A_69 = vector.shape_cast %reduce_sum3A_68 : vector<128xf32> to vector<1x128xf32>
      %swap3A_70 = arith.constant 0 : index
      %swap3A_71 = arith.constant 0 : index
      %swap3A_72 = vector.load %arg11[%swap3A_70, %swap3A_71] : memref<1x128xf32, #tpu.memory_space<vmem>>, vector<1x128xf32>
      tpu.vector_store %arg11[%swap3A_70, %swap3A_71], %broadcast_in_dim3A_69 {strides = array<i32>} : memref<1x128xf32, #tpu.memory_space<vmem>>, vector<1x128xf32>,
      %get3A_73 = arith.constant 0 : index
      %get3A_74 = arith.constant 0 : index
      %get3A_75 = vector.load %arg7[%get3A_73, %get3A_74] : memref<128x128xf32, #tpu.memory_space<vmem>>, vector<128x128xf32>
      %reduce_sum3A_76 = arith.constant dense<0.000000e+00> : vector<128xf32>
      %reduce_sum3A_77 = vector.multi_reduction <add>, %get3A_75, %reduce_sum3A_76 [1] : vector<128x128xf32> to vector<128xf32>
      %broadcast_in_dim3A_78 = vector.shape_cast %reduce_sum3A_77 : vector<128xf32> to vector<1x128xf32>
      %swap3A_79 = arith.constant 0 : index
      %swap3A_80 = arith.constant 0 : index
      %swap3A_81 = vector.load %arg12[%swap3A_79, %swap3A_80] : memref<1x128xf32, #tpu.memory_space<vmem>>, vector<1x128xf32>
      tpu.vector_store %arg12[%swap3A_79, %swap3A_80], %broadcast_in_dim3A_78 {strides = array<i32>} : memref<1x128xf32, #tpu.memory_space<vmem>>, vector<1x128xf32>,
    } else {
    }
    %get3A = arith.constant 0 : index
    %get3A_2 = arith.constant 0 : index
    %get3A_3 = arith.constant 0 : index
    %get3A_4 = vector.load %arg1[%get3A, %get3A_2, %get3A_3] : memref<1x1000x128xf32, #tpu.memory_space<vmem>>, vector<1x1000x128xf32>
    %get3A_5 = vector.shape_cast %get3A_4 : vector<1x1000x128xf32> to vector<1000x128xf32>
    %get3A_6 = arith.constant 0 : index
    %get3A_7 = arith.constant 0 : index
    %get3A_8 = arith.constant 0 : index
    %get3A_9 = vector.load %arg2[%get3A_6, %get3A_7, %get3A_8] : memref<1x1000x128xf32, #tpu.memory_space<vmem>>, vector<1x1000x128xf32>
    %get3A_10 = vector.shape_cast %get3A_9 : vector<1x1000x128xf32> to vector<1000x128xf32>
    %add3A = arith.addf %get3A_5, %get3A_10 : vector<1000x128xf32>
    %get3A_11 = arith.constant 0 : index
    %get3A_12 = arith.constant 0 : index
    %get3A_13 = arith.constant 0 : index
    %get3A_14 = arith.constant 0 : index
    %get3A_15 = vector.load %arg3[%get3A_11, %get3A_12, %get3A_13, %get3A_14] : memref<32x1x1x1000xf32, #tpu.memory_space<vmem>>, vector<32x1x1x1000xf32>
    %get3A_16 = vector.shape_cast %get3A_15 : vector<32x1x1x1000xf32> to vector<32x1000xf32>
    %reduce_sum3A = arith.constant dense<0.000000e+00> : vector<1000xf32>
    %reduce_sum3A_17 = vector.multi_reduction <add>, %get3A_16, %reduce_sum3A [0] : vector<32x1000xf32> to vector<1000xf32>
    %broadcast_in_dim3A = vector.shape_cast %reduce_sum3A_17 : vector<1000xf32> to vector<1000x1xf32>
    %get3A_18 = arith.constant 0 : index
    %get3A_19 = arith.constant 0 : index
    %get3A_20 = arith.constant 0 : index
    %get3A_21 = arith.constant 0 : index
    %get3A_22 = vector.load %arg4[%get3A_18, %get3A_19, %get3A_20, %get3A_21] : memref<32x1x1x1000xf32, #tpu.memory_space<vmem>>, vector<32x1x1x1000xf32>
    %get3A_23 = vector.shape_cast %get3A_22 : vector<32x1x1x1000xf32> to vector<32x1000xf32>
    %reduce_sum3A_24 = arith.constant dense<0.000000e+00> : vector<1000xf32>
    %reduce_sum3A_25 = vector.multi_reduction <add>, %get3A_23, %reduce_sum3A_24 [0] : vector<32x1000xf32> to vector<1000xf32>
    %broadcast_in_dim3A_26 = vector.shape_cast %reduce_sum3A_25 : vector<1000xf32> to vector<1000x1xf32>
    %get3A_27 = arith.constant 0 : index
    %get3A_28 = arith.constant 0 : index
    %get3A_29 = vector.load %arg10[%get3A_27, %get3A_28] : memref<128x128xf32, #tpu.memory_space<vmem>>, vector<128x128xf32>
    %dot_general3A = arith.constant dense<0.000000e+00> : vector<1000x128xf32>
    %dot_general3A_30 = tpu.matmul %add3A, %get3A_29, %dot_general3A {dimension_numbers = #tpu.dot_dimension_numbers<[1], [1], [0], [0], [0, 0, 1, 0], [], []>, transpose_lhs_hint = false} : vector<1000x128xf32>, vector<128x128xf32>, vector<1000x128xf32> -> vector<1000x128xf32>
    %get3A_31 = arith.constant 0 : index
    %get3A_32 = arith.constant 0 : index
    %get3A_33 = vector.load %arg11[%get3A_31, %get3A_32] : memref<1x128xf32, #tpu.memory_space<vmem>>, vector<1x128xf32>
    %mul3A = vector.broadcast %broadcast_in_dim3A : vector<1000x1xf32> to vector<1000x128xf32>
    %mul3A_34 = vector.broadcast %get3A_33 : vector<1x128xf32> to vector<1000x128xf32>
    %mul3A_35 = arith.mulf %mul3A, %mul3A_34 : vector<1000x128xf32>
    %add3A_36 = arith.addf %dot_general3A_30, %mul3A_35 : vector<1000x128xf32>
    %get3A_37 = arith.constant 0 : index
    %get3A_38 = arith.constant 0 : index
    %get3A_39 = vector.load %arg5[%get3A_37, %get3A_38] : memref<1000x1xf32, #tpu.memory_space<vmem>>, vector<1000x1xf32>
    %max3A = arith.constant 0.000000e+00 : f32
    %max3A_40 = vector.broadcast %max3A : f32 to vector<1000x128xf32>
    %max3A_41 = arith.maximumf %add3A_36, %max3A_40 : vector<1000x128xf32>
    %add3A_42 = vector.broadcast %get3A_39 : vector<1000x1xf32> to vector<1000x128xf32>
    %add3A_43 = arith.addf %add3A_42, %max3A_41 : vector<1000x128xf32>
    %get3A_44 = arith.constant 0 : index
    %get3A_45 = arith.constant 0 : index
    %get3A_46 = vector.load %arg12[%get3A_44, %get3A_45] : memref<1x128xf32, #tpu.memory_space<vmem>>, vector<1x128xf32>
    %mul3A_47 = vector.broadcast %broadcast_in_dim3A_26 : vector<1000x1xf32> to vector<1000x128xf32>
    %mul3A_48 = vector.broadcast %get3A_46 : vector<1x128xf32> to vector<1000x128xf32>
    %mul3A_49 = arith.mulf %mul3A_47, %mul3A_48 : vector<1000x128xf32>
    %max3A_50 = arith.constant 0.000000e+00 : f32
    %max3A_51 = vector.broadcast %max3A_50 : f32 to vector<1000x128xf32>
    %max3A_52 = arith.maximumf %mul3A_49, %max3A_51 : vector<1000x128xf32>
    %add3A_53 = arith.addf %add3A_43, %max3A_52 : vector<1000x128xf32>
    %swap3A = arith.constant 0 : index
    %swap3A_54 = arith.constant 0 : index
    %swap3A_55 = vector.load %arg9[%swap3A, %swap3A_54] : memref<1000x128xf32, #tpu.memory_space<vmem>>, vector<1000x128xf32>
    tpu.vector_store %arg9[%swap3A, %swap3A_54], %add3A_53 {strides = array<i32>} : memref<1000x128xf32, #tpu.memory_space<vmem>>, vector<1000x128xf32>,
    return
  }
  func.func @transform_0(%arg0: i32) -> (i32, i32, i32) {
    %c0_i32 = arith.constant 0 : i32
    %c0_i32_0 = arith.constant 0 : i32
    %c0_i32_1 = arith.constant 0 : i32
    return %c0_i32, %arg0, %c0_i32_0 : i32, i32, i32
  }
  func.func @transform_1(%arg0: i32) -> (i32, i32, i32) {
    %c1_i32 = arith.constant 1 : i32
    %c0_i32 = arith.constant 0 : i32
    %c0_i32_0 = arith.constant 0 : i32
    return %c1_i32, %arg0, %c0_i32 : i32, i32, i32
  }
  func.func @transform_2(%arg0: i32) -> (i32, i32, i32, i32) {
    %c0_i32 = arith.constant 0 : i32
    %c0_i32_0 = arith.constant 0 : i32
    %c0_i32_1 = arith.constant 0 : i32
    %c0_i32_2 = arith.constant 0 : i32
    return %c0_i32, %arg0, %c0_i32_0, %c0_i32_1 : i32, i32, i32, i32
  }
  func.func @transform_3(%arg0: i32) -> (i32, i32, i32, i32) {
    %c0_i32 = arith.constant 0 : i32
    %c0_i32_0 = arith.constant 0 : i32
    %c0_i32_1 = arith.constant 0 : i32
    %c0_i32_2 = arith.constant 0 : i32
    return %c0_i32, %arg0, %c0_i32_0, %c0_i32_1 : i32, i32, i32, i32
  }
  func.func @transform_4(%arg0: i32) -> (i32, i32) {
    %c0_i32 = arith.constant 0 : i32
    %c0_i32_0 = arith.constant 0 : i32
    return %arg0, %c0_i32 : i32, i32
  }
  func.func @transform_5(%arg0: i32) -> (i32, i32) {
    %c0_i32 = arith.constant 0 : i32
    %c0_i32_0 = arith.constant 0 : i32
    %c0_i32_1 = arith.constant 0 : i32
    return %c0_i32, %c0_i32_0 : i32, i32
  }
  func.func @transform_6(%arg0: i32) -> (i32, i32) {
    %c0_i32 = arith.constant 0 : i32
    %c0_i32_0 = arith.constant 0 : i32
    %c0_i32_1 = arith.constant 0 : i32
    return %c0_i32, %c0_i32_0 : i32, i32
  }
  func.func @transform_7(%arg0: i32) -> (i32, i32) {
    %c0_i32 = arith.constant 0 : i32
    %c0_i32_0 = arith.constant 0 : i32
    %c0_i32_1 = arith.constant 0 : i32
    return %c0_i32, %c0_i32_0 : i32, i32
  }
  func.func @transform_8(%arg0: i32) -> (i32, i32) {
    %c0_i32 = arith.constant 0 : i32
    %c0_i32_0 = arith.constant 0 : i32
    return %arg0, %c0_i32 : i32, i32
  }
}

</mosaic_0001>

<sc_bundles>
// kernel: kernel.5.cloned.1.call-start
scs
__scs_entry_jumppad:
0x0: {  	(pc) =	sbr.rel $0x88, $3  }
0x1: {  	(tag) =	ssettag $0x0;
	lr =	simm.s32 $0x1  }
0x2: {  	[smem:$0x3F95] =	sst lr;
	_ =	strace $0xD0000000  }
0x3: {  	_ = 	snop  }
0x4: {  	_ = 	snop  }
0x5: {  	_ = 	snop  }
0x6: {  	_ = 	snop  }
0x7: {  	_ = 	snop  }
__scs_overlays_trampoline_lowered:
0x8: {  	[smem:$0x3FA4] =	sst s0  }
0x9: {  	[smem:$0x3FA5] =	sst s1  }
0xa: {  	[smem:$0x3FA6] =	sst s2  }
0xb: {  	[smem:$0x3FA7] =	sst s3  }
0xc: {  	[smem:$0x3FA8] =	sst s4  }
0xd: {  	[smem:$0x3FA9] =	sst s5  }
0xe: {  	[smem:$0x3FAA] =	sst s6  }
0xf: {  	[smem:$0x3FAB] =	sst s7  }
0x10: {  	[smem:$0x3FAC] =	sst s8  }
0x11: {  	[smem:$0x3FAD] =	sst s9;
	s0 =	simm.s32 @!p0 $0x0  }
0x12: {  	s1 =	sld [smem:$0x3F93];
	s0 =	simm.s32 @p0 $0x1  }
0x13: {  	[smem:$0x3FAE] =	sst s0;
	s0 =	simm.s32 @!p1 $0x0  }
0x14: {  	s2 =	sld [smem:$0x3F92];
	s0 =	simm.s32 @p1 $0x1  }
0x15: {  	[smem:$0x3FAF] =	sst s0;
	s0 =	simm.s32 @!p2 $0x0  }
0x16: {  	s3 =	sld [smem:$0x3FDB];
	s0 =	simm.s32 @p2 $0x1  }
0x17: {  	s4 =	simm.s32 $0x1BF5;
	[smem:$0x3FB1] =	sst s0  }
0x18: {  	s0 =	sld [smem:$0x3F94];
	_ =	swait.ge [sflag:s4], $0x0  }
0x19: {  	s7 =	sld [smem:$0x3F95]  }
0x1a: {  	s8 =	sadd.s32 $0xFFFFE003, lr  }
0x1b: {  	s9 =	sadd.s32 $0xFFFFFEF7, lr;
	s5 =	simm.s32 $0xFFFFFFFF;
	p2 =	slt.u32 s8, $0xFFFFF086  }
0x1c: {  	p1 =	slt.u32 s9, $0xF7A;
	s5 =	simm.s32 @!p2 $0x0  }
0x1d: {  	s5 =	simm.s32 @p1 $0x1;
	p0 =	seq.s32 s7, s2  }
0x1e: {  	s7 =	smul.u32 @!p0 $0xF7A, s2;
	p2 =	seq.s32 @!p0 s5, $0x0  }
0x1f: {  	s9 =	smul.u32 $0xF7A, s1;
	s8 =	simm.s32 @!p0 $0x1BF5;
	p2 =	por !p2, p0  }
0x20: {  	[sflag:s8] =	ssyncset.s32 @!p0 $0xFFFFF086;
	s6 =	sadd.s32 @!p0 s3, s7;
	s7 =	simm.s32 @!p0 $0x108  }
0x21: {  	s3 =	sadd.s32 s3, s9;
	s6 =	sadd.s32 @!p0 $0x88, s6;
	s7 =	simm.s32 @p2 $0x1082  }
0x22: {  	[simem:s7], [sflag:s8] =	dma.local @!p0 [hbm:s6], $0xF7A  }
0x23: {  	s9 =	sor.u32 $0xD0000000, s2;
	s6 =	simm.s32 $0x108;
	_ =	swait.ge @!p0 [sflag:s8], $0x0  }
0x24: {  	s3 =	sadd.s32 $0x88, s3;
	s6 =	simm.s32 @!p1 $0x1082;
	[sflag:s4] =	ssyncset.s32 $0xFFFFF086  }
0x25: {  	[simem:s6], [sflag:s4] =	dma.local [hbm:s3], $0xF7A  }
0x26: {  	[smem:$0x3F95] =	sst s1;
	(tag) =	ssettag s2;
	_ =	strace s9  }
0x27: {  	s1 =	sld [smem:$0x3FA5]  }
0x28: {  	s2 =	sld [smem:$0x3FA6]  }
0x29: {  	s4 =	sld [smem:$0x3FA8]  }
0x2a: {  	p0 =	seq.s32 s5, $0x0;
	s5 =	sld [smem:$0x3FA9]  }
0x2b: {  	s6 =	sld [smem:$0x3FAA]  }
0x2c: {  	s7 =	sld [smem:$0x3FAB]  }
0x2d: {  	s3 =	simm.s32 $0x108;
	s8 =	sld [smem:$0x3FAC]  }
0x2e: {  	s3 =	simm.s32 @!p0 $0x1082;
	s9 =	sld [smem:$0x3FAD]  }
0x2f: {  	lr =	sadd.s32 s0, s3;
	s0 =	sld [smem:$0x3FA4]  }
0x30: {  	s3 =	sld [smem:$0x3FA7]  }
0x31: {  	[smem:$0x3FB0] =	sst s10  }
0x32: {  	s10 =	sld [smem:$0x3FAE];
	_ =	sdelay $0x3  }
0x33: {  	p0 =	seq.s32 s10, $0x1;
	s10 =	sld [smem:$0x3FB0];
	_ =	sdelay $0x3  }
0x34: {  	[smem:$0x3FB0] =	sst s10  }
0x35: {  	s10 =	sld [smem:$0x3FAF];
	_ =	sdelay $0x3  }
0x36: {  	p1 =	seq.s32 s10, $0x1;
	s10 =	sld [smem:$0x3FB0];
	_ =	sdelay $0x3  }
0x37: {  	[smem:$0x3FB0] =	sst s10  }
0x38: {  	s10 =	sld [smem:$0x3FB1]  }
0x39: {  	_ = 	snop;
	(pc) =	sbr.ind lr, $3  }
0x3a: {  	_ = 	snop  }
0x3b: {  	_ = 	snop  }
0x3c: {  	p2 =	seq.s32 s10, $0x1;
	s10 =	sld [smem:$0x3FB0]  }
0x3d: {  	_ =	shalt  }
0x3e: {  	_ =	shalt  }
0x3f: {  	_ =	shalt  }
0x40: {  	_ =	shalt  }
0x41: {  	_ =	shalt  }
0x42: {  	_ =	shalt  }
0x43: {  	_ =	shalt  }
0x44: {  	_ =	shalt  }
0x45: {  	_ =	shalt  }
0x46: {  	_ =	shalt  }
0x47: {  	_ =	shalt  }
0x48: {  	_ =	shalt  }
0x49: {  	_ =	shalt  }
0x4a: {  	_ =	shalt  }
0x4b: {  	_ =	shalt  }
0x4c: {  	_ =	shalt  }
0x4d: {  	_ =	shalt  }
0x4e: {  	_ =	shalt  }
0x4f: {  	_ =	shalt  }
0x50: {  	_ =	shalt  }
0x51: {  	_ =	shalt  }
0x52: {  	_ =	shalt  }
0x53: {  	_ =	shalt  }
0x54: {  	_ =	shalt  }
0x55: {  	_ =	shalt  }
0x56: {  	_ =	shalt  }
0x57: {  	_ =	shalt  }
0x58: {  	_ =	shalt  }
0x59: {  	_ =	shalt  }
0x5a: {  	_ =	shalt  }
0x5b: {  	_ =	shalt  }
0x5c: {  	_ =	shalt  }
0x5d: {  	_ =	shalt  }
0x5e: {  	_ =	shalt  }
0x5f: {  	_ =	shalt  }
0x60: {  	_ =	shalt  }
0x61: {  	_ =	shalt  }
0x62: {  	_ =	shalt  }
0x63: {  	_ =	shalt  }
0x64: {  	_ =	shalt  }
0x65: {  	_ =	shalt  }
0x66: {  	_ =	shalt  }
0x67: {  	_ =	shalt  }
0x68: {  	_ =	shalt  }
0x69: {  	_ =	shalt  }
0x6a: {  	_ =	shalt  }
0x6b: {  	_ =	shalt  }
0x6c: {  	_ =	shalt  }
0x6d: {  	_ =	shalt  }
0x6e: {  	_ =	shalt  }
0x6f: {  	_ =	shalt  }
0x70: {  	_ =	shalt  }
0x71: {  	_ =	shalt  }
0x72: {  	_ =	shalt  }
0x73: {  	_ =	shalt  }
0x74: {  	_ =	shalt  }
0x75: {  	_ =	shalt  }
0x76: {  	_ =	shalt  }
0x77: {  	_ =	shalt  }
0x78: {  	_ =	shalt  }
0x79: {  	_ =	shalt  }
0x7a: {  	_ =	shalt  }
0x7b: {  	_ =	shalt  }
0x7c: {  	_ =	shalt  }
0x7d: {  	_ =	shalt  }
0x7e: {  	_ =	shalt  }
0x7f: {  	_ =	shalt  }
0x80: {  	_ =	shalt  }
0x81: {  	_ =	shalt  }
0x82: {  	_ =	shalt  }
0x83: {  	_ =	shalt  }
0x84: {  	_ =	shalt  }
0x85: {  	_ =	shalt  }
0x86: {  	_ =	shalt  }
0x87: {  	_ =	shalt  }
.Lfunc_end0:
.L_simem_size_0:
called_computation_lowered:
.L_overlay_start_0:
0x88: {  	s2 =	sld [smem:$0x3FD9]  }
0x89: {  	s3 =	sld [smem:$0x3FFE];
	_ =	sdelay $0x1  }
0x8a: {  	s1 =	srdreg.scid  }
0x8b: {  	s0 =	sand.u32 $0x1, s1  }
0x8c: {  	s17 =	sshll.u32 s0, $0xA;
	s2 =	sadd.s32 s3, s2  }
0x8d: {  	s2 =	sadd.s32 s2, s17  }
0x8e: {  	[smem:$0x3FBC] =	sst s2  }
0x8f: {  	_ = 	snop  }
0x90: {  	s2 =	sld [smem:$0x3FC7]  }
0x91: {  	s18 =	sld [smem:$0x3FC5]  }
0x92: {  	s4 =	sld [smem:$0x3FD0];
	(tm) =	ssettm $0x1  }
0x93: {  	s5 =	sld [smem:$0x3FFB];
	_ =	sdelay $0x3  }
0x94: {  	_ =	strace s5  }
0x95: {  	s5 =	sld [smem:$0x3FFC];
	_ =	sdelay $0x3  }
0x96: {  	_ =	strace s5  }
0x97: {  	s5 =	sld [smem:$0x3FFD];
	_ =	sdelay $0x3  }
0x98: {  	_ =	strace s5  }
0x99: {  	_ =	strace $0x8FFFFFFF  }
0x9a: {  	s19 =	sld [smem:$0x3FDB];
	_ =	sdelay $0x1  }
0x9b: {  	s6 =	simm.s32 $_scs_section_size  }
0x9c: {  	s7 =	simm.s32 $_size__tile_overlayer_lowered;
	s8 =	simm.s32 $_tile_overlayer_lowered  }
0x9d: {  	s22 =	simm.s32 $0x1BFF;
	s21 =	sshll.u32 s8, $0x1;
	s5 =	sadd.s32 s6, s19  }
0x9e: {  	s9 =	simm.s32 $0x0;
	s20 =	sshll.u32 s7, $0x1;
	s7 =	sadd.s32 s21, s5  }
0x9f: {  	[timem:s9], [sflag:s22] =	dma.local [hbm:s7], s20  }
0xa0: {  	_ =	swait.ge [sflag:s22], s20  }
0xa1: {  	s6 =	ssub.s32 $0x0, s20;
	[sflag:s22] =	ssyncset.done $0x0  }
0xa2: {  	[sflag:s22] =	ssyncadd.s32 s6;
	_ =	sdelay $0x1  }
0xa3: {  	s23 =	simm.s32 $0x1B8B  }
0xa4: {  	_ =	swait.ge [sflag:s23], $0x1  }
0xa5: {  	[sflag:s23] =	ssyncset.done $0x0  }
0xa6: {  	s25 =	simm.s32 $0x1B8E;
	s24 =	sld [smem:$0x3FFE];
	[sflag:s23] =	ssyncadd.s32 $0xFFFFFFFF  }
0xa7: {  	s26 =	simm.s32 $execute0_lowered;
	[smem:$0x3FD2] =	sst s25  }
0xa8: {  	s7 =	sshll.u32 s26, $0x1;
	_ =	strace $0x80000046;
	[dreg:$0x1] =	wrdreg $0xFFFFFFFF  }
0xa9: {  	s28 =	simm.s32 $_size_execute0_lowered;
	s5 =	sadd.s32 s5, s7;
	[dreg:$0x0] =	wrdreg $0x0  }
0xaa: {  	s7 =	sshll.u32 s28, $0x1;
	[dreg:$0x2] =	wrdreg s5  }
0xab: {  	[dreg:$0x3] =	wrdreg s7  }
0xac: {  	[dreg:$0x4] =	wrdreg $0xC0  }
0xad: {  	_ =	task [dreg:s9], $0x5FFFF  }
0xae: {  	[dreg:$0x1] =	wrdreg $0xFFFFFFFF  }
0xaf: {  	[dreg:$0x0] =	wrdreg $0x60  }
0xb0: {  	[dreg:$0x2] =	wrdreg s4  }
0xb1: {  	[dreg:$0x3] =	wrdreg s24  }
0xb2: {  	[dreg:$0x4] =	wrdreg s2  }
0xb3: {  	[dreg:$0x5] =	wrdreg s18  }
0xb4: {  	[dreg:$0x6] =	wrdreg $0x0  }
0xb5: {  	[dreg:$0x7] =	wrdreg $0x9  }
0xb6: {  	_ =	task.clear_ibuf [dreg:s9], $0x8FFFF;
	_ =	strace $0x90000046  }
0xb7: {  	s29 =	simm.s32 $0x9;
	_ =	strace $0x80000048  }
0xb8: {  	_ =	swait.ge [sflag:s29], $0x1  }
0xb9: {  	[sflag:s29] =	ssyncadd.s32 $0xFFFFFFFF  }
0xba: {  	_ =	strace $0x90000048  }
0xbb: {  	_ =	sfence  }
0xbc: {  	s30 =	sld [smem:$0x0];
	_ =	sdelay $0x2  }
0xbd: {  	s31 =	sshll.u32 s1, $0xD;
	s1 =	sshrl.u32 s1, $0x2  }
0xbe: {  	s3 =	sand.u32 $0x4000, s31;
	s1 =	sadd.s32 s1, s30  }
0xbf: {  	s0 =	sor.u32 s3, s0;
	s1 =	sshll.u32 s1, $0x11  }
0xc0: {  	s0 =	sor.u32 s1, s0  }
0xc1: {  	s0 =	sadd.s32 $0x8F2B, s0  }
0xc2: {  	[sflag:s0] =	ssyncadd.remote.s32 $0x1  }
0xc3: {  	_ =	sfence.sel $0xFFFF  }
0xc4: {  	[dreg:$0x0] =	wrdreg $0xFFFFFFFF;
	(pc) =	sbr.abs _section_cstart, $3  }
0xc5: {  	[dreg:$0x1] =	wrdreg $0xFFFFFFFF  }
0xc6: {  	_ =	task.clear_ibuf [dreg:s9], $0x2FFFF;
	_ =	strace $0x9FFFFFFF  }
0xc7: {  	(tm) =	ssettm $0x7FFFFFFF  }
tec
execute0_lowered:
.L_overlay_start_1:
0x0: {  	(tag) =	ssettag $0x1  }
0x1: {  	s0 =	rddreg [dreg:$0x0]  }
0x2: {  	s25 =	rddreg [dreg:$0x1]  }
0x3: {  	s3 =	rddreg [dreg:$0x2]  }
0x4: {  	s5 =	rddreg [dreg:$0x4];
	s6 =	simm.s32 $0x0  }
0x5: {  	s8 =	simm.s32 $0x138D0;
	[smem:$0x7FF] =	sst s6  }
0x6: {  	s10 =	simm.s32 $0x13920;
	_ =	strace $0x80000047;
	[dreg:$0x8] =	wrdreg s8  }
0x7: {  	s11 =	simm.s32 $0x1E800;
	[dreg:$0x9] =	wrdreg s10  }
0x8: {  	s1 =	srdreg.scid;
	s12 =	simm.s32 $0x13970;
	[dreg:$0xa] =	wrdreg s11  }
0x9: {  	s24 =	stileid.u32;
	s13 =	simm.s32 $0x1E880;
	[dreg:$0xb] =	wrdreg s12  }
0xa: {  	s14 =	simm.s32 $0x139C0;
	s16 =	simm.s32 $0x1E900;
	[dreg:$0xc] =	wrdreg s13  }
0xb: {  	s17 =	simm.s32 $0x13A10;
	s18 =	simm.s32 $0x1E980;
	[dreg:$0xd] =	wrdreg s14  }
0xc: {  	s19 =	simm.s32 $0x1EA00;
	s20 =	simm.s32 $0x13AB0;
	[dreg:$0xe] =	wrdreg s16  }
0xd: {  	s21 =	simm.s32 $0x1EA80;
	s28 =	simm.s32 $0x13FB0;
	[dreg:$0xf] =	wrdreg s17  }
0xe: {  	s29 =	simm.s32 $0x1F280;
	s31 =	simm.s32 $0x14000;
	[dreg:$0x10] =	wrdreg s18  }
0xf: {  	s2 =	sand.u32 $0x1, s1;
	s4 =	smul.u32 $0x2710, s24;
	[dreg:$0x12] =	wrdreg s19  }
0x10: {  	p0 =	sgt.u32 s24, $0xC;
	s30 =	sadd.s32 $0xC00, s25;
	[dreg:$0x13] =	wrdreg s20  }
0x11: {  	s1 =	smul.u32 $0x27100, s2;
	s10 =	simm.s32 $0x13A60;
	[dreg:$0x14] =	wrdreg s21  }
0x12: {  	s26 =	sshll.u32 s2, $0x4;
	s12 =	simm.s32 $0x13B50;
	[dreg:$0x11] =	wrdreg s10  }
0x13: {  	s15 =	ssub.s32 $0x2, s2;
	s13 =	simm.s32 $0x1EB80;
	[dreg:$0x17] =	wrdreg s12  }
0x14: {  	s14 =	smul.u32 $0x138800, s2;
	s18 =	simm.s32 $0x13BA0;
	[dreg:$0x18] =	wrdreg s13  }
0x15: {  	s19 =	simm.s32 $0x1EC00;
	s20 =	simm.s32 $0x13BF0;
	[dreg:$0x19] =	wrdreg s18  }
0x16: {  	s21 =	simm.s32 $0x1EC80;
	s2 =	smul.u32 $0xA000, s2;
	[dreg:$0x1a] =	wrdreg s19  }
0x17: {  	s8 =	sshrl.u32 s15, $0x1;
	s10 =	sor.u32 $0x40, s24;
	[dreg:$0x1b] =	wrdreg s20  }
0x18: {  	[dreg:$0x1c] =	wrdreg s21;
	s12 =	simm.s32 $0x13C40;
	s13 =	simm.s32 $0x13C90  }
0x19: {  	s1 =	sadd.s32 s4, s1;
	s19 =	smul.u32 $0x2800, s10;
	[dreg:$0x1d] =	wrdreg s12  }
0x1a: {  	s12 =	sor.u32 $0x60, s24;
	[dreg:$0x1f] =	wrdreg s13;
	s10 =	smul.u32 $0xA000, s10  }
0x1b: {  	s13 =	sor.u32 $0x70, s24;
	s1 =	sshrl.u32 s1, $0x3;
	s21 =	smul.u32 $0x2800, s12  }
0x1c: {  	s2 =	sadd.s32 s2, s25;
	s12 =	smul.u32 $0xA000, s12;
	s23 =	sadd.s32 s1, s25  }
0x1d: {  	s1 =	sadd.s32 s1, s3;
	s3 =	sor.u32 s24, s26;
	s26 =	simm.s32 $0x1EB00  }
0x1e: {  	s19 =	sadd.s32 s14, s19;
	s10 =	sshrl.u32 s10, $0x2;
	[dreg:$0x6] =	wrdreg s1  }
0x1f: {  	s7 =	sadd.s32 $0xAA00, s23;
	s9 =	sshrl.u32 s3, $0x3;
	s1 =	ssub.s32 s15, s8  }
0x20: {  	s23 =	simm.s32 $0x13B00;
	s8 =	sor.u32 $0x20, s24;
	[dreg:$0x16] =	wrdreg s26  }
0x21: {  	s21 =	sadd.s32 s14, s21;
	s26 =	simm.s32 $0x1EE00;
	s10 =	sadd.s32 s10, s5  }
0x22: {  	s12 =	sshrl.u32 s12, $0x2;
	[dreg:$0x7] =	wrdreg s7;
	s4 =	smul.u32 $0x13C00, s9  }
0x23: {  	s7 =	sshll.u32 s24, $0x7;
	s9 =	smul.u32 $0x2800, s24;
	[dreg:$0x15] =	wrdreg s23  }
0x24: {  	s11 =	smul.u32 $0x2800, s8;
	s23 =	simm.s32 $0x1ED80;
	[smem:$0x7DD] =	sst s26  }
0x25: {  	s12 =	sadd.s32 s12, s5;
	s1 =	smax.u32 s1, $0x1;
	s7 =	sand.u32 $0x380, s7  }
0x26: {  	[smem:$0x7DB] =	sst s23;
	s4 =	sor.u32 s7, s4;
	s7 =	sor.u32 $0x10, s24  }
0x27: {  	s15 =	sadd.s32 s9, s14;
	s9 =	sor.u32 $0x30, s24;
	s22 =	smul.u32 $0x2800, s7  }
0x28: {  	s17 =	sadd.s32 s14, s11;
	s11 =	sor.u32 $0x50, s24;
	s18 =	smul.u32 $0x2800, s9  }
0x29: {  	s23 =	simm.s32 $0x13CE0;
	[smem:$0x7F3] =	sst s1;
	s20 =	smul.u32 $0x2800, s11  }
0x2a: {  	[smem:$0x7DC] =	sst s23;
	s15 =	sshrl.u32 s15, $0x3;
	s9 =	smul.u32 $0xA000, s9  }
0x2b: {  	s26 =	sshrl.u32 s17, $0x3;
	s4 =	sshrl.u32 s4, $0x3;
	s11 =	smul.u32 $0xA000, s11  }
0x2c: {  	s4 =	sadd.s32 s4, s25;
	s16 =	sadd.s32 s14, s22;
	s22 =	simm.s32 $0x1ED00  }
0x2d: {  	s18 =	sadd.s32 s14, s18;
	[dreg:$0x1e] =	wrdreg s22;
	s22 =	smul.u32 $0x2800, s13  }
0x2e: {  	s20 =	sadd.s32 s14, s20;
	s9 =	sshrl.u32 s9, $0x2;
	s23 =	sshrl.u32 s16, $0x3  }
0x2f: {  	s16 =	simm.s32 $0x13E20;
	s14 =	sadd.s32 s14, s22;
	s22 =	sadd.s32 $0x50400, s25  }
0x30: {  	s11 =	sshrl.u32 s11, $0x2;
	[smem:$0x7EC] =	sst s16;
	s15 =	sadd.s32 s22, s15  }
0x31: {  	s18 =	sshrl.u32 s18, $0x3;
	s17 =	sadd.s32 s22, s26;
	[smem:$0x7DE] =	sst s15  }
0x32: {  	s26 =	sshrl.u32 s20, $0x3;
	s20 =	simm.s32 $0x1EE80;
	[smem:$0x7E0] =	sst s17  }
0x33: {  	s13 =	smul.u32 $0xA000, s13;
	s15 =	sadd.s32 s22, s23;
	[smem:$0x7E7] =	sst s20  }
0x34: {  	s14 =	sshrl.u32 s14, $0x3;
	s17 =	sadd.s32 s22, s26;
	[smem:$0x7DF] =	sst s15  }
0x35: {  	s13 =	sshrl.u32 s13, $0x2;
	s14 =	sadd.s32 s22, s14;
	[smem:$0x7E3] =	sst s17  }
0x36: {  	s23 =	sshrl.u32 s19, $0x3;
	s19 =	simm.s32 $0x13D30;
	[smem:$0x7E5] =	sst s14  }
0x37: {  	s13 =	sadd.s32 s13, s5;
	s26 =	simm.s32 $0x13DD0;
	[smem:$0x7E6] =	sst s19  }
0x38: {  	s9 =	sadd.s32 s9, s5;
	s1 =	sshrl.u32 @!p0 s13, $0x3;
	[smem:$0x7EA] =	sst s26  }
0x39: {  	s11 =	sadd.s32 s11, s5;
	s15 =	sadd.s32 s22, s18;
	[smem:$0x7FC] =	sst s1  }
0x3a: {  	s18 =	sshrl.u32 s21, $0x3;
	s21 =	simm.s32 $0x13D80;
	[smem:$0x7E1] =	sst s15  }
0x3b: {  	s16 =	smul.u32 $0x5, s3;
	s17 =	simm.s32 $0x1F000;
	[smem:$0x7E8] =	sst s21  }
0x3c: {  	s20 =	smul.u32 $0xA000, s8;
	s19 =	simm.s32 $0x13E70;
	[smem:$0x7ED] =	sst s17  }
0x3d: {  	s13 =	simm.s32 $0x2;
	s26 =	sadd.s32 $0x3C800, s4;
	[smem:$0x7EE] =	sst s19  }
0x3e: {  	s4 =	sadd.s32 $0x46600, s4;
	s14 =	simm.s32 $0x3;
	[smem:$0x7F1] =	sst s26  }
0x3f: {  	s15 =	sadd.s32 s22, s23;
	s23 =	simm.s32 $0x1EF00;
	[smem:$0x7F2] =	sst s4  }
0x40: {  	s21 =	simm.s32 $0x1F080;
	s26 =	sadd.s32 $0x600, s25;
	[smem:$0x7E2] =	sst s15  }
0x41: {  	s15 =	sadd.s32 s22, s18;
	s22 =	smul.u32 $0xA00, s24;
	[smem:$0x7E9] =	sst s23  }
0x42: {  	s18 =	smul.u32 $0xA000, s7;
	[smem:$0x7EF] =	sst s21;
	s23 =	simm.s32 $0x13EC0  }
0x43: {  	s7 =	sshrl.u32 s20, $0x2;
	s21 =	sshrl.u32 s9, $0x3;
	[smem:$0x7FD] =	sst s26  }
0x44: {  	s9 =	simm.s32 $0x14080;
	s26 =	simm.s32 $0x1F200;
	[smem:$0x7E4] =	sst s15  }
0x45: {  	s15 =	simm.s32 $0x1EF80;
	[smem:$0x7F0] =	sst s23;
	s7 =	sadd.s32 s7, s5  }
0x46: {  	[smem:$0x7F8] =	sst s21;
	s23 =	sshrl.u32 s11, $0x3;
	s11 =	simm.s32 $0x50  }
0x47: {  	s2 =	sadd.s32 s22, s2;
	[smem:$0x7EB] =	sst s15;
	s15 =	smul.u32 $0x2710, s3  }
0x48: {  	s22 =	smul.u32 $0xA000, s24;
	s3 =	sshrl.u32 s18, $0x2;
	s20 =	sshrl.u32 s7, $0x3  }
0x49: {  	[smem:$0x7FA] =	sst s23;
	s24 =	sshrl.u32 s12, $0x3;
	s23 =	simm.s32 $0x5  }
0x4a: {  	s7 =	simm.s32 $0x13880;
	s12 =	simm.s32 $0x19780;
	[smem:$0x7F7] =	sst s20  }
0x4b: {  	s3 =	sadd.s32 s3, s5;
	s17 =	sadd.s32 $0x14800, s2;
	[smem:$0x7FB] =	sst s24  }
0x4c: {  	s2 =	simm.s32 $0x14880;
	s20 =	simm.s32 $0x0;
	s8 =	sshrl.u32 s22, $0x2  }
0x4d: {  	[smem:$0x7F4] =	sst s17;
	s19 =	sshrl.u32 s3, $0x3;
	s22 =	sshrl.u32 s10, $0x3  }
0x4e: {  	s3 =	sadd.s32 $0x28800, s25;
	s10 =	simm.s32 $0x1;
	s17 =	simm.s32 $0x1BF80  }
0x4f: {  	s25 =	simm.s32 $0x13F60;
	s8 =	sadd.s32 s8, s5;
	[smem:$0x7F6] =	sst s19  }
0x50: {  	[smem:$0x7F9] =	sst s22;
	s19 =	simm.s32 $0x4;
	s18 =	sshrl.u32 s8, $0x3  }
0x51: {  	v0 =	vimm.f32 $0.0e+00;
	s8 =	simm.s32 $0x1E780;
	[smem:$0x7F5] =	sst s18;
	s18 =	simm.s32 $0x17000  }
.LBB2_1:
0x52: {  	s1 =	sand.u32 $0xFE00, s6  }
0x53: {  	s4 =	sand.u32 $0x70, s6;
	s21 =	sshrl.u32 s1, $0x2  }
0x54: {  	s1 =	simm.s32 $0x40;
	s21 =	sor.u32 s4, s21;
	s4 =	simm.s32 $0x0  }
.LBB2_2:
0x55: {  	p1 =	sne.s32 s1, $0x9FC0  }
0x56: {  	[tilespmem:s21+$0x19780] =	vst v0;
	s4 =	sadd.s32 $0x10, s4;
	s21 =	smov.u32 s1;
	s1 =	sadd.s32 $0x40, s1  }
.Ltmp0:
0x57: {  	(pc) =	sbr.rel @p1 .LBB2_2-.Ltmp0, $4  }
0x58: {  	_ = 	snop  }
0x59: {  	s21 =	sand.u32 $0xFE00, s21  }
0x5a: {  	s22 =	sand.u32 $0x70, s4;
	s21 =	sshrl.u32 s21, $0x2  }
0x5b: {  	s21 =	sor.u32 s22, s21  }
0x5c: {  	[smem:$0x7DA] =	sst s20  }
0x5d: {  	[tilespmem:s21+$0x19780] =	vst v0;
	s1 =	simm.s32 $0x0;
	s4 =	rddreg [dreg:$0x1]  }
0x5e: {  	[tilespmem:s2], [sflag:$0x5] =	stream.linear.gather [hbm4b:s4+s1], $0x2780, $0x38;
	[tilespmem:$0x1F780] =	vst v63  }
0x5f: {  	_ =	swait.ge [sflag:s23], $0x2780  }
0x60: {  	[sflag:s23] =	ssyncset.done $0x0  }
0x61: {  	s1 =	simm.s32 $0x40;
	s4 =	simm.s32 $0x0;
	[sflag:s23] =	ssyncadd.s32 $0xFFFFD880  }
.LBB2_4:
0x62: {  	p1 =	sne.s32 s1, $0x9C00;
	[tilespmem:s4+$0x17000] =	vst v0;
	s4 =	smov.u32 s1;
	s1 =	sadd.s32 $0x40, s1  }
.Ltmp1:
0x63: {  	(pc) =	sbr.rel @p1 .LBB2_4-.Ltmp1, $2  }
0x64: {  	_ =	sdelay $0x2  }
0x65: {  	s4 =	sshra.s32 s4, $0x2  }
0x66: {  	[tilespmem:s4+$0x17000] =	vst v0;
	s1 =	simm.s32 $0x0  }
0x67: {  	s23 =	simm.s32 $0x13F10;
	s24 =	simm.s32 $0x1F180;
	[bflag:$0x0] =	sbarrier.arrive $0xFFFF  }
0x68: {  	s20 =	simm.s32 $0x1F300;
	s22 =	simm.s32 $0x1F380;
	s4 =	sld [smem:$0x7F4]  }
.LBB2_6:
0x69: {  	s21 =	rddreg [dreg:$0x7]  }
0x6a: {  	s21 =	sadd.s32 s1, s21  }
0x6b: {  	[tilespmem:s7], [sflag:$0x1] =	stream.linear.gather [hbm4b:s21+s6], $0x7D0, $0x38;
	[tilespmem:$0x1F780] =	vst v63  }
0x6c: {  	s21 =	rddreg [dreg:$0x6]  }
0x6d: {  	[tilespmem:s8], [sflag:$0x2] =	stream.linear.gather [hbm4b:s4+s6], $0xC80, $0x38;
	[tilespmem:$0x1F780] =	vst v63  }
0x6e: {  	s21 =	sadd.s32 s1, s21  }
0x6f: {  	[tilespmem:s9], [sflag:$0x3] =	stream.linear.gather [hbm4b:s21+s6], $0x7D0, $0x38;
	[tilespmem:$0x1F780] =	vst v63  }
0x70: {  	_ =	swait.ge [sflag:s10], $0x7D0  }
0x71: {  	[sflag:s10] =	ssyncset.done $0x0  }
0x72: {  	[sflag:s10] =	ssyncadd.s32 $0xFFFFF830  }
0x73: {  	[tilespmem:s12], [sflag:$0x1] =	stream.indirect.gather [hbm4b:s0+s11], $0x80, s7, s11, $0xb8;
	[tilespmem:$0x1F780] =	vst v63  }
0x74: {  	_ =	swait.ge [sflag:s13], $0xC80  }
0x75: {  	[sflag:s13] =	ssyncset.done $0x0  }
0x76: {  	[sflag:s13] =	ssyncadd.s32 $0xFFFFF380  }
0x77: {  	_ =	swait.ge [sflag:s14], $0x7D0  }
0x78: {  	[sflag:s14] =	ssyncset.done $0x0  }
0x79: {  	s21 =	rddreg [dreg:$0x8];
	[sflag:s14] =	ssyncadd.s32 $0xFFFFF830  }
0x7a: {  	[tilespmem:s17], [sflag:$0x2] =	stream.indirect.gather [hbm4b:s0+s11], $0x80, s21, s11, $0xb8;
	[tilespmem:$0x1F780] =	vst v63  }
0x7b: {  	_ =	swait.ge [sflag:s10], $0x2800  }
0x7c: {  	[sflag:s10] =	ssyncset.done $0x0  }
0x7d: {  	[sflag:s10] =	ssyncadd.s32 $0xFFFFD800  }
0x7e: {  	[spmem:s5] =	stream.indirect.scatter.add.f32 [tilespmem:s12], [sflag:$0x3], $0x80, s8, s11, $0xb8;
	[tilespmem:$0x1F780] =	vst v63  }
0x7f: {  	v1 =	vld [tilespmem:$0x13880];
	_ =	sdelay $0x5  }
0x80: {  	v2 =	vld [tilespmem:$0x1E780]  }
0x81: {  	v3 =	vld [tilespmem:$0x14080]  }
0x82: {  	v1 =	vld.idx.msk [tilespmem:v1+s2+$0x0], $0xffff;
	_ =	sdelay $0x4  }
0x83: {  	v1 =	vmul.f32 v3, v1;
	_ =	sdelay $0x1  }
0x84: {  	[tilespmem:v2+s18+$0x0] =	vst.idx.add.f32.msk $0xffff, v1  }
0x85: {  	v1 =	vld [tilespmem:$0x13890];
	_ =	sdelay $0x5  }
0x86: {  	v2 =	vld [tilespmem:$0x1E790]  }
0x87: {  	v3 =	vld [tilespmem:$0x14090]  }
0x88: {  	v1 =	vld.idx.msk [tilespmem:v1+s2+$0x0], $0xffff;
	_ =	sdelay $0x4  }
0x89: {  	v1 =	vmul.f32 v3, v1;
	_ =	sdelay $0x1  }
0x8a: {  	[tilespmem:v2+s18+$0x0] =	vst.idx.add.f32.msk $0xffff, v1  }
0x8b: {  	v1 =	vld [tilespmem:$0x138A0];
	_ =	sdelay $0x5  }
0x8c: {  	v2 =	vld [tilespmem:$0x1E7A0]  }
0x8d: {  	v3 =	vld [tilespmem:$0x140A0]  }
0x8e: {  	v1 =	vld.idx.msk [tilespmem:v1+s2+$0x0], $0xffff;
	_ =	sdelay $0x4  }
0x8f: {  	v1 =	vmul.f32 v3, v1;
	_ =	sdelay $0x1  }
0x90: {  	[tilespmem:v2+s18+$0x0] =	vst.idx.add.f32.msk $0xffff, v1  }
0x91: {  	v1 =	vld [tilespmem:$0x138B0];
	_ =	sdelay $0x5  }
0x92: {  	v2 =	vld [tilespmem:$0x1E7B0]  }
0x93: {  	v3 =	vld [tilespmem:$0x140B0]  }
0x94: {  	v1 =	vld.idx.msk [tilespmem:v1+s2+$0x0], $0xffff;
	_ =	sdelay $0x4  }
0x95: {  	v1 =	vmul.f32 v3, v1;
	_ =	sdelay $0x1  }
0x96: {  	[tilespmem:v2+s18+$0x0] =	vst.idx.add.f32.msk $0xffff, v1  }
0x97: {  	v1 =	vld [tilespmem:$0x138C0];
	_ =	sdelay $0x5  }
0x98: {  	v2 =	vld [tilespmem:$0x1E7C0]  }
0x99: {  	v3 =	vld [tilespmem:$0x140C0]  }
0x9a: {  	v1 =	vld.idx.msk [tilespmem:v1+s2+$0x0], $0xffff;
	_ =	sdelay $0x4  }
0x9b: {  	v1 =	vmul.f32 v3, v1;
	_ =	sdelay $0x1  }
0x9c: {  	[tilespmem:v2+s18+$0x0] =	vst.idx.add.f32.msk $0xffff, v1  }
0x9d: {  	_ =	swait.ge [sflag:s14], $0x2800  }
0x9e: {  	[sflag:s14] =	ssyncset.done $0x0  }
0x9f: {  	s21 =	rddreg [dreg:$0x9];
	[sflag:s14] =	ssyncadd.s32 $0xFFFFD800  }
0xa0: {  	[tilespmem:s12], [sflag:$0x1] =	stream.indirect.gather [hbm4b:s0+s11], $0x80, s21, s11, $0xb8;
	[tilespmem:$0x1F780] =	vst v63  }
0xa1: {  	_ =	swait.ge [sflag:s13], $0x2800  }
0xa2: {  	[sflag:s13] =	ssyncset.done $0x0  }
0xa3: {  	s21 =	rddreg [dreg:$0xa];
	[sflag:s13] =	ssyncadd.s32 $0xFFFFD800  }
0xa4: {  	[spmem:s5] =	stream.indirect.scatter.add.f32 [tilespmem:s17], [sflag:$0x4], $0x80, s21, s11, $0xb8;
	[tilespmem:$0x1F780] =	vst v63  }
0xa5: {  	v1 =	vld [tilespmem:$0x138D0];
	_ =	sdelay $0x5  }
0xa6: {  	v2 =	vld [tilespmem:$0x1E800]  }
0xa7: {  	v3 =	vld [tilespmem:$0x140D0]  }
0xa8: {  	v1 =	vld.idx.msk [tilespmem:v1+s2+$0x0], $0xffff;
	_ =	sdelay $0x4  }
0xa9: {  	v1 =	vmul.f32 v3, v1;
	_ =	sdelay $0x1  }
0xaa: {  	[tilespmem:v2+s18+$0x0] =	vst.idx.add.f32.msk $0xffff, v1  }
0xab: {  	v1 =	vld [tilespmem:$0x138E0];
	_ =	sdelay $0x5  }
0xac: {  	v2 =	vld [tilespmem:$0x1E810]  }
0xad: {  	v3 =	vld [tilespmem:$0x140E0]  }
0xae: {  	v1 =	vld.idx.msk [tilespmem:v1+s2+$0x0], $0xffff;
	_ =	sdelay $0x4  }
0xaf: {  	v1 =	vmul.f32 v3, v1;
	_ =	sdelay $0x1  }
0xb0: {  	[tilespmem:v2+s18+$0x0] =	vst.idx.add.f32.msk $0xffff, v1  }
0xb1: {  	v1 =	vld [tilespmem:$0x138F0];
	_ =	sdelay $0x5  }
0xb2: {  	v2 =	vld [tilespmem:$0x1E820]  }
0xb3: {  	v3 =	vld [tilespmem:$0x140F0]  }
0xb4: {  	v1 =	vld.idx.msk [tilespmem:v1+s2+$0x0], $0xffff;
	_ =	sdelay $0x4  }
0xb5: {  	v1 =	vmul.f32 v3, v1;
	_ =	sdelay $0x1  }
0xb6: {  	[tilespmem:v2+s18+$0x0] =	vst.idx.add.f32.msk $0xffff, v1  }
0xb7: {  	v1 =	vld [tilespmem:$0x13900];
	_ =	sdelay $0x5  }
0xb8: {  	v2 =	vld [tilespmem:$0x1E830]  }
0xb9: {  	v3 =	vld [tilespmem:$0x14100]  }
0xba: {  	v1 =	vld.idx.msk [tilespmem:v1+s2+$0x0], $0xffff;
	_ =	sdelay $0x4  }
0xbb: {  	v1 =	vmul.f32 v3, v1;
	_ =	sdelay $0x1  }
0xbc: {  	[tilespmem:v2+s18+$0x0] =	vst.idx.add.f32.msk $0xffff, v1  }
0xbd: {  	v1 =	vld [tilespmem:$0x13910];
	_ =	sdelay $0x5  }
0xbe: {  	v2 =	vld [tilespmem:$0x1E840]  }
0xbf: {  	v3 =	vld [tilespmem:$0x14110]  }
0xc0: {  	v1 =	vld.idx.msk [tilespmem:v1+s2+$0x0], $0xffff;
	_ =	sdelay $0x4  }
0xc1: {  	v1 =	vmul.f32 v3, v1;
	_ =	sdelay $0x1  }
0xc2: {  	[tilespmem:v2+s18+$0x0] =	vst.idx.add.f32.msk $0xffff, v1  }
0xc3: {  	_ =	swait.ge [sflag:s19], $0x2800  }
0xc4: {  	[sflag:s19] =	ssyncset.done $0x0  }
0xc5: {  	s21 =	rddreg [dreg:$0xb];
	[sflag:s19] =	ssyncadd.s32 $0xFFFFD800  }
0xc6: {  	[tilespmem:s17], [sflag:$0x2] =	stream.indirect.gather [hbm4b:s0+s11], $0x80, s21, s11, $0xb8;
	[tilespmem:$0x1F780] =	vst v63  }
0xc7: {  	_ =	swait.ge [sflag:s10], $0x2800  }
0xc8: {  	[sflag:s10] =	ssyncset.done $0x0  }
0xc9: {  	s21 =	rddreg [dreg:$0xc];
	[sflag:s10] =	ssyncadd.s32 $0xFFFFD800  }
0xca: {  	[spmem:s5] =	stream.indirect.scatter.add.f32 [tilespmem:s12], [sflag:$0x3], $0x80, s21, s11, $0xb8;
	[tilespmem:$0x1F780] =	vst v63  }
0xcb: {  	v1 =	vld [tilespmem:$0x13920];
	_ =	sdelay $0x5  }
0xcc: {  	v2 =	vld [tilespmem:$0x1E880]  }
0xcd: {  	v3 =	vld [tilespmem:$0x14120]  }
0xce: {  	v1 =	vld.idx.msk [tilespmem:v1+s2+$0x0], $0xffff;
	_ =	sdelay $0x4  }
0xcf: {  	v1 =	vmul.f32 v3, v1;
	_ =	sdelay $0x1  }
0xd0: {  	[tilespmem:v2+s18+$0x0] =	vst.idx.add.f32.msk $0xffff, v1  }
0xd1: {  	v1 =	vld [tilespmem:$0x13930];
	_ =	sdelay $0x5  }
0xd2: {  	v2 =	vld [tilespmem:$0x1E890]  }
0xd3: {  	v3 =	vld [tilespmem:$0x14130]  }
0xd4: {  	v1 =	vld.idx.msk [tilespmem:v1+s2+$0x0], $0xffff;
	_ =	sdelay $0x4  }
0xd5: {  	v1 =	vmul.f32 v3, v1;
	_ =	sdelay $0x1  }
0xd6: {  	[tilespmem:v2+s18+$0x0] =	vst.idx.add.f32.msk $0xffff, v1  }
0xd7: {  	v1 =	vld [tilespmem:$0x13940];
	_ =	sdelay $0x5  }
0xd8: {  	v2 =	vld [tilespmem:$0x1E8A0]  }
0xd9: {  	v3 =	vld [tilespmem:$0x14140]  }
0xda: {  	v1 =	vld.idx.msk [tilespmem:v1+s2+$0x0], $0xffff;
	_ =	sdelay $0x4  }
0xdb: {  	v1 =	vmul.f32 v3, v1;
	_ =	sdelay $0x1  }
0xdc: {  	[tilespmem:v2+s18+$0x0] =	vst.idx.add.f32.msk $0xffff, v1  }
0xdd: {  	v1 =	vld [tilespmem:$0x13950];
	_ =	sdelay $0x5  }
0xde: {  	v2 =	vld [tilespmem:$0x1E8B0]  }
0xdf: {  	v3 =	vld [tilespmem:$0x14150]  }
0xe0: {  	v1 =	vld.idx.msk [tilespmem:v1+s2+$0x0], $0xffff;
	_ =	sdelay $0x4  }
0xe1: {  	v1 =	vmul.f32 v3, v1;
	_ =	sdelay $0x1  }
0xe2: {  	[tilespmem:v2+s18+$0x0] =	vst.idx.add.f32.msk $0xffff, v1  }
0xe3: {  	v1 =	vld [tilespmem:$0x13960];
	_ =	sdelay $0x5  }
0xe4: {  	v2 =	vld [tilespmem:$0x1E8C0]  }
0xe5: {  	v3 =	vld [tilespmem:$0x14160]  }
0xe6: {  	v1 =	vld.idx.msk [tilespmem:v1+s2+$0x0], $0xffff;
	_ =	sdelay $0x4  }
0xe7: {  	v1 =	vmul.f32 v3, v1;
	_ =	sdelay $0x1  }
0xe8: {  	[tilespmem:v2+s18+$0x0] =	vst.idx.add.f32.msk $0xffff, v1  }
0xe9: {  	_ =	swait.ge [sflag:s14], $0x2800  }
0xea: {  	[sflag:s14] =	ssyncset.done $0x0  }
0xeb: {  	s21 =	rddreg [dreg:$0xd];
	[sflag:s14] =	ssyncadd.s32 $0xFFFFD800  }
0xec: {  	[tilespmem:s12], [sflag:$0x1] =	stream.indirect.gather [hbm4b:s0+s11], $0x80, s21, s11, $0xb8;
	[tilespmem:$0x1F780] =	vst v63  }
0xed: {  	_ =	swait.ge [sflag:s13], $0x2800  }
0xee: {  	[sflag:s13] =	ssyncset.done $0x0  }
0xef: {  	s21 =	rddreg [dreg:$0xe];
	[sflag:s13] =	ssyncadd.s32 $0xFFFFD800  }
0xf0: {  	[spmem:s5] =	stream.indirect.scatter.add.f32 [tilespmem:s17], [sflag:$0x4], $0x80, s21, s11, $0xb8;
	[tilespmem:$0x1F780] =	vst v63  }
0xf1: {  	v1 =	vld [tilespmem:$0x13970];
	_ =	sdelay $0x5  }
0xf2: {  	v2 =	vld [tilespmem:$0x1E900]  }
0xf3: {  	v3 =	vld [tilespmem:$0x14170]  }
0xf4: {  	v1 =	vld.idx.msk [tilespmem:v1+s2+$0x0], $0xffff;
	_ =	sdelay $0x4  }
0xf5: {  	v1 =	vmul.f32 v3, v1;
	_ =	sdelay $0x1  }
0xf6: {  	[tilespmem:v2+s18+$0x0] =	vst.idx.add.f32.msk $0xffff, v1  }
0xf7: {  	v1 =	vld [tilespmem:$0x13980];
	_ =	sdelay $0x5  }
0xf8: {  	v2 =	vld [tilespmem:$0x1E910]  }
0xf9: {  	v3 =	vld [tilespmem:$0x14180]  }
0xfa: {  	v1 =	vld.idx.msk [tilespmem:v1+s2+$0x0], $0xffff;
	_ =	sdelay $0x4  }
0xfb: {  	v1 =	vmul.f32 v3, v1;
	_ =	sdelay $0x1  }
0xfc: {  	[tilespmem:v2+s18+$0x0] =	vst.idx.add.f32.msk $0xffff, v1  }
0xfd: {  	v1 =	vld [tilespmem:$0x13990];
	_ =	sdelay $0x5  }
0xfe: {  	v2 =	vld [tilespmem:$0x1E920]  }
0xff: {  	v3 =	vld [tilespmem:$0x14190]  }
0x100: {  	v1 =	vld.idx.msk [tilespmem:v1+s2+$0x0], $0xffff;
	_ =	sdelay $0x4  }
0x101: {  	v1 =	vmul.f32 v3, v1;
	_ =	sdelay $0x1  }
0x102: {  	[tilespmem:v2+s18+$0x0] =	vst.idx.add.f32.msk $0xffff, v1  }
0x103: {  	v1 =	vld [tilespmem:$0x139A0];
	_ =	sdelay $0x5  }
0x104: {  	v2 =	vld [tilespmem:$0x1E930]  }
0x105: {  	v3 =	vld [tilespmem:$0x141A0]  }
0x106: {  	v1 =	vld.idx.msk [tilespmem:v1+s2+$0x0], $0xffff;
	_ =	sdelay $0x4  }
0x107: {  	v1 =	vmul.f32 v3, v1;
	_ =	sdelay $0x1  }
0x108: {  	[tilespmem:v2+s18+$0x0] =	vst.idx.add.f32.msk $0xffff, v1  }
0x109: {  	v1 =	vld [tilespmem:$0x139B0];
	_ =	sdelay $0x5  }
0x10a: {  	v2 =	vld [tilespmem:$0x1E940]  }
0x10b: {  	v3 =	vld [tilespmem:$0x141B0]  }
0x10c: {  	v1 =	vld.idx.msk [tilespmem:v1+s2+$0x0], $0xffff;
	_ =	sdelay $0x4  }
0x10d: {  	v1 =	vmul.f32 v3, v1;
	_ =	sdelay $0x1  }
0x10e: {  	[tilespmem:v2+s18+$0x0] =	vst.idx.add.f32.msk $0xffff, v1  }
0x10f: {  	_ =	swait.ge [sflag:s19], $0x2800  }
0x110: {  	[sflag:s19] =	ssyncset.done $0x0  }
0x111: {  	s21 =	rddreg [dreg:$0xf];
	[sflag:s19] =	ssyncadd.s32 $0xFFFFD800  }
0x112: {  	[tilespmem:s17], [sflag:$0x2] =	stream.indirect.gather [hbm4b:s0+s11], $0x80, s21, s11, $0xb8;
	[tilespmem:$0x1F780] =	vst v63  }
0x113: {  	_ =	swait.ge [sflag:s10], $0x2800  }
0x114: {  	[sflag:s10] =	ssyncset.done $0x0  }
0x115: {  	s21 =	rddreg [dreg:$0x10];
	[sflag:s10] =	ssyncadd.s32 $0xFFFFD800  }
0x116: {  	[spmem:s5] =	stream.indirect.scatter.add.f32 [tilespmem:s12], [sflag:$0x3], $0x80, s21, s11, $0xb8;
	[tilespmem:$0x1F780] =	vst v63  }
0x117: {  	v1 =	vld [tilespmem:$0x139C0];
	_ =	sdelay $0x5  }
0x118: {  	v2 =	vld [tilespmem:$0x1E980]  }
0x119: {  	v3 =	vld [tilespmem:$0x141C0]  }
0x11a: {  	v1 =	vld.idx.msk [tilespmem:v1+s2+$0x0], $0xffff;
	_ =	sdelay $0x4  }
0x11b: {  	v1 =	vmul.f32 v3, v1;
	_ =	sdelay $0x1  }
0x11c: {  	[tilespmem:v2+s18+$0x0] =	vst.idx.add.f32.msk $0xffff, v1  }
0x11d: {  	v1 =	vld [tilespmem:$0x139D0];
	_ =	sdelay $0x5  }
0x11e: {  	v2 =	vld [tilespmem:$0x1E990]  }
0x11f: {  	v3 =	vld [tilespmem:$0x141D0]  }
0x120: {  	v1 =	vld.idx.msk [tilespmem:v1+s2+$0x0], $0xffff;
	_ =	sdelay $0x4  }
0x121: {  	v1 =	vmul.f32 v3, v1;
	_ =	sdelay $0x1  }
0x122: {  	[tilespmem:v2+s18+$0x0] =	vst.idx.add.f32.msk $0xffff, v1  }
0x123: {  	v1 =	vld [tilespmem:$0x139E0];
	_ =	sdelay $0x5  }
0x124: {  	v2 =	vld [tilespmem:$0x1E9A0]  }
0x125: {  	v3 =	vld [tilespmem:$0x141E0]  }
0x126: {  	v1 =	vld.idx.msk [tilespmem:v1+s2+$0x0], $0xffff;
	_ =	sdelay $0x4  }
0x127: {  	v1 =	vmul.f32 v3, v1;
	_ =	sdelay $0x1  }
0x128: {  	[tilespmem:v2+s18+$0x0] =	vst.idx.add.f32.msk $0xffff, v1  }
0x129: {  	v1 =	vld [tilespmem:$0x139F0];
	_ =	sdelay $0x5  }
0x12a: {  	v2 =	vld [tilespmem:$0x1E9B0]  }
0x12b: {  	v3 =	vld [tilespmem:$0x141F0]  }
0x12c: {  	v1 =	vld.idx.msk [tilespmem:v1+s2+$0x0], $0xffff;
	_ =	sdelay $0x4  }
0x12d: {  	v1 =	vmul.f32 v3, v1;
	_ =	sdelay $0x1  }
0x12e: {  	[tilespmem:v2+s18+$0x0] =	vst.idx.add.f32.msk $0xffff, v1  }
0x12f: {  	v1 =	vld [tilespmem:$0x13A00];
	_ =	sdelay $0x5  }
0x130: {  	v2 =	vld [tilespmem:$0x1E9C0]  }
0x131: {  	v3 =	vld [tilespmem:$0x14200]  }
0x132: {  	v1 =	vld.idx.msk [tilespmem:v1+s2+$0x0], $0xffff;
	_ =	sdelay $0x4  }
0x133: {  	v1 =	vmul.f32 v3, v1;
	_ =	sdelay $0x1  }
0x134: {  	[tilespmem:v2+s18+$0x0] =	vst.idx.add.f32.msk $0xffff, v1  }
0x135: {  	_ =	swait.ge [sflag:s14], $0x2800  }
0x136: {  	[sflag:s14] =	ssyncset.done $0x0  }
0x137: {  	s21 =	rddreg [dreg:$0x11];
	[sflag:s14] =	ssyncadd.s32 $0xFFFFD800  }
0x138: {  	[tilespmem:s12], [sflag:$0x1] =	stream.indirect.gather [hbm4b:s0+s11], $0x80, s21, s11, $0xb8;
	[tilespmem:$0x1F780] =	vst v63  }
0x139: {  	_ =	swait.ge [sflag:s13], $0x2800  }
0x13a: {  	[sflag:s13] =	ssyncset.done $0x0  }
0x13b: {  	s21 =	rddreg [dreg:$0x12];
	[sflag:s13] =	ssyncadd.s32 $0xFFFFD800  }
0x13c: {  	[spmem:s5] =	stream.indirect.scatter.add.f32 [tilespmem:s17], [sflag:$0x4], $0x80, s21, s11, $0xb8;
	[tilespmem:$0x1F780] =	vst v63  }
0x13d: {  	v1 =	vld [tilespmem:$0x13A10];
	_ =	sdelay $0x5  }
0x13e: {  	v2 =	vld [tilespmem:$0x1EA00]  }
0x13f: {  	v3 =	vld [tilespmem:$0x14210]  }
0x140: {  	v1 =	vld.idx.msk [tilespmem:v1+s2+$0x0], $0xffff;
	_ =	sdelay $0x4  }
0x141: {  	v1 =	vmul.f32 v3, v1;
	_ =	sdelay $0x1  }
0x142: {  	[tilespmem:v2+s18+$0x0] =	vst.idx.add.f32.msk $0xffff, v1  }
0x143: {  	v1 =	vld [tilespmem:$0x13A20];
	_ =	sdelay $0x5  }
0x144: {  	v2 =	vld [tilespmem:$0x1EA10]  }
0x145: {  	v3 =	vld [tilespmem:$0x14220]  }
0x146: {  	v1 =	vld.idx.msk [tilespmem:v1+s2+$0x0], $0xffff;
	_ =	sdelay $0x4  }
0x147: {  	v1 =	vmul.f32 v3, v1;
	_ =	sdelay $0x1  }
0x148: {  	[tilespmem:v2+s18+$0x0] =	vst.idx.add.f32.msk $0xffff, v1  }
0x149: {  	v1 =	vld [tilespmem:$0x13A30];
	_ =	sdelay $0x5  }
0x14a: {  	v2 =	vld [tilespmem:$0x1EA20]  }
0x14b: {  	v3 =	vld [tilespmem:$0x14230]  }
0x14c: {  	v1 =	vld.idx.msk [tilespmem:v1+s2+$0x0], $0xffff;
	_ =	sdelay $0x4  }
0x14d: {  	v1 =	vmul.f32 v3, v1;
	_ =	sdelay $0x1  }
0x14e: {  	[tilespmem:v2+s18+$0x0] =	vst.idx.add.f32.msk $0xffff, v1  }
0x14f: {  	v1 =	vld [tilespmem:$0x13A40];
	_ =	sdelay $0x5  }
0x150: {  	v2 =	vld [tilespmem:$0x1EA30]  }
0x151: {  	v3 =	vld [tilespmem:$0x14240]  }
0x152: {  	v1 =	vld.idx.msk [tilespmem:v1+s2+$0x0], $0xffff;
	_ =	sdelay $0x4  }
0x153: {  	v1 =	vmul.f32 v3, v1;
	_ =	sdelay $0x1  }
0x154: {  	[tilespmem:v2+s18+$0x0] =	vst.idx.add.f32.msk $0xffff, v1  }
0x155: {  	v1 =	vld [tilespmem:$0x13A50];
	_ =	sdelay $0x5  }
0x156: {  	v2 =	vld [tilespmem:$0x1EA40]  }
0x157: {  	v3 =	vld [tilespmem:$0x14250]  }
0x158: {  	v1 =	vld.idx.msk [tilespmem:v1+s2+$0x0], $0xffff;
	_ =	sdelay $0x4  }
0x159: {  	v1 =	vmul.f32 v3, v1;
	_ =	sdelay $0x1  }
0x15a: {  	[tilespmem:v2+s18+$0x0] =	vst.idx.add.f32.msk $0xffff, v1  }
0x15b: {  	_ =	swait.ge [sflag:s19], $0x2800  }
0x15c: {  	[sflag:s19] =	ssyncset.done $0x0  }
0x15d: {  	s21 =	rddreg [dreg:$0x13];
	[sflag:s19] =	ssyncadd.s32 $0xFFFFD800  }
0x15e: {  	[tilespmem:s17], [sflag:$0x2] =	stream.indirect.gather [hbm4b:s0+s11], $0x80, s21, s11, $0xb8;
	[tilespmem:$0x1F780] =	vst v63  }
0x15f: {  	_ =	swait.ge [sflag:s10], $0x2800  }
0x160: {  	[sflag:s10] =	ssyncset.done $0x0  }
0x161: {  	s21 =	rddreg [dreg:$0x14];
	[sflag:s10] =	ssyncadd.s32 $0xFFFFD800  }
0x162: {  	[spmem:s5] =	stream.indirect.scatter.add.f32 [tilespmem:s12], [sflag:$0x3], $0x80, s21, s11, $0xb8;
	[tilespmem:$0x1F780] =	vst v63  }
0x163: {  	v1 =	vld [tilespmem:$0x13A60];
	_ =	sdelay $0x5  }
0x164: {  	v2 =	vld [tilespmem:$0x1EA80]  }
0x165: {  	v3 =	vld [tilespmem:$0x14260]  }
0x166: {  	v1 =	vld.idx.msk [tilespmem:v1+s2+$0x0], $0xffff;
	_ =	sdelay $0x4  }
0x167: {  	v1 =	vmul.f32 v3, v1;
	_ =	sdelay $0x1  }
0x168: {  	[tilespmem:v2+s18+$0x0] =	vst.idx.add.f32.msk $0xffff, v1  }
0x169: {  	v1 =	vld [tilespmem:$0x13A70];
	_ =	sdelay $0x5  }
0x16a: {  	v2 =	vld [tilespmem:$0x1EA90]  }
0x16b: {  	v3 =	vld [tilespmem:$0x14270]  }
0x16c: {  	v1 =	vld.idx.msk [tilespmem:v1+s2+$0x0], $0xffff;
	_ =	sdelay $0x4  }
0x16d: {  	v1 =	vmul.f32 v3, v1;
	_ =	sdelay $0x1  }
0x16e: {  	[tilespmem:v2+s18+$0x0] =	vst.idx.add.f32.msk $0xffff, v1  }
0x16f: {  	v1 =	vld [tilespmem:$0x13A80];
	_ =	sdelay $0x5  }
0x170: {  	v2 =	vld [tilespmem:$0x1EAA0]  }
0x171: {  	v3 =	vld [tilespmem:$0x14280]  }
0x172: {  	v1 =	vld.idx.msk [tilespmem:v1+s2+$0x0], $0xffff;
	_ =	sdelay $0x4  }
0x173: {  	v1 =	vmul.f32 v3, v1;
	_ =	sdelay $0x1  }
0x174: {  	[tilespmem:v2+s18+$0x0] =	vst.idx.add.f32.msk $0xffff, v1  }
0x175: {  	v1 =	vld [tilespmem:$0x13A90];
	_ =	sdelay $0x5  }
0x176: {  	v2 =	vld [tilespmem:$0x1EAB0]  }
0x177: {  	v3 =	vld [tilespmem:$0x14290]  }
0x178: {  	v1 =	vld.idx.msk [tilespmem:v1+s2+$0x0], $0xffff;
	_ =	sdelay $0x4  }
0x179: {  	v1 =	vmul.f32 v3, v1;
	_ =	sdelay $0x1  }
0x17a: {  	[tilespmem:v2+s18+$0x0] =	vst.idx.add.f32.msk $0xffff, v1  }
0x17b: {  	v1 =	vld [tilespmem:$0x13AA0];
	_ =	sdelay $0x5  }
0x17c: {  	v2 =	vld [tilespmem:$0x1EAC0]  }
0x17d: {  	v3 =	vld [tilespmem:$0x142A0]  }
0x17e: {  	v1 =	vld.idx.msk [tilespmem:v1+s2+$0x0], $0xffff;
	_ =	sdelay $0x4  }
0x17f: {  	v1 =	vmul.f32 v3, v1;
	_ =	sdelay $0x1  }
0x180: {  	[tilespmem:v2+s18+$0x0] =	vst.idx.add.f32.msk $0xffff, v1  }
0x181: {  	_ =	swait.ge [sflag:s14], $0x2800  }
0x182: {  	[sflag:s14] =	ssyncset.done $0x0  }
0x183: {  	s21 =	rddreg [dreg:$0x15];
	[sflag:s14] =	ssyncadd.s32 $0xFFFFD800  }
0x184: {  	[tilespmem:s12], [sflag:$0x1] =	stream.indirect.gather [hbm4b:s0+s11], $0x80, s21, s11, $0xb8;
	[tilespmem:$0x1F780] =	vst v63  }
0x185: {  	_ =	swait.ge [sflag:s13], $0x2800  }
0x186: {  	[sflag:s13] =	ssyncset.done $0x0  }
0x187: {  	s21 =	rddreg [dreg:$0x16];
	[sflag:s13] =	ssyncadd.s32 $0xFFFFD800  }
0x188: {  	[spmem:s5] =	stream.indirect.scatter.add.f32 [tilespmem:s17], [sflag:$0x4], $0x80, s21, s11, $0xb8;
	[tilespmem:$0x1F780] =	vst v63  }
0x189: {  	v1 =	vld [tilespmem:$0x13AB0];
	_ =	sdelay $0x5  }
0x18a: {  	v2 =	vld [tilespmem:$0x1EB00]  }
0x18b: {  	v3 =	vld [tilespmem:$0x142B0]  }
0x18c: {  	v1 =	vld.idx.msk [tilespmem:v1+s2+$0x0], $0xffff;
	_ =	sdelay $0x4  }
0x18d: {  	v1 =	vmul.f32 v3, v1;
	_ =	sdelay $0x1  }
0x18e: {  	[tilespmem:v2+s18+$0x0] =	vst.idx.add.f32.msk $0xffff, v1  }
0x18f: {  	v1 =	vld [tilespmem:$0x13AC0];
	_ =	sdelay $0x5  }
0x190: {  	v2 =	vld [tilespmem:$0x1EB10]  }
0x191: {  	v3 =	vld [tilespmem:$0x142C0]  }
0x192: {  	v1 =	vld.idx.msk [tilespmem:v1+s2+$0x0], $0xffff;
	_ =	sdelay $0x4  }
0x193: {  	v1 =	vmul.f32 v3, v1;
	_ =	sdelay $0x1  }
0x194: {  	[tilespmem:v2+s18+$0x0] =	vst.idx.add.f32.msk $0xffff, v1  }
0x195: {  	v1 =	vld [tilespmem:$0x13AD0];
	_ =	sdelay $0x5  }
0x196: {  	v2 =	vld [tilespmem:$0x1EB20]  }
0x197: {  	v3 =	vld [tilespmem:$0x142D0]  }
0x198: {  	v1 =	vld.idx.msk [tilespmem:v1+s2+$0x0], $0xffff;
	_ =	sdelay $0x4  }
0x199: {  	v1 =	vmul.f32 v3, v1;
	_ =	sdelay $0x1  }
0x19a: {  	[tilespmem:v2+s18+$0x0] =	vst.idx.add.f32.msk $0xffff, v1  }
0x19b: {  	v1 =	vld [tilespmem:$0x13AE0];
	_ =	sdelay $0x5  }
0x19c: {  	v2 =	vld [tilespmem:$0x1EB30]  }
0x19d: {  	v3 =	vld [tilespmem:$0x142E0]  }
0x19e: {  	v1 =	vld.idx.msk [tilespmem:v1+s2+$0x0], $0xffff;
	_ =	sdelay $0x4  }
0x19f: {  	v1 =	vmul.f32 v3, v1;
	_ =	sdelay $0x1  }
0x1a0: {  	[tilespmem:v2+s18+$0x0] =	vst.idx.add.f32.msk $0xffff, v1  }
0x1a1: {  	v1 =	vld [tilespmem:$0x13AF0];
	_ =	sdelay $0x5  }
0x1a2: {  	v2 =	vld [tilespmem:$0x1EB40]  }
0x1a3: {  	v3 =	vld [tilespmem:$0x142F0]  }
0x1a4: {  	v1 =	vld.idx.msk [tilespmem:v1+s2+$0x0], $0xffff;
	_ =	sdelay $0x4  }
0x1a5: {  	v1 =	vmul.f32 v3, v1;
	_ =	sdelay $0x1  }
0x1a6: {  	[tilespmem:v2+s18+$0x0] =	vst.idx.add.f32.msk $0xffff, v1  }
0x1a7: {  	_ =	swait.ge [sflag:s19], $0x2800  }
0x1a8: {  	[sflag:s19] =	ssyncset.done $0x0  }
0x1a9: {  	s21 =	rddreg [dreg:$0x17];
	[sflag:s19] =	ssyncadd.s32 $0xFFFFD800  }
0x1aa: {  	[tilespmem:s17], [sflag:$0x2] =	stream.indirect.gather [hbm4b:s0+s11], $0x80, s21, s11, $0xb8;
	[tilespmem:$0x1F780] =	vst v63  }
0x1ab: {  	_ =	swait.ge [sflag:s10], $0x2800  }
0x1ac: {  	[sflag:s10] =	ssyncset.done $0x0  }
0x1ad: {  	s21 =	rddreg [dreg:$0x18];
	[sflag:s10] =	ssyncadd.s32 $0xFFFFD800  }
0x1ae: {  	[spmem:s5] =	stream.indirect.scatter.add.f32 [tilespmem:s12], [sflag:$0x3], $0x80, s21, s11, $0xb8;
	[tilespmem:$0x1F780] =	vst v63  }
0x1af: {  	v1 =	vld [tilespmem:$0x13B00];
	_ =	sdelay $0x5  }
0x1b0: {  	v2 =	vld [tilespmem:$0x1EB80]  }
0x1b1: {  	v3 =	vld [tilespmem:$0x14300]  }
0x1b2: {  	v1 =	vld.idx.msk [tilespmem:v1+s2+$0x0], $0xffff;
	_ =	sdelay $0x4  }
0x1b3: {  	v1 =	vmul.f32 v3, v1;
	_ =	sdelay $0x1  }
0x1b4: {  	[tilespmem:v2+s18+$0x0] =	vst.idx.add.f32.msk $0xffff, v1  }
0x1b5: {  	v1 =	vld [tilespmem:$0x13B10];
	_ =	sdelay $0x5  }
0x1b6: {  	v2 =	vld [tilespmem:$0x1EB90]  }
0x1b7: {  	v3 =	vld [tilespmem:$0x14310]  }
0x1b8: {  	v1 =	vld.idx.msk [tilespmem:v1+s2+$0x0], $0xffff;
	_ =	sdelay $0x4  }
0x1b9: {  	v1 =	vmul.f32 v3, v1;
	_ =	sdelay $0x1  }
0x1ba: {  	[tilespmem:v2+s18+$0x0] =	vst.idx.add.f32.msk $0xffff, v1  }
0x1bb: {  	v1 =	vld [tilespmem:$0x13B20];
	_ =	sdelay $0x5  }
0x1bc: {  	v2 =	vld [tilespmem:$0x1EBA0]  }
0x1bd: {  	v3 =	vld [tilespmem:$0x14320]  }
0x1be: {  	v1 =	vld.idx.msk [tilespmem:v1+s2+$0x0], $0xffff;
	_ =	sdelay $0x4  }
0x1bf: {  	v1 =	vmul.f32 v3, v1;
	_ =	sdelay $0x1  }
0x1c0: {  	[tilespmem:v2+s18+$0x0] =	vst.idx.add.f32.msk $0xffff, v1  }
0x1c1: {  	v1 =	vld [tilespmem:$0x13B30];
	_ =	sdelay $0x5  }
0x1c2: {  	v2 =	vld [tilespmem:$0x1EBB0]  }
0x1c3: {  	v3 =	vld [tilespmem:$0x14330]  }
0x1c4: {  	v1 =	vld.idx.msk [tilespmem:v1+s2+$0x0], $0xffff;
	_ =	sdelay $0x4  }
0x1c5: {  	v1 =	vmul.f32 v3, v1;
	_ =	sdelay $0x1  }
0x1c6: {  	[tilespmem:v2+s18+$0x0] =	vst.idx.add.f32.msk $0xffff, v1  }
0x1c7: {  	v1 =	vld [tilespmem:$0x13B40];
	_ =	sdelay $0x5  }
0x1c8: {  	v2 =	vld [tilespmem:$0x1EBC0]  }
0x1c9: {  	v3 =	vld [tilespmem:$0x14340]  }
0x1ca: {  	v1 =	vld.idx.msk [tilespmem:v1+s2+$0x0], $0xffff;
	_ =	sdelay $0x4  }
0x1cb: {  	v1 =	vmul.f32 v3, v1;
	_ =	sdelay $0x1  }
0x1cc: {  	[tilespmem:v2+s18+$0x0] =	vst.idx.add.f32.msk $0xffff, v1  }
0x1cd: {  	_ =	swait.ge [sflag:s14], $0x2800  }
0x1ce: {  	[sflag:s14] =	ssyncset.done $0x0  }
0x1cf: {  	s21 =	rddreg [dreg:$0x19];
	[sflag:s14] =	ssyncadd.s32 $0xFFFFD800  }
0x1d0: {  	[tilespmem:s12], [sflag:$0x1] =	stream.indirect.gather [hbm4b:s0+s11], $0x80, s21, s11, $0xb8;
	[tilespmem:$0x1F780] =	vst v63  }
0x1d1: {  	_ =	swait.ge [sflag:s13], $0x2800  }
0x1d2: {  	[sflag:s13] =	ssyncset.done $0x0  }
0x1d3: {  	s21 =	rddreg [dreg:$0x1a];
	[sflag:s13] =	ssyncadd.s32 $0xFFFFD800  }
0x1d4: {  	[spmem:s5] =	stream.indirect.scatter.add.f32 [tilespmem:s17], [sflag:$0x4], $0x80, s21, s11, $0xb8;
	[tilespmem:$0x1F780] =	vst v63  }
0x1d5: {  	v1 =	vld [tilespmem:$0x13B50];
	_ =	sdelay $0x5  }
0x1d6: {  	v2 =	vld [tilespmem:$0x1EC00]  }
0x1d7: {  	v3 =	vld [tilespmem:$0x14350]  }
0x1d8: {  	v1 =	vld.idx.msk [tilespmem:v1+s2+$0x0], $0xffff;
	_ =	sdelay $0x4  }
0x1d9: {  	v1 =	vmul.f32 v3, v1;
	_ =	sdelay $0x1  }
0x1da: {  	[tilespmem:v2+s18+$0x0] =	vst.idx.add.f32.msk $0xffff, v1  }
0x1db: {  	v1 =	vld [tilespmem:$0x13B60];
	_ =	sdelay $0x5  }
0x1dc: {  	v2 =	vld [tilespmem:$0x1EC10]  }
0x1dd: {  	v3 =	vld [tilespmem:$0x14360]  }
0x1de: {  	v1 =	vld.idx.msk [tilespmem:v1+s2+$0x0], $0xffff;
	_ =	sdelay $0x4  }
0x1df: {  	v1 =	vmul.f32 v3, v1;
	_ =	sdelay $0x1  }
0x1e0: {  	[tilespmem:v2+s18+$0x0] =	vst.idx.add.f32.msk $0xffff, v1  }
0x1e1: {  	v1 =	vld [tilespmem:$0x13B70];
	_ =	sdelay $0x5  }
0x1e2: {  	v2 =	vld [tilespmem:$0x1EC20]  }
0x1e3: {  	v3 =	vld [tilespmem:$0x14370]  }
0x1e4: {  	v1 =	vld.idx.msk [tilespmem:v1+s2+$0x0], $0xffff;
	_ =	sdelay $0x4  }
0x1e5: {  	v1 =	vmul.f32 v3, v1;
	_ =	sdelay $0x1  }
0x1e6: {  	[tilespmem:v2+s18+$0x0] =	vst.idx.add.f32.msk $0xffff, v1  }
0x1e7: {  	v1 =	vld [tilespmem:$0x13B80];
	_ =	sdelay $0x5  }
0x1e8: {  	v2 =	vld [tilespmem:$0x1EC30]  }
0x1e9: {  	v3 =	vld [tilespmem:$0x14380]  }
0x1ea: {  	v1 =	vld.idx.msk [tilespmem:v1+s2+$0x0], $0xffff;
	_ =	sdelay $0x4  }
0x1eb: {  	v1 =	vmul.f32 v3, v1;
	_ =	sdelay $0x1  }
0x1ec: {  	[tilespmem:v2+s18+$0x0] =	vst.idx.add.f32.msk $0xffff, v1  }
0x1ed: {  	v1 =	vld [tilespmem:$0x13B90];
	_ =	sdelay $0x5  }
0x1ee: {  	v2 =	vld [tilespmem:$0x1EC40]  }
0x1ef: {  	v3 =	vld [tilespmem:$0x14390]  }
0x1f0: {  	v1 =	vld.idx.msk [tilespmem:v1+s2+$0x0], $0xffff;
	_ =	sdelay $0x4  }
0x1f1: {  	v1 =	vmul.f32 v3, v1;
	_ =	sdelay $0x1  }
0x1f2: {  	[tilespmem:v2+s18+$0x0] =	vst.idx.add.f32.msk $0xffff, v1  }
0x1f3: {  	_ =	swait.ge [sflag:s19], $0x2800  }
0x1f4: {  	[sflag:s19] =	ssyncset.done $0x0  }
0x1f5: {  	s21 =	rddreg [dreg:$0x1b];
	[sflag:s19] =	ssyncadd.s32 $0xFFFFD800  }
0x1f6: {  	[tilespmem:s17], [sflag:$0x2] =	stream.indirect.gather [hbm4b:s0+s11], $0x80, s21, s11, $0xb8;
	[tilespmem:$0x1F780] =	vst v63  }
0x1f7: {  	_ =	swait.ge [sflag:s10], $0x2800  }
0x1f8: {  	[sflag:s10] =	ssyncset.done $0x0  }
0x1f9: {  	s21 =	rddreg [dreg:$0x1c];
	[sflag:s10] =	ssyncadd.s32 $0xFFFFD800  }
0x1fa: {  	[spmem:s5] =	stream.indirect.scatter.add.f32 [tilespmem:s12], [sflag:$0x3], $0x80, s21, s11, $0xb8;
	[tilespmem:$0x1F780] =	vst v63  }
0x1fb: {  	v1 =	vld [tilespmem:$0x13BA0];
	_ =	sdelay $0x5  }
0x1fc: {  	v2 =	vld [tilespmem:$0x1EC80]  }
0x1fd: {  	v3 =	vld [tilespmem:$0x143A0]  }
0x1fe: {  	v1 =	vld.idx.msk [tilespmem:v1+s2+$0x0], $0xffff;
	_ =	sdelay $0x4  }
0x1ff: {  	v1 =	vmul.f32 v3, v1;
	_ =	sdelay $0x1  }
0x200: {  	[tilespmem:v2+s18+$0x0] =	vst.idx.add.f32.msk $0xffff, v1  }
0x201: {  	v1 =	vld [tilespmem:$0x13BB0];
	_ =	sdelay $0x5  }
0x202: {  	v2 =	vld [tilespmem:$0x1EC90]  }
0x203: {  	v3 =	vld [tilespmem:$0x143B0]  }
0x204: {  	v1 =	vld.idx.msk [tilespmem:v1+s2+$0x0], $0xffff;
	_ =	sdelay $0x4  }
0x205: {  	v1 =	vmul.f32 v3, v1;
	_ =	sdelay $0x1  }
0x206: {  	[tilespmem:v2+s18+$0x0] =	vst.idx.add.f32.msk $0xffff, v1  }
0x207: {  	v1 =	vld [tilespmem:$0x13BC0];
	_ =	sdelay $0x5  }
0x208: {  	v2 =	vld [tilespmem:$0x1ECA0]  }
0x209: {  	v3 =	vld [tilespmem:$0x143C0]  }
0x20a: {  	v1 =	vld.idx.msk [tilespmem:v1+s2+$0x0], $0xffff;
	_ =	sdelay $0x4  }
0x20b: {  	v1 =	vmul.f32 v3, v1;
	_ =	sdelay $0x1  }
0x20c: {  	[tilespmem:v2+s18+$0x0] =	vst.idx.add.f32.msk $0xffff, v1  }
0x20d: {  	v1 =	vld [tilespmem:$0x13BD0];
	_ =	sdelay $0x5  }
0x20e: {  	v2 =	vld [tilespmem:$0x1ECB0]  }
0x20f: {  	v3 =	vld [tilespmem:$0x143D0]  }
0x210: {  	v1 =	vld.idx.msk [tilespmem:v1+s2+$0x0], $0xffff;
	_ =	sdelay $0x4  }
0x211: {  	v1 =	vmul.f32 v3, v1;
	_ =	sdelay $0x1  }
0x212: {  	[tilespmem:v2+s18+$0x0] =	vst.idx.add.f32.msk $0xffff, v1  }
0x213: {  	v1 =	vld [tilespmem:$0x13BE0];
	_ =	sdelay $0x5  }
0x214: {  	v2 =	vld [tilespmem:$0x1ECC0]  }
0x215: {  	v3 =	vld [tilespmem:$0x143E0]  }
0x216: {  	v1 =	vld.idx.msk [tilespmem:v1+s2+$0x0], $0xffff;
	_ =	sdelay $0x4  }
0x217: {  	v1 =	vmul.f32 v3, v1;
	_ =	sdelay $0x1  }
0x218: {  	[tilespmem:v2+s18+$0x0] =	vst.idx.add.f32.msk $0xffff, v1  }
0x219: {  	_ =	swait.ge [sflag:s14], $0x2800  }
0x21a: {  	[sflag:s14] =	ssyncset.done $0x0  }
0x21b: {  	s21 =	rddreg [dreg:$0x1d];
	[sflag:s14] =	ssyncadd.s32 $0xFFFFD800  }
0x21c: {  	[tilespmem:s12], [sflag:$0x1] =	stream.indirect.gather [hbm4b:s0+s11], $0x80, s21, s11, $0xb8;
	[tilespmem:$0x1F780] =	vst v63  }
0x21d: {  	_ =	swait.ge [sflag:s13], $0x2800  }
0x21e: {  	[sflag:s13] =	ssyncset.done $0x0  }
0x21f: {  	s21 =	rddreg [dreg:$0x1e];
	[sflag:s13] =	ssyncadd.s32 $0xFFFFD800  }
0x220: {  	[spmem:s5] =	stream.indirect.scatter.add.f32 [tilespmem:s17], [sflag:$0x4], $0x80, s21, s11, $0xb8;
	[tilespmem:$0x1F780] =	vst v63  }
0x221: {  	v1 =	vld [tilespmem:$0x13BF0];
	_ =	sdelay $0x5  }
0x222: {  	v2 =	vld [tilespmem:$0x1ED00]  }
0x223: {  	v3 =	vld [tilespmem:$0x143F0]  }
0x224: {  	v1 =	vld.idx.msk [tilespmem:v1+s2+$0x0], $0xffff;
	_ =	sdelay $0x4  }
0x225: {  	v1 =	vmul.f32 v3, v1;
	_ =	sdelay $0x1  }
0x226: {  	[tilespmem:v2+s18+$0x0] =	vst.idx.add.f32.msk $0xffff, v1  }
0x227: {  	v1 =	vld [tilespmem:$0x13C00];
	_ =	sdelay $0x5  }
0x228: {  	v2 =	vld [tilespmem:$0x1ED10]  }
0x229: {  	v3 =	vld [tilespmem:$0x14400]  }
0x22a: {  	v1 =	vld.idx.msk [tilespmem:v1+s2+$0x0], $0xffff;
	_ =	sdelay $0x4  }
0x22b: {  	v1 =	vmul.f32 v3, v1;
	_ =	sdelay $0x1  }
0x22c: {  	[tilespmem:v2+s18+$0x0] =	vst.idx.add.f32.msk $0xffff, v1  }
0x22d: {  	v1 =	vld [tilespmem:$0x13C10];
	_ =	sdelay $0x5  }
0x22e: {  	v2 =	vld [tilespmem:$0x1ED20]  }
0x22f: {  	v3 =	vld [tilespmem:$0x14410]  }
0x230: {  	v1 =	vld.idx.msk [tilespmem:v1+s2+$0x0], $0xffff;
	_ =	sdelay $0x4  }
0x231: {  	v1 =	vmul.f32 v3, v1;
	_ =	sdelay $0x1  }
0x232: {  	[tilespmem:v2+s18+$0x0] =	vst.idx.add.f32.msk $0xffff, v1  }
0x233: {  	v1 =	vld [tilespmem:$0x13C20];
	_ =	sdelay $0x5  }
0x234: {  	v2 =	vld [tilespmem:$0x1ED30]  }
0x235: {  	v3 =	vld [tilespmem:$0x14420]  }
0x236: {  	v1 =	vld.idx.msk [tilespmem:v1+s2+$0x0], $0xffff;
	_ =	sdelay $0x4  }
0x237: {  	v1 =	vmul.f32 v3, v1;
	_ =	sdelay $0x1  }
0x238: {  	[tilespmem:v2+s18+$0x0] =	vst.idx.add.f32.msk $0xffff, v1  }
0x239: {  	v1 =	vld [tilespmem:$0x13C30];
	_ =	sdelay $0x5  }
0x23a: {  	v2 =	vld [tilespmem:$0x1ED40]  }
0x23b: {  	v3 =	vld [tilespmem:$0x14430]  }
0x23c: {  	v1 =	vld.idx.msk [tilespmem:v1+s2+$0x0], $0xffff;
	_ =	sdelay $0x4  }
0x23d: {  	v1 =	vmul.f32 v3, v1;
	_ =	sdelay $0x1  }
0x23e: {  	[tilespmem:v2+s18+$0x0] =	vst.idx.add.f32.msk $0xffff, v1  }
0x23f: {  	_ =	swait.ge [sflag:s19], $0x2800  }
0x240: {  	[sflag:s19] =	ssyncset.done $0x0  }
0x241: {  	s21 =	rddreg [dreg:$0x1f];
	[sflag:s19] =	ssyncadd.s32 $0xFFFFD800  }
0x242: {  	[tilespmem:s17], [sflag:$0x2] =	stream.indirect.gather [hbm4b:s0+s11], $0x80, s21, s11, $0xb8;
	[tilespmem:$0x1F780] =	vst v63  }
0x243: {  	_ =	swait.ge [sflag:s10], $0x2800  }
0x244: {  	s21 =	sld [smem:$0x7DB]  }
0x245: {  	[sflag:s10] =	ssyncset.done $0x0  }
0x246: {  	[sflag:s10] =	ssyncadd.s32 $0xFFFFD800  }
0x247: {  	[spmem:s5] =	stream.indirect.scatter.add.f32 [tilespmem:s12], [sflag:$0x3], $0x80, s21, s11, $0xb8;
	[tilespmem:$0x1F780] =	vst v63  }
0x248: {  	v1 =	vld [tilespmem:$0x13C40];
	_ =	sdelay $0x5  }
0x249: {  	v2 =	vld [tilespmem:$0x1ED80]  }
0x24a: {  	v3 =	vld [tilespmem:$0x14440]  }
0x24b: {  	v1 =	vld.idx.msk [tilespmem:v1+s2+$0x0], $0xffff;
	_ =	sdelay $0x4  }
0x24c: {  	v1 =	vmul.f32 v3, v1;
	_ =	sdelay $0x1  }
0x24d: {  	[tilespmem:v2+s18+$0x0] =	vst.idx.add.f32.msk $0xffff, v1  }
0x24e: {  	v1 =	vld [tilespmem:$0x13C50];
	_ =	sdelay $0x5  }
0x24f: {  	v2 =	vld [tilespmem:$0x1ED90]  }
0x250: {  	v3 =	vld [tilespmem:$0x14450]  }
0x251: {  	v1 =	vld.idx.msk [tilespmem:v1+s2+$0x0], $0xffff;
	_ =	sdelay $0x4  }
0x252: {  	v1 =	vmul.f32 v3, v1;
	_ =	sdelay $0x1  }
0x253: {  	[tilespmem:v2+s18+$0x0] =	vst.idx.add.f32.msk $0xffff, v1  }
0x254: {  	v1 =	vld [tilespmem:$0x13C60];
	_ =	sdelay $0x5  }
0x255: {  	v2 =	vld [tilespmem:$0x1EDA0]  }
0x256: {  	v3 =	vld [tilespmem:$0x14460]  }
0x257: {  	v1 =	vld.idx.msk [tilespmem:v1+s2+$0x0], $0xffff;
	_ =	sdelay $0x4  }
0x258: {  	v1 =	vmul.f32 v3, v1;
	_ =	sdelay $0x1  }
0x259: {  	[tilespmem:v2+s18+$0x0] =	vst.idx.add.f32.msk $0xffff, v1  }
0x25a: {  	v1 =	vld [tilespmem:$0x13C70];
	_ =	sdelay $0x5  }
0x25b: {  	v2 =	vld [tilespmem:$0x1EDB0]  }
0x25c: {  	v3 =	vld [tilespmem:$0x14470]  }
0x25d: {  	v1 =	vld.idx.msk [tilespmem:v1+s2+$0x0], $0xffff;
	_ =	sdelay $0x4  }
0x25e: {  	v1 =	vmul.f32 v3, v1;
	_ =	sdelay $0x1  }
0x25f: {  	[tilespmem:v2+s18+$0x0] =	vst.idx.add.f32.msk $0xffff, v1  }
0x260: {  	v1 =	vld [tilespmem:$0x13C80];
	_ =	sdelay $0x5  }
0x261: {  	v2 =	vld [tilespmem:$0x1EDC0]  }
0x262: {  	v3 =	vld [tilespmem:$0x14480]  }
0x263: {  	v1 =	vld.idx.msk [tilespmem:v1+s2+$0x0], $0xffff;
	_ =	sdelay $0x4  }
0x264: {  	v1 =	vmul.f32 v3, v1;
	_ =	sdelay $0x1  }
0x265: {  	[tilespmem:v2+s18+$0x0] =	vst.idx.add.f32.msk $0xffff, v1  }
0x266: {  	_ =	swait.ge [sflag:s14], $0x2800  }
0x267: {  	s21 =	sld [smem:$0x7DC]  }
0x268: {  	[sflag:s14] =	ssyncset.done $0x0  }
0x269: {  	[sflag:s14] =	ssyncadd.s32 $0xFFFFD800  }
0x26a: {  	[tilespmem:s12], [sflag:$0x1] =	stream.indirect.gather [hbm4b:s0+s11], $0x80, s21, s11, $0xb8;
	[tilespmem:$0x1F780] =	vst v63  }
0x26b: {  	_ =	swait.ge [sflag:s13], $0x2800  }
0x26c: {  	s21 =	sld [smem:$0x7DD]  }
0x26d: {  	[sflag:s13] =	ssyncset.done $0x0  }
0x26e: {  	[sflag:s13] =	ssyncadd.s32 $0xFFFFD800  }
0x26f: {  	[spmem:s5] =	stream.indirect.scatter.add.f32 [tilespmem:s17], [sflag:$0x4], $0x80, s21, s11, $0xb8;
	[tilespmem:$0x1F780] =	vst v63  }
0x270: {  	v1 =	vld [tilespmem:$0x13C90];
	_ =	sdelay $0x5  }
0x271: {  	v2 =	vld [tilespmem:$0x1EE00]  }
0x272: {  	v3 =	vld [tilespmem:$0x14490]  }
0x273: {  	v1 =	vld.idx.msk [tilespmem:v1+s2+$0x0], $0xffff;
	_ =	sdelay $0x4  }
0x274: {  	v1 =	vmul.f32 v3, v1;
	_ =	sdelay $0x1  }
0x275: {  	[tilespmem:v2+s18+$0x0] =	vst.idx.add.f32.msk $0xffff, v1  }
0x276: {  	v1 =	vld [tilespmem:$0x13CA0];
	_ =	sdelay $0x5  }
0x277: {  	v2 =	vld [tilespmem:$0x1EE10]  }
0x278: {  	v3 =	vld [tilespmem:$0x144A0]  }
0x279: {  	v1 =	vld.idx.msk [tilespmem:v1+s2+$0x0], $0xffff;
	_ =	sdelay $0x4  }
0x27a: {  	v1 =	vmul.f32 v3, v1;
	_ =	sdelay $0x1  }
0x27b: {  	[tilespmem:v2+s18+$0x0] =	vst.idx.add.f32.msk $0xffff, v1  }
0x27c: {  	v1 =	vld [tilespmem:$0x13CB0];
	_ =	sdelay $0x5  }
0x27d: {  	v2 =	vld [tilespmem:$0x1EE20]  }
0x27e: {  	v3 =	vld [tilespmem:$0x144B0]  }
0x27f: {  	v1 =	vld.idx.msk [tilespmem:v1+s2+$0x0], $0xffff;
	_ =	sdelay $0x4  }
0x280: {  	v1 =	vmul.f32 v3, v1;
	_ =	sdelay $0x1  }
0x281: {  	[tilespmem:v2+s18+$0x0] =	vst.idx.add.f32.msk $0xffff, v1  }
0x282: {  	v1 =	vld [tilespmem:$0x13CC0];
	_ =	sdelay $0x5  }
0x283: {  	v2 =	vld [tilespmem:$0x1EE30]  }
0x284: {  	v3 =	vld [tilespmem:$0x144C0]  }
0x285: {  	v1 =	vld.idx.msk [tilespmem:v1+s2+$0x0], $0xffff;
	_ =	sdelay $0x4  }
0x286: {  	v1 =	vmul.f32 v3, v1;
	_ =	sdelay $0x1  }
0x287: {  	[tilespmem:v2+s18+$0x0] =	vst.idx.add.f32.msk $0xffff, v1  }
0x288: {  	v1 =	vld [tilespmem:$0x13CD0];
	_ =	sdelay $0x5  }
0x289: {  	v2 =	vld [tilespmem:$0x1EE40]  }
0x28a: {  	v3 =	vld [tilespmem:$0x144D0]  }
0x28b: {  	v1 =	vld.idx.msk [tilespmem:v1+s2+$0x0], $0xffff;
	_ =	sdelay $0x4  }
0x28c: {  	v1 =	vmul.f32 v3, v1;
	_ =	sdelay $0x1  }
0x28d: {  	[tilespmem:v2+s18+$0x0] =	vst.idx.add.f32.msk $0xffff, v1  }
0x28e: {  	_ =	swait.ge [sflag:s19], $0x2800  }
0x28f: {  	s21 =	sld [smem:$0x7E6]  }
0x290: {  	[sflag:s19] =	ssyncset.done $0x0  }
0x291: {  	[sflag:s19] =	ssyncadd.s32 $0xFFFFD800  }
0x292: {  	[tilespmem:s17], [sflag:$0x2] =	stream.indirect.gather [hbm4b:s0+s11], $0x80, s21, s11, $0xb8;
	[tilespmem:$0x1F780] =	vst v63  }
0x293: {  	_ =	swait.ge [sflag:s10], $0x2800  }
0x294: {  	s21 =	sld [smem:$0x7E7]  }
0x295: {  	[sflag:s10] =	ssyncset.done $0x0  }
0x296: {  	[sflag:s10] =	ssyncadd.s32 $0xFFFFD800  }
0x297: {  	[spmem:s5] =	stream.indirect.scatter.add.f32 [tilespmem:s12], [sflag:$0x3], $0x80, s21, s11, $0xb8;
	[tilespmem:$0x1F780] =	vst v63  }
0x298: {  	v1 =	vld [tilespmem:$0x13CE0];
	_ =	sdelay $0x5  }
0x299: {  	v2 =	vld [tilespmem:$0x1EE80]  }
0x29a: {  	v3 =	vld [tilespmem:$0x144E0]  }
0x29b: {  	v1 =	vld.idx.msk [tilespmem:v1+s2+$0x0], $0xffff;
	_ =	sdelay $0x4  }
0x29c: {  	v1 =	vmul.f32 v3, v1;
	_ =	sdelay $0x1  }
0x29d: {  	[tilespmem:v2+s18+$0x0] =	vst.idx.add.f32.msk $0xffff, v1  }
0x29e: {  	v1 =	vld [tilespmem:$0x13CF0];
	_ =	sdelay $0x5  }
0x29f: {  	v2 =	vld [tilespmem:$0x1EE90]  }
0x2a0: {  	v3 =	vld [tilespmem:$0x144F0]  }
0x2a1: {  	v1 =	vld.idx.msk [tilespmem:v1+s2+$0x0], $0xffff;
	_ =	sdelay $0x4  }
0x2a2: {  	v1 =	vmul.f32 v3, v1;
	_ =	sdelay $0x1  }
0x2a3: {  	[tilespmem:v2+s18+$0x0] =	vst.idx.add.f32.msk $0xffff, v1  }
0x2a4: {  	v1 =	vld [tilespmem:$0x13D00];
	_ =	sdelay $0x5  }
0x2a5: {  	v2 =	vld [tilespmem:$0x1EEA0]  }
0x2a6: {  	v3 =	vld [tilespmem:$0x14500]  }
0x2a7: {  	v1 =	vld.idx.msk [tilespmem:v1+s2+$0x0], $0xffff;
	_ =	sdelay $0x4  }
0x2a8: {  	v1 =	vmul.f32 v3, v1;
	_ =	sdelay $0x1  }
0x2a9: {  	[tilespmem:v2+s18+$0x0] =	vst.idx.add.f32.msk $0xffff, v1  }
0x2aa: {  	v1 =	vld [tilespmem:$0x13D10];
	_ =	sdelay $0x5  }
0x2ab: {  	v2 =	vld [tilespmem:$0x1EEB0]  }
0x2ac: {  	v3 =	vld [tilespmem:$0x14510]  }
0x2ad: {  	v1 =	vld.idx.msk [tilespmem:v1+s2+$0x0], $0xffff;
	_ =	sdelay $0x4  }
0x2ae: {  	v1 =	vmul.f32 v3, v1;
	_ =	sdelay $0x1  }
0x2af: {  	[tilespmem:v2+s18+$0x0] =	vst.idx.add.f32.msk $0xffff, v1  }
0x2b0: {  	v1 =	vld [tilespmem:$0x13D20];
	_ =	sdelay $0x5  }
0x2b1: {  	v2 =	vld [tilespmem:$0x1EEC0]  }
0x2b2: {  	v3 =	vld [tilespmem:$0x14520]  }
0x2b3: {  	v1 =	vld.idx.msk [tilespmem:v1+s2+$0x0], $0xffff;
	_ =	sdelay $0x4  }
0x2b4: {  	v1 =	vmul.f32 v3, v1;
	_ =	sdelay $0x1  }
0x2b5: {  	[tilespmem:v2+s18+$0x0] =	vst.idx.add.f32.msk $0xffff, v1  }
0x2b6: {  	_ =	swait.ge [sflag:s14], $0x2800  }
0x2b7: {  	s21 =	sld [smem:$0x7E8]  }
0x2b8: {  	[sflag:s14] =	ssyncset.done $0x0  }
0x2b9: {  	[sflag:s14] =	ssyncadd.s32 $0xFFFFD800  }
0x2ba: {  	[tilespmem:s12], [sflag:$0x1] =	stream.indirect.gather [hbm4b:s0+s11], $0x80, s21, s11, $0xb8;
	[tilespmem:$0x1F780] =	vst v63  }
0x2bb: {  	_ =	swait.ge [sflag:s13], $0x2800  }
0x2bc: {  	s21 =	sld [smem:$0x7E9]  }
0x2bd: {  	[sflag:s13] =	ssyncset.done $0x0  }
0x2be: {  	[sflag:s13] =	ssyncadd.s32 $0xFFFFD800  }
0x2bf: {  	[spmem:s5] =	stream.indirect.scatter.add.f32 [tilespmem:s17], [sflag:$0x4], $0x80, s21, s11, $0xb8;
	[tilespmem:$0x1F780] =	vst v63  }
0x2c0: {  	v1 =	vld [tilespmem:$0x13D30];
	_ =	sdelay $0x5  }
0x2c1: {  	v2 =	vld [tilespmem:$0x1EF00]  }
0x2c2: {  	v3 =	vld [tilespmem:$0x14530]  }
0x2c3: {  	v1 =	vld.idx.msk [tilespmem:v1+s2+$0x0], $0xffff;
	_ =	sdelay $0x4  }
0x2c4: {  	v1 =	vmul.f32 v3, v1;
	_ =	sdelay $0x1  }
0x2c5: {  	[tilespmem:v2+s18+$0x0] =	vst.idx.add.f32.msk $0xffff, v1  }
0x2c6: {  	v1 =	vld [tilespmem:$0x13D40];
	_ =	sdelay $0x5  }
0x2c7: {  	v2 =	vld [tilespmem:$0x1EF10]  }
0x2c8: {  	v3 =	vld [tilespmem:$0x14540]  }
0x2c9: {  	v1 =	vld.idx.msk [tilespmem:v1+s2+$0x0], $0xffff;
	_ =	sdelay $0x4  }
0x2ca: {  	v1 =	vmul.f32 v3, v1;
	_ =	sdelay $0x1  }
0x2cb: {  	[tilespmem:v2+s18+$0x0] =	vst.idx.add.f32.msk $0xffff, v1  }
0x2cc: {  	v1 =	vld [tilespmem:$0x13D50];
	_ =	sdelay $0x5  }
0x2cd: {  	v2 =	vld [tilespmem:$0x1EF20]  }
0x2ce: {  	v3 =	vld [tilespmem:$0x14550]  }
0x2cf: {  	v1 =	vld.idx.msk [tilespmem:v1+s2+$0x0], $0xffff;
	_ =	sdelay $0x4  }
0x2d0: {  	v1 =	vmul.f32 v3, v1;
	_ =	sdelay $0x1  }
0x2d1: {  	[tilespmem:v2+s18+$0x0] =	vst.idx.add.f32.msk $0xffff, v1  }
0x2d2: {  	v1 =	vld [tilespmem:$0x13D60];
	_ =	sdelay $0x5  }
0x2d3: {  	v2 =	vld [tilespmem:$0x1EF30]  }
0x2d4: {  	v3 =	vld [tilespmem:$0x14560]  }
0x2d5: {  	v1 =	vld.idx.msk [tilespmem:v1+s2+$0x0], $0xffff;
	_ =	sdelay $0x4  }
0x2d6: {  	v1 =	vmul.f32 v3, v1;
	_ =	sdelay $0x1  }
0x2d7: {  	[tilespmem:v2+s18+$0x0] =	vst.idx.add.f32.msk $0xffff, v1  }
0x2d8: {  	v1 =	vld [tilespmem:$0x13D70];
	_ =	sdelay $0x5  }
0x2d9: {  	v2 =	vld [tilespmem:$0x1EF40]  }
0x2da: {  	v3 =	vld [tilespmem:$0x14570]  }
0x2db: {  	v1 =	vld.idx.msk [tilespmem:v1+s2+$0x0], $0xffff;
	_ =	sdelay $0x4  }
0x2dc: {  	v1 =	vmul.f32 v3, v1;
	_ =	sdelay $0x1  }
0x2dd: {  	[tilespmem:v2+s18+$0x0] =	vst.idx.add.f32.msk $0xffff, v1  }
0x2de: {  	_ =	swait.ge [sflag:s19], $0x2800  }
0x2df: {  	s21 =	sld [smem:$0x7EA]  }
0x2e0: {  	[sflag:s19] =	ssyncset.done $0x0  }
0x2e1: {  	[sflag:s19] =	ssyncadd.s32 $0xFFFFD800  }
0x2e2: {  	[tilespmem:s17], [sflag:$0x2] =	stream.indirect.gather [hbm4b:s0+s11], $0x80, s21, s11, $0xb8;
	[tilespmem:$0x1F780] =	vst v63  }
0x2e3: {  	_ =	swait.ge [sflag:s10], $0x2800  }
0x2e4: {  	s21 =	sld [smem:$0x7EB]  }
0x2e5: {  	[sflag:s10] =	ssyncset.done $0x0  }
0x2e6: {  	[sflag:s10] =	ssyncadd.s32 $0xFFFFD800  }
0x2e7: {  	[spmem:s5] =	stream.indirect.scatter.add.f32 [tilespmem:s12], [sflag:$0x3], $0x80, s21, s11, $0xb8;
	[tilespmem:$0x1F780] =	vst v63  }
0x2e8: {  	v1 =	vld [tilespmem:$0x13D80];
	_ =	sdelay $0x5  }
0x2e9: {  	v2 =	vld [tilespmem:$0x1EF80]  }
0x2ea: {  	v3 =	vld [tilespmem:$0x14580]  }
0x2eb: {  	v1 =	vld.idx.msk [tilespmem:v1+s2+$0x0], $0xffff;
	_ =	sdelay $0x4  }
0x2ec: {  	v1 =	vmul.f32 v3, v1;
	_ =	sdelay $0x1  }
0x2ed: {  	[tilespmem:v2+s18+$0x0] =	vst.idx.add.f32.msk $0xffff, v1  }
0x2ee: {  	v1 =	vld [tilespmem:$0x13D90];
	_ =	sdelay $0x5  }
0x2ef: {  	v2 =	vld [tilespmem:$0x1EF90]  }
0x2f0: {  	v3 =	vld [tilespmem:$0x14590]  }
0x2f1: {  	v1 =	vld.idx.msk [tilespmem:v1+s2+$0x0], $0xffff;
	_ =	sdelay $0x4  }
0x2f2: {  	v1 =	vmul.f32 v3, v1;
	_ =	sdelay $0x1  }
0x2f3: {  	[tilespmem:v2+s18+$0x0] =	vst.idx.add.f32.msk $0xffff, v1  }
0x2f4: {  	v1 =	vld [tilespmem:$0x13DA0];
	_ =	sdelay $0x5  }
0x2f5: {  	v2 =	vld [tilespmem:$0x1EFA0]  }
0x2f6: {  	v3 =	vld [tilespmem:$0x145A0]  }
0x2f7: {  	v1 =	vld.idx.msk [tilespmem:v1+s2+$0x0], $0xffff;
	_ =	sdelay $0x4  }
0x2f8: {  	v1 =	vmul.f32 v3, v1;
	_ =	sdelay $0x1  }
0x2f9: {  	[tilespmem:v2+s18+$0x0] =	vst.idx.add.f32.msk $0xffff, v1  }
0x2fa: {  	v1 =	vld [tilespmem:$0x13DB0];
	_ =	sdelay $0x5  }
0x2fb: {  	v2 =	vld [tilespmem:$0x1EFB0]  }
0x2fc: {  	v3 =	vld [tilespmem:$0x145B0]  }
0x2fd: {  	v1 =	vld.idx.msk [tilespmem:v1+s2+$0x0], $0xffff;
	_ =	sdelay $0x4  }
0x2fe: {  	v1 =	vmul.f32 v3, v1;
	_ =	sdelay $0x1  }
0x2ff: {  	[tilespmem:v2+s18+$0x0] =	vst.idx.add.f32.msk $0xffff, v1  }
0x300: {  	v1 =	vld [tilespmem:$0x13DC0];
	_ =	sdelay $0x5  }
0x301: {  	v2 =	vld [tilespmem:$0x1EFC0]  }
0x302: {  	v3 =	vld [tilespmem:$0x145C0]  }
0x303: {  	v1 =	vld.idx.msk [tilespmem:v1+s2+$0x0], $0xffff;
	_ =	sdelay $0x4  }
0x304: {  	v1 =	vmul.f32 v3, v1;
	_ =	sdelay $0x1  }
0x305: {  	[tilespmem:v2+s18+$0x0] =	vst.idx.add.f32.msk $0xffff, v1  }
0x306: {  	_ =	swait.ge [sflag:s14], $0x2800  }
0x307: {  	s21 =	sld [smem:$0x7EC]  }
0x308: {  	[sflag:s14] =	ssyncset.done $0x0  }
0x309: {  	[sflag:s14] =	ssyncadd.s32 $0xFFFFD800  }
0x30a: {  	[tilespmem:s12], [sflag:$0x1] =	stream.indirect.gather [hbm4b:s0+s11], $0x80, s21, s11, $0xb8;
	[tilespmem:$0x1F780] =	vst v63  }
0x30b: {  	_ =	swait.ge [sflag:s13], $0x2800  }
0x30c: {  	s21 =	sld [smem:$0x7ED]  }
0x30d: {  	[sflag:s13] =	ssyncset.done $0x0  }
0x30e: {  	[sflag:s13] =	ssyncadd.s32 $0xFFFFD800  }
0x30f: {  	[spmem:s5] =	stream.indirect.scatter.add.f32 [tilespmem:s17], [sflag:$0x4], $0x80, s21, s11, $0xb8;
	[tilespmem:$0x1F780] =	vst v63  }
0x310: {  	v1 =	vld [tilespmem:$0x13DD0];
	_ =	sdelay $0x5  }
0x311: {  	v2 =	vld [tilespmem:$0x1F000]  }
0x312: {  	v3 =	vld [tilespmem:$0x145D0]  }
0x313: {  	v1 =	vld.idx.msk [tilespmem:v1+s2+$0x0], $0xffff;
	_ =	sdelay $0x4  }
0x314: {  	v1 =	vmul.f32 v3, v1;
	_ =	sdelay $0x1  }
0x315: {  	[tilespmem:v2+s18+$0x0] =	vst.idx.add.f32.msk $0xffff, v1  }
0x316: {  	v1 =	vld [tilespmem:$0x13DE0];
	_ =	sdelay $0x5  }
0x317: {  	v2 =	vld [tilespmem:$0x1F010]  }
0x318: {  	v3 =	vld [tilespmem:$0x145E0]  }
0x319: {  	v1 =	vld.idx.msk [tilespmem:v1+s2+$0x0], $0xffff;
	_ =	sdelay $0x4  }
0x31a: {  	v1 =	vmul.f32 v3, v1;
	_ =	sdelay $0x1  }
0x31b: {  	[tilespmem:v2+s18+$0x0] =	vst.idx.add.f32.msk $0xffff, v1  }
0x31c: {  	v1 =	vld [tilespmem:$0x13DF0];
	_ =	sdelay $0x5  }
0x31d: {  	v2 =	vld [tilespmem:$0x1F020]  }
0x31e: {  	v3 =	vld [tilespmem:$0x145F0]  }
0x31f: {  	v1 =	vld.idx.msk [tilespmem:v1+s2+$0x0], $0xffff;
	_ =	sdelay $0x4  }
0x320: {  	v1 =	vmul.f32 v3, v1;
	_ =	sdelay $0x1  }
0x321: {  	[tilespmem:v2+s18+$0x0] =	vst.idx.add.f32.msk $0xffff, v1  }
0x322: {  	v1 =	vld [tilespmem:$0x13E00];
	_ =	sdelay $0x5  }
0x323: {  	v2 =	vld [tilespmem:$0x1F030]  }
0x324: {  	v3 =	vld [tilespmem:$0x14600]  }
0x325: {  	v1 =	vld.idx.msk [tilespmem:v1+s2+$0x0], $0xffff;
	_ =	sdelay $0x4  }
0x326: {  	v1 =	vmul.f32 v3, v1;
	_ =	sdelay $0x1  }
0x327: {  	[tilespmem:v2+s18+$0x0] =	vst.idx.add.f32.msk $0xffff, v1  }
0x328: {  	v1 =	vld [tilespmem:$0x13E10];
	_ =	sdelay $0x5  }
0x329: {  	v2 =	vld [tilespmem:$0x1F040]  }
0x32a: {  	v3 =	vld [tilespmem:$0x14610]  }
0x32b: {  	v1 =	vld.idx.msk [tilespmem:v1+s2+$0x0], $0xffff;
	_ =	sdelay $0x4  }
0x32c: {  	v1 =	vmul.f32 v3, v1;
	_ =	sdelay $0x1  }
0x32d: {  	[tilespmem:v2+s18+$0x0] =	vst.idx.add.f32.msk $0xffff, v1  }
0x32e: {  	_ =	swait.ge [sflag:s19], $0x2800  }
0x32f: {  	s21 =	sld [smem:$0x7EE]  }
0x330: {  	[sflag:s19] =	ssyncset.done $0x0  }
0x331: {  	[sflag:s19] =	ssyncadd.s32 $0xFFFFD800  }
0x332: {  	[tilespmem:s17], [sflag:$0x2] =	stream.indirect.gather [hbm4b:s0+s11], $0x80, s21, s11, $0xb8;
	[tilespmem:$0x1F780] =	vst v63  }
0x333: {  	_ =	swait.ge [sflag:s10], $0x2800  }
0x334: {  	s21 =	sld [smem:$0x7EF]  }
0x335: {  	[sflag:s10] =	ssyncset.done $0x0  }
0x336: {  	[sflag:s10] =	ssyncadd.s32 $0xFFFFD800  }
0x337: {  	[spmem:s5] =	stream.indirect.scatter.add.f32 [tilespmem:s12], [sflag:$0x3], $0x80, s21, s11, $0xb8;
	[tilespmem:$0x1F780] =	vst v63  }
0x338: {  	v1 =	vld [tilespmem:$0x13E20];
	_ =	sdelay $0x5  }
0x339: {  	v2 =	vld [tilespmem:$0x1F080]  }
0x33a: {  	v3 =	vld [tilespmem:$0x14620]  }
0x33b: {  	v1 =	vld.idx.msk [tilespmem:v1+s2+$0x0], $0xffff;
	_ =	sdelay $0x4  }
0x33c: {  	v1 =	vmul.f32 v3, v1;
	_ =	sdelay $0x1  }
0x33d: {  	[tilespmem:v2+s18+$0x0] =	vst.idx.add.f32.msk $0xffff, v1  }
0x33e: {  	v1 =	vld [tilespmem:$0x13E30];
	_ =	sdelay $0x5  }
0x33f: {  	v2 =	vld [tilespmem:$0x1F090]  }
0x340: {  	v3 =	vld [tilespmem:$0x14630]  }
0x341: {  	v1 =	vld.idx.msk [tilespmem:v1+s2+$0x0], $0xffff;
	_ =	sdelay $0x4  }
0x342: {  	v1 =	vmul.f32 v3, v1;
	_ =	sdelay $0x1  }
0x343: {  	[tilespmem:v2+s18+$0x0] =	vst.idx.add.f32.msk $0xffff, v1  }
0x344: {  	v1 =	vld [tilespmem:$0x13E40];
	_ =	sdelay $0x5  }
0x345: {  	v2 =	vld [tilespmem:$0x1F0A0]  }
0x346: {  	v3 =	vld [tilespmem:$0x14640]  }
0x347: {  	v1 =	vld.idx.msk [tilespmem:v1+s2+$0x0], $0xffff;
	_ =	sdelay $0x4  }
0x348: {  	v1 =	vmul.f32 v3, v1;
	_ =	sdelay $0x1  }
0x349: {  	[tilespmem:v2+s18+$0x0] =	vst.idx.add.f32.msk $0xffff, v1  }
0x34a: {  	v1 =	vld [tilespmem:$0x13E50];
	_ =	sdelay $0x5  }
0x34b: {  	v2 =	vld [tilespmem:$0x1F0B0]  }
0x34c: {  	v3 =	vld [tilespmem:$0x14650]  }
0x34d: {  	v1 =	vld.idx.msk [tilespmem:v1+s2+$0x0], $0xffff;
	_ =	sdelay $0x4  }
0x34e: {  	v1 =	vmul.f32 v3, v1;
	_ =	sdelay $0x1  }
0x34f: {  	[tilespmem:v2+s18+$0x0] =	vst.idx.add.f32.msk $0xffff, v1  }
0x350: {  	v1 =	vld [tilespmem:$0x13E60];
	_ =	sdelay $0x5  }
0x351: {  	v2 =	vld [tilespmem:$0x1F0C0]  }
0x352: {  	v3 =	vld [tilespmem:$0x14660]  }
0x353: {  	v1 =	vld.idx.msk [tilespmem:v1+s2+$0x0], $0xffff;
	_ =	sdelay $0x4  }
0x354: {  	v1 =	vmul.f32 v3, v1;
	_ =	sdelay $0x1  }
0x355: {  	[tilespmem:v2+s18+$0x0] =	vst.idx.add.f32.msk $0xffff, v1  }
0x356: {  	_ =	swait.ge [sflag:s14], $0x2800  }
0x357: {  	s21 =	sld [smem:$0x7F0]  }
0x358: {  	[sflag:s14] =	ssyncset.done $0x0  }
0x359: {  	[sflag:s14] =	ssyncadd.s32 $0xFFFFD800  }
0x35a: {  	[tilespmem:s12], [sflag:$0x1] =	stream.indirect.gather [hbm4b:s0+s11], $0x80, s21, s11, $0xb8;
	[tilespmem:$0x1F780] =	vst v63  }
0x35b: {  	_ =	swait.ge [sflag:s13], $0x2800  }
0x35c: {  	[sflag:s13] =	ssyncset.done $0x0  }
0x35d: {  	s21 =	simm.s32 $0x1F100;
	[sflag:s13] =	ssyncadd.s32 $0xFFFFD800  }
0x35e: {  	[spmem:s5] =	stream.indirect.scatter.add.f32 [tilespmem:s17], [sflag:$0x4], $0x80, s21, s11, $0xb8;
	[tilespmem:$0x1F780] =	vst v63  }
0x35f: {  	v1 =	vld [tilespmem:$0x13E70];
	_ =	sdelay $0x5  }
0x360: {  	v2 =	vld [tilespmem:$0x1F100]  }
0x361: {  	v3 =	vld [tilespmem:$0x14670]  }
0x362: {  	v1 =	vld.idx.msk [tilespmem:v1+s2+$0x0], $0xffff;
	_ =	sdelay $0x4  }
0x363: {  	v1 =	vmul.f32 v3, v1;
	_ =	sdelay $0x1  }
0x364: {  	[tilespmem:v2+s18+$0x0] =	vst.idx.add.f32.msk $0xffff, v1  }
0x365: {  	v1 =	vld [tilespmem:$0x13E80];
	_ =	sdelay $0x5  }
0x366: {  	v2 =	vld [tilespmem:$0x1F110]  }
0x367: {  	v3 =	vld [tilespmem:$0x14680]  }
0x368: {  	v1 =	vld.idx.msk [tilespmem:v1+s2+$0x0], $0xffff;
	_ =	sdelay $0x4  }
0x369: {  	v1 =	vmul.f32 v3, v1;
	_ =	sdelay $0x1  }
0x36a: {  	[tilespmem:v2+s18+$0x0] =	vst.idx.add.f32.msk $0xffff, v1  }
0x36b: {  	v1 =	vld [tilespmem:$0x13E90];
	_ =	sdelay $0x5  }
0x36c: {  	v2 =	vld [tilespmem:$0x1F120]  }
0x36d: {  	v3 =	vld [tilespmem:$0x14690]  }
0x36e: {  	v1 =	vld.idx.msk [tilespmem:v1+s2+$0x0], $0xffff;
	_ =	sdelay $0x4  }
0x36f: {  	v1 =	vmul.f32 v3, v1;
	_ =	sdelay $0x1  }
0x370: {  	[tilespmem:v2+s18+$0x0] =	vst.idx.add.f32.msk $0xffff, v1  }
0x371: {  	v1 =	vld [tilespmem:$0x13EA0];
	_ =	sdelay $0x5  }
0x372: {  	v2 =	vld [tilespmem:$0x1F130]  }
0x373: {  	v3 =	vld [tilespmem:$0x146A0]  }
0x374: {  	v1 =	vld.idx.msk [tilespmem:v1+s2+$0x0], $0xffff;
	_ =	sdelay $0x4  }
0x375: {  	v1 =	vmul.f32 v3, v1;
	_ =	sdelay $0x1  }
0x376: {  	[tilespmem:v2+s18+$0x0] =	vst.idx.add.f32.msk $0xffff, v1  }
0x377: {  	v1 =	vld [tilespmem:$0x13EB0];
	_ =	sdelay $0x5  }
0x378: {  	v2 =	vld [tilespmem:$0x1F140]  }
0x379: {  	v3 =	vld [tilespmem:$0x146B0]  }
0x37a: {  	v1 =	vld.idx.msk [tilespmem:v1+s2+$0x0], $0xffff;
	_ =	sdelay $0x4  }
0x37b: {  	v1 =	vmul.f32 v3, v1;
	_ =	sdelay $0x1  }
0x37c: {  	[tilespmem:v2+s18+$0x0] =	vst.idx.add.f32.msk $0xffff, v1  }
0x37d: {  	_ =	swait.ge [sflag:s19], $0x2800  }
0x37e: {  	[sflag:s19] =	ssyncset.done $0x0  }
0x37f: {  	[sflag:s19] =	ssyncadd.s32 $0xFFFFD800  }
0x380: {  	[tilespmem:s17], [sflag:$0x2] =	stream.indirect.gather [hbm4b:s0+s11], $0x80, s23, s11, $0xb8;
	[tilespmem:$0x1F780] =	vst v63  }
0x381: {  	_ =	swait.ge [sflag:s10], $0x2800  }
0x382: {  	[sflag:s10] =	ssyncset.done $0x0  }
0x383: {  	[sflag:s10] =	ssyncadd.s32 $0xFFFFD800  }
0x384: {  	[spmem:s5] =	stream.indirect.scatter.add.f32 [tilespmem:s12], [sflag:$0x3], $0x80, s24, s11, $0xb8;
	[tilespmem:$0x1F780] =	vst v63  }
0x385: {  	v1 =	vld [tilespmem:$0x13EC0];
	_ =	sdelay $0x5  }
0x386: {  	v2 =	vld [tilespmem:$0x1F180]  }
0x387: {  	v3 =	vld [tilespmem:$0x146C0]  }
0x388: {  	v1 =	vld.idx.msk [tilespmem:v1+s2+$0x0], $0xffff;
	_ =	sdelay $0x4  }
0x389: {  	v1 =	vmul.f32 v3, v1;
	_ =	sdelay $0x1  }
0x38a: {  	[tilespmem:v2+s18+$0x0] =	vst.idx.add.f32.msk $0xffff, v1  }
0x38b: {  	v1 =	vld [tilespmem:$0x13ED0];
	_ =	sdelay $0x5  }
0x38c: {  	v2 =	vld [tilespmem:$0x1F190]  }
0x38d: {  	v3 =	vld [tilespmem:$0x146D0]  }
0x38e: {  	v1 =	vld.idx.msk [tilespmem:v1+s2+$0x0], $0xffff;
	_ =	sdelay $0x4  }
0x38f: {  	v1 =	vmul.f32 v3, v1;
	_ =	sdelay $0x1  }
0x390: {  	[tilespmem:v2+s18+$0x0] =	vst.idx.add.f32.msk $0xffff, v1  }
0x391: {  	v1 =	vld [tilespmem:$0x13EE0];
	_ =	sdelay $0x5  }
0x392: {  	v2 =	vld [tilespmem:$0x1F1A0]  }
0x393: {  	v3 =	vld [tilespmem:$0x146E0]  }
0x394: {  	v1 =	vld.idx.msk [tilespmem:v1+s2+$0x0], $0xffff;
	_ =	sdelay $0x4  }
0x395: {  	v1 =	vmul.f32 v3, v1;
	_ =	sdelay $0x1  }
0x396: {  	[tilespmem:v2+s18+$0x0] =	vst.idx.add.f32.msk $0xffff, v1  }
0x397: {  	v1 =	vld [tilespmem:$0x13EF0];
	_ =	sdelay $0x5  }
0x398: {  	v2 =	vld [tilespmem:$0x1F1B0]  }
0x399: {  	v3 =	vld [tilespmem:$0x146F0]  }
0x39a: {  	v1 =	vld.idx.msk [tilespmem:v1+s2+$0x0], $0xffff;
	_ =	sdelay $0x4  }
0x39b: {  	v1 =	vmul.f32 v3, v1;
	_ =	sdelay $0x1  }
0x39c: {  	[tilespmem:v2+s18+$0x0] =	vst.idx.add.f32.msk $0xffff, v1  }
0x39d: {  	v1 =	vld [tilespmem:$0x13F00];
	_ =	sdelay $0x5  }
0x39e: {  	v2 =	vld [tilespmem:$0x1F1C0]  }
0x39f: {  	v3 =	vld [tilespmem:$0x14700]  }
0x3a0: {  	v1 =	vld.idx.msk [tilespmem:v1+s2+$0x0], $0xffff;
	_ =	sdelay $0x4  }
0x3a1: {  	v1 =	vmul.f32 v3, v1;
	_ =	sdelay $0x1  }
0x3a2: {  	[tilespmem:v2+s18+$0x0] =	vst.idx.add.f32.msk $0xffff, v1  }
0x3a3: {  	_ =	swait.ge [sflag:s14], $0x2800  }
0x3a4: {  	[sflag:s14] =	ssyncset.done $0x0  }
0x3a5: {  	[sflag:s14] =	ssyncadd.s32 $0xFFFFD800  }
0x3a6: {  	[tilespmem:s12], [sflag:$0x1] =	stream.indirect.gather [hbm4b:s0+s11], $0x80, s25, s11, $0xb8;
	[tilespmem:$0x1F780] =	vst v63  }
0x3a7: {  	_ =	swait.ge [sflag:s13], $0x2800  }
0x3a8: {  	[sflag:s13] =	ssyncset.done $0x0  }
0x3a9: {  	[sflag:s13] =	ssyncadd.s32 $0xFFFFD800  }
0x3aa: {  	[spmem:s5] =	stream.indirect.scatter.add.f32 [tilespmem:s17], [sflag:$0x4], $0x80, s26, s11, $0xb8;
	[tilespmem:$0x1F780] =	vst v63  }
0x3ab: {  	v1 =	vld [tilespmem:$0x13F10];
	_ =	sdelay $0x5  }
0x3ac: {  	v2 =	vld [tilespmem:$0x1F200]  }
0x3ad: {  	v3 =	vld [tilespmem:$0x14710]  }
0x3ae: {  	v1 =	vld.idx.msk [tilespmem:v1+s2+$0x0], $0xffff;
	_ =	sdelay $0x4  }
0x3af: {  	v1 =	vmul.f32 v3, v1;
	_ =	sdelay $0x1  }
0x3b0: {  	[tilespmem:v2+s18+$0x0] =	vst.idx.add.f32.msk $0xffff, v1  }
0x3b1: {  	v1 =	vld [tilespmem:$0x13F20];
	_ =	sdelay $0x5  }
0x3b2: {  	v2 =	vld [tilespmem:$0x1F210]  }
0x3b3: {  	v3 =	vld [tilespmem:$0x14720]  }
0x3b4: {  	v1 =	vld.idx.msk [tilespmem:v1+s2+$0x0], $0xffff;
	_ =	sdelay $0x4  }
0x3b5: {  	v1 =	vmul.f32 v3, v1;
	_ =	sdelay $0x1  }
0x3b6: {  	[tilespmem:v2+s18+$0x0] =	vst.idx.add.f32.msk $0xffff, v1  }
0x3b7: {  	v1 =	vld [tilespmem:$0x13F30];
	_ =	sdelay $0x5  }
0x3b8: {  	v2 =	vld [tilespmem:$0x1F220]  }
0x3b9: {  	v3 =	vld [tilespmem:$0x14730]  }
0x3ba: {  	v1 =	vld.idx.msk [tilespmem:v1+s2+$0x0], $0xffff;
	_ =	sdelay $0x4  }
0x3bb: {  	v1 =	vmul.f32 v3, v1;
	_ =	sdelay $0x1  }
0x3bc: {  	[tilespmem:v2+s18+$0x0] =	vst.idx.add.f32.msk $0xffff, v1  }
0x3bd: {  	v1 =	vld [tilespmem:$0x13F40];
	_ =	sdelay $0x5  }
0x3be: {  	v2 =	vld [tilespmem:$0x1F230]  }
0x3bf: {  	v3 =	vld [tilespmem:$0x14740]  }
0x3c0: {  	v1 =	vld.idx.msk [tilespmem:v1+s2+$0x0], $0xffff;
	_ =	sdelay $0x4  }
0x3c1: {  	v1 =	vmul.f32 v3, v1;
	_ =	sdelay $0x1  }
0x3c2: {  	[tilespmem:v2+s18+$0x0] =	vst.idx.add.f32.msk $0xffff, v1  }
0x3c3: {  	v1 =	vld [tilespmem:$0x13F50];
	_ =	sdelay $0x5  }
0x3c4: {  	v2 =	vld [tilespmem:$0x1F240]  }
0x3c5: {  	v3 =	vld [tilespmem:$0x14750]  }
0x3c6: {  	v1 =	vld.idx.msk [tilespmem:v1+s2+$0x0], $0xffff;
	_ =	sdelay $0x4  }
0x3c7: {  	v1 =	vmul.f32 v3, v1;
	_ =	sdelay $0x1  }
0x3c8: {  	[tilespmem:v2+s18+$0x0] =	vst.idx.add.f32.msk $0xffff, v1  }
0x3c9: {  	_ =	swait.ge [sflag:s19], $0x2800  }
0x3ca: {  	[sflag:s19] =	ssyncset.done $0x0  }
0x3cb: {  	[sflag:s19] =	ssyncadd.s32 $0xFFFFD800  }
0x3cc: {  	[tilespmem:s17], [sflag:$0x2] =	stream.indirect.gather [hbm4b:s0+s11], $0x80, s28, s11, $0xb8;
	[tilespmem:$0x1F780] =	vst v63  }
0x3cd: {  	_ =	swait.ge [sflag:s10], $0x2800  }
0x3ce: {  	[sflag:s10] =	ssyncset.done $0x0  }
0x3cf: {  	[sflag:s10] =	ssyncadd.s32 $0xFFFFD800  }
0x3d0: {  	[spmem:s5] =	stream.indirect.scatter.add.f32 [tilespmem:s12], [sflag:$0x3], $0x80, s29, s11, $0xb8;
	[tilespmem:$0x1F780] =	vst v63  }
0x3d1: {  	v1 =	vld [tilespmem:$0x13F60];
	_ =	sdelay $0x5  }
0x3d2: {  	v2 =	vld [tilespmem:$0x1F280]  }
0x3d3: {  	v3 =	vld [tilespmem:$0x14760]  }
0x3d4: {  	v1 =	vld.idx.msk [tilespmem:v1+s2+$0x0], $0xffff;
	_ =	sdelay $0x4  }
0x3d5: {  	v1 =	vmul.f32 v3, v1;
	_ =	sdelay $0x1  }
0x3d6: {  	[tilespmem:v2+s18+$0x0] =	vst.idx.add.f32.msk $0xffff, v1  }
0x3d7: {  	v1 =	vld [tilespmem:$0x13F70];
	_ =	sdelay $0x5  }
0x3d8: {  	v2 =	vld [tilespmem:$0x1F290]  }
0x3d9: {  	v3 =	vld [tilespmem:$0x14770]  }
0x3da: {  	v1 =	vld.idx.msk [tilespmem:v1+s2+$0x0], $0xffff;
	_ =	sdelay $0x4  }
0x3db: {  	v1 =	vmul.f32 v3, v1;
	_ =	sdelay $0x1  }
0x3dc: {  	[tilespmem:v2+s18+$0x0] =	vst.idx.add.f32.msk $0xffff, v1  }
0x3dd: {  	v1 =	vld [tilespmem:$0x13F80];
	_ =	sdelay $0x5  }
0x3de: {  	v2 =	vld [tilespmem:$0x1F2A0]  }
0x3df: {  	v3 =	vld [tilespmem:$0x14780]  }
0x3e0: {  	v1 =	vld.idx.msk [tilespmem:v1+s2+$0x0], $0xffff;
	_ =	sdelay $0x4  }
0x3e1: {  	v1 =	vmul.f32 v3, v1;
	_ =	sdelay $0x1  }
0x3e2: {  	[tilespmem:v2+s18+$0x0] =	vst.idx.add.f32.msk $0xffff, v1  }
0x3e3: {  	v1 =	vld [tilespmem:$0x13F90];
	_ =	sdelay $0x5  }
0x3e4: {  	v2 =	vld [tilespmem:$0x1F2B0]  }
0x3e5: {  	v3 =	vld [tilespmem:$0x14790]  }
0x3e6: {  	v1 =	vld.idx.msk [tilespmem:v1+s2+$0x0], $0xffff;
	_ =	sdelay $0x4  }
0x3e7: {  	v1 =	vmul.f32 v3, v1;
	_ =	sdelay $0x1  }
0x3e8: {  	[tilespmem:v2+s18+$0x0] =	vst.idx.add.f32.msk $0xffff, v1  }
0x3e9: {  	v1 =	vld [tilespmem:$0x13FA0];
	_ =	sdelay $0x5  }
0x3ea: {  	v2 =	vld [tilespmem:$0x1F2C0]  }
0x3eb: {  	v3 =	vld [tilespmem:$0x147A0]  }
0x3ec: {  	v1 =	vld.idx.msk [tilespmem:v1+s2+$0x0], $0xffff;
	_ =	sdelay $0x4  }
0x3ed: {  	v1 =	vmul.f32 v3, v1;
	_ =	sdelay $0x1  }
0x3ee: {  	[tilespmem:v2+s18+$0x0] =	vst.idx.add.f32.msk $0xffff, v1  }
0x3ef: {  	_ =	swait.ge [sflag:s14], $0x2800  }
0x3f0: {  	[sflag:s14] =	ssyncset.done $0x0  }
0x3f1: {  	[sflag:s14] =	ssyncadd.s32 $0xFFFFD800  }
0x3f2: {  	[tilespmem:s12], [sflag:$0x1] =	stream.indirect.gather [hbm4b:s0+s11], $0x80, s31, s11, $0xb8;
	[tilespmem:$0x1F780] =	vst v63  }
0x3f3: {  	_ =	swait.ge [sflag:s13], $0x2800  }
0x3f4: {  	[sflag:s13] =	ssyncset.done $0x0  }
0x3f5: {  	[sflag:s13] =	ssyncadd.s32 $0xFFFFD800  }
0x3f6: {  	[spmem:s5] =	stream.indirect.scatter.add.f32 [tilespmem:s17], [sflag:$0x4], $0x80, s20, s11, $0xb8;
	[tilespmem:$0x1F780] =	vst v63  }
0x3f7: {  	v1 =	vld [tilespmem:$0x13FB0];
	_ =	sdelay $0x5  }
0x3f8: {  	v2 =	vld [tilespmem:$0x1F300]  }
0x3f9: {  	v3 =	vld [tilespmem:$0x147B0]  }
0x3fa: {  	v1 =	vld.idx.msk [tilespmem:v1+s2+$0x0], $0xffff;
	_ =	sdelay $0x4  }
0x3fb: {  	v1 =	vmul.f32 v3, v1;
	_ =	sdelay $0x1  }
0x3fc: {  	[tilespmem:v2+s18+$0x0] =	vst.idx.add.f32.msk $0xffff, v1  }
0x3fd: {  	v1 =	vld [tilespmem:$0x13FC0];
	_ =	sdelay $0x5  }
0x3fe: {  	v2 =	vld [tilespmem:$0x1F310]  }
0x3ff: {  	v3 =	vld [tilespmem:$0x147C0]  }
0x400: {  	v1 =	vld.idx.msk [tilespmem:v1+s2+$0x0], $0xffff;
	_ =	sdelay $0x4  }
0x401: {  	v1 =	vmul.f32 v3, v1;
	_ =	sdelay $0x1  }
0x402: {  	[tilespmem:v2+s18+$0x0] =	vst.idx.add.f32.msk $0xffff, v1  }
0x403: {  	v1 =	vld [tilespmem:$0x13FD0];
	_ =	sdelay $0x5  }
0x404: {  	v2 =	vld [tilespmem:$0x1F320]  }
0x405: {  	v3 =	vld [tilespmem:$0x147D0]  }
0x406: {  	v1 =	vld.idx.msk [tilespmem:v1+s2+$0x0], $0xffff;
	_ =	sdelay $0x4  }
0x407: {  	v1 =	vmul.f32 v3, v1;
	_ =	sdelay $0x1  }
0x408: {  	[tilespmem:v2+s18+$0x0] =	vst.idx.add.f32.msk $0xffff, v1  }
0x409: {  	v1 =	vld [tilespmem:$0x13FE0];
	_ =	sdelay $0x5  }
0x40a: {  	v2 =	vld [tilespmem:$0x1F330]  }
0x40b: {  	v3 =	vld [tilespmem:$0x147E0]  }
0x40c: {  	v1 =	vld.idx.msk [tilespmem:v1+s2+$0x0], $0xffff;
	_ =	sdelay $0x4  }
0x40d: {  	v1 =	vmul.f32 v3, v1;
	_ =	sdelay $0x1  }
0x40e: {  	[tilespmem:v2+s18+$0x0] =	vst.idx.add.f32.msk $0xffff, v1  }
0x40f: {  	v1 =	vld [tilespmem:$0x13FF0];
	_ =	sdelay $0x5  }
0x410: {  	v2 =	vld [tilespmem:$0x1F340]  }
0x411: {  	v3 =	vld [tilespmem:$0x147F0]  }
0x412: {  	v1 =	vld.idx.msk [tilespmem:v1+s2+$0x0], $0xffff;
	_ =	sdelay $0x4  }
0x413: {  	v1 =	vmul.f32 v3, v1;
	_ =	sdelay $0x1  }
0x414: {  	[tilespmem:v2+s18+$0x0] =	vst.idx.add.f32.msk $0xffff, v1  }
0x415: {  	_ =	swait.ge [sflag:s10], $0x2800  }
0x416: {  	[sflag:s10] =	ssyncset.done $0x0  }
0x417: {  	[sflag:s10] =	ssyncadd.s32 $0xFFFFD800  }
0x418: {  	[spmem:s5] =	stream.indirect.scatter.add.f32 [tilespmem:s12], [sflag:$0x3], $0x80, s22, s11, $0xb8;
	[tilespmem:$0x1F780] =	vst v63  }
0x419: {  	v1 =	vld [tilespmem:$0x14000];
	_ =	sdelay $0x5  }
0x41a: {  	v2 =	vld [tilespmem:$0x1F380]  }
0x41b: {  	v3 =	vld [tilespmem:$0x14800]  }
0x41c: {  	v1 =	vld.idx.msk [tilespmem:v1+s2+$0x0], $0xffff;
	_ =	sdelay $0x4  }
0x41d: {  	v1 =	vmul.f32 v3, v1;
	_ =	sdelay $0x1  }
0x41e: {  	[tilespmem:v2+s18+$0x0] =	vst.idx.add.f32.msk $0xffff, v1  }
0x41f: {  	v1 =	vld [tilespmem:$0x14010];
	_ =	sdelay $0x5  }
0x420: {  	v2 =	vld [tilespmem:$0x1F390]  }
0x421: {  	v3 =	vld [tilespmem:$0x14810]  }
0x422: {  	v1 =	vld.idx.msk [tilespmem:v1+s2+$0x0], $0xffff;
	_ =	sdelay $0x4  }
0x423: {  	v1 =	vmul.f32 v3, v1;
	_ =	sdelay $0x1  }
0x424: {  	[tilespmem:v2+s18+$0x0] =	vst.idx.add.f32.msk $0xffff, v1  }
0x425: {  	v1 =	vld [tilespmem:$0x14020];
	_ =	sdelay $0x5  }
0x426: {  	v2 =	vld [tilespmem:$0x1F3A0]  }
0x427: {  	v3 =	vld [tilespmem:$0x14820]  }
0x428: {  	v1 =	vld.idx.msk [tilespmem:v1+s2+$0x0], $0xffff;
	_ =	sdelay $0x4  }
0x429: {  	v1 =	vmul.f32 v3, v1;
	_ =	sdelay $0x1  }
0x42a: {  	[tilespmem:v2+s18+$0x0] =	vst.idx.add.f32.msk $0xffff, v1  }
0x42b: {  	v1 =	vld [tilespmem:$0x14030];
	_ =	sdelay $0x5  }
0x42c: {  	v2 =	vld [tilespmem:$0x1F3B0]  }
0x42d: {  	v3 =	vld [tilespmem:$0x14830]  }
0x42e: {  	v1 =	vld.idx.msk [tilespmem:v1+s2+$0x0], $0xffff;
	_ =	sdelay $0x4  }
0x42f: {  	v1 =	vmul.f32 v3, v1;
	_ =	sdelay $0x1  }
0x430: {  	[tilespmem:v2+s18+$0x0] =	vst.idx.add.f32.msk $0xffff, v1  }
0x431: {  	v1 =	vld [tilespmem:$0x14040];
	_ =	sdelay $0x5  }
0x432: {  	v2 =	vld [tilespmem:$0x1F3C0]  }
0x433: {  	v3 =	vld [tilespmem:$0x14840]  }
0x434: {  	v1 =	vld.idx.msk [tilespmem:v1+s2+$0x0], $0xffff;
	_ =	sdelay $0x4  }
0x435: {  	v1 =	vmul.f32 v3, v1;
	_ =	sdelay $0x1  }
0x436: {  	[tilespmem:v2+s18+$0x0] =	vst.idx.add.f32.msk $0xffff, v1  }
0x437: {  	p1 =	sne.s32 s1, $0x3E8;
	_ =	swait.ge [sflag:s14], $0x2800  }
.Ltmp2:
0x438: {  	[sflag:s14] =	ssyncset.done $0x0;
	(pc) =	sbr.rel @p1 .LBB2_6-.Ltmp2, $4  }
0x439: {  	[sflag:s14] =	ssyncadd.s32 $0xFFFFD800  }
0x43a: {  	_ =	swait.ge [sflag:s19], $0x2800  }
0x43b: {  	[sflag:s19] =	ssyncset.done $0x0  }
0x43c: {  	s1 =	sadd.s32 $0xFA, s1;
	s4 =	sadd.s32 $0x200, s4;
	[sflag:s19] =	ssyncadd.s32 $0xFFFFD800  }
0x43d: {  	s1 =	sld [smem:$0x7F1];
	_ =	sdelay $0x1  }
0x43e: {  	s20 =	simm.s32 $0x80;
	s24 =	simm.s32 $0x400;
	s22 =	simm.s32 $0x5  }
0x43f: {  	[hbm4b:s1+s20] =	stream.strided.scatter [tilespmem:s18], [sflag:$0x5], $0x2780, s24, s20, $0x38;
	[tilespmem:$0x1F780] =	vst v63  }
0x440: {  	_ =	swait.ge [sflag:s22], $0x2780  }
0x441: {  	[sflag:s22] =	ssyncset.done $0x0  }
0x442: {  	[sflag:s22] =	ssyncadd.s32 $0xFFFFD880  }
0x443: {  	[bflag:$0x0] =	sbarrier.arrive $0xFFFF  }
0x444: {  	s4 =	sld [smem:$0x7DE]  }
0x445: {  	s23 =	stileid.u32;
	s21 =	sld [smem:$0x7F5]  }
0x446: {  	s1 =	sshll.u32 s23, $0x6  }
0x447: {  	s1 =	sor.u32 $0x1C04, s1  }
0x448: {  	[hbm:s4], [sflag:s1] =	dma.local [spmem:s21], $0x500  }
0x449: {  	s4 =	sld [smem:$0x7DF]  }
0x44a: {  	s21 =	sld [smem:$0x7F6];
	_ =	sdelay $0x2  }
0x44b: {  	[hbm:s4], [sflag:s1] =	dma.local [spmem:s21], $0x500  }
0x44c: {  	s4 =	sld [smem:$0x7E0]  }
0x44d: {  	s21 =	sld [smem:$0x7F7];
	_ =	sdelay $0x2  }
0x44e: {  	[hbm:s4], [sflag:s1] =	dma.local [spmem:s21], $0x500  }
0x44f: {  	s4 =	sld [smem:$0x7E1]  }
0x450: {  	s21 =	sld [smem:$0x7F8];
	_ =	sdelay $0x2  }
0x451: {  	[hbm:s4], [sflag:s1] =	dma.local [spmem:s21], $0x500  }
0x452: {  	s4 =	sld [smem:$0x7E2]  }
0x453: {  	s21 =	sld [smem:$0x7F9];
	_ =	sdelay $0x2  }
0x454: {  	[hbm:s4], [sflag:s1] =	dma.local [spmem:s21], $0x500  }
0x455: {  	s4 =	sld [smem:$0x7E3]  }
0x456: {  	s21 =	sld [smem:$0x7FA];
	_ =	sdelay $0x2  }
0x457: {  	[hbm:s4], [sflag:s1] =	dma.local [spmem:s21], $0x500  }
0x458: {  	s4 =	sld [smem:$0x7E4]  }
0x459: {  	s21 =	sld [smem:$0x7FB];
	_ =	sdelay $0x2  }
0x45a: {  	[hbm:s4], [sflag:s1] =	dma.local [spmem:s21], $0x500  }
0x45b: {  	s4 =	sld [smem:$0x7E5]  }
0x45c: {  	s21 =	sld [smem:$0x7FC];
	_ =	sdelay $0x2  }
0x45d: {  	[hbm:s4], [sflag:s1] =	dma.local @!p0 [spmem:s21], $0x500  }
0x45e: {  	s4 =	sld [smem:$0x7FD];
	_ =	sdelay $0x1  }
0x45f: {  	s1 =	simm.s32 $0x0  }
0x460: {  	[tilespmem:s2], [sflag:$0x5] =	stream.linear.gather [hbm4b:s4+s1], $0x2780, $0x38;
	[tilespmem:$0x1F780] =	vst v63  }
0x461: {  	_ =	swait.ge [sflag:s22], $0x2780  }
0x462: {  	[sflag:s22] =	ssyncset.done $0x0  }
0x463: {  	s21 =	simm.s32 $0x0;
	s4 =	simm.s32 $0x40;
	[sflag:s22] =	ssyncadd.s32 $0xFFFFD880  }
.LBB2_8:
0x464: {  	p1 =	sne.s32 s4, $0x9C00;
	[tilespmem:s21+$0x17000] =	vst v0;
	s21 =	smov.u32 s4;
	s4 =	sadd.s32 $0x40, s4  }
.Ltmp3:
0x465: {  	(pc) =	sbr.rel @p1 .LBB2_8-.Ltmp3, $2  }
0x466: {  	_ =	sdelay $0x2  }
0x467: {  	s21 =	sshra.s32 s21, $0x2  }
0x468: {  	[tilespmem:s21+$0x17000] =	vst v0  }
.LBB2_10:
0x469: {  	s4 =	smul.u32 $0x7D0, s1;
	_ =	sdelay $0x1  }
0x46a: {  	s4 =	sadd.s32 s15, s4  }
0x46b: {  	s22 =	sadd.s32 s16, s1;
	s21 =	sshrl.u32 s4, $0x3  }
0x46c: {  	s22 =	sshll.u32 s22, $0x9;
	s4 =	simm.s32 $0x0;
	s23 =	sadd.s32 s30, s21  }
0x46d: {  	[tilespmem:s7], [sflag:$0x1] =	stream.linear.gather [hbm4b:s23+s4], $0x7D0, $0x38;
	[tilespmem:$0x1F780] =	vst v63  }
0x46e: {  	s22 =	sadd.s32 s3, s22;
	s23 =	rddreg [dreg:$0x3]  }
0x46f: {  	[tilespmem:s8], [sflag:$0x2] =	stream.linear.gather [hbm4b:s22+s4], $0xC80, $0x38;
	[tilespmem:$0x1F780] =	vst v63  }
0x470: {  	s21 =	sadd.s32 s23, s21  }
0x471: {  	[tilespmem:s9], [sflag:$0x3] =	stream.linear.gather [hbm4b:s21+s4], $0x7D0, $0x38;
	[tilespmem:$0x1F780] =	vst v63  }
0x472: {  	_ =	swait.ge [sflag:s10], $0x7D0  }
0x473: {  	[sflag:s10] =	ssyncset.done $0x0  }
0x474: {  	[sflag:s10] =	ssyncadd.s32 $0xFFFFF830  }
0x475: {  	_ =	swait.ge [sflag:s13], $0xC80  }
0x476: {  	[sflag:s13] =	ssyncset.done $0x0  }
0x477: {  	[sflag:s13] =	ssyncadd.s32 $0xFFFFF380  }
0x478: {  	_ =	swait.ge [sflag:s14], $0x7D0  }
0x479: {  	[sflag:s14] =	ssyncset.done $0x0  }
0x47a: {  	s21 =	simm.s32 $0x1E7A0;
	[sflag:s14] =	ssyncadd.s32 $0xFFFFF830  }
.LBB2_11:
0x47b: {  	s22 =	sshra.s32 s4, $0x2  }
0x47c: {  	v1 =	vld [tilespmem:s22+$0x13880];
	_ =	sdelay $0x5  }
0x47d: {  	v2 =	vld [tilespmem:s21+$0xFFFFFFE0]  }
0x47e: {  	v3 =	vld [tilespmem:s22+$0x14080]  }
0x47f: {  	v1 =	vld.idx.msk [tilespmem:v1+s2+$0x0], $0xffff;
	_ =	sdelay $0x4  }
0x480: {  	v1 =	vmul.f32 v3, v1;
	_ =	sdelay $0x1  }
0x481: {  	[tilespmem:v2+s18+$0x0] =	vst.idx.add.f32.msk $0xffff, v1  }
0x482: {  	v1 =	vld [tilespmem:s22+$0x13890];
	_ =	sdelay $0x5  }
0x483: {  	v2 =	vld [tilespmem:s21+$0xFFFFFFF0]  }
0x484: {  	v3 =	vld [tilespmem:s22+$0x14090]  }
0x485: {  	v1 =	vld.idx.msk [tilespmem:v1+s2+$0x0], $0xffff;
	_ =	sdelay $0x4  }
0x486: {  	v1 =	vmul.f32 v3, v1;
	_ =	sdelay $0x1  }
0x487: {  	[tilespmem:v2+s18+$0x0] =	vst.idx.add.f32.msk $0xffff, v1  }
0x488: {  	v1 =	vld [tilespmem:s22+$0x138A0];
	_ =	sdelay $0x5  }
0x489: {  	v2 =	vld [tilespmem:s21+$0x0]  }
0x48a: {  	v3 =	vld [tilespmem:s22+$0x140A0]  }
0x48b: {  	v1 =	vld.idx.msk [tilespmem:v1+s2+$0x0], $0xffff;
	_ =	sdelay $0x4  }
0x48c: {  	v1 =	vmul.f32 v3, v1;
	_ =	sdelay $0x1  }
0x48d: {  	[tilespmem:v2+s18+$0x0] =	vst.idx.add.f32.msk $0xffff, v1  }
0x48e: {  	v1 =	vld [tilespmem:s22+$0x138B0];
	_ =	sdelay $0x5  }
0x48f: {  	v2 =	vld [tilespmem:s21+$0x10]  }
0x490: {  	v3 =	vld [tilespmem:s22+$0x140B0]  }
0x491: {  	v1 =	vld.idx.msk [tilespmem:v1+s2+$0x0], $0xffff;
	_ =	sdelay $0x4  }
0x492: {  	v1 =	vmul.f32 v3, v1;
	_ =	sdelay $0x1  }
0x493: {  	[tilespmem:v2+s18+$0x0] =	vst.idx.add.f32.msk $0xffff, v1  }
0x494: {  	v1 =	vld [tilespmem:s22+$0x138C0];
	_ =	sdelay $0x5  }
0x495: {  	v2 =	vld [tilespmem:s21+$0x20]  }
0x496: {  	v3 =	vld [tilespmem:s22+$0x140C0]  }
0x497: {  	v1 =	vld.idx.msk [tilespmem:v1+s2+$0x0], $0xffff;
	_ =	sdelay $0x1  }
0x498: {  	p1 =	sne.s32 s4, $0x1E00  }
.Ltmp4:
0x499: {  	_ = 	snop;
	(pc) =	sbr.rel @p1 .LBB2_11-.Ltmp4, $3  }
0x49a: {  	_ = 	snop  }
0x49b: {  	v1 =	vmul.f32 v3, v1;
	_ =	sdelay $0x1  }
0x49c: {  	s4 =	sadd.s32 $0x140, s4;
	s21 =	sadd.s32 $0x80, s21;
	[tilespmem:v2+s18+$0x0] =	vst.idx.add.f32.msk $0xffff, v1  }
0x49d: {  	s1 =	sadd.s32 $0x1, s1  }
0x49e: {  	p1 =	sne.s32 s1, $0x5  }
.Ltmp5:
0x49f: {  	_ = 	snop;
	(pc) =	sbr.rel @p1 .LBB2_10-.Ltmp5, $1  }
0x4a0: {  	_ =	sdelay $0x3  }
0x4a1: {  	s1 =	sld [smem:$0x7F2];
	_ =	sdelay $0x1  }
0x4a2: {  	s23 =	simm.s32 $0x5  }
0x4a3: {  	[hbm4b:s1+s20] =	stream.strided.scatter [tilespmem:s18], [sflag:$0x5], $0x2780, s24, s20, $0x38;
	[tilespmem:$0x1F780] =	vst v63  }
0x4a4: {  	_ =	swait.ge [sflag:s23], $0x2780  }
0x4a5: {  	[sflag:s23] =	ssyncset.done $0x0  }
0x4a6: {  	[sflag:s23] =	ssyncadd.s32 $0xFFFFD880  }
0x4a7: {  	_ =	swait.ge [sflag:s19], $0x500  }
0x4a8: {  	[sflag:s19] =	ssyncset.done $0x0  }
0x4a9: {  	[sflag:s19] =	ssyncadd.s32 $0xFFFFFB00  }
0x4aa: {  	_ =	swait.ge [sflag:s19], $0x500  }
0x4ab: {  	[sflag:s19] =	ssyncset.done $0x0  }
0x4ac: {  	[sflag:s19] =	ssyncadd.s32 $0xFFFFFB00  }
0x4ad: {  	_ =	swait.ge [sflag:s19], $0x500  }
0x4ae: {  	[sflag:s19] =	ssyncset.done $0x0  }
0x4af: {  	[sflag:s19] =	ssyncadd.s32 $0xFFFFFB00  }
0x4b0: {  	_ =	swait.ge [sflag:s19], $0x500  }
0x4b1: {  	[sflag:s19] =	ssyncset.done $0x0  }
0x4b2: {  	[sflag:s19] =	ssyncadd.s32 $0xFFFFFB00  }
0x4b3: {  	_ =	swait.ge [sflag:s19], $0x500  }
0x4b4: {  	[sflag:s19] =	ssyncset.done $0x0  }
0x4b5: {  	[sflag:s19] =	ssyncadd.s32 $0xFFFFFB00  }
0x4b6: {  	_ =	swait.ge [sflag:s19], $0x500  }
0x4b7: {  	[sflag:s19] =	ssyncset.done $0x0  }
0x4b8: {  	[sflag:s19] =	ssyncadd.s32 $0xFFFFFB00  }
0x4b9: {  	_ =	swait.ge [sflag:s19], $0x500  }
0x4ba: {  	[sflag:s19] =	ssyncset.done $0x0  }
0x4bb: {  	s1 =	simm.s32 @!p0 $0x4;
	[sflag:s19] =	ssyncadd.s32 $0xFFFFFB00  }
0x4bc: {  	_ =	swait.ge @!p0 [sflag:s1], $0x500  }
0x4bd: {  	s24 =	sld [smem:$0x7DA]  }
0x4be: {  	s4 =	sld [smem:$0x7F3];
	_ =	sdelay $0x1  }
0x4bf: {  	s20 =	sadd.s32 $0x1, s24  }
0x4c0: {  	p1 =	sne.s32 s20, s4  }
.Ltmp6:
0x4c1: {  	_ = 	snop;
	(pc) =	sbr.rel @p1 .LBB2_1-.Ltmp6, $3  }
0x4c2: {  	_ =	sdelay $0x1  }
0x4c3: {  	[sflag:s1] =	ssyncset.done @!p0 $0x0  }
0x4c4: {  	[sflag:s1] =	ssyncadd.s32 @!p0 $0xFFFFFB00  }
0x4c5: {  	_ =	sfence.sel $0x180000  }
0x4c6: {  	[bflag:$0x0] =	sbarrier.arrive $0xFFFF  }
0x4c7: {  	_ =	strace $0x90000047  }
0x4c8: {  	s0 =	stileid.u32;
	[bflag:$0x2] =	sbarrier.arrive $0xFFFF  }
0x4c9: {  	p0 =	sne.s32 s0, $0x0;
	s0 =	rddreg [dreg:$0x5]  }
0x4ca: {  	s0 =	sadd.s32 @!p0 $0x100000, s0  }
0x4cb: {  	[sflag:s0] =	ssyncadd.tile.s32 @!p0 $0x1;
	_ =	shalt  }
.Lfunc_end2:
_tile_overlayer_lowered:
.L_overlay_start_2:
0x4cc: {  	(tag) =	ssettag $0x2  }
0x4cd: {  	s0 =	rddreg [dreg:$0x0];
	s2 =	stileid.u32  }
0x4ce: {  	s1 =	rddreg [dreg:$0x1];
	p0 =	sne.s32 s2, $0x0  }
0x4cf: {  	s3 =	rddreg [dreg:$0x2];
	[bflag:$0x3] =	sbarrier.arrive $0xFFFF;
	s2 =	simm.s32 @!p0 $0x1C05  }
0x4d0: {  	[timem:s3], [sflag:s2] =	dma.local @!p0 [hbm:s0], s1  }
0x4d1: {  	s0 =	simm.s32 @!p0 $0x5  }
0x4d2: {  	_ =	swait.ge @!p0 [sflag:s0], s1  }
0x4d3: {  	s1 =	ssub.s32 @!p0 $0x0, s1;
	[sflag:s0] =	ssyncset.done @!p0 $0x0  }
0x4d4: {  	[sflag:s0] =	ssyncadd.s32 @!p0 s1  }
0x4d5: {  	[bflag:$0x3] =	sbarrier.arrive $0xFFFF  }
0x4d6: {  	_ =	shalt  }

</sc_bundles>
